<compile_context>
chip_gen: v7x
topology: tpu7x:2x2x1
jax: 0.10.2.dev20260603
libtpu: 0.0.44.dev20260713+nightly
codegen_flags: <defaults>
</compile_context>

<pallas_src>
import functools

import jax
import jax.numpy as jnp
from jax import lax
from jax.experimental import pallas as pl
from jax.experimental.pallas import tpu as pltpu
from jax.experimental.pallas import tpu_sc as plsc

EMB_DIM = 64
TWO_DIM = 2 * EMB_DIM
BATCH = 16384
L = 16

NUM_CORES = 2
NUM_SUBCORES = 16
NW = NUM_CORES * NUM_SUBCORES
BPW = BATCH // NW
CHUNK = 64
NCHUNK = BPW // CHUNK



def _trig_body(rel_ref, out_ref):
    phase = rel_ref[...]
    out_ref[...] = jnp.concatenate([jnp.cos(phase), jnp.sin(phase)], axis=-1)


def _make_trig(relation_emb):
    r, d = relation_emb.shape
    return pl.pallas_call(
        _trig_body,
        out_shape=jax.ShapeDtypeStruct((r, 2 * d), jnp.float32),
    )(relation_emb)



def _sqrt(x):
    i = lax.bitcast_convert_type(x, jnp.int32)
    i = jnp.int32(0x5F3759DF) - (i >> 1)
    y0 = lax.bitcast_convert_type(i, jnp.float32)
    t0 = x * y0
    t2 = (y0 * t0) * jnp.float32(-0.5)
    return t0 * (t2 + jnp.float32(1.5))


def _sc_body(hid_hbm, tid_hbm, rid_hbm, ent_hbm, trig_hbm, out_hbm,
             hid_v, tid_v, rid_v, head2_v, tail2_v, trig2_v,
             accs_v, out_v, sem):
    wid = lax.axis_index("s") * NUM_CORES + lax.axis_index("c")
    base = wid * BPW
    c1 = pltpu.async_copy(hid_hbm.at[pl.ds(base, BPW)], hid_v, sem)
    c2 = pltpu.async_copy(tid_hbm.at[pl.ds(base, BPW)], tid_v, sem)
    c3 = pltpu.async_copy(rid_hbm.at[pl.ds(base, BPW)], rid_v, sem)
    c1.wait()
    c2.wait()
    c3.wait()

    lane = lax.iota(jnp.int32, L)
    idx0 = lane * L

    def issue(cbase, slot):
        pltpu.async_copy(ent_hbm.at[hid_v.at[pl.ds(cbase, CHUNK)]],
                         head2_v.at[slot], sem)
        pltpu.async_copy(ent_hbm.at[tid_v.at[pl.ds(cbase, CHUNK)]],
                         tail2_v.at[slot], sem)
        pltpu.async_copy(trig_hbm.at[rid_v.at[pl.ds(cbase, CHUNK)]],
                         trig2_v.at[slot], sem)

    def drain(slot):
        pltpu.make_async_copy(ent_hbm.at[hid_v.at[pl.ds(0, CHUNK)]],
                              head2_v.at[slot], sem).wait()
        pltpu.make_async_copy(ent_hbm.at[tid_v.at[pl.ds(0, CHUNK)]],
                              tail2_v.at[slot], sem).wait()
        pltpu.make_async_copy(trig_hbm.at[rid_v.at[pl.ds(0, CHUNK)]],
                              trig2_v.at[slot], sem).wait()

    issue(0, 0)

    def chunk_body(ch, carry):
        cbase = ch * CHUNK
        slot = lax.rem(ch, 2)

        @pl.when(ch + 1 < NCHUNK)
        def _():
            issue(cbase + CHUNK, 1 - slot)

        drain(slot)

        @plsc.parallel_loop(0, CHUNK // L, unroll=2)
        def group_body(g):
            gbase = g * (L * L)
            for k in range(L):
                r = g * L + k
                acc = jnp.zeros((L,), jnp.float32)
                for j in range(EMB_DIM // L):
                    off = j * L
                    hre = head2_v[slot, r, pl.ds(off, L)]
                    him = head2_v[slot, r, pl.ds(EMB_DIM + off, L)]
                    tre = tail2_v[slot, r, pl.ds(off, L)]
                    tim = tail2_v[slot, r, pl.ds(EMB_DIM + off, L)]
                    cosv = trig2_v[slot, r, pl.ds(off, L)]
                    sinv = trig2_v[slot, r, pl.ds(EMB_DIM + off, L)]
                    dre = hre * cosv - him * sinv - tre
                    dim_ = hre * sinv + him * cosv - tim
                    x = dre * dre + dim_ * dim_
                    acc = acc + _sqrt(x)
                accs_v[pl.ds(gbase + k * L, L)] = acc
            gidx = idx0 + gbase
            tot = plsc.load_gather(accs_v, [gidx])
            for d in range(1, L):
                tot = tot + plsc.load_gather(accs_v, [gidx + d])
            out_v[pl.ds(cbase + g * L, L)] = -tot
        return carry

    lax.fori_loop(0, NCHUNK, chunk_body, 0)
    pltpu.sync_copy(out_v, out_hbm.at[pl.ds(base, BPW)])


_sc_kernel = functools.partial(
    pl.kernel,
    mesh=plsc.VectorSubcoreMesh(core_axis_name="c", subcore_axis_name="s"),
    out_type=jax.ShapeDtypeStruct((BATCH,), jnp.float32),
    compiler_params=pltpu.CompilerParams(needs_layout_passes=False),
    scratch_types=[
        pltpu.VMEM((BPW,), jnp.int32),
        pltpu.VMEM((BPW,), jnp.int32),
        pltpu.VMEM((BPW,), jnp.int32),
        pltpu.VMEM((2, CHUNK, TWO_DIM), jnp.float32),
        pltpu.VMEM((2, CHUNK, TWO_DIM), jnp.float32),
        pltpu.VMEM((2, CHUNK, TWO_DIM), jnp.float32),
        pltpu.VMEM(((CHUNK // L) * L * L,), jnp.float32),
        pltpu.VMEM((BPW,), jnp.float32),
        pltpu.SemaphoreType.DMA,
    ],
)(_sc_body)


def kernel(head_ids, relation_ids, tail_ids, entity_emb, relation_emb):
    trig = _make_trig(relation_emb)
    return _sc_kernel(
        head_ids.astype(jnp.int32),
        tail_ids.astype(jnp.int32),
        relation_ids.astype(jnp.int32),
        entity_emb,
        trig,
    )

# --- scband reference (transcript-rebuilt; emitter-appended) ---
"""Pipeline reference for scband-rotat-e-83167746719875 (READ-ONLY COPY).

The authoritative reference and input builder live on the scoring server;
editing this copy changes nothing except your own understanding.
"""

import jax, jax.numpy as jnp
import numpy as np

NUM_ENTITIES = 1000000
NUM_RELATIONS = 1000
EMB_DIM = 64
BATCH = 16384
MARGIN = 1.0
EPSILON = 2.0


def setup_inputs(seed: int = 0) -> dict:
    key = jax.random.key(seed)
    k1, k2, k3, k4, k5 = jax.random.split(key, 5)
    emb_range = (MARGIN + EPSILON) / EMB_DIM
    entity_emb = jax.random.uniform(k1, (NUM_ENTITIES, EMB_DIM * 2), minval=-emb_range, maxval=emb_range, dtype=jnp.float32)
    relation_emb = jax.random.uniform(k2, (NUM_RELATIONS, EMB_DIM), minval=-np.pi, maxval=np.pi, dtype=jnp.float32)
    head_ids = jax.random.randint(k3, (BATCH,), 0, NUM_ENTITIES, dtype=jnp.int64)
    relation_ids = jax.random.randint(k4, (BATCH,), 0, NUM_RELATIONS, dtype=jnp.int64)
    tail_ids = jax.random.randint(k5, (BATCH,), 0, NUM_ENTITIES, dtype=jnp.int64)
    return {
        "head_ids": head_ids,
        "relation_ids": relation_ids,
        "tail_ids": tail_ids,
        "entity_emb": entity_emb,
        "relation_emb": relation_emb,
    }


def reference(head_ids, relation_ids, tail_ids, entity_emb, relation_emb):
    head = jnp.take(entity_emb, head_ids, axis=0)
    relation = jnp.take(relation_emb, relation_ids, axis=0)
    tail = jnp.take(entity_emb, tail_ids, axis=0)
    dim = head.shape[-1] // 2
    head_re, head_im = head[..., :dim], head[..., dim:]
    tail_re, tail_im = tail[..., :dim], tail[..., dim:]
    phase = relation
    rel_re = jnp.cos(phase)
    rel_im = jnp.sin(phase)
    rot_re = head_re * rel_re - head_im * rel_im
    rot_im = head_re * rel_im + head_im * rel_re
    diff_re = rot_re - tail_re
    diff_im = rot_im - tail_im
    score = jnp.sqrt(diff_re ** 2 + diff_im ** 2 + 1e-08).sum(axis=-1)
    return -score

if __name__ == "__main__":
    import jax
    _d = setup_inputs()
    print(jax.jit(kernel)(*tuple(_d.values())))

</pallas_src>

<mosaic_0001>
#map = affine_map<(d0, d1) -> (0)>
#map1 = affine_map<(d0, d1) -> (0, 0)>
module attributes {stable_mosaic.version = 14 : i64} {
  func.func @_sc_body(%arg0: i32, %arg1: i32, %arg2: memref<16384xi32, #tpu.memory_space<hbm>>, %arg3: memref<16384xi32, #tpu.memory_space<hbm>>, %arg4: memref<16384xi32, #tpu.memory_space<hbm>>, %arg5: memref<1000000x128xf32, #tpu.memory_space<hbm>>, %arg6: memref<1000x128xf32, #tpu.memory_space<hbm>>, %arg7: memref<16384xf32, #tpu.memory_space<hbm>>, %arg8: memref<512xi32, #tpu.memory_space<vmem>>, %arg9: memref<512xi32, #tpu.memory_space<vmem>>, %arg10: memref<512xi32, #tpu.memory_space<vmem>>, %arg11: memref<2x64x128xf32, #tpu.memory_space<vmem>>, %arg12: memref<2x64x128xf32, #tpu.memory_space<vmem>>, %arg13: memref<2x64x128xf32, #tpu.memory_space<vmem>>, %arg14: memref<1024xf32, #tpu.memory_space<vmem>>, %arg15: memref<512xf32, #tpu.memory_space<vmem>>, %arg16: memref<!tpu.dma_semaphore, #tpu.memory_space<semaphore_mem>>) attributes {dimension_semantics = [#tpu.dimension_semantics<core_parallel>, #tpu.dimension_semantics<subcore_parallel>], iteration_bounds = array<i64: 2, 16>, scalar_prefetch = 0 : i64, scratch_operands = 9 : i64, tpu.core_type = #tpu.core_type<sc_vector_subcore>, window_params = [{transform_indices = #map}, {transform_indices = #map}, {transform_indices = #map}, {transform_indices = #map1}, {transform_indices = #map1}, {transform_indices = #map}]} {
    %mul3A = arith.constant 2 : i32
    %mul3A_0 = arith.muli %arg1, %mul3A : i32
    %add3A = arith.addi %mul3A_0, %arg0 : i32
    %mul3A_1 = arith.constant 512 : i32
    %mul3A_2 = arith.muli %add3A, %mul3A_1 : i32
    %dma_start3A = tpu.memref_slice %arg2[%mul3A_2] : memref<16384xi32, #tpu.memory_space<hbm>> -> memref<512xi32, #tpu.memory_space<hbm>>
    %dma_start3A_3 = tpu.memref_slice %arg2[%mul3A_2] : memref<16384xi32, #tpu.memory_space<hbm>> -> memref<512xi32, #tpu.memory_space<hbm>>
    tpu.enqueue_dma source(%dma_start3A_3 : memref<512xi32, #tpu.memory_space<hbm>>) target(%arg8 : memref<512xi32, #tpu.memory_space<vmem>>) target_semaphore(%arg16 : memref<!tpu.dma_semaphore, #tpu.memory_space<semaphore_mem>>)
    %dma_start3A_4 = tpu.memref_slice %arg3[%mul3A_2] : memref<16384xi32, #tpu.memory_space<hbm>> -> memref<512xi32, #tpu.memory_space<hbm>>
    %dma_start3A_5 = tpu.memref_slice %arg3[%mul3A_2] : memref<16384xi32, #tpu.memory_space<hbm>> -> memref<512xi32, #tpu.memory_space<hbm>>
    tpu.enqueue_dma source(%dma_start3A_5 : memref<512xi32, #tpu.memory_space<hbm>>) target(%arg9 : memref<512xi32, #tpu.memory_space<vmem>>) target_semaphore(%arg16 : memref<!tpu.dma_semaphore, #tpu.memory_space<semaphore_mem>>)
    %dma_start3A_6 = tpu.memref_slice %arg4[%mul3A_2] : memref<16384xi32, #tpu.memory_space<hbm>> -> memref<512xi32, #tpu.memory_space<hbm>>
    %dma_start3A_7 = tpu.memref_slice %arg4[%mul3A_2] : memref<16384xi32, #tpu.memory_space<hbm>> -> memref<512xi32, #tpu.memory_space<hbm>>
    tpu.enqueue_dma source(%dma_start3A_7 : memref<512xi32, #tpu.memory_space<hbm>>) target(%arg10 : memref<512xi32, #tpu.memory_space<vmem>>) target_semaphore(%arg16 : memref<!tpu.dma_semaphore, #tpu.memory_space<semaphore_mem>>)
    %dma_wait3A = tpu.memref_slice %arg2[%mul3A_2] : memref<16384xi32, #tpu.memory_space<hbm>> -> memref<512xi32, #tpu.memory_space<hbm>>
    %dma_wait3A_8 = tpu.memref_slice %arg2[%mul3A_2] : memref<16384xi32, #tpu.memory_space<hbm>> -> memref<512xi32, #tpu.memory_space<hbm>>
    tpu.wait_dma2 semaphore(%arg16 : memref<!tpu.dma_semaphore, #tpu.memory_space<semaphore_mem>>) src(%dma_wait3A_8 : memref<512xi32, #tpu.memory_space<hbm>>) dst(%arg8 : memref<512xi32, #tpu.memory_space<vmem>>)
    %dma_wait3A_9 = tpu.memref_slice %arg3[%mul3A_2] : memref<16384xi32, #tpu.memory_space<hbm>> -> memref<512xi32, #tpu.memory_space<hbm>>
    %dma_wait3A_10 = tpu.memref_slice %arg3[%mul3A_2] : memref<16384xi32, #tpu.memory_space<hbm>> -> memref<512xi32, #tpu.memory_space<hbm>>
    tpu.wait_dma2 semaphore(%arg16 : memref<!tpu.dma_semaphore, #tpu.memory_space<semaphore_mem>>) src(%dma_wait3A_10 : memref<512xi32, #tpu.memory_space<hbm>>) dst(%arg9 : memref<512xi32, #tpu.memory_space<vmem>>)
    %dma_wait3A_11 = tpu.memref_slice %arg4[%mul3A_2] : memref<16384xi32, #tpu.memory_space<hbm>> -> memref<512xi32, #tpu.memory_space<hbm>>
    %dma_wait3A_12 = tpu.memref_slice %arg4[%mul3A_2] : memref<16384xi32, #tpu.memory_space<hbm>> -> memref<512xi32, #tpu.memory_space<hbm>>
    tpu.wait_dma2 semaphore(%arg16 : memref<!tpu.dma_semaphore, #tpu.memory_space<semaphore_mem>>) src(%dma_wait3A_12 : memref<512xi32, #tpu.memory_space<hbm>>) dst(%arg10 : memref<512xi32, #tpu.memory_space<vmem>>)
    %iota3A = tpu.iota {dimensions = array<i32: 0>} : vector<16xi32>
    %mul3A_13 = arith.constant 16 : i32
    %mul3A_14 = vector.broadcast %mul3A_13 : i32 to vector<16xi32>
    %mul3A_15 = arith.muli %iota3A, %mul3A_14 : vector<16xi32>
    %dma_start3A_16 = arith.constant 0 : i32
    %dma_start3A_17 = arith.constant 0 : i32
    %dma_start3A_18 = arith.constant 0 : i32
    %dma_start3A_19 = tpu.memref_slice %arg11[%dma_start3A_16, %dma_start3A_17, %dma_start3A_18] : memref<2x64x128xf32, #tpu.memory_space<vmem>> -> memref<1x64x128xf32, #tpu.memory_space<vmem>>
    %dma_start3A_20 = tpu.memref_squeeze %dma_start3A_19 : memref<1x64x128xf32, #tpu.memory_space<vmem>> -> memref<64x128xf32, #tpu.memory_space<vmem>>
    %dma_start3A_21 = arith.constant 0 : i32
    %dma_start3A_22 = tpu.memref_slice %arg8[%dma_start3A_21] : memref<512xi32, #tpu.memory_space<vmem>> -> memref<64xi32, #tpu.memory_space<vmem>>
    %dma_start3A_23 = arith.constant 0 : i32
    %dma_start3A_24 = arith.constant 0 : i32
    %dma_start3A_25 = tpu.memref_slice %arg5[%dma_start3A_23, %dma_start3A_24] : memref<1000000x128xf32, #tpu.memory_space<hbm>> -> memref<1000000x128xf32, #tpu.memory_space<hbm>>
    tpu.enqueue_indirect_dma source(%dma_start3A_25 : memref<1000000x128xf32, #tpu.memory_space<hbm>>) target(%dma_start3A_20 : memref<64x128xf32, #tpu.memory_space<vmem>>) offsets(%dma_start3A_22 : memref<64xi32, #tpu.memory_space<vmem>>) semaphore(%arg16 : memref<!tpu.dma_semaphore, #tpu.memory_space<semaphore_mem>>)
    %dma_start3A_26 = arith.constant 0 : i32
    %dma_start3A_27 = arith.constant 0 : i32
    %dma_start3A_28 = arith.constant 0 : i32
    %dma_start3A_29 = tpu.memref_slice %arg12[%dma_start3A_26, %dma_start3A_27, %dma_start3A_28] : memref<2x64x128xf32, #tpu.memory_space<vmem>> -> memref<1x64x128xf32, #tpu.memory_space<vmem>>
    %dma_start3A_30 = tpu.memref_squeeze %dma_start3A_29 : memref<1x64x128xf32, #tpu.memory_space<vmem>> -> memref<64x128xf32, #tpu.memory_space<vmem>>
    %dma_start3A_31 = arith.constant 0 : i32
    %dma_start3A_32 = tpu.memref_slice %arg9[%dma_start3A_31] : memref<512xi32, #tpu.memory_space<vmem>> -> memref<64xi32, #tpu.memory_space<vmem>>
    %dma_start3A_33 = arith.constant 0 : i32
    %dma_start3A_34 = arith.constant 0 : i32
    %dma_start3A_35 = tpu.memref_slice %arg5[%dma_start3A_33, %dma_start3A_34] : memref<1000000x128xf32, #tpu.memory_space<hbm>> -> memref<1000000x128xf32, #tpu.memory_space<hbm>>
    tpu.enqueue_indirect_dma source(%dma_start3A_35 : memref<1000000x128xf32, #tpu.memory_space<hbm>>) target(%dma_start3A_30 : memref<64x128xf32, #tpu.memory_space<vmem>>) offsets(%dma_start3A_32 : memref<64xi32, #tpu.memory_space<vmem>>) semaphore(%arg16 : memref<!tpu.dma_semaphore, #tpu.memory_space<semaphore_mem>>)
    %dma_start3A_36 = arith.constant 0 : i32
    %dma_start3A_37 = arith.constant 0 : i32
    %dma_start3A_38 = arith.constant 0 : i32
    %dma_start3A_39 = tpu.memref_slice %arg13[%dma_start3A_36, %dma_start3A_37, %dma_start3A_38] : memref<2x64x128xf32, #tpu.memory_space<vmem>> -> memref<1x64x128xf32, #tpu.memory_space<vmem>>
    %dma_start3A_40 = tpu.memref_squeeze %dma_start3A_39 : memref<1x64x128xf32, #tpu.memory_space<vmem>> -> memref<64x128xf32, #tpu.memory_space<vmem>>
    %dma_start3A_41 = arith.constant 0 : i32
    %dma_start3A_42 = tpu.memref_slice %arg10[%dma_start3A_41] : memref<512xi32, #tpu.memory_space<vmem>> -> memref<64xi32, #tpu.memory_space<vmem>>
    %dma_start3A_43 = arith.constant 0 : i32
    %dma_start3A_44 = arith.constant 0 : i32
    %dma_start3A_45 = tpu.memref_slice %arg6[%dma_start3A_43, %dma_start3A_44] : memref<1000x128xf32, #tpu.memory_space<hbm>> -> memref<1000x128xf32, #tpu.memory_space<hbm>>
    tpu.enqueue_indirect_dma source(%dma_start3A_45 : memref<1000x128xf32, #tpu.memory_space<hbm>>) target(%dma_start3A_40 : memref<64x128xf32, #tpu.memory_space<vmem>>) offsets(%dma_start3A_42 : memref<64xi32, #tpu.memory_space<vmem>>) semaphore(%arg16 : memref<!tpu.dma_semaphore, #tpu.memory_space<semaphore_mem>>)
    %scan3A = arith.constant 0 : i32
    %scan3A_46 = arith.constant 0 : i32
    %scan3A_47 = arith.constant 8 : i32
    %scan3A_48 = arith.addi %scan3A_46, %scan3A_47 : i32
    %scan3A_49 = arith.constant 1 : i32
    scf.for %scan3A_51 = %scan3A_46 to %scan3A_48 step %scan3A_49  : i32 {
      %mul3A_52 = arith.constant 64 : i32
      %mul3A_53 = arith.muli %scan3A_51, %mul3A_52 : i32
      %rem3A = arith.constant 2 : i32
      %rem3A_54 = arith.remsi %scan3A_51, %rem3A : i32
      %add3A_55 = arith.constant 1 : i32
      %add3A_56 = arith.addi %scan3A_51, %add3A_55 : i32
      %lt3A = arith.constant 8 : i32
      %lt3A_57 = arith.cmpi slt, %add3A_56, %lt3A : i32
      %convert_element_type3A = arith.extui %lt3A_57 : i1 to i32
      %cond3A = arith.constant 0 : i32
      %cond3A_58 = arith.cmpi ne, %convert_element_type3A, %cond3A : i32
      scf.if %cond3A_58 {
        %add3A_88 = arith.constant 64 : i32
        %add3A_89 = arith.addi %mul3A_53, %add3A_88 : i32
        %sub3A = arith.constant 1 : i32
        %sub3A_90 = arith.subi %sub3A, %rem3A_54 : i32
        %dma_start3A_91 = arith.constant 0 : i32
        %dma_start3A_92 = arith.constant 0 : i32
        %dma_start3A_93 = tpu.memref_slice %arg11[%sub3A_90, %dma_start3A_91, %dma_start3A_92] : memref<2x64x128xf32, #tpu.memory_space<vmem>> -> memref<1x64x128xf32, #tpu.memory_space<vmem>>
        %dma_start3A_94 = tpu.memref_squeeze %dma_start3A_93 : memref<1x64x128xf32, #tpu.memory_space<vmem>> -> memref<64x128xf32, #tpu.memory_space<vmem>>
        %dma_start3A_95 = tpu.memref_slice %arg8[%add3A_89] : memref<512xi32, #tpu.memory_space<vmem>> -> memref<64xi32, #tpu.memory_space<vmem>>
        %dma_start3A_96 = arith.constant 0 : i32
        %dma_start3A_97 = arith.constant 0 : i32
        %dma_start3A_98 = tpu.memref_slice %arg5[%dma_start3A_96, %dma_start3A_97] : memref<1000000x128xf32, #tpu.memory_space<hbm>> -> memref<1000000x128xf32, #tpu.memory_space<hbm>>
        tpu.enqueue_indirect_dma source(%dma_start3A_98 : memref<1000000x128xf32, #tpu.memory_space<hbm>>) target(%dma_start3A_94 : memref<64x128xf32, #tpu.memory_space<vmem>>) offsets(%dma_start3A_95 : memref<64xi32, #tpu.memory_space<vmem>>) semaphore(%arg16 : memref<!tpu.dma_semaphore, #tpu.memory_space<semaphore_mem>>)
        %dma_start3A_99 = arith.constant 0 : i32
        %dma_start3A_100 = arith.constant 0 : i32
        %dma_start3A_101 = tpu.memref_slice %arg12[%sub3A_90, %dma_start3A_99, %dma_start3A_100] : memref<2x64x128xf32, #tpu.memory_space<vmem>> -> memref<1x64x128xf32, #tpu.memory_space<vmem>>
        %dma_start3A_102 = tpu.memref_squeeze %dma_start3A_101 : memref<1x64x128xf32, #tpu.memory_space<vmem>> -> memref<64x128xf32, #tpu.memory_space<vmem>>
        %dma_start3A_103 = tpu.memref_slice %arg9[%add3A_89] : memref<512xi32, #tpu.memory_space<vmem>> -> memref<64xi32, #tpu.memory_space<vmem>>
        %dma_start3A_104 = arith.constant 0 : i32
        %dma_start3A_105 = arith.constant 0 : i32
        %dma_start3A_106 = tpu.memref_slice %arg5[%dma_start3A_104, %dma_start3A_105] : memref<1000000x128xf32, #tpu.memory_space<hbm>> -> memref<1000000x128xf32, #tpu.memory_space<hbm>>
        tpu.enqueue_indirect_dma source(%dma_start3A_106 : memref<1000000x128xf32, #tpu.memory_space<hbm>>) target(%dma_start3A_102 : memref<64x128xf32, #tpu.memory_space<vmem>>) offsets(%dma_start3A_103 : memref<64xi32, #tpu.memory_space<vmem>>) semaphore(%arg16 : memref<!tpu.dma_semaphore, #tpu.memory_space<semaphore_mem>>)
        %dma_start3A_107 = arith.constant 0 : i32
        %dma_start3A_108 = arith.constant 0 : i32
        %dma_start3A_109 = tpu.memref_slice %arg13[%sub3A_90, %dma_start3A_107, %dma_start3A_108] : memref<2x64x128xf32, #tpu.memory_space<vmem>> -> memref<1x64x128xf32, #tpu.memory_space<vmem>>
        %dma_start3A_110 = tpu.memref_squeeze %dma_start3A_109 : memref<1x64x128xf32, #tpu.memory_space<vmem>> -> memref<64x128xf32, #tpu.memory_space<vmem>>
        %dma_start3A_111 = tpu.memref_slice %arg10[%add3A_89] : memref<512xi32, #tpu.memory_space<vmem>> -> memref<64xi32, #tpu.memory_space<vmem>>
        %dma_start3A_112 = arith.constant 0 : i32
        %dma_start3A_113 = arith.constant 0 : i32
        %dma_start3A_114 = tpu.memref_slice %arg6[%dma_start3A_112, %dma_start3A_113] : memref<1000x128xf32, #tpu.memory_space<hbm>> -> memref<1000x128xf32, #tpu.memory_space<hbm>>
        tpu.enqueue_indirect_dma source(%dma_start3A_114 : memref<1000x128xf32, #tpu.memory_space<hbm>>) target(%dma_start3A_110 : memref<64x128xf32, #tpu.memory_space<vmem>>) offsets(%dma_start3A_111 : memref<64xi32, #tpu.memory_space<vmem>>) semaphore(%arg16 : memref<!tpu.dma_semaphore, #tpu.memory_space<semaphore_mem>>)
      } else {
      }
      %dma_wait3A_59 = arith.constant 0 : i32
      %dma_wait3A_60 = arith.constant 0 : i32
      %dma_wait3A_61 = tpu.memref_slice %arg11[%rem3A_54, %dma_wait3A_59, %dma_wait3A_60] : memref<2x64x128xf32, #tpu.memory_space<vmem>> -> memref<1x64x128xf32, #tpu.memory_space<vmem>>
      %dma_wait3A_62 = tpu.memref_squeeze %dma_wait3A_61 : memref<1x64x128xf32, #tpu.memory_space<vmem>> -> memref<64x128xf32, #tpu.memory_space<vmem>>
      %dma_wait3A_63 = arith.constant 0 : i32
      %dma_wait3A_64 = tpu.memref_slice %arg8[%dma_wait3A_63] : memref<512xi32, #tpu.memory_space<vmem>> -> memref<64xi32, #tpu.memory_space<vmem>>
      %dma_wait3A_65 = arith.constant 0 : i32
      %dma_wait3A_66 = arith.constant 0 : i32
      %dma_wait3A_67 = tpu.memref_slice %arg5[%dma_wait3A_65, %dma_wait3A_66] : memref<1000000x128xf32, #tpu.memory_space<hbm>> -> memref<1000000x128xf32, #tpu.memory_space<hbm>>
      tpu.wait_indirect_dma semaphore(%arg16 : memref<!tpu.dma_semaphore, #tpu.memory_space<semaphore_mem>>) src(%dma_wait3A_67 : memref<1000000x128xf32, #tpu.memory_space<hbm>>) dst(%dma_wait3A_62 : memref<64x128xf32, #tpu.memory_space<vmem>>)
      %dma_wait3A_68 = arith.constant 0 : i32
      %dma_wait3A_69 = arith.constant 0 : i32
      %dma_wait3A_70 = tpu.memref_slice %arg12[%rem3A_54, %dma_wait3A_68, %dma_wait3A_69] : memref<2x64x128xf32, #tpu.memory_space<vmem>> -> memref<1x64x128xf32, #tpu.memory_space<vmem>>
      %dma_wait3A_71 = tpu.memref_squeeze %dma_wait3A_70 : memref<1x64x128xf32, #tpu.memory_space<vmem>> -> memref<64x128xf32, #tpu.memory_space<vmem>>
      %dma_wait3A_72 = arith.constant 0 : i32
      %dma_wait3A_73 = tpu.memref_slice %arg9[%dma_wait3A_72] : memref<512xi32, #tpu.memory_space<vmem>> -> memref<64xi32, #tpu.memory_space<vmem>>
      %dma_wait3A_74 = arith.constant 0 : i32
      %dma_wait3A_75 = arith.constant 0 : i32
      %dma_wait3A_76 = tpu.memref_slice %arg5[%dma_wait3A_74, %dma_wait3A_75] : memref<1000000x128xf32, #tpu.memory_space<hbm>> -> memref<1000000x128xf32, #tpu.memory_space<hbm>>
      tpu.wait_indirect_dma semaphore(%arg16 : memref<!tpu.dma_semaphore, #tpu.memory_space<semaphore_mem>>) src(%dma_wait3A_76 : memref<1000000x128xf32, #tpu.memory_space<hbm>>) dst(%dma_wait3A_71 : memref<64x128xf32, #tpu.memory_space<vmem>>)
      %dma_wait3A_77 = arith.constant 0 : i32
      %dma_wait3A_78 = arith.constant 0 : i32
      %dma_wait3A_79 = tpu.memref_slice %arg13[%rem3A_54, %dma_wait3A_77, %dma_wait3A_78] : memref<2x64x128xf32, #tpu.memory_space<vmem>> -> memref<1x64x128xf32, #tpu.memory_space<vmem>>
      %dma_wait3A_80 = tpu.memref_squeeze %dma_wait3A_79 : memref<1x64x128xf32, #tpu.memory_space<vmem>> -> memref<64x128xf32, #tpu.memory_space<vmem>>
      %dma_wait3A_81 = arith.constant 0 : i32
      %dma_wait3A_82 = tpu.memref_slice %arg10[%dma_wait3A_81] : memref<512xi32, #tpu.memory_space<vmem>> -> memref<64xi32, #tpu.memory_space<vmem>>
      %dma_wait3A_83 = arith.constant 0 : i32
      %dma_wait3A_84 = arith.constant 0 : i32
      %dma_wait3A_85 = tpu.memref_slice %arg6[%dma_wait3A_83, %dma_wait3A_84] : memref<1000x128xf32, #tpu.memory_space<hbm>> -> memref<1000x128xf32, #tpu.memory_space<hbm>>
      tpu.wait_indirect_dma semaphore(%arg16 : memref<!tpu.dma_semaphore, #tpu.memory_space<semaphore_mem>>) src(%dma_wait3A_85 : memref<1000x128xf32, #tpu.memory_space<hbm>>) dst(%dma_wait3A_80 : memref<64x128xf32, #tpu.memory_space<vmem>>)
      %parallel_loop3A = arith.constant 0 : i32
      %parallel_loop3A_86 = arith.constant 4 : i32
      %parallel_loop3A_87 = arith.constant 1 : i32
      scf.for %parallel_loop3A_88 = %parallel_loop3A to %parallel_loop3A_86 step %parallel_loop3A_87  : i32 {
        %parallel_loop3A_89 = arith.constant 256 : i32
        %parallel_loop3A_90 = arith.muli %parallel_loop3A_88, %parallel_loop3A_89 : i32
        %parallel_loop3A_91 = arith.constant 16 : i32
        %parallel_loop3A_92 = arith.muli %parallel_loop3A_88, %parallel_loop3A_91 : i32
        %parallel_loop3A_93 = arith.constant 0 : i32
        %parallel_loop3A_94 = arith.addi %parallel_loop3A_92, %parallel_loop3A_93 : i32
        %parallel_loop3A_95 = arith.constant 0.000000e+00 : f32
        %parallel_loop3A_96 = vector.broadcast %parallel_loop3A_95 : f32 to vector<16xf32>
        %parallel_loop3A_97 = arith.index_cast %rem3A_54 : i32 to index
        %parallel_loop3A_98 = arith.index_cast %parallel_loop3A_94 : i32 to index
        %parallel_loop3A_99 = arith.constant 0 : index
        %parallel_loop3A_100 = tpu.vector_load %arg11[%parallel_loop3A_97, %parallel_loop3A_98, %parallel_loop3A_99] {strides = array<i32>} : memref<2x64x128xf32, #tpu.memory_space<vmem>>, vector<16xf32>,
        %parallel_loop3A_101 = arith.index_cast %rem3A_54 : i32 to index
        %parallel_loop3A_102 = arith.index_cast %parallel_loop3A_94 : i32 to index
        %parallel_loop3A_103 = arith.constant 64 : index
        %parallel_loop3A_104 = tpu.vector_load %arg11[%parallel_loop3A_101, %parallel_loop3A_102, %parallel_loop3A_103] {strides = array<i32>} : memref<2x64x128xf32, #tpu.memory_space<vmem>>, vector<16xf32>,
        %parallel_loop3A_105 = arith.index_cast %rem3A_54 : i32 to index
        %parallel_loop3A_106 = arith.index_cast %parallel_loop3A_94 : i32 to index
        %parallel_loop3A_107 = arith.constant 0 : index
        %parallel_loop3A_108 = tpu.vector_load %arg12[%parallel_loop3A_105, %parallel_loop3A_106, %parallel_loop3A_107] {strides = array<i32>} : memref<2x64x128xf32, #tpu.memory_space<vmem>>, vector<16xf32>,
        %parallel_loop3A_109 = arith.index_cast %rem3A_54 : i32 to index
        %parallel_loop3A_110 = arith.index_cast %parallel_loop3A_94 : i32 to index
        %parallel_loop3A_111 = arith.constant 64 : index
        %parallel_loop3A_112 = tpu.vector_load %arg12[%parallel_loop3A_109, %parallel_loop3A_110, %parallel_loop3A_111] {strides = array<i32>} : memref<2x64x128xf32, #tpu.memory_space<vmem>>, vector<16xf32>,
        %parallel_loop3A_113 = arith.index_cast %rem3A_54 : i32 to index
        %parallel_loop3A_114 = arith.index_cast %parallel_loop3A_94 : i32 to index
        %parallel_loop3A_115 = arith.constant 0 : index
        %parallel_loop3A_116 = tpu.vector_load %arg13[%parallel_loop3A_113, %parallel_loop3A_114, %parallel_loop3A_115] {strides = array<i32>} : memref<2x64x128xf32, #tpu.memory_space<vmem>>, vector<16xf32>,
        %parallel_loop3A_117 = arith.index_cast %rem3A_54 : i32 to index
        %parallel_loop3A_118 = arith.index_cast %parallel_loop3A_94 : i32 to index
        %parallel_loop3A_119 = arith.constant 64 : index
        %parallel_loop3A_120 = tpu.vector_load %arg13[%parallel_loop3A_117, %parallel_loop3A_118, %parallel_loop3A_119] {strides = array<i32>} : memref<2x64x128xf32, #tpu.memory_space<vmem>>, vector<16xf32>,
        %parallel_loop3A_121 = arith.mulf %parallel_loop3A_100, %parallel_loop3A_116 : vector<16xf32>
        %parallel_loop3A_122 = arith.mulf %parallel_loop3A_104, %parallel_loop3A_120 : vector<16xf32>
        %parallel_loop3A_123 = arith.subf %parallel_loop3A_121, %parallel_loop3A_122 : vector<16xf32>
        %parallel_loop3A_124 = arith.subf %parallel_loop3A_123, %parallel_loop3A_108 : vector<16xf32>
        %parallel_loop3A_125 = arith.mulf %parallel_loop3A_100, %parallel_loop3A_120 : vector<16xf32>
        %parallel_loop3A_126 = arith.mulf %parallel_loop3A_104, %parallel_loop3A_116 : vector<16xf32>
        %parallel_loop3A_127 = arith.addf %parallel_loop3A_125, %parallel_loop3A_126 : vector<16xf32>
        %parallel_loop3A_128 = arith.subf %parallel_loop3A_127, %parallel_loop3A_112 : vector<16xf32>
        %parallel_loop3A_129 = arith.mulf %parallel_loop3A_124, %parallel_loop3A_124 : vector<16xf32>
        %parallel_loop3A_130 = arith.mulf %parallel_loop3A_128, %parallel_loop3A_128 : vector<16xf32>
        %parallel_loop3A_131 = arith.addf %parallel_loop3A_129, %parallel_loop3A_130 : vector<16xf32>
        %parallel_loop3A_132 = tpu.bitcast %parallel_loop3A_131 : vector<16xf32> -> vector<16xi32>
        %parallel_loop3A_133 = arith.constant 1 : i32
        %parallel_loop3A_134 = vector.broadcast %parallel_loop3A_133 : i32 to vector<16xi32>
        %parallel_loop3A_135 = arith.shrsi %parallel_loop3A_132, %parallel_loop3A_134 : vector<16xi32>
        %parallel_loop3A_136 = arith.constant 1597463007 : i32
        %parallel_loop3A_137 = vector.broadcast %parallel_loop3A_136 : i32 to vector<16xi32>
        %parallel_loop3A_138 = arith.subi %parallel_loop3A_137, %parallel_loop3A_135 : vector<16xi32>
        %parallel_loop3A_139 = tpu.bitcast %parallel_loop3A_138 : vector<16xi32> -> vector<16xf32>
        %parallel_loop3A_140 = arith.mulf %parallel_loop3A_131, %parallel_loop3A_139 : vector<16xf32>
        %parallel_loop3A_141 = arith.mulf %parallel_loop3A_139, %parallel_loop3A_140 : vector<16xf32>
        %parallel_loop3A_142 = arith.constant -5.000000e-01 : f32
        %parallel_loop3A_143 = vector.broadcast %parallel_loop3A_142 : f32 to vector<16xf32>
        %parallel_loop3A_144 = arith.mulf %parallel_loop3A_141, %parallel_loop3A_143 : vector<16xf32>
        %parallel_loop3A_145 = arith.constant 1.500000e+00 : f32
        %parallel_loop3A_146 = vector.broadcast %parallel_loop3A_145 : f32 to vector<16xf32>
        %parallel_loop3A_147 = arith.addf %parallel_loop3A_144, %parallel_loop3A_146 : vector<16xf32>
        %parallel_loop3A_148 = arith.mulf %parallel_loop3A_140, %parallel_loop3A_147 : vector<16xf32>
        %parallel_loop3A_149 = arith.addf %parallel_loop3A_96, %parallel_loop3A_148 : vector<16xf32>
        %parallel_loop3A_150 = arith.index_cast %rem3A_54 : i32 to index
        %parallel_loop3A_151 = arith.index_cast %parallel_loop3A_94 : i32 to index
        %parallel_loop3A_152 = arith.constant 16 : index
        %parallel_loop3A_153 = tpu.vector_load %arg11[%parallel_loop3A_150, %parallel_loop3A_151, %parallel_loop3A_152] {strides = array<i32>} : memref<2x64x128xf32, #tpu.memory_space<vmem>>, vector<16xf32>,
        %parallel_loop3A_154 = arith.index_cast %rem3A_54 : i32 to index
        %parallel_loop3A_155 = arith.index_cast %parallel_loop3A_94 : i32 to index
        %parallel_loop3A_156 = arith.constant 80 : index
        %parallel_loop3A_157 = tpu.vector_load %arg11[%parallel_loop3A_154, %parallel_loop3A_155, %parallel_loop3A_156] {strides = array<i32>} : memref<2x64x128xf32, #tpu.memory_space<vmem>>, vector<16xf32>,
        %parallel_loop3A_158 = arith.index_cast %rem3A_54 : i32 to index
        %parallel_loop3A_159 = arith.index_cast %parallel_loop3A_94 : i32 to index
        %parallel_loop3A_160 = arith.constant 16 : index
        %parallel_loop3A_161 = tpu.vector_load %arg12[%parallel_loop3A_158, %parallel_loop3A_159, %parallel_loop3A_160] {strides = array<i32>} : memref<2x64x128xf32, #tpu.memory_space<vmem>>, vector<16xf32>,
        %parallel_loop3A_162 = arith.index_cast %rem3A_54 : i32 to index
        %parallel_loop3A_163 = arith.index_cast %parallel_loop3A_94 : i32 to index
        %parallel_loop3A_164 = arith.constant 80 : index
        %parallel_loop3A_165 = tpu.vector_load %arg12[%parallel_loop3A_162, %parallel_loop3A_163, %parallel_loop3A_164] {strides = array<i32>} : memref<2x64x128xf32, #tpu.memory_space<vmem>>, vector<16xf32>,
        %parallel_loop3A_166 = arith.index_cast %rem3A_54 : i32 to index
        %parallel_loop3A_167 = arith.index_cast %parallel_loop3A_94 : i32 to index
        %parallel_loop3A_168 = arith.constant 16 : index
        %parallel_loop3A_169 = tpu.vector_load %arg13[%parallel_loop3A_166, %parallel_loop3A_167, %parallel_loop3A_168] {strides = array<i32>} : memref<2x64x128xf32, #tpu.memory_space<vmem>>, vector<16xf32>,
        %parallel_loop3A_170 = arith.index_cast %rem3A_54 : i32 to index
        %parallel_loop3A_171 = arith.index_cast %parallel_loop3A_94 : i32 to index
        %parallel_loop3A_172 = arith.constant 80 : index
        %parallel_loop3A_173 = tpu.vector_load %arg13[%parallel_loop3A_170, %parallel_loop3A_171, %parallel_loop3A_172] {strides = array<i32>} : memref<2x64x128xf32, #tpu.memory_space<vmem>>, vector<16xf32>,
        %parallel_loop3A_174 = arith.mulf %parallel_loop3A_153, %parallel_loop3A_169 : vector<16xf32>
        %parallel_loop3A_175 = arith.mulf %parallel_loop3A_157, %parallel_loop3A_173 : vector<16xf32>
        %parallel_loop3A_176 = arith.subf %parallel_loop3A_174, %parallel_loop3A_175 : vector<16xf32>
        %parallel_loop3A_177 = arith.subf %parallel_loop3A_176, %parallel_loop3A_161 : vector<16xf32>
        %parallel_loop3A_178 = arith.mulf %parallel_loop3A_153, %parallel_loop3A_173 : vector<16xf32>
        %parallel_loop3A_179 = arith.mulf %parallel_loop3A_157, %parallel_loop3A_169 : vector<16xf32>
        %parallel_loop3A_180 = arith.addf %parallel_loop3A_178, %parallel_loop3A_179 : vector<16xf32>
        %parallel_loop3A_181 = arith.subf %parallel_loop3A_180, %parallel_loop3A_165 : vector<16xf32>
        %parallel_loop3A_182 = arith.mulf %parallel_loop3A_177, %parallel_loop3A_177 : vector<16xf32>
        %parallel_loop3A_183 = arith.mulf %parallel_loop3A_181, %parallel_loop3A_181 : vector<16xf32>
        %parallel_loop3A_184 = arith.addf %parallel_loop3A_182, %parallel_loop3A_183 : vector<16xf32>
        %parallel_loop3A_185 = tpu.bitcast %parallel_loop3A_184 : vector<16xf32> -> vector<16xi32>
        %parallel_loop3A_186 = arith.constant 1 : i32
        %parallel_loop3A_187 = vector.broadcast %parallel_loop3A_186 : i32 to vector<16xi32>
        %parallel_loop3A_188 = arith.shrsi %parallel_loop3A_185, %parallel_loop3A_187 : vector<16xi32>
        %parallel_loop3A_189 = arith.constant 1597463007 : i32
        %parallel_loop3A_190 = vector.broadcast %parallel_loop3A_189 : i32 to vector<16xi32>
        %parallel_loop3A_191 = arith.subi %parallel_loop3A_190, %parallel_loop3A_188 : vector<16xi32>
        %parallel_loop3A_192 = tpu.bitcast %parallel_loop3A_191 : vector<16xi32> -> vector<16xf32>
        %parallel_loop3A_193 = arith.mulf %parallel_loop3A_184, %parallel_loop3A_192 : vector<16xf32>
        %parallel_loop3A_194 = arith.mulf %parallel_loop3A_192, %parallel_loop3A_193 : vector<16xf32>
        %parallel_loop3A_195 = arith.constant -5.000000e-01 : f32
        %parallel_loop3A_196 = vector.broadcast %parallel_loop3A_195 : f32 to vector<16xf32>
        %parallel_loop3A_197 = arith.mulf %parallel_loop3A_194, %parallel_loop3A_196 : vector<16xf32>
        %parallel_loop3A_198 = arith.constant 1.500000e+00 : f32
        %parallel_loop3A_199 = vector.broadcast %parallel_loop3A_198 : f32 to vector<16xf32>
        %parallel_loop3A_200 = arith.addf %parallel_loop3A_197, %parallel_loop3A_199 : vector<16xf32>
        %parallel_loop3A_201 = arith.mulf %parallel_loop3A_193, %parallel_loop3A_200 : vector<16xf32>
        %parallel_loop3A_202 = arith.addf %parallel_loop3A_149, %parallel_loop3A_201 : vector<16xf32>
        %parallel_loop3A_203 = arith.index_cast %rem3A_54 : i32 to index
        %parallel_loop3A_204 = arith.index_cast %parallel_loop3A_94 : i32 to index
        %parallel_loop3A_205 = arith.constant 32 : index
        %parallel_loop3A_206 = tpu.vector_load %arg11[%parallel_loop3A_203, %parallel_loop3A_204, %parallel_loop3A_205] {strides = array<i32>} : memref<2x64x128xf32, #tpu.memory_space<vmem>>, vector<16xf32>,
        %parallel_loop3A_207 = arith.index_cast %rem3A_54 : i32 to index
        %parallel_loop3A_208 = arith.index_cast %parallel_loop3A_94 : i32 to index
        %parallel_loop3A_209 = arith.constant 96 : index
        %parallel_loop3A_210 = tpu.vector_load %arg11[%parallel_loop3A_207, %parallel_loop3A_208, %parallel_loop3A_209] {strides = array<i32>} : memref<2x64x128xf32, #tpu.memory_space<vmem>>, vector<16xf32>,
        %parallel_loop3A_211 = arith.index_cast %rem3A_54 : i32 to index
        %parallel_loop3A_212 = arith.index_cast %parallel_loop3A_94 : i32 to index
        %parallel_loop3A_213 = arith.constant 32 : index
        %parallel_loop3A_214 = tpu.vector_load %arg12[%parallel_loop3A_211, %parallel_loop3A_212, %parallel_loop3A_213] {strides = array<i32>} : memref<2x64x128xf32, #tpu.memory_space<vmem>>, vector<16xf32>,
        %parallel_loop3A_215 = arith.index_cast %rem3A_54 : i32 to index
        %parallel_loop3A_216 = arith.index_cast %parallel_loop3A_94 : i32 to index
        %parallel_loop3A_217 = arith.constant 96 : index
        %parallel_loop3A_218 = tpu.vector_load %arg12[%parallel_loop3A_215, %parallel_loop3A_216, %parallel_loop3A_217] {strides = array<i32>} : memref<2x64x128xf32, #tpu.memory_space<vmem>>, vector<16xf32>,
        %parallel_loop3A_219 = arith.index_cast %rem3A_54 : i32 to index
        %parallel_loop3A_220 = arith.index_cast %parallel_loop3A_94 : i32 to index
        %parallel_loop3A_221 = arith.constant 32 : index
        %parallel_loop3A_222 = tpu.vector_load %arg13[%parallel_loop3A_219, %parallel_loop3A_220, %parallel_loop3A_221] {strides = array<i32>} : memref<2x64x128xf32, #tpu.memory_space<vmem>>, vector<16xf32>,
        %parallel_loop3A_223 = arith.index_cast %rem3A_54 : i32 to index
        %parallel_loop3A_224 = arith.index_cast %parallel_loop3A_94 : i32 to index
        %parallel_loop3A_225 = arith.constant 96 : index
        %parallel_loop3A_226 = tpu.vector_load %arg13[%parallel_loop3A_223, %parallel_loop3A_224, %parallel_loop3A_225] {strides = array<i32>} : memref<2x64x128xf32, #tpu.memory_space<vmem>>, vector<16xf32>,
        %parallel_loop3A_227 = arith.mulf %parallel_loop3A_206, %parallel_loop3A_222 : vector<16xf32>
        %parallel_loop3A_228 = arith.mulf %parallel_loop3A_210, %parallel_loop3A_226 : vector<16xf32>
        %parallel_loop3A_229 = arith.subf %parallel_loop3A_227, %parallel_loop3A_228 : vector<16xf32>
        %parallel_loop3A_230 = arith.subf %parallel_loop3A_229, %parallel_loop3A_214 : vector<16xf32>
        %parallel_loop3A_231 = arith.mulf %parallel_loop3A_206, %parallel_loop3A_226 : vector<16xf32>
        %parallel_loop3A_232 = arith.mulf %parallel_loop3A_210, %parallel_loop3A_222 : vector<16xf32>
        %parallel_loop3A_233 = arith.addf %parallel_loop3A_231, %parallel_loop3A_232 : vector<16xf32>
        %parallel_loop3A_234 = arith.subf %parallel_loop3A_233, %parallel_loop3A_218 : vector<16xf32>
        %parallel_loop3A_235 = arith.mulf %parallel_loop3A_230, %parallel_loop3A_230 : vector<16xf32>
        %parallel_loop3A_236 = arith.mulf %parallel_loop3A_234, %parallel_loop3A_234 : vector<16xf32>
        %parallel_loop3A_237 = arith.addf %parallel_loop3A_235, %parallel_loop3A_236 : vector<16xf32>
        %parallel_loop3A_238 = tpu.bitcast %parallel_loop3A_237 : vector<16xf32> -> vector<16xi32>
        %parallel_loop3A_239 = arith.constant 1 : i32
        %parallel_loop3A_240 = vector.broadcast %parallel_loop3A_239 : i32 to vector<16xi32>
        %parallel_loop3A_241 = arith.shrsi %parallel_loop3A_238, %parallel_loop3A_240 : vector<16xi32>
        %parallel_loop3A_242 = arith.constant 1597463007 : i32
        %parallel_loop3A_243 = vector.broadcast %parallel_loop3A_242 : i32 to vector<16xi32>
        %parallel_loop3A_244 = arith.subi %parallel_loop3A_243, %parallel_loop3A_241 : vector<16xi32>
        %parallel_loop3A_245 = tpu.bitcast %parallel_loop3A_244 : vector<16xi32> -> vector<16xf32>
        %parallel_loop3A_246 = arith.mulf %parallel_loop3A_237, %parallel_loop3A_245 : vector<16xf32>
        %parallel_loop3A_247 = arith.mulf %parallel_loop3A_245, %parallel_loop3A_246 : vector<16xf32>
        %parallel_loop3A_248 = arith.constant -5.000000e-01 : f32
        %parallel_loop3A_249 = vector.broadcast %parallel_loop3A_248 : f32 to vector<16xf32>
        %parallel_loop3A_250 = arith.mulf %parallel_loop3A_247, %parallel_loop3A_249 : vector<16xf32>
        %parallel_loop3A_251 = arith.constant 1.500000e+00 : f32
        %parallel_loop3A_252 = vector.broadcast %parallel_loop3A_251 : f32 to vector<16xf32>
        %parallel_loop3A_253 = arith.addf %parallel_loop3A_250, %parallel_loop3A_252 : vector<16xf32>
        %parallel_loop3A_254 = arith.mulf %parallel_loop3A_246, %parallel_loop3A_253 : vector<16xf32>
        %parallel_loop3A_255 = arith.addf %parallel_loop3A_202, %parallel_loop3A_254 : vector<16xf32>
        %parallel_loop3A_256 = arith.index_cast %rem3A_54 : i32 to index
        %parallel_loop3A_257 = arith.index_cast %parallel_loop3A_94 : i32 to index
        %parallel_loop3A_258 = arith.constant 48 : index
        %parallel_loop3A_259 = tpu.vector_load %arg11[%parallel_loop3A_256, %parallel_loop3A_257, %parallel_loop3A_258] {strides = array<i32>} : memref<2x64x128xf32, #tpu.memory_space<vmem>>, vector<16xf32>,
        %parallel_loop3A_260 = arith.index_cast %rem3A_54 : i32 to index
        %parallel_loop3A_261 = arith.index_cast %parallel_loop3A_94 : i32 to index
        %parallel_loop3A_262 = arith.constant 112 : index
        %parallel_loop3A_263 = tpu.vector_load %arg11[%parallel_loop3A_260, %parallel_loop3A_261, %parallel_loop3A_262] {strides = array<i32>} : memref<2x64x128xf32, #tpu.memory_space<vmem>>, vector<16xf32>,
        %parallel_loop3A_264 = arith.index_cast %rem3A_54 : i32 to index
        %parallel_loop3A_265 = arith.index_cast %parallel_loop3A_94 : i32 to index
        %parallel_loop3A_266 = arith.constant 48 : index
        %parallel_loop3A_267 = tpu.vector_load %arg12[%parallel_loop3A_264, %parallel_loop3A_265, %parallel_loop3A_266] {strides = array<i32>} : memref<2x64x128xf32, #tpu.memory_space<vmem>>, vector<16xf32>,
        %parallel_loop3A_268 = arith.index_cast %rem3A_54 : i32 to index
        %parallel_loop3A_269 = arith.index_cast %parallel_loop3A_94 : i32 to index
        %parallel_loop3A_270 = arith.constant 112 : index
        %parallel_loop3A_271 = tpu.vector_load %arg12[%parallel_loop3A_268, %parallel_loop3A_269, %parallel_loop3A_270] {strides = array<i32>} : memref<2x64x128xf32, #tpu.memory_space<vmem>>, vector<16xf32>,
        %parallel_loop3A_272 = arith.index_cast %rem3A_54 : i32 to index
        %parallel_loop3A_273 = arith.index_cast %parallel_loop3A_94 : i32 to index
        %parallel_loop3A_274 = arith.constant 48 : index
        %parallel_loop3A_275 = tpu.vector_load %arg13[%parallel_loop3A_272, %parallel_loop3A_273, %parallel_loop3A_274] {strides = array<i32>} : memref<2x64x128xf32, #tpu.memory_space<vmem>>, vector<16xf32>,
        %parallel_loop3A_276 = arith.index_cast %rem3A_54 : i32 to index
        %parallel_loop3A_277 = arith.index_cast %parallel_loop3A_94 : i32 to index
        %parallel_loop3A_278 = arith.constant 112 : index
        %parallel_loop3A_279 = tpu.vector_load %arg13[%parallel_loop3A_276, %parallel_loop3A_277, %parallel_loop3A_278] {strides = array<i32>} : memref<2x64x128xf32, #tpu.memory_space<vmem>>, vector<16xf32>,
        %parallel_loop3A_280 = arith.mulf %parallel_loop3A_259, %parallel_loop3A_275 : vector<16xf32>
        %parallel_loop3A_281 = arith.mulf %parallel_loop3A_263, %parallel_loop3A_279 : vector<16xf32>
        %parallel_loop3A_282 = arith.subf %parallel_loop3A_280, %parallel_loop3A_281 : vector<16xf32>
        %parallel_loop3A_283 = arith.subf %parallel_loop3A_282, %parallel_loop3A_267 : vector<16xf32>
        %parallel_loop3A_284 = arith.mulf %parallel_loop3A_259, %parallel_loop3A_279 : vector<16xf32>
        %parallel_loop3A_285 = arith.mulf %parallel_loop3A_263, %parallel_loop3A_275 : vector<16xf32>
        %parallel_loop3A_286 = arith.addf %parallel_loop3A_284, %parallel_loop3A_285 : vector<16xf32>
        %parallel_loop3A_287 = arith.subf %parallel_loop3A_286, %parallel_loop3A_271 : vector<16xf32>
        %parallel_loop3A_288 = arith.mulf %parallel_loop3A_283, %parallel_loop3A_283 : vector<16xf32>
        %parallel_loop3A_289 = arith.mulf %parallel_loop3A_287, %parallel_loop3A_287 : vector<16xf32>
        %parallel_loop3A_290 = arith.addf %parallel_loop3A_288, %parallel_loop3A_289 : vector<16xf32>
        %parallel_loop3A_291 = tpu.bitcast %parallel_loop3A_290 : vector<16xf32> -> vector<16xi32>
        %parallel_loop3A_292 = arith.constant 1 : i32
        %parallel_loop3A_293 = vector.broadcast %parallel_loop3A_292 : i32 to vector<16xi32>
        %parallel_loop3A_294 = arith.shrsi %parallel_loop3A_291, %parallel_loop3A_293 : vector<16xi32>
        %parallel_loop3A_295 = arith.constant 1597463007 : i32
        %parallel_loop3A_296 = vector.broadcast %parallel_loop3A_295 : i32 to vector<16xi32>
        %parallel_loop3A_297 = arith.subi %parallel_loop3A_296, %parallel_loop3A_294 : vector<16xi32>
        %parallel_loop3A_298 = tpu.bitcast %parallel_loop3A_297 : vector<16xi32> -> vector<16xf32>
        %parallel_loop3A_299 = arith.mulf %parallel_loop3A_290, %parallel_loop3A_298 : vector<16xf32>
        %parallel_loop3A_300 = arith.mulf %parallel_loop3A_298, %parallel_loop3A_299 : vector<16xf32>
        %parallel_loop3A_301 = arith.constant -5.000000e-01 : f32
        %parallel_loop3A_302 = vector.broadcast %parallel_loop3A_301 : f32 to vector<16xf32>
        %parallel_loop3A_303 = arith.mulf %parallel_loop3A_300, %parallel_loop3A_302 : vector<16xf32>
        %parallel_loop3A_304 = arith.constant 1.500000e+00 : f32
        %parallel_loop3A_305 = vector.broadcast %parallel_loop3A_304 : f32 to vector<16xf32>
        %parallel_loop3A_306 = arith.addf %parallel_loop3A_303, %parallel_loop3A_305 : vector<16xf32>
        %parallel_loop3A_307 = arith.mulf %parallel_loop3A_299, %parallel_loop3A_306 : vector<16xf32>
        %parallel_loop3A_308 = arith.addf %parallel_loop3A_255, %parallel_loop3A_307 : vector<16xf32>
        %parallel_loop3A_309 = arith.constant 0 : i32
        %parallel_loop3A_310 = arith.addi %parallel_loop3A_90, %parallel_loop3A_309 : i32
        %parallel_loop3A_311 = arith.index_cast %parallel_loop3A_310 : i32 to index
        %parallel_loop3A_312 = tpu.vector_load %arg14[%parallel_loop3A_311] {strides = array<i32>} : memref<1024xf32, #tpu.memory_space<vmem>>, vector<16xf32>,
        tpu.vector_store %arg14[%parallel_loop3A_311], %parallel_loop3A_308 {strides = array<i32>} : memref<1024xf32, #tpu.memory_space<vmem>>, vector<16xf32>,
        %parallel_loop3A_313 = arith.constant 16 : i32
        %parallel_loop3A_314 = arith.muli %parallel_loop3A_88, %parallel_loop3A_313 : i32
        %parallel_loop3A_315 = arith.constant 1 : i32
        %parallel_loop3A_316 = arith.addi %parallel_loop3A_314, %parallel_loop3A_315 : i32
        %parallel_loop3A_317 = arith.constant 0.000000e+00 : f32
        %parallel_loop3A_318 = vector.broadcast %parallel_loop3A_317 : f32 to vector<16xf32>
        %parallel_loop3A_319 = arith.index_cast %rem3A_54 : i32 to index
        %parallel_loop3A_320 = arith.index_cast %parallel_loop3A_316 : i32 to index
        %parallel_loop3A_321 = arith.constant 0 : index
        %parallel_loop3A_322 = tpu.vector_load %arg11[%parallel_loop3A_319, %parallel_loop3A_320, %parallel_loop3A_321] {strides = array<i32>} : memref<2x64x128xf32, #tpu.memory_space<vmem>>, vector<16xf32>,
        %parallel_loop3A_323 = arith.index_cast %rem3A_54 : i32 to index
        %parallel_loop3A_324 = arith.index_cast %parallel_loop3A_316 : i32 to index
        %parallel_loop3A_325 = arith.constant 64 : index
        %parallel_loop3A_326 = tpu.vector_load %arg11[%parallel_loop3A_323, %parallel_loop3A_324, %parallel_loop3A_325] {strides = array<i32>} : memref<2x64x128xf32, #tpu.memory_space<vmem>>, vector<16xf32>,
        %parallel_loop3A_327 = arith.index_cast %rem3A_54 : i32 to index
        %parallel_loop3A_328 = arith.index_cast %parallel_loop3A_316 : i32 to index
        %parallel_loop3A_329 = arith.constant 0 : index
        %parallel_loop3A_330 = tpu.vector_load %arg12[%parallel_loop3A_327, %parallel_loop3A_328, %parallel_loop3A_329] {strides = array<i32>} : memref<2x64x128xf32, #tpu.memory_space<vmem>>, vector<16xf32>,
        %parallel_loop3A_331 = arith.index_cast %rem3A_54 : i32 to index
        %parallel_loop3A_332 = arith.index_cast %parallel_loop3A_316 : i32 to index
        %parallel_loop3A_333 = arith.constant 64 : index
        %parallel_loop3A_334 = tpu.vector_load %arg12[%parallel_loop3A_331, %parallel_loop3A_332, %parallel_loop3A_333] {strides = array<i32>} : memref<2x64x128xf32, #tpu.memory_space<vmem>>, vector<16xf32>,
        %parallel_loop3A_335 = arith.index_cast %rem3A_54 : i32 to index
        %parallel_loop3A_336 = arith.index_cast %parallel_loop3A_316 : i32 to index
        %parallel_loop3A_337 = arith.constant 0 : index
        %parallel_loop3A_338 = tpu.vector_load %arg13[%parallel_loop3A_335, %parallel_loop3A_336, %parallel_loop3A_337] {strides = array<i32>} : memref<2x64x128xf32, #tpu.memory_space<vmem>>, vector<16xf32>,
        %parallel_loop3A_339 = arith.index_cast %rem3A_54 : i32 to index
        %parallel_loop3A_340 = arith.index_cast %parallel_loop3A_316 : i32 to index
        %parallel_loop3A_341 = arith.constant 64 : index
        %parallel_loop3A_342 = tpu.vector_load %arg13[%parallel_loop3A_339, %parallel_loop3A_340, %parallel_loop3A_341] {strides = array<i32>} : memref<2x64x128xf32, #tpu.memory_space<vmem>>, vector<16xf32>,
        %parallel_loop3A_343 = arith.mulf %parallel_loop3A_322, %parallel_loop3A_338 : vector<16xf32>
        %parallel_loop3A_344 = arith.mulf %parallel_loop3A_326, %parallel_loop3A_342 : vector<16xf32>
        %parallel_loop3A_345 = arith.subf %parallel_loop3A_343, %parallel_loop3A_344 : vector<16xf32>
        %parallel_loop3A_346 = arith.subf %parallel_loop3A_345, %parallel_loop3A_330 : vector<16xf32>
        %parallel_loop3A_347 = arith.mulf %parallel_loop3A_322, %parallel_loop3A_342 : vector<16xf32>
        %parallel_loop3A_348 = arith.mulf %parallel_loop3A_326, %parallel_loop3A_338 : vector<16xf32>
        %parallel_loop3A_349 = arith.addf %parallel_loop3A_347, %parallel_loop3A_348 : vector<16xf32>
        %parallel_loop3A_350 = arith.subf %parallel_loop3A_349, %parallel_loop3A_334 : vector<16xf32>
        %parallel_loop3A_351 = arith.mulf %parallel_loop3A_346, %parallel_loop3A_346 : vector<16xf32>
        %parallel_loop3A_352 = arith.mulf %parallel_loop3A_350, %parallel_loop3A_350 : vector<16xf32>
        %parallel_loop3A_353 = arith.addf %parallel_loop3A_351, %parallel_loop3A_352 : vector<16xf32>
        %parallel_loop3A_354 = tpu.bitcast %parallel_loop3A_353 : vector<16xf32> -> vector<16xi32>
        %parallel_loop3A_355 = arith.constant 1 : i32
        %parallel_loop3A_356 = vector.broadcast %parallel_loop3A_355 : i32 to vector<16xi32>
        %parallel_loop3A_357 = arith.shrsi %parallel_loop3A_354, %parallel_loop3A_356 : vector<16xi32>
        %parallel_loop3A_358 = arith.constant 1597463007 : i32
        %parallel_loop3A_359 = vector.broadcast %parallel_loop3A_358 : i32 to vector<16xi32>
        %parallel_loop3A_360 = arith.subi %parallel_loop3A_359, %parallel_loop3A_357 : vector<16xi32>
        %parallel_loop3A_361 = tpu.bitcast %parallel_loop3A_360 : vector<16xi32> -> vector<16xf32>
        %parallel_loop3A_362 = arith.mulf %parallel_loop3A_353, %parallel_loop3A_361 : vector<16xf32>
        %parallel_loop3A_363 = arith.mulf %parallel_loop3A_361, %parallel_loop3A_362 : vector<16xf32>
        %parallel_loop3A_364 = arith.constant -5.000000e-01 : f32
        %parallel_loop3A_365 = vector.broadcast %parallel_loop3A_364 : f32 to vector<16xf32>
        %parallel_loop3A_366 = arith.mulf %parallel_loop3A_363, %parallel_loop3A_365 : vector<16xf32>
        %parallel_loop3A_367 = arith.constant 1.500000e+00 : f32
        %parallel_loop3A_368 = vector.broadcast %parallel_loop3A_367 : f32 to vector<16xf32>
        %parallel_loop3A_369 = arith.addf %parallel_loop3A_366, %parallel_loop3A_368 : vector<16xf32>
        %parallel_loop3A_370 = arith.mulf %parallel_loop3A_362, %parallel_loop3A_369 : vector<16xf32>
        %parallel_loop3A_371 = arith.addf %parallel_loop3A_318, %parallel_loop3A_370 : vector<16xf32>
        %parallel_loop3A_372 = arith.index_cast %rem3A_54 : i32 to index
        %parallel_loop3A_373 = arith.index_cast %parallel_loop3A_316 : i32 to index
        %parallel_loop3A_374 = arith.constant 16 : index
        %parallel_loop3A_375 = tpu.vector_load %arg11[%parallel_loop3A_372, %parallel_loop3A_373, %parallel_loop3A_374] {strides = array<i32>} : memref<2x64x128xf32, #tpu.memory_space<vmem>>, vector<16xf32>,
        %parallel_loop3A_376 = arith.index_cast %rem3A_54 : i32 to index
        %parallel_loop3A_377 = arith.index_cast %parallel_loop3A_316 : i32 to index
        %parallel_loop3A_378 = arith.constant 80 : index
        %parallel_loop3A_379 = tpu.vector_load %arg11[%parallel_loop3A_376, %parallel_loop3A_377, %parallel_loop3A_378] {strides = array<i32>} : memref<2x64x128xf32, #tpu.memory_space<vmem>>, vector<16xf32>,
        %parallel_loop3A_380 = arith.index_cast %rem3A_54 : i32 to index
        %parallel_loop3A_381 = arith.index_cast %parallel_loop3A_316 : i32 to index
        %parallel_loop3A_382 = arith.constant 16 : index
        %parallel_loop3A_383 = tpu.vector_load %arg12[%parallel_loop3A_380, %parallel_loop3A_381, %parallel_loop3A_382] {strides = array<i32>} : memref<2x64x128xf32, #tpu.memory_space<vmem>>, vector<16xf32>,
        %parallel_loop3A_384 = arith.index_cast %rem3A_54 : i32 to index
        %parallel_loop3A_385 = arith.index_cast %parallel_loop3A_316 : i32 to index
        %parallel_loop3A_386 = arith.constant 80 : index
        %parallel_loop3A_387 = tpu.vector_load %arg12[%parallel_loop3A_384, %parallel_loop3A_385, %parallel_loop3A_386] {strides = array<i32>} : memref<2x64x128xf32, #tpu.memory_space<vmem>>, vector<16xf32>,
        %parallel_loop3A_388 = arith.index_cast %rem3A_54 : i32 to index
        %parallel_loop3A_389 = arith.index_cast %parallel_loop3A_316 : i32 to index
        %parallel_loop3A_390 = arith.constant 16 : index
        %parallel_loop3A_391 = tpu.vector_load %arg13[%parallel_loop3A_388, %parallel_loop3A_389, %parallel_loop3A_390] {strides = array<i32>} : memref<2x64x128xf32, #tpu.memory_space<vmem>>, vector<16xf32>,
        %parallel_loop3A_392 = arith.index_cast %rem3A_54 : i32 to index
        %parallel_loop3A_393 = arith.index_cast %parallel_loop3A_316 : i32 to index
        %parallel_loop3A_394 = arith.constant 80 : index
        %parallel_loop3A_395 = tpu.vector_load %arg13[%parallel_loop3A_392, %parallel_loop3A_393, %parallel_loop3A_394] {strides = array<i32>} : memref<2x64x128xf32, #tpu.memory_space<vmem>>, vector<16xf32>,
        %parallel_loop3A_396 = arith.mulf %parallel_loop3A_375, %parallel_loop3A_391 : vector<16xf32>
        %parallel_loop3A_397 = arith.mulf %parallel_loop3A_379, %parallel_loop3A_395 : vector<16xf32>
        %parallel_loop3A_398 = arith.subf %parallel_loop3A_396, %parallel_loop3A_397 : vector<16xf32>
        %parallel_loop3A_399 = arith.subf %parallel_loop3A_398, %parallel_loop3A_383 : vector<16xf32>
        %parallel_loop3A_400 = arith.mulf %parallel_loop3A_375, %parallel_loop3A_395 : vector<16xf32>
        %parallel_loop3A_401 = arith.mulf %parallel_loop3A_379, %parallel_loop3A_391 : vector<16xf32>
        %parallel_loop3A_402 = arith.addf %parallel_loop3A_400, %parallel_loop3A_401 : vector<16xf32>
        %parallel_loop3A_403 = arith.subf %parallel_loop3A_402, %parallel_loop3A_387 : vector<16xf32>
        %parallel_loop3A_404 = arith.mulf %parallel_loop3A_399, %parallel_loop3A_399 : vector<16xf32>
        %parallel_loop3A_405 = arith.mulf %parallel_loop3A_403, %parallel_loop3A_403 : vector<16xf32>
        %parallel_loop3A_406 = arith.addf %parallel_loop3A_404, %parallel_loop3A_405 : vector<16xf32>
        %parallel_loop3A_407 = tpu.bitcast %parallel_loop3A_406 : vector<16xf32> -> vector<16xi32>
        %parallel_loop3A_408 = arith.constant 1 : i32
        %parallel_loop3A_409 = vector.broadcast %parallel_loop3A_408 : i32 to vector<16xi32>
        %parallel_loop3A_410 = arith.shrsi %parallel_loop3A_407, %parallel_loop3A_409 : vector<16xi32>
        %parallel_loop3A_411 = arith.constant 1597463007 : i32
        %parallel_loop3A_412 = vector.broadcast %parallel_loop3A_411 : i32 to vector<16xi32>
        %parallel_loop3A_413 = arith.subi %parallel_loop3A_412, %parallel_loop3A_410 : vector<16xi32>
        %parallel_loop3A_414 = tpu.bitcast %parallel_loop3A_413 : vector<16xi32> -> vector<16xf32>
        %parallel_loop3A_415 = arith.mulf %parallel_loop3A_406, %parallel_loop3A_414 : vector<16xf32>
        %parallel_loop3A_416 = arith.mulf %parallel_loop3A_414, %parallel_loop3A_415 : vector<16xf32>
        %parallel_loop3A_417 = arith.constant -5.000000e-01 : f32
        %parallel_loop3A_418 = vector.broadcast %parallel_loop3A_417 : f32 to vector<16xf32>
        %parallel_loop3A_419 = arith.mulf %parallel_loop3A_416, %parallel_loop3A_418 : vector<16xf32>
        %parallel_loop3A_420 = arith.constant 1.500000e+00 : f32
        %parallel_loop3A_421 = vector.broadcast %parallel_loop3A_420 : f32 to vector<16xf32>
        %parallel_loop3A_422 = arith.addf %parallel_loop3A_419, %parallel_loop3A_421 : vector<16xf32>
        %parallel_loop3A_423 = arith.mulf %parallel_loop3A_415, %parallel_loop3A_422 : vector<16xf32>
        %parallel_loop3A_424 = arith.addf %parallel_loop3A_371, %parallel_loop3A_423 : vector<16xf32>
        %parallel_loop3A_425 = arith.index_cast %rem3A_54 : i32 to index
        %parallel_loop3A_426 = arith.index_cast %parallel_loop3A_316 : i32 to index
        %parallel_loop3A_427 = arith.constant 32 : index
        %parallel_loop3A_428 = tpu.vector_load %arg11[%parallel_loop3A_425, %parallel_loop3A_426, %parallel_loop3A_427] {strides = array<i32>} : memref<2x64x128xf32, #tpu.memory_space<vmem>>, vector<16xf32>,
        %parallel_loop3A_429 = arith.index_cast %rem3A_54 : i32 to index
        %parallel_loop3A_430 = arith.index_cast %parallel_loop3A_316 : i32 to index
        %parallel_loop3A_431 = arith.constant 96 : index
        %parallel_loop3A_432 = tpu.vector_load %arg11[%parallel_loop3A_429, %parallel_loop3A_430, %parallel_loop3A_431] {strides = array<i32>} : memref<2x64x128xf32, #tpu.memory_space<vmem>>, vector<16xf32>,
        %parallel_loop3A_433 = arith.index_cast %rem3A_54 : i32 to index
        %parallel_loop3A_434 = arith.index_cast %parallel_loop3A_316 : i32 to index
        %parallel_loop3A_435 = arith.constant 32 : index
        %parallel_loop3A_436 = tpu.vector_load %arg12[%parallel_loop3A_433, %parallel_loop3A_434, %parallel_loop3A_435] {strides = array<i32>} : memref<2x64x128xf32, #tpu.memory_space<vmem>>, vector<16xf32>,
        %parallel_loop3A_437 = arith.index_cast %rem3A_54 : i32 to index
        %parallel_loop3A_438 = arith.index_cast %parallel_loop3A_316 : i32 to index
        %parallel_loop3A_439 = arith.constant 96 : index
        %parallel_loop3A_440 = tpu.vector_load %arg12[%parallel_loop3A_437, %parallel_loop3A_438, %parallel_loop3A_439] {strides = array<i32>} : memref<2x64x128xf32, #tpu.memory_space<vmem>>, vector<16xf32>,
        %parallel_loop3A_441 = arith.index_cast %rem3A_54 : i32 to index
        %parallel_loop3A_442 = arith.index_cast %parallel_loop3A_316 : i32 to index
        %parallel_loop3A_443 = arith.constant 32 : index
        %parallel_loop3A_444 = tpu.vector_load %arg13[%parallel_loop3A_441, %parallel_loop3A_442, %parallel_loop3A_443] {strides = array<i32>} : memref<2x64x128xf32, #tpu.memory_space<vmem>>, vector<16xf32>,
        %parallel_loop3A_445 = arith.index_cast %rem3A_54 : i32 to index
        %parallel_loop3A_446 = arith.index_cast %parallel_loop3A_316 : i32 to index
        %parallel_loop3A_447 = arith.constant 96 : index
        %parallel_loop3A_448 = tpu.vector_load %arg13[%parallel_loop3A_445, %parallel_loop3A_446, %parallel_loop3A_447] {strides = array<i32>} : memref<2x64x128xf32, #tpu.memory_space<vmem>>, vector<16xf32>,
        %parallel_loop3A_449 = arith.mulf %parallel_loop3A_428, %parallel_loop3A_444 : vector<16xf32>
        %parallel_loop3A_450 = arith.mulf %parallel_loop3A_432, %parallel_loop3A_448 : vector<16xf32>
        %parallel_loop3A_451 = arith.subf %parallel_loop3A_449, %parallel_loop3A_450 : vector<16xf32>
        %parallel_loop3A_452 = arith.subf %parallel_loop3A_451, %parallel_loop3A_436 : vector<16xf32>
        %parallel_loop3A_453 = arith.mulf %parallel_loop3A_428, %parallel_loop3A_448 : vector<16xf32>
        %parallel_loop3A_454 = arith.mulf %parallel_loop3A_432, %parallel_loop3A_444 : vector<16xf32>
        %parallel_loop3A_455 = arith.addf %parallel_loop3A_453, %parallel_loop3A_454 : vector<16xf32>
        %parallel_loop3A_456 = arith.subf %parallel_loop3A_455, %parallel_loop3A_440 : vector<16xf32>
        %parallel_loop3A_457 = arith.mulf %parallel_loop3A_452, %parallel_loop3A_452 : vector<16xf32>
        %parallel_loop3A_458 = arith.mulf %parallel_loop3A_456, %parallel_loop3A_456 : vector<16xf32>
        %parallel_loop3A_459 = arith.addf %parallel_loop3A_457, %parallel_loop3A_458 : vector<16xf32>
        %parallel_loop3A_460 = tpu.bitcast %parallel_loop3A_459 : vector<16xf32> -> vector<16xi32>
        %parallel_loop3A_461 = arith.constant 1 : i32
        %parallel_loop3A_462 = vector.broadcast %parallel_loop3A_461 : i32 to vector<16xi32>
        %parallel_loop3A_463 = arith.shrsi %parallel_loop3A_460, %parallel_loop3A_462 : vector<16xi32>
        %parallel_loop3A_464 = arith.constant 1597463007 : i32
        %parallel_loop3A_465 = vector.broadcast %parallel_loop3A_464 : i32 to vector<16xi32>
        %parallel_loop3A_466 = arith.subi %parallel_loop3A_465, %parallel_loop3A_463 : vector<16xi32>
        %parallel_loop3A_467 = tpu.bitcast %parallel_loop3A_466 : vector<16xi32> -> vector<16xf32>
        %parallel_loop3A_468 = arith.mulf %parallel_loop3A_459, %parallel_loop3A_467 : vector<16xf32>
        %parallel_loop3A_469 = arith.mulf %parallel_loop3A_467, %parallel_loop3A_468 : vector<16xf32>
        %parallel_loop3A_470 = arith.constant -5.000000e-01 : f32
        %parallel_loop3A_471 = vector.broadcast %parallel_loop3A_470 : f32 to vector<16xf32>
        %parallel_loop3A_472 = arith.mulf %parallel_loop3A_469, %parallel_loop3A_471 : vector<16xf32>
        %parallel_loop3A_473 = arith.constant 1.500000e+00 : f32
        %parallel_loop3A_474 = vector.broadcast %parallel_loop3A_473 : f32 to vector<16xf32>
        %parallel_loop3A_475 = arith.addf %parallel_loop3A_472, %parallel_loop3A_474 : vector<16xf32>
        %parallel_loop3A_476 = arith.mulf %parallel_loop3A_468, %parallel_loop3A_475 : vector<16xf32>
        %parallel_loop3A_477 = arith.addf %parallel_loop3A_424, %parallel_loop3A_476 : vector<16xf32>
        %parallel_loop3A_478 = arith.index_cast %rem3A_54 : i32 to index
        %parallel_loop3A_479 = arith.index_cast %parallel_loop3A_316 : i32 to index
        %parallel_loop3A_480 = arith.constant 48 : index
        %parallel_loop3A_481 = tpu.vector_load %arg11[%parallel_loop3A_478, %parallel_loop3A_479, %parallel_loop3A_480] {strides = array<i32>} : memref<2x64x128xf32, #tpu.memory_space<vmem>>, vector<16xf32>,
        %parallel_loop3A_482 = arith.index_cast %rem3A_54 : i32 to index
        %parallel_loop3A_483 = arith.index_cast %parallel_loop3A_316 : i32 to index
        %parallel_loop3A_484 = arith.constant 112 : index
        %parallel_loop3A_485 = tpu.vector_load %arg11[%parallel_loop3A_482, %parallel_loop3A_483, %parallel_loop3A_484] {strides = array<i32>} : memref<2x64x128xf32, #tpu.memory_space<vmem>>, vector<16xf32>,
        %parallel_loop3A_486 = arith.index_cast %rem3A_54 : i32 to index
        %parallel_loop3A_487 = arith.index_cast %parallel_loop3A_316 : i32 to index
        %parallel_loop3A_488 = arith.constant 48 : index
        %parallel_loop3A_489 = tpu.vector_load %arg12[%parallel_loop3A_486, %parallel_loop3A_487, %parallel_loop3A_488] {strides = array<i32>} : memref<2x64x128xf32, #tpu.memory_space<vmem>>, vector<16xf32>,
        %parallel_loop3A_490 = arith.index_cast %rem3A_54 : i32 to index
        %parallel_loop3A_491 = arith.index_cast %parallel_loop3A_316 : i32 to index
        %parallel_loop3A_492 = arith.constant 112 : index
        %parallel_loop3A_493 = tpu.vector_load %arg12[%parallel_loop3A_490, %parallel_loop3A_491, %parallel_loop3A_492] {strides = array<i32>} : memref<2x64x128xf32, #tpu.memory_space<vmem>>, vector<16xf32>,
        %parallel_loop3A_494 = arith.index_cast %rem3A_54 : i32 to index
        %parallel_loop3A_495 = arith.index_cast %parallel_loop3A_316 : i32 to index
        %parallel_loop3A_496 = arith.constant 48 : index
        %parallel_loop3A_497 = tpu.vector_load %arg13[%parallel_loop3A_494, %parallel_loop3A_495, %parallel_loop3A_496] {strides = array<i32>} : memref<2x64x128xf32, #tpu.memory_space<vmem>>, vector<16xf32>,
        %parallel_loop3A_498 = arith.index_cast %rem3A_54 : i32 to index
        %parallel_loop3A_499 = arith.index_cast %parallel_loop3A_316 : i32 to index
        %parallel_loop3A_500 = arith.constant 112 : index
        %parallel_loop3A_501 = tpu.vector_load %arg13[%parallel_loop3A_498, %parallel_loop3A_499, %parallel_loop3A_500] {strides = array<i32>} : memref<2x64x128xf32, #tpu.memory_space<vmem>>, vector<16xf32>,
        %parallel_loop3A_502 = arith.mulf %parallel_loop3A_481, %parallel_loop3A_497 : vector<16xf32>
        %parallel_loop3A_503 = arith.mulf %parallel_loop3A_485, %parallel_loop3A_501 : vector<16xf32>
        %parallel_loop3A_504 = arith.subf %parallel_loop3A_502, %parallel_loop3A_503 : vector<16xf32>
        %parallel_loop3A_505 = arith.subf %parallel_loop3A_504, %parallel_loop3A_489 : vector<16xf32>
        %parallel_loop3A_506 = arith.mulf %parallel_loop3A_481, %parallel_loop3A_501 : vector<16xf32>
        %parallel_loop3A_507 = arith.mulf %parallel_loop3A_485, %parallel_loop3A_497 : vector<16xf32>
        %parallel_loop3A_508 = arith.addf %parallel_loop3A_506, %parallel_loop3A_507 : vector<16xf32>
        %parallel_loop3A_509 = arith.subf %parallel_loop3A_508, %parallel_loop3A_493 : vector<16xf32>
        %parallel_loop3A_510 = arith.mulf %parallel_loop3A_505, %parallel_loop3A_505 : vector<16xf32>
        %parallel_loop3A_511 = arith.mulf %parallel_loop3A_509, %parallel_loop3A_509 : vector<16xf32>
        %parallel_loop3A_512 = arith.addf %parallel_loop3A_510, %parallel_loop3A_511 : vector<16xf32>
        %parallel_loop3A_513 = tpu.bitcast %parallel_loop3A_512 : vector<16xf32> -> vector<16xi32>
        %parallel_loop3A_514 = arith.constant 1 : i32
        %parallel_loop3A_515 = vector.broadcast %parallel_loop3A_514 : i32 to vector<16xi32>
        %parallel_loop3A_516 = arith.shrsi %parallel_loop3A_513, %parallel_loop3A_515 : vector<16xi32>
        %parallel_loop3A_517 = arith.constant 1597463007 : i32
        %parallel_loop3A_518 = vector.broadcast %parallel_loop3A_517 : i32 to vector<16xi32>
        %parallel_loop3A_519 = arith.subi %parallel_loop3A_518, %parallel_loop3A_516 : vector<16xi32>
        %parallel_loop3A_520 = tpu.bitcast %parallel_loop3A_519 : vector<16xi32> -> vector<16xf32>
        %parallel_loop3A_521 = arith.mulf %parallel_loop3A_512, %parallel_loop3A_520 : vector<16xf32>
        %parallel_loop3A_522 = arith.mulf %parallel_loop3A_520, %parallel_loop3A_521 : vector<16xf32>
        %parallel_loop3A_523 = arith.constant -5.000000e-01 : f32
        %parallel_loop3A_524 = vector.broadcast %parallel_loop3A_523 : f32 to vector<16xf32>
        %parallel_loop3A_525 = arith.mulf %parallel_loop3A_522, %parallel_loop3A_524 : vector<16xf32>
        %parallel_loop3A_526 = arith.constant 1.500000e+00 : f32
        %parallel_loop3A_527 = vector.broadcast %parallel_loop3A_526 : f32 to vector<16xf32>
        %parallel_loop3A_528 = arith.addf %parallel_loop3A_525, %parallel_loop3A_527 : vector<16xf32>
        %parallel_loop3A_529 = arith.mulf %parallel_loop3A_521, %parallel_loop3A_528 : vector<16xf32>
        %parallel_loop3A_530 = arith.addf %parallel_loop3A_477, %parallel_loop3A_529 : vector<16xf32>
        %parallel_loop3A_531 = arith.constant 16 : i32
        %parallel_loop3A_532 = arith.addi %parallel_loop3A_90, %parallel_loop3A_531 : i32
        %parallel_loop3A_533 = arith.index_cast %parallel_loop3A_532 : i32 to index
        %parallel_loop3A_534 = tpu.vector_load %arg14[%parallel_loop3A_533] {strides = array<i32>} : memref<1024xf32, #tpu.memory_space<vmem>>, vector<16xf32>,
        tpu.vector_store %arg14[%parallel_loop3A_533], %parallel_loop3A_530 {strides = array<i32>} : memref<1024xf32, #tpu.memory_space<vmem>>, vector<16xf32>,
        %parallel_loop3A_535 = arith.constant 16 : i32
        %parallel_loop3A_536 = arith.muli %parallel_loop3A_88, %parallel_loop3A_535 : i32
        %parallel_loop3A_537 = arith.constant 2 : i32
        %parallel_loop3A_538 = arith.addi %parallel_loop3A_536, %parallel_loop3A_537 : i32
        %parallel_loop3A_539 = arith.constant 0.000000e+00 : f32
        %parallel_loop3A_540 = vector.broadcast %parallel_loop3A_539 : f32 to vector<16xf32>
        %parallel_loop3A_541 = arith.index_cast %rem3A_54 : i32 to index
        %parallel_loop3A_542 = arith.index_cast %parallel_loop3A_538 : i32 to index
        %parallel_loop3A_543 = arith.constant 0 : index
        %parallel_loop3A_544 = tpu.vector_load %arg11[%parallel_loop3A_541, %parallel_loop3A_542, %parallel_loop3A_543] {strides = array<i32>} : memref<2x64x128xf32, #tpu.memory_space<vmem>>, vector<16xf32>,
        %parallel_loop3A_545 = arith.index_cast %rem3A_54 : i32 to index
        %parallel_loop3A_546 = arith.index_cast %parallel_loop3A_538 : i32 to index
        %parallel_loop3A_547 = arith.constant 64 : index
        %parallel_loop3A_548 = tpu.vector_load %arg11[%parallel_loop3A_545, %parallel_loop3A_546, %parallel_loop3A_547] {strides = array<i32>} : memref<2x64x128xf32, #tpu.memory_space<vmem>>, vector<16xf32>,
        %parallel_loop3A_549 = arith.index_cast %rem3A_54 : i32 to index
        %parallel_loop3A_550 = arith.index_cast %parallel_loop3A_538 : i32 to index
        %parallel_loop3A_551 = arith.constant 0 : index
        %parallel_loop3A_552 = tpu.vector_load %arg12[%parallel_loop3A_549, %parallel_loop3A_550, %parallel_loop3A_551] {strides = array<i32>} : memref<2x64x128xf32, #tpu.memory_space<vmem>>, vector<16xf32>,
        %parallel_loop3A_553 = arith.index_cast %rem3A_54 : i32 to index
        %parallel_loop3A_554 = arith.index_cast %parallel_loop3A_538 : i32 to index
        %parallel_loop3A_555 = arith.constant 64 : index
        %parallel_loop3A_556 = tpu.vector_load %arg12[%parallel_loop3A_553, %parallel_loop3A_554, %parallel_loop3A_555] {strides = array<i32>} : memref<2x64x128xf32, #tpu.memory_space<vmem>>, vector<16xf32>,
        %parallel_loop3A_557 = arith.index_cast %rem3A_54 : i32 to index
        %parallel_loop3A_558 = arith.index_cast %parallel_loop3A_538 : i32 to index
        %parallel_loop3A_559 = arith.constant 0 : index
        %parallel_loop3A_560 = tpu.vector_load %arg13[%parallel_loop3A_557, %parallel_loop3A_558, %parallel_loop3A_559] {strides = array<i32>} : memref<2x64x128xf32, #tpu.memory_space<vmem>>, vector<16xf32>,
        %parallel_loop3A_561 = arith.index_cast %rem3A_54 : i32 to index
        %parallel_loop3A_562 = arith.index_cast %parallel_loop3A_538 : i32 to index
        %parallel_loop3A_563 = arith.constant 64 : index
        %parallel_loop3A_564 = tpu.vector_load %arg13[%parallel_loop3A_561, %parallel_loop3A_562, %parallel_loop3A_563] {strides = array<i32>} : memref<2x64x128xf32, #tpu.memory_space<vmem>>, vector<16xf32>,
        %parallel_loop3A_565 = arith.mulf %parallel_loop3A_544, %parallel_loop3A_560 : vector<16xf32>
        %parallel_loop3A_566 = arith.mulf %parallel_loop3A_548, %parallel_loop3A_564 : vector<16xf32>
        %parallel_loop3A_567 = arith.subf %parallel_loop3A_565, %parallel_loop3A_566 : vector<16xf32>
        %parallel_loop3A_568 = arith.subf %parallel_loop3A_567, %parallel_loop3A_552 : vector<16xf32>
        %parallel_loop3A_569 = arith.mulf %parallel_loop3A_544, %parallel_loop3A_564 : vector<16xf32>
        %parallel_loop3A_570 = arith.mulf %parallel_loop3A_548, %parallel_loop3A_560 : vector<16xf32>
        %parallel_loop3A_571 = arith.addf %parallel_loop3A_569, %parallel_loop3A_570 : vector<16xf32>
        %parallel_loop3A_572 = arith.subf %parallel_loop3A_571, %parallel_loop3A_556 : vector<16xf32>
        %parallel_loop3A_573 = arith.mulf %parallel_loop3A_568, %parallel_loop3A_568 : vector<16xf32>
        %parallel_loop3A_574 = arith.mulf %parallel_loop3A_572, %parallel_loop3A_572 : vector<16xf32>
        %parallel_loop3A_575 = arith.addf %parallel_loop3A_573, %parallel_loop3A_574 : vector<16xf32>
        %parallel_loop3A_576 = tpu.bitcast %parallel_loop3A_575 : vector<16xf32> -> vector<16xi32>
        %parallel_loop3A_577 = arith.constant 1 : i32
        %parallel_loop3A_578 = vector.broadcast %parallel_loop3A_577 : i32 to vector<16xi32>
        %parallel_loop3A_579 = arith.shrsi %parallel_loop3A_576, %parallel_loop3A_578 : vector<16xi32>
        %parallel_loop3A_580 = arith.constant 1597463007 : i32
        %parallel_loop3A_581 = vector.broadcast %parallel_loop3A_580 : i32 to vector<16xi32>
        %parallel_loop3A_582 = arith.subi %parallel_loop3A_581, %parallel_loop3A_579 : vector<16xi32>
        %parallel_loop3A_583 = tpu.bitcast %parallel_loop3A_582 : vector<16xi32> -> vector<16xf32>
        %parallel_loop3A_584 = arith.mulf %parallel_loop3A_575, %parallel_loop3A_583 : vector<16xf32>
        %parallel_loop3A_585 = arith.mulf %parallel_loop3A_583, %parallel_loop3A_584 : vector<16xf32>
        %parallel_loop3A_586 = arith.constant -5.000000e-01 : f32
        %parallel_loop3A_587 = vector.broadcast %parallel_loop3A_586 : f32 to vector<16xf32>
        %parallel_loop3A_588 = arith.mulf %parallel_loop3A_585, %parallel_loop3A_587 : vector<16xf32>
        %parallel_loop3A_589 = arith.constant 1.500000e+00 : f32
        %parallel_loop3A_590 = vector.broadcast %parallel_loop3A_589 : f32 to vector<16xf32>
        %parallel_loop3A_591 = arith.addf %parallel_loop3A_588, %parallel_loop3A_590 : vector<16xf32>
        %parallel_loop3A_592 = arith.mulf %parallel_loop3A_584, %parallel_loop3A_591 : vector<16xf32>
        %parallel_loop3A_593 = arith.addf %parallel_loop3A_540, %parallel_loop3A_592 : vector<16xf32>
        %parallel_loop3A_594 = arith.index_cast %rem3A_54 : i32 to index
        %parallel_loop3A_595 = arith.index_cast %parallel_loop3A_538 : i32 to index
        %parallel_loop3A_596 = arith.constant 16 : index
        %parallel_loop3A_597 = tpu.vector_load %arg11[%parallel_loop3A_594, %parallel_loop3A_595, %parallel_loop3A_596] {strides = array<i32>} : memref<2x64x128xf32, #tpu.memory_space<vmem>>, vector<16xf32>,
        %parallel_loop3A_598 = arith.index_cast %rem3A_54 : i32 to index
        %parallel_loop3A_599 = arith.index_cast %parallel_loop3A_538 : i32 to index
        %parallel_loop3A_600 = arith.constant 80 : index
        %parallel_loop3A_601 = tpu.vector_load %arg11[%parallel_loop3A_598, %parallel_loop3A_599, %parallel_loop3A_600] {strides = array<i32>} : memref<2x64x128xf32, #tpu.memory_space<vmem>>, vector<16xf32>,
        %parallel_loop3A_602 = arith.index_cast %rem3A_54 : i32 to index
        %parallel_loop3A_603 = arith.index_cast %parallel_loop3A_538 : i32 to index
        %parallel_loop3A_604 = arith.constant 16 : index
        %parallel_loop3A_605 = tpu.vector_load %arg12[%parallel_loop3A_602, %parallel_loop3A_603, %parallel_loop3A_604] {strides = array<i32>} : memref<2x64x128xf32, #tpu.memory_space<vmem>>, vector<16xf32>,
        %parallel_loop3A_606 = arith.index_cast %rem3A_54 : i32 to index
        %parallel_loop3A_607 = arith.index_cast %parallel_loop3A_538 : i32 to index
        %parallel_loop3A_608 = arith.constant 80 : index
        %parallel_loop3A_609 = tpu.vector_load %arg12[%parallel_loop3A_606, %parallel_loop3A_607, %parallel_loop3A_608] {strides = array<i32>} : memref<2x64x128xf32, #tpu.memory_space<vmem>>, vector<16xf32>,
        %parallel_loop3A_610 = arith.index_cast %rem3A_54 : i32 to index
        %parallel_loop3A_611 = arith.index_cast %parallel_loop3A_538 : i32 to index
        %parallel_loop3A_612 = arith.constant 16 : index
        %parallel_loop3A_613 = tpu.vector_load %arg13[%parallel_loop3A_610, %parallel_loop3A_611, %parallel_loop3A_612] {strides = array<i32>} : memref<2x64x128xf32, #tpu.memory_space<vmem>>, vector<16xf32>,
        %parallel_loop3A_614 = arith.index_cast %rem3A_54 : i32 to index
        %parallel_loop3A_615 = arith.index_cast %parallel_loop3A_538 : i32 to index
        %parallel_loop3A_616 = arith.constant 80 : index
        %parallel_loop3A_617 = tpu.vector_load %arg13[%parallel_loop3A_614, %parallel_loop3A_615, %parallel_loop3A_616] {strides = array<i32>} : memref<2x64x128xf32, #tpu.memory_space<vmem>>, vector<16xf32>,
        %parallel_loop3A_618 = arith.mulf %parallel_loop3A_597, %parallel_loop3A_613 : vector<16xf32>
        %parallel_loop3A_619 = arith.mulf %parallel_loop3A_601, %parallel_loop3A_617 : vector<16xf32>
        %parallel_loop3A_620 = arith.subf %parallel_loop3A_618, %parallel_loop3A_619 : vector<16xf32>
        %parallel_loop3A_621 = arith.subf %parallel_loop3A_620, %parallel_loop3A_605 : vector<16xf32>
        %parallel_loop3A_622 = arith.mulf %parallel_loop3A_597, %parallel_loop3A_617 : vector<16xf32>
        %parallel_loop3A_623 = arith.mulf %parallel_loop3A_601, %parallel_loop3A_613 : vector<16xf32>
        %parallel_loop3A_624 = arith.addf %parallel_loop3A_622, %parallel_loop3A_623 : vector<16xf32>
        %parallel_loop3A_625 = arith.subf %parallel_loop3A_624, %parallel_loop3A_609 : vector<16xf32>
        %parallel_loop3A_626 = arith.mulf %parallel_loop3A_621, %parallel_loop3A_621 : vector<16xf32>
        %parallel_loop3A_627 = arith.mulf %parallel_loop3A_625, %parallel_loop3A_625 : vector<16xf32>
        %parallel_loop3A_628 = arith.addf %parallel_loop3A_626, %parallel_loop3A_627 : vector<16xf32>
        %parallel_loop3A_629 = tpu.bitcast %parallel_loop3A_628 : vector<16xf32> -> vector<16xi32>
        %parallel_loop3A_630 = arith.constant 1 : i32
        %parallel_loop3A_631 = vector.broadcast %parallel_loop3A_630 : i32 to vector<16xi32>
        %parallel_loop3A_632 = arith.shrsi %parallel_loop3A_629, %parallel_loop3A_631 : vector<16xi32>
        %parallel_loop3A_633 = arith.constant 1597463007 : i32
        %parallel_loop3A_634 = vector.broadcast %parallel_loop3A_633 : i32 to vector<16xi32>
        %parallel_loop3A_635 = arith.subi %parallel_loop3A_634, %parallel_loop3A_632 : vector<16xi32>
        %parallel_loop3A_636 = tpu.bitcast %parallel_loop3A_635 : vector<16xi32> -> vector<16xf32>
        %parallel_loop3A_637 = arith.mulf %parallel_loop3A_628, %parallel_loop3A_636 : vector<16xf32>
        %parallel_loop3A_638 = arith.mulf %parallel_loop3A_636, %parallel_loop3A_637 : vector<16xf32>
        %parallel_loop3A_639 = arith.constant -5.000000e-01 : f32
        %parallel_loop3A_640 = vector.broadcast %parallel_loop3A_639 : f32 to vector<16xf32>
        %parallel_loop3A_641 = arith.mulf %parallel_loop3A_638, %parallel_loop3A_640 : vector<16xf32>
        %parallel_loop3A_642 = arith.constant 1.500000e+00 : f32
        %parallel_loop3A_643 = vector.broadcast %parallel_loop3A_642 : f32 to vector<16xf32>
        %parallel_loop3A_644 = arith.addf %parallel_loop3A_641, %parallel_loop3A_643 : vector<16xf32>
        %parallel_loop3A_645 = arith.mulf %parallel_loop3A_637, %parallel_loop3A_644 : vector<16xf32>
        %parallel_loop3A_646 = arith.addf %parallel_loop3A_593, %parallel_loop3A_645 : vector<16xf32>
        %parallel_loop3A_647 = arith.index_cast %rem3A_54 : i32 to index
        %parallel_loop3A_648 = arith.index_cast %parallel_loop3A_538 : i32 to index
        %parallel_loop3A_649 = arith.constant 32 : index
        %parallel_loop3A_650 = tpu.vector_load %arg11[%parallel_loop3A_647, %parallel_loop3A_648, %parallel_loop3A_649] {strides = array<i32>} : memref<2x64x128xf32, #tpu.memory_space<vmem>>, vector<16xf32>,
        %parallel_loop3A_651 = arith.index_cast %rem3A_54 : i32 to index
        %parallel_loop3A_652 = arith.index_cast %parallel_loop3A_538 : i32 to index
        %parallel_loop3A_653 = arith.constant 96 : index
        %parallel_loop3A_654 = tpu.vector_load %arg11[%parallel_loop3A_651, %parallel_loop3A_652, %parallel_loop3A_653] {strides = array<i32>} : memref<2x64x128xf32, #tpu.memory_space<vmem>>, vector<16xf32>,
        %parallel_loop3A_655 = arith.index_cast %rem3A_54 : i32 to index
        %parallel_loop3A_656 = arith.index_cast %parallel_loop3A_538 : i32 to index
        %parallel_loop3A_657 = arith.constant 32 : index
        %parallel_loop3A_658 = tpu.vector_load %arg12[%parallel_loop3A_655, %parallel_loop3A_656, %parallel_loop3A_657] {strides = array<i32>} : memref<2x64x128xf32, #tpu.memory_space<vmem>>, vector<16xf32>,
        %parallel_loop3A_659 = arith.index_cast %rem3A_54 : i32 to index
        %parallel_loop3A_660 = arith.index_cast %parallel_loop3A_538 : i32 to index
        %parallel_loop3A_661 = arith.constant 96 : index
        %parallel_loop3A_662 = tpu.vector_load %arg12[%parallel_loop3A_659, %parallel_loop3A_660, %parallel_loop3A_661] {strides = array<i32>} : memref<2x64x128xf32, #tpu.memory_space<vmem>>, vector<16xf32>,
        %parallel_loop3A_663 = arith.index_cast %rem3A_54 : i32 to index
        %parallel_loop3A_664 = arith.index_cast %parallel_loop3A_538 : i32 to index
        %parallel_loop3A_665 = arith.constant 32 : index
        %parallel_loop3A_666 = tpu.vector_load %arg13[%parallel_loop3A_663, %parallel_loop3A_664, %parallel_loop3A_665] {strides = array<i32>} : memref<2x64x128xf32, #tpu.memory_space<vmem>>, vector<16xf32>,
        %parallel_loop3A_667 = arith.index_cast %rem3A_54 : i32 to index
        %parallel_loop3A_668 = arith.index_cast %parallel_loop3A_538 : i32 to index
        %parallel_loop3A_669 = arith.constant 96 : index
        %parallel_loop3A_670 = tpu.vector_load %arg13[%parallel_loop3A_667, %parallel_loop3A_668, %parallel_loop3A_669] {strides = array<i32>} : memref<2x64x128xf32, #tpu.memory_space<vmem>>, vector<16xf32>,
        %parallel_loop3A_671 = arith.mulf %parallel_loop3A_650, %parallel_loop3A_666 : vector<16xf32>
        %parallel_loop3A_672 = arith.mulf %parallel_loop3A_654, %parallel_loop3A_670 : vector<16xf32>
        %parallel_loop3A_673 = arith.subf %parallel_loop3A_671, %parallel_loop3A_672 : vector<16xf32>
        %parallel_loop3A_674 = arith.subf %parallel_loop3A_673, %parallel_loop3A_658 : vector<16xf32>
        %parallel_loop3A_675 = arith.mulf %parallel_loop3A_650, %parallel_loop3A_670 : vector<16xf32>
        %parallel_loop3A_676 = arith.mulf %parallel_loop3A_654, %parallel_loop3A_666 : vector<16xf32>
        %parallel_loop3A_677 = arith.addf %parallel_loop3A_675, %parallel_loop3A_676 : vector<16xf32>
        %parallel_loop3A_678 = arith.subf %parallel_loop3A_677, %parallel_loop3A_662 : vector<16xf32>
        %parallel_loop3A_679 = arith.mulf %parallel_loop3A_674, %parallel_loop3A_674 : vector<16xf32>
        %parallel_loop3A_680 = arith.mulf %parallel_loop3A_678, %parallel_loop3A_678 : vector<16xf32>
        %parallel_loop3A_681 = arith.addf %parallel_loop3A_679, %parallel_loop3A_680 : vector<16xf32>
        %parallel_loop3A_682 = tpu.bitcast %parallel_loop3A_681 : vector<16xf32> -> vector<16xi32>
        %parallel_loop3A_683 = arith.constant 1 : i32
        %parallel_loop3A_684 = vector.broadcast %parallel_loop3A_683 : i32 to vector<16xi32>
        %parallel_loop3A_685 = arith.shrsi %parallel_loop3A_682, %parallel_loop3A_684 : vector<16xi32>
        %parallel_loop3A_686 = arith.constant 1597463007 : i32
        %parallel_loop3A_687 = vector.broadcast %parallel_loop3A_686 : i32 to vector<16xi32>
        %parallel_loop3A_688 = arith.subi %parallel_loop3A_687, %parallel_loop3A_685 : vector<16xi32>
        %parallel_loop3A_689 = tpu.bitcast %parallel_loop3A_688 : vector<16xi32> -> vector<16xf32>
        %parallel_loop3A_690 = arith.mulf %parallel_loop3A_681, %parallel_loop3A_689 : vector<16xf32>
        %parallel_loop3A_691 = arith.mulf %parallel_loop3A_689, %parallel_loop3A_690 : vector<16xf32>
        %parallel_loop3A_692 = arith.constant -5.000000e-01 : f32
        %parallel_loop3A_693 = vector.broadcast %parallel_loop3A_692 : f32 to vector<16xf32>
        %parallel_loop3A_694 = arith.mulf %parallel_loop3A_691, %parallel_loop3A_693 : vector<16xf32>
        %parallel_loop3A_695 = arith.constant 1.500000e+00 : f32
        %parallel_loop3A_696 = vector.broadcast %parallel_loop3A_695 : f32 to vector<16xf32>
        %parallel_loop3A_697 = arith.addf %parallel_loop3A_694, %parallel_loop3A_696 : vector<16xf32>
        %parallel_loop3A_698 = arith.mulf %parallel_loop3A_690, %parallel_loop3A_697 : vector<16xf32>
        %parallel_loop3A_699 = arith.addf %parallel_loop3A_646, %parallel_loop3A_698 : vector<16xf32>
        %parallel_loop3A_700 = arith.index_cast %rem3A_54 : i32 to index
        %parallel_loop3A_701 = arith.index_cast %parallel_loop3A_538 : i32 to index
        %parallel_loop3A_702 = arith.constant 48 : index
        %parallel_loop3A_703 = tpu.vector_load %arg11[%parallel_loop3A_700, %parallel_loop3A_701, %parallel_loop3A_702] {strides = array<i32>} : memref<2x64x128xf32, #tpu.memory_space<vmem>>, vector<16xf32>,
        %parallel_loop3A_704 = arith.index_cast %rem3A_54 : i32 to index
        %parallel_loop3A_705 = arith.index_cast %parallel_loop3A_538 : i32 to index
        %parallel_loop3A_706 = arith.constant 112 : index
        %parallel_loop3A_707 = tpu.vector_load %arg11[%parallel_loop3A_704, %parallel_loop3A_705, %parallel_loop3A_706] {strides = array<i32>} : memref<2x64x128xf32, #tpu.memory_space<vmem>>, vector<16xf32>,
        %parallel_loop3A_708 = arith.index_cast %rem3A_54 : i32 to index
        %parallel_loop3A_709 = arith.index_cast %parallel_loop3A_538 : i32 to index
        %parallel_loop3A_710 = arith.constant 48 : index
        %parallel_loop3A_711 = tpu.vector_load %arg12[%parallel_loop3A_708, %parallel_loop3A_709, %parallel_loop3A_710] {strides = array<i32>} : memref<2x64x128xf32, #tpu.memory_space<vmem>>, vector<16xf32>,
        %parallel_loop3A_712 = arith.index_cast %rem3A_54 : i32 to index
        %parallel_loop3A_713 = arith.index_cast %parallel_loop3A_538 : i32 to index
        %parallel_loop3A_714 = arith.constant 112 : index
        %parallel_loop3A_715 = tpu.vector_load %arg12[%parallel_loop3A_712, %parallel_loop3A_713, %parallel_loop3A_714] {strides = array<i32>} : memref<2x64x128xf32, #tpu.memory_space<vmem>>, vector<16xf32>,
        %parallel_loop3A_716 = arith.index_cast %rem3A_54 : i32 to index
        %parallel_loop3A_717 = arith.index_cast %parallel_loop3A_538 : i32 to index
        %parallel_loop3A_718 = arith.constant 48 : index
        %parallel_loop3A_719 = tpu.vector_load %arg13[%parallel_loop3A_716, %parallel_loop3A_717, %parallel_loop3A_718] {strides = array<i32>} : memref<2x64x128xf32, #tpu.memory_space<vmem>>, vector<16xf32>,
        %parallel_loop3A_720 = arith.index_cast %rem3A_54 : i32 to index
        %parallel_loop3A_721 = arith.index_cast %parallel_loop3A_538 : i32 to index
        %parallel_loop3A_722 = arith.constant 112 : index
        %parallel_loop3A_723 = tpu.vector_load %arg13[%parallel_loop3A_720, %parallel_loop3A_721, %parallel_loop3A_722] {strides = array<i32>} : memref<2x64x128xf32, #tpu.memory_space<vmem>>, vector<16xf32>,
        %parallel_loop3A_724 = arith.mulf %parallel_loop3A_703, %parallel_loop3A_719 : vector<16xf32>
        %parallel_loop3A_725 = arith.mulf %parallel_loop3A_707, %parallel_loop3A_723 : vector<16xf32>
        %parallel_loop3A_726 = arith.subf %parallel_loop3A_724, %parallel_loop3A_725 : vector<16xf32>
        %parallel_loop3A_727 = arith.subf %parallel_loop3A_726, %parallel_loop3A_711 : vector<16xf32>
        %parallel_loop3A_728 = arith.mulf %parallel_loop3A_703, %parallel_loop3A_723 : vector<16xf32>
        %parallel_loop3A_729 = arith.mulf %parallel_loop3A_707, %parallel_loop3A_719 : vector<16xf32>
        %parallel_loop3A_730 = arith.addf %parallel_loop3A_728, %parallel_loop3A_729 : vector<16xf32>
        %parallel_loop3A_731 = arith.subf %parallel_loop3A_730, %parallel_loop3A_715 : vector<16xf32>
        %parallel_loop3A_732 = arith.mulf %parallel_loop3A_727, %parallel_loop3A_727 : vector<16xf32>
        %parallel_loop3A_733 = arith.mulf %parallel_loop3A_731, %parallel_loop3A_731 : vector<16xf32>
        %parallel_loop3A_734 = arith.addf %parallel_loop3A_732, %parallel_loop3A_733 : vector<16xf32>
        %parallel_loop3A_735 = tpu.bitcast %parallel_loop3A_734 : vector<16xf32> -> vector<16xi32>
        %parallel_loop3A_736 = arith.constant 1 : i32
        %parallel_loop3A_737 = vector.broadcast %parallel_loop3A_736 : i32 to vector<16xi32>
        %parallel_loop3A_738 = arith.shrsi %parallel_loop3A_735, %parallel_loop3A_737 : vector<16xi32>
        %parallel_loop3A_739 = arith.constant 1597463007 : i32
        %parallel_loop3A_740 = vector.broadcast %parallel_loop3A_739 : i32 to vector<16xi32>
        %parallel_loop3A_741 = arith.subi %parallel_loop3A_740, %parallel_loop3A_738 : vector<16xi32>
        %parallel_loop3A_742 = tpu.bitcast %parallel_loop3A_741 : vector<16xi32> -> vector<16xf32>
        %parallel_loop3A_743 = arith.mulf %parallel_loop3A_734, %parallel_loop3A_742 : vector<16xf32>
        %parallel_loop3A_744 = arith.mulf %parallel_loop3A_742, %parallel_loop3A_743 : vector<16xf32>
        %parallel_loop3A_745 = arith.constant -5.000000e-01 : f32
        %parallel_loop3A_746 = vector.broadcast %parallel_loop3A_745 : f32 to vector<16xf32>
        %parallel_loop3A_747 = arith.mulf %parallel_loop3A_744, %parallel_loop3A_746 : vector<16xf32>
        %parallel_loop3A_748 = arith.constant 1.500000e+00 : f32
        %parallel_loop3A_749 = vector.broadcast %parallel_loop3A_748 : f32 to vector<16xf32>
        %parallel_loop3A_750 = arith.addf %parallel_loop3A_747, %parallel_loop3A_749 : vector<16xf32>
        %parallel_loop3A_751 = arith.mulf %parallel_loop3A_743, %parallel_loop3A_750 : vector<16xf32>
        %parallel_loop3A_752 = arith.addf %parallel_loop3A_699, %parallel_loop3A_751 : vector<16xf32>
        %parallel_loop3A_753 = arith.constant 32 : i32
        %parallel_loop3A_754 = arith.addi %parallel_loop3A_90, %parallel_loop3A_753 : i32
        %parallel_loop3A_755 = arith.index_cast %parallel_loop3A_754 : i32 to index
        %parallel_loop3A_756 = tpu.vector_load %arg14[%parallel_loop3A_755] {strides = array<i32>} : memref<1024xf32, #tpu.memory_space<vmem>>, vector<16xf32>,
        tpu.vector_store %arg14[%parallel_loop3A_755], %parallel_loop3A_752 {strides = array<i32>} : memref<1024xf32, #tpu.memory_space<vmem>>, vector<16xf32>,
        %parallel_loop3A_757 = arith.constant 16 : i32
        %parallel_loop3A_758 = arith.muli %parallel_loop3A_88, %parallel_loop3A_757 : i32
        %parallel_loop3A_759 = arith.constant 3 : i32
        %parallel_loop3A_760 = arith.addi %parallel_loop3A_758, %parallel_loop3A_759 : i32
        %parallel_loop3A_761 = arith.constant 0.000000e+00 : f32
        %parallel_loop3A_762 = vector.broadcast %parallel_loop3A_761 : f32 to vector<16xf32>
        %parallel_loop3A_763 = arith.index_cast %rem3A_54 : i32 to index
        %parallel_loop3A_764 = arith.index_cast %parallel_loop3A_760 : i32 to index
        %parallel_loop3A_765 = arith.constant 0 : index
        %parallel_loop3A_766 = tpu.vector_load %arg11[%parallel_loop3A_763, %parallel_loop3A_764, %parallel_loop3A_765] {strides = array<i32>} : memref<2x64x128xf32, #tpu.memory_space<vmem>>, vector<16xf32>,
        %parallel_loop3A_767 = arith.index_cast %rem3A_54 : i32 to index
        %parallel_loop3A_768 = arith.index_cast %parallel_loop3A_760 : i32 to index
        %parallel_loop3A_769 = arith.constant 64 : index
        %parallel_loop3A_770 = tpu.vector_load %arg11[%parallel_loop3A_767, %parallel_loop3A_768, %parallel_loop3A_769] {strides = array<i32>} : memref<2x64x128xf32, #tpu.memory_space<vmem>>, vector<16xf32>,
        %parallel_loop3A_771 = arith.index_cast %rem3A_54 : i32 to index
        %parallel_loop3A_772 = arith.index_cast %parallel_loop3A_760 : i32 to index
        %parallel_loop3A_773 = arith.constant 0 : index
        %parallel_loop3A_774 = tpu.vector_load %arg12[%parallel_loop3A_771, %parallel_loop3A_772, %parallel_loop3A_773] {strides = array<i32>} : memref<2x64x128xf32, #tpu.memory_space<vmem>>, vector<16xf32>,
        %parallel_loop3A_775 = arith.index_cast %rem3A_54 : i32 to index
        %parallel_loop3A_776 = arith.index_cast %parallel_loop3A_760 : i32 to index
        %parallel_loop3A_777 = arith.constant 64 : index
        %parallel_loop3A_778 = tpu.vector_load %arg12[%parallel_loop3A_775, %parallel_loop3A_776, %parallel_loop3A_777] {strides = array<i32>} : memref<2x64x128xf32, #tpu.memory_space<vmem>>, vector<16xf32>,
        %parallel_loop3A_779 = arith.index_cast %rem3A_54 : i32 to index
        %parallel_loop3A_780 = arith.index_cast %parallel_loop3A_760 : i32 to index
        %parallel_loop3A_781 = arith.constant 0 : index
        %parallel_loop3A_782 = tpu.vector_load %arg13[%parallel_loop3A_779, %parallel_loop3A_780, %parallel_loop3A_781] {strides = array<i32>} : memref<2x64x128xf32, #tpu.memory_space<vmem>>, vector<16xf32>,
        %parallel_loop3A_783 = arith.index_cast %rem3A_54 : i32 to index
        %parallel_loop3A_784 = arith.index_cast %parallel_loop3A_760 : i32 to index
        %parallel_loop3A_785 = arith.constant 64 : index
        %parallel_loop3A_786 = tpu.vector_load %arg13[%parallel_loop3A_783, %parallel_loop3A_784, %parallel_loop3A_785] {strides = array<i32>} : memref<2x64x128xf32, #tpu.memory_space<vmem>>, vector<16xf32>,
        %parallel_loop3A_787 = arith.mulf %parallel_loop3A_766, %parallel_loop3A_782 : vector<16xf32>
        %parallel_loop3A_788 = arith.mulf %parallel_loop3A_770, %parallel_loop3A_786 : vector<16xf32>
        %parallel_loop3A_789 = arith.subf %parallel_loop3A_787, %parallel_loop3A_788 : vector<16xf32>
        %parallel_loop3A_790 = arith.subf %parallel_loop3A_789, %parallel_loop3A_774 : vector<16xf32>
        %parallel_loop3A_791 = arith.mulf %parallel_loop3A_766, %parallel_loop3A_786 : vector<16xf32>
        %parallel_loop3A_792 = arith.mulf %parallel_loop3A_770, %parallel_loop3A_782 : vector<16xf32>
        %parallel_loop3A_793 = arith.addf %parallel_loop3A_791, %parallel_loop3A_792 : vector<16xf32>
        %parallel_loop3A_794 = arith.subf %parallel_loop3A_793, %parallel_loop3A_778 : vector<16xf32>
        %parallel_loop3A_795 = arith.mulf %parallel_loop3A_790, %parallel_loop3A_790 : vector<16xf32>
        %parallel_loop3A_796 = arith.mulf %parallel_loop3A_794, %parallel_loop3A_794 : vector<16xf32>
        %parallel_loop3A_797 = arith.addf %parallel_loop3A_795, %parallel_loop3A_796 : vector<16xf32>
        %parallel_loop3A_798 = tpu.bitcast %parallel_loop3A_797 : vector<16xf32> -> vector<16xi32>
        %parallel_loop3A_799 = arith.constant 1 : i32
        %parallel_loop3A_800 = vector.broadcast %parallel_loop3A_799 : i32 to vector<16xi32>
        %parallel_loop3A_801 = arith.shrsi %parallel_loop3A_798, %parallel_loop3A_800 : vector<16xi32>
        %parallel_loop3A_802 = arith.constant 1597463007 : i32
        %parallel_loop3A_803 = vector.broadcast %parallel_loop3A_802 : i32 to vector<16xi32>
        %parallel_loop3A_804 = arith.subi %parallel_loop3A_803, %parallel_loop3A_801 : vector<16xi32>
        %parallel_loop3A_805 = tpu.bitcast %parallel_loop3A_804 : vector<16xi32> -> vector<16xf32>
        %parallel_loop3A_806 = arith.mulf %parallel_loop3A_797, %parallel_loop3A_805 : vector<16xf32>
        %parallel_loop3A_807 = arith.mulf %parallel_loop3A_805, %parallel_loop3A_806 : vector<16xf32>
        %parallel_loop3A_808 = arith.constant -5.000000e-01 : f32
        %parallel_loop3A_809 = vector.broadcast %parallel_loop3A_808 : f32 to vector<16xf32>
        %parallel_loop3A_810 = arith.mulf %parallel_loop3A_807, %parallel_loop3A_809 : vector<16xf32>
        %parallel_loop3A_811 = arith.constant 1.500000e+00 : f32
        %parallel_loop3A_812 = vector.broadcast %parallel_loop3A_811 : f32 to vector<16xf32>
        %parallel_loop3A_813 = arith.addf %parallel_loop3A_810, %parallel_loop3A_812 : vector<16xf32>
        %parallel_loop3A_814 = arith.mulf %parallel_loop3A_806, %parallel_loop3A_813 : vector<16xf32>
        %parallel_loop3A_815 = arith.addf %parallel_loop3A_762, %parallel_loop3A_814 : vector<16xf32>
        %parallel_loop3A_816 = arith.index_cast %rem3A_54 : i32 to index
        %parallel_loop3A_817 = arith.index_cast %parallel_loop3A_760 : i32 to index
        %parallel_loop3A_818 = arith.constant 16 : index
        %parallel_loop3A_819 = tpu.vector_load %arg11[%parallel_loop3A_816, %parallel_loop3A_817, %parallel_loop3A_818] {strides = array<i32>} : memref<2x64x128xf32, #tpu.memory_space<vmem>>, vector<16xf32>,
        %parallel_loop3A_820 = arith.index_cast %rem3A_54 : i32 to index
        %parallel_loop3A_821 = arith.index_cast %parallel_loop3A_760 : i32 to index
        %parallel_loop3A_822 = arith.constant 80 : index
        %parallel_loop3A_823 = tpu.vector_load %arg11[%parallel_loop3A_820, %parallel_loop3A_821, %parallel_loop3A_822] {strides = array<i32>} : memref<2x64x128xf32, #tpu.memory_space<vmem>>, vector<16xf32>,
        %parallel_loop3A_824 = arith.index_cast %rem3A_54 : i32 to index
        %parallel_loop3A_825 = arith.index_cast %parallel_loop3A_760 : i32 to index
        %parallel_loop3A_826 = arith.constant 16 : index
        %parallel_loop3A_827 = tpu.vector_load %arg12[%parallel_loop3A_824, %parallel_loop3A_825, %parallel_loop3A_826] {strides = array<i32>} : memref<2x64x128xf32, #tpu.memory_space<vmem>>, vector<16xf32>,
        %parallel_loop3A_828 = arith.index_cast %rem3A_54 : i32 to index
        %parallel_loop3A_829 = arith.index_cast %parallel_loop3A_760 : i32 to index
        %parallel_loop3A_830 = arith.constant 80 : index
        %parallel_loop3A_831 = tpu.vector_load %arg12[%parallel_loop3A_828, %parallel_loop3A_829, %parallel_loop3A_830] {strides = array<i32>} : memref<2x64x128xf32, #tpu.memory_space<vmem>>, vector<16xf32>,
        %parallel_loop3A_832 = arith.index_cast %rem3A_54 : i32 to index
        %parallel_loop3A_833 = arith.index_cast %parallel_loop3A_760 : i32 to index
        %parallel_loop3A_834 = arith.constant 16 : index
        %parallel_loop3A_835 = tpu.vector_load %arg13[%parallel_loop3A_832, %parallel_loop3A_833, %parallel_loop3A_834] {strides = array<i32>} : memref<2x64x128xf32, #tpu.memory_space<vmem>>, vector<16xf32>,
        %parallel_loop3A_836 = arith.index_cast %rem3A_54 : i32 to index
        %parallel_loop3A_837 = arith.index_cast %parallel_loop3A_760 : i32 to index
        %parallel_loop3A_838 = arith.constant 80 : index
        %parallel_loop3A_839 = tpu.vector_load %arg13[%parallel_loop3A_836, %parallel_loop3A_837, %parallel_loop3A_838] {strides = array<i32>} : memref<2x64x128xf32, #tpu.memory_space<vmem>>, vector<16xf32>,
        %parallel_loop3A_840 = arith.mulf %parallel_loop3A_819, %parallel_loop3A_835 : vector<16xf32>
        %parallel_loop3A_841 = arith.mulf %parallel_loop3A_823, %parallel_loop3A_839 : vector<16xf32>
        %parallel_loop3A_842 = arith.subf %parallel_loop3A_840, %parallel_loop3A_841 : vector<16xf32>
        %parallel_loop3A_843 = arith.subf %parallel_loop3A_842, %parallel_loop3A_827 : vector<16xf32>
        %parallel_loop3A_844 = arith.mulf %parallel_loop3A_819, %parallel_loop3A_839 : vector<16xf32>
        %parallel_loop3A_845 = arith.mulf %parallel_loop3A_823, %parallel_loop3A_835 : vector<16xf32>
        %parallel_loop3A_846 = arith.addf %parallel_loop3A_844, %parallel_loop3A_845 : vector<16xf32>
        %parallel_loop3A_847 = arith.subf %parallel_loop3A_846, %parallel_loop3A_831 : vector<16xf32>
        %parallel_loop3A_848 = arith.mulf %parallel_loop3A_843, %parallel_loop3A_843 : vector<16xf32>
        %parallel_loop3A_849 = arith.mulf %parallel_loop3A_847, %parallel_loop3A_847 : vector<16xf32>
        %parallel_loop3A_850 = arith.addf %parallel_loop3A_848, %parallel_loop3A_849 : vector<16xf32>
        %parallel_loop3A_851 = tpu.bitcast %parallel_loop3A_850 : vector<16xf32> -> vector<16xi32>
        %parallel_loop3A_852 = arith.constant 1 : i32
        %parallel_loop3A_853 = vector.broadcast %parallel_loop3A_852 : i32 to vector<16xi32>
        %parallel_loop3A_854 = arith.shrsi %parallel_loop3A_851, %parallel_loop3A_853 : vector<16xi32>
        %parallel_loop3A_855 = arith.constant 1597463007 : i32
        %parallel_loop3A_856 = vector.broadcast %parallel_loop3A_855 : i32 to vector<16xi32>
        %parallel_loop3A_857 = arith.subi %parallel_loop3A_856, %parallel_loop3A_854 : vector<16xi32>
        %parallel_loop3A_858 = tpu.bitcast %parallel_loop3A_857 : vector<16xi32> -> vector<16xf32>
        %parallel_loop3A_859 = arith.mulf %parallel_loop3A_850, %parallel_loop3A_858 : vector<16xf32>
        %parallel_loop3A_860 = arith.mulf %parallel_loop3A_858, %parallel_loop3A_859 : vector<16xf32>
        %parallel_loop3A_861 = arith.constant -5.000000e-01 : f32
        %parallel_loop3A_862 = vector.broadcast %parallel_loop3A_861 : f32 to vector<16xf32>
        %parallel_loop3A_863 = arith.mulf %parallel_loop3A_860, %parallel_loop3A_862 : vector<16xf32>
        %parallel_loop3A_864 = arith.constant 1.500000e+00 : f32
        %parallel_loop3A_865 = vector.broadcast %parallel_loop3A_864 : f32 to vector<16xf32>
        %parallel_loop3A_866 = arith.addf %parallel_loop3A_863, %parallel_loop3A_865 : vector<16xf32>
        %parallel_loop3A_867 = arith.mulf %parallel_loop3A_859, %parallel_loop3A_866 : vector<16xf32>
        %parallel_loop3A_868 = arith.addf %parallel_loop3A_815, %parallel_loop3A_867 : vector<16xf32>
        %parallel_loop3A_869 = arith.index_cast %rem3A_54 : i32 to index
        %parallel_loop3A_870 = arith.index_cast %parallel_loop3A_760 : i32 to index
        %parallel_loop3A_871 = arith.constant 32 : index
        %parallel_loop3A_872 = tpu.vector_load %arg11[%parallel_loop3A_869, %parallel_loop3A_870, %parallel_loop3A_871] {strides = array<i32>} : memref<2x64x128xf32, #tpu.memory_space<vmem>>, vector<16xf32>,
        %parallel_loop3A_873 = arith.index_cast %rem3A_54 : i32 to index
        %parallel_loop3A_874 = arith.index_cast %parallel_loop3A_760 : i32 to index
        %parallel_loop3A_875 = arith.constant 96 : index
        %parallel_loop3A_876 = tpu.vector_load %arg11[%parallel_loop3A_873, %parallel_loop3A_874, %parallel_loop3A_875] {strides = array<i32>} : memref<2x64x128xf32, #tpu.memory_space<vmem>>, vector<16xf32>,
        %parallel_loop3A_877 = arith.index_cast %rem3A_54 : i32 to index
        %parallel_loop3A_878 = arith.index_cast %parallel_loop3A_760 : i32 to index
        %parallel_loop3A_879 = arith.constant 32 : index
        %parallel_loop3A_880 = tpu.vector_load %arg12[%parallel_loop3A_877, %parallel_loop3A_878, %parallel_loop3A_879] {strides = array<i32>} : memref<2x64x128xf32, #tpu.memory_space<vmem>>, vector<16xf32>,
        %parallel_loop3A_881 = arith.index_cast %rem3A_54 : i32 to index
        %parallel_loop3A_882 = arith.index_cast %parallel_loop3A_760 : i32 to index
        %parallel_loop3A_883 = arith.constant 96 : index
        %parallel_loop3A_884 = tpu.vector_load %arg12[%parallel_loop3A_881, %parallel_loop3A_882, %parallel_loop3A_883] {strides = array<i32>} : memref<2x64x128xf32, #tpu.memory_space<vmem>>, vector<16xf32>,
        %parallel_loop3A_885 = arith.index_cast %rem3A_54 : i32 to index
        %parallel_loop3A_886 = arith.index_cast %parallel_loop3A_760 : i32 to index
        %parallel_loop3A_887 = arith.constant 32 : index
        %parallel_loop3A_888 = tpu.vector_load %arg13[%parallel_loop3A_885, %parallel_loop3A_886, %parallel_loop3A_887] {strides = array<i32>} : memref<2x64x128xf32, #tpu.memory_space<vmem>>, vector<16xf32>,
        %parallel_loop3A_889 = arith.index_cast %rem3A_54 : i32 to index
        %parallel_loop3A_890 = arith.index_cast %parallel_loop3A_760 : i32 to index
        %parallel_loop3A_891 = arith.constant 96 : index
        %parallel_loop3A_892 = tpu.vector_load %arg13[%parallel_loop3A_889, %parallel_loop3A_890, %parallel_loop3A_891] {strides = array<i32>} : memref<2x64x128xf32, #tpu.memory_space<vmem>>, vector<16xf32>,
        %parallel_loop3A_893 = arith.mulf %parallel_loop3A_872, %parallel_loop3A_888 : vector<16xf32>
        %parallel_loop3A_894 = arith.mulf %parallel_loop3A_876, %parallel_loop3A_892 : vector<16xf32>
        %parallel_loop3A_895 = arith.subf %parallel_loop3A_893, %parallel_loop3A_894 : vector<16xf32>
        %parallel_loop3A_896 = arith.subf %parallel_loop3A_895, %parallel_loop3A_880 : vector<16xf32>
        %parallel_loop3A_897 = arith.mulf %parallel_loop3A_872, %parallel_loop3A_892 : vector<16xf32>
        %parallel_loop3A_898 = arith.mulf %parallel_loop3A_876, %parallel_loop3A_888 : vector<16xf32>
        %parallel_loop3A_899 = arith.addf %parallel_loop3A_897, %parallel_loop3A_898 : vector<16xf32>
        %parallel_loop3A_900 = arith.subf %parallel_loop3A_899, %parallel_loop3A_884 : vector<16xf32>
        %parallel_loop3A_901 = arith.mulf %parallel_loop3A_896, %parallel_loop3A_896 : vector<16xf32>
        %parallel_loop3A_902 = arith.mulf %parallel_loop3A_900, %parallel_loop3A_900 : vector<16xf32>
        %parallel_loop3A_903 = arith.addf %parallel_loop3A_901, %parallel_loop3A_902 : vector<16xf32>
        %parallel_loop3A_904 = tpu.bitcast %parallel_loop3A_903 : vector<16xf32> -> vector<16xi32>
        %parallel_loop3A_905 = arith.constant 1 : i32
        %parallel_loop3A_906 = vector.broadcast %parallel_loop3A_905 : i32 to vector<16xi32>
        %parallel_loop3A_907 = arith.shrsi %parallel_loop3A_904, %parallel_loop3A_906 : vector<16xi32>
        %parallel_loop3A_908 = arith.constant 1597463007 : i32
        %parallel_loop3A_909 = vector.broadcast %parallel_loop3A_908 : i32 to vector<16xi32>
        %parallel_loop3A_910 = arith.subi %parallel_loop3A_909, %parallel_loop3A_907 : vector<16xi32>
        %parallel_loop3A_911 = tpu.bitcast %parallel_loop3A_910 : vector<16xi32> -> vector<16xf32>
        %parallel_loop3A_912 = arith.mulf %parallel_loop3A_903, %parallel_loop3A_911 : vector<16xf32>
        %parallel_loop3A_913 = arith.mulf %parallel_loop3A_911, %parallel_loop3A_912 : vector<16xf32>
        %parallel_loop3A_914 = arith.constant -5.000000e-01 : f32
        %parallel_loop3A_915 = vector.broadcast %parallel_loop3A_914 : f32 to vector<16xf32>
        %parallel_loop3A_916 = arith.mulf %parallel_loop3A_913, %parallel_loop3A_915 : vector<16xf32>
        %parallel_loop3A_917 = arith.constant 1.500000e+00 : f32
        %parallel_loop3A_918 = vector.broadcast %parallel_loop3A_917 : f32 to vector<16xf32>
        %parallel_loop3A_919 = arith.addf %parallel_loop3A_916, %parallel_loop3A_918 : vector<16xf32>
        %parallel_loop3A_920 = arith.mulf %parallel_loop3A_912, %parallel_loop3A_919 : vector<16xf32>
        %parallel_loop3A_921 = arith.addf %parallel_loop3A_868, %parallel_loop3A_920 : vector<16xf32>
        %parallel_loop3A_922 = arith.index_cast %rem3A_54 : i32 to index
        %parallel_loop3A_923 = arith.index_cast %parallel_loop3A_760 : i32 to index
        %parallel_loop3A_924 = arith.constant 48 : index
        %parallel_loop3A_925 = tpu.vector_load %arg11[%parallel_loop3A_922, %parallel_loop3A_923, %parallel_loop3A_924] {strides = array<i32>} : memref<2x64x128xf32, #tpu.memory_space<vmem>>, vector<16xf32>,
        %parallel_loop3A_926 = arith.index_cast %rem3A_54 : i32 to index
        %parallel_loop3A_927 = arith.index_cast %parallel_loop3A_760 : i32 to index
        %parallel_loop3A_928 = arith.constant 112 : index
        %parallel_loop3A_929 = tpu.vector_load %arg11[%parallel_loop3A_926, %parallel_loop3A_927, %parallel_loop3A_928] {strides = array<i32>} : memref<2x64x128xf32, #tpu.memory_space<vmem>>, vector<16xf32>,
        %parallel_loop3A_930 = arith.index_cast %rem3A_54 : i32 to index
        %parallel_loop3A_931 = arith.index_cast %parallel_loop3A_760 : i32 to index
        %parallel_loop3A_932 = arith.constant 48 : index
        %parallel_loop3A_933 = tpu.vector_load %arg12[%parallel_loop3A_930, %parallel_loop3A_931, %parallel_loop3A_932] {strides = array<i32>} : memref<2x64x128xf32, #tpu.memory_space<vmem>>, vector<16xf32>,
        %parallel_loop3A_934 = arith.index_cast %rem3A_54 : i32 to index
        %parallel_loop3A_935 = arith.index_cast %parallel_loop3A_760 : i32 to index
        %parallel_loop3A_936 = arith.constant 112 : index
        %parallel_loop3A_937 = tpu.vector_load %arg12[%parallel_loop3A_934, %parallel_loop3A_935, %parallel_loop3A_936] {strides = array<i32>} : memref<2x64x128xf32, #tpu.memory_space<vmem>>, vector<16xf32>,
        %parallel_loop3A_938 = arith.index_cast %rem3A_54 : i32 to index
        %parallel_loop3A_939 = arith.index_cast %parallel_loop3A_760 : i32 to index
        %parallel_loop3A_940 = arith.constant 48 : index
        %parallel_loop3A_941 = tpu.vector_load %arg13[%parallel_loop3A_938, %parallel_loop3A_939, %parallel_loop3A_940] {strides = array<i32>} : memref<2x64x128xf32, #tpu.memory_space<vmem>>, vector<16xf32>,
        %parallel_loop3A_942 = arith.index_cast %rem3A_54 : i32 to index
        %parallel_loop3A_943 = arith.index_cast %parallel_loop3A_760 : i32 to index
        %parallel_loop3A_944 = arith.constant 112 : index
        %parallel_loop3A_945 = tpu.vector_load %arg13[%parallel_loop3A_942, %parallel_loop3A_943, %parallel_loop3A_944] {strides = array<i32>} : memref<2x64x128xf32, #tpu.memory_space<vmem>>, vector<16xf32>,
        %parallel_loop3A_946 = arith.mulf %parallel_loop3A_925, %parallel_loop3A_941 : vector<16xf32>
        %parallel_loop3A_947 = arith.mulf %parallel_loop3A_929, %parallel_loop3A_945 : vector<16xf32>
        %parallel_loop3A_948 = arith.subf %parallel_loop3A_946, %parallel_loop3A_947 : vector<16xf32>
        %parallel_loop3A_949 = arith.subf %parallel_loop3A_948, %parallel_loop3A_933 : vector<16xf32>
        %parallel_loop3A_950 = arith.mulf %parallel_loop3A_925, %parallel_loop3A_945 : vector<16xf32>
        %parallel_loop3A_951 = arith.mulf %parallel_loop3A_929, %parallel_loop3A_941 : vector<16xf32>
        %parallel_loop3A_952 = arith.addf %parallel_loop3A_950, %parallel_loop3A_951 : vector<16xf32>
        %parallel_loop3A_953 = arith.subf %parallel_loop3A_952, %parallel_loop3A_937 : vector<16xf32>
        %parallel_loop3A_954 = arith.mulf %parallel_loop3A_949, %parallel_loop3A_949 : vector<16xf32>
        %parallel_loop3A_955 = arith.mulf %parallel_loop3A_953, %parallel_loop3A_953 : vector<16xf32>
        %parallel_loop3A_956 = arith.addf %parallel_loop3A_954, %parallel_loop3A_955 : vector<16xf32>
        %parallel_loop3A_957 = tpu.bitcast %parallel_loop3A_956 : vector<16xf32> -> vector<16xi32>
        %parallel_loop3A_958 = arith.constant 1 : i32
        %parallel_loop3A_959 = vector.broadcast %parallel_loop3A_958 : i32 to vector<16xi32>
        %parallel_loop3A_960 = arith.shrsi %parallel_loop3A_957, %parallel_loop3A_959 : vector<16xi32>
        %parallel_loop3A_961 = arith.constant 1597463007 : i32
        %parallel_loop3A_962 = vector.broadcast %parallel_loop3A_961 : i32 to vector<16xi32>
        %parallel_loop3A_963 = arith.subi %parallel_loop3A_962, %parallel_loop3A_960 : vector<16xi32>
        %parallel_loop3A_964 = tpu.bitcast %parallel_loop3A_963 : vector<16xi32> -> vector<16xf32>
        %parallel_loop3A_965 = arith.mulf %parallel_loop3A_956, %parallel_loop3A_964 : vector<16xf32>
        %parallel_loop3A_966 = arith.mulf %parallel_loop3A_964, %parallel_loop3A_965 : vector<16xf32>
        %parallel_loop3A_967 = arith.constant -5.000000e-01 : f32
        %parallel_loop3A_968 = vector.broadcast %parallel_loop3A_967 : f32 to vector<16xf32>
        %parallel_loop3A_969 = arith.mulf %parallel_loop3A_966, %parallel_loop3A_968 : vector<16xf32>
        %parallel_loop3A_970 = arith.constant 1.500000e+00 : f32
        %parallel_loop3A_971 = vector.broadcast %parallel_loop3A_970 : f32 to vector<16xf32>
        %parallel_loop3A_972 = arith.addf %parallel_loop3A_969, %parallel_loop3A_971 : vector<16xf32>
        %parallel_loop3A_973 = arith.mulf %parallel_loop3A_965, %parallel_loop3A_972 : vector<16xf32>
        %parallel_loop3A_974 = arith.addf %parallel_loop3A_921, %parallel_loop3A_973 : vector<16xf32>
        %parallel_loop3A_975 = arith.constant 48 : i32
        %parallel_loop3A_976 = arith.addi %parallel_loop3A_90, %parallel_loop3A_975 : i32
        %parallel_loop3A_977 = arith.index_cast %parallel_loop3A_976 : i32 to index
        %parallel_loop3A_978 = tpu.vector_load %arg14[%parallel_loop3A_977] {strides = array<i32>} : memref<1024xf32, #tpu.memory_space<vmem>>, vector<16xf32>,
        tpu.vector_store %arg14[%parallel_loop3A_977], %parallel_loop3A_974 {strides = array<i32>} : memref<1024xf32, #tpu.memory_space<vmem>>, vector<16xf32>,
        %parallel_loop3A_979 = arith.constant 16 : i32
        %parallel_loop3A_980 = arith.muli %parallel_loop3A_88, %parallel_loop3A_979 : i32
        %parallel_loop3A_981 = arith.constant 4 : i32
        %parallel_loop3A_982 = arith.addi %parallel_loop3A_980, %parallel_loop3A_981 : i32
        %parallel_loop3A_983 = arith.constant 0.000000e+00 : f32
        %parallel_loop3A_984 = vector.broadcast %parallel_loop3A_983 : f32 to vector<16xf32>
        %parallel_loop3A_985 = arith.index_cast %rem3A_54 : i32 to index
        %parallel_loop3A_986 = arith.index_cast %parallel_loop3A_982 : i32 to index
        %parallel_loop3A_987 = arith.constant 0 : index
        %parallel_loop3A_988 = tpu.vector_load %arg11[%parallel_loop3A_985, %parallel_loop3A_986, %parallel_loop3A_987] {strides = array<i32>} : memref<2x64x128xf32, #tpu.memory_space<vmem>>, vector<16xf32>,
        %parallel_loop3A_989 = arith.index_cast %rem3A_54 : i32 to index
        %parallel_loop3A_990 = arith.index_cast %parallel_loop3A_982 : i32 to index
        %parallel_loop3A_991 = arith.constant 64 : index
        %parallel_loop3A_992 = tpu.vector_load %arg11[%parallel_loop3A_989, %parallel_loop3A_990, %parallel_loop3A_991] {strides = array<i32>} : memref<2x64x128xf32, #tpu.memory_space<vmem>>, vector<16xf32>,
        %parallel_loop3A_993 = arith.index_cast %rem3A_54 : i32 to index
        %parallel_loop3A_994 = arith.index_cast %parallel_loop3A_982 : i32 to index
        %parallel_loop3A_995 = arith.constant 0 : index
        %parallel_loop3A_996 = tpu.vector_load %arg12[%parallel_loop3A_993, %parallel_loop3A_994, %parallel_loop3A_995] {strides = array<i32>} : memref<2x64x128xf32, #tpu.memory_space<vmem>>, vector<16xf32>,
        %parallel_loop3A_997 = arith.index_cast %rem3A_54 : i32 to index
        %parallel_loop3A_998 = arith.index_cast %parallel_loop3A_982 : i32 to index
        %parallel_loop3A_999 = arith.constant 64 : index
        %parallel_loop3A_1000 = tpu.vector_load %arg12[%parallel_loop3A_997, %parallel_loop3A_998, %parallel_loop3A_999] {strides = array<i32>} : memref<2x64x128xf32, #tpu.memory_space<vmem>>, vector<16xf32>,
        %parallel_loop3A_1001 = arith.index_cast %rem3A_54 : i32 to index
        %parallel_loop3A_1002 = arith.index_cast %parallel_loop3A_982 : i32 to index
        %parallel_loop3A_1003 = arith.constant 0 : index
        %parallel_loop3A_1004 = tpu.vector_load %arg13[%parallel_loop3A_1001, %parallel_loop3A_1002, %parallel_loop3A_1003] {strides = array<i32>} : memref<2x64x128xf32, #tpu.memory_space<vmem>>, vector<16xf32>,
        %parallel_loop3A_1005 = arith.index_cast %rem3A_54 : i32 to index
        %parallel_loop3A_1006 = arith.index_cast %parallel_loop3A_982 : i32 to index
        %parallel_loop3A_1007 = arith.constant 64 : index
        %parallel_loop3A_1008 = tpu.vector_load %arg13[%parallel_loop3A_1005, %parallel_loop3A_1006, %parallel_loop3A_1007] {strides = array<i32>} : memref<2x64x128xf32, #tpu.memory_space<vmem>>, vector<16xf32>,
        %parallel_loop3A_1009 = arith.mulf %parallel_loop3A_988, %parallel_loop3A_1004 : vector<16xf32>
        %parallel_loop3A_1010 = arith.mulf %parallel_loop3A_992, %parallel_loop3A_1008 : vector<16xf32>
        %parallel_loop3A_1011 = arith.subf %parallel_loop3A_1009, %parallel_loop3A_1010 : vector<16xf32>
        %parallel_loop3A_1012 = arith.subf %parallel_loop3A_1011, %parallel_loop3A_996 : vector<16xf32>
        %parallel_loop3A_1013 = arith.mulf %parallel_loop3A_988, %parallel_loop3A_1008 : vector<16xf32>
        %parallel_loop3A_1014 = arith.mulf %parallel_loop3A_992, %parallel_loop3A_1004 : vector<16xf32>
        %parallel_loop3A_1015 = arith.addf %parallel_loop3A_1013, %parallel_loop3A_1014 : vector<16xf32>
        %parallel_loop3A_1016 = arith.subf %parallel_loop3A_1015, %parallel_loop3A_1000 : vector<16xf32>
        %parallel_loop3A_1017 = arith.mulf %parallel_loop3A_1012, %parallel_loop3A_1012 : vector<16xf32>
        %parallel_loop3A_1018 = arith.mulf %parallel_loop3A_1016, %parallel_loop3A_1016 : vector<16xf32>
        %parallel_loop3A_1019 = arith.addf %parallel_loop3A_1017, %parallel_loop3A_1018 : vector<16xf32>
        %parallel_loop3A_1020 = tpu.bitcast %parallel_loop3A_1019 : vector<16xf32> -> vector<16xi32>
        %parallel_loop3A_1021 = arith.constant 1 : i32
        %parallel_loop3A_1022 = vector.broadcast %parallel_loop3A_1021 : i32 to vector<16xi32>
        %parallel_loop3A_1023 = arith.shrsi %parallel_loop3A_1020, %parallel_loop3A_1022 : vector<16xi32>
        %parallel_loop3A_1024 = arith.constant 1597463007 : i32
        %parallel_loop3A_1025 = vector.broadcast %parallel_loop3A_1024 : i32 to vector<16xi32>
        %parallel_loop3A_1026 = arith.subi %parallel_loop3A_1025, %parallel_loop3A_1023 : vector<16xi32>
        %parallel_loop3A_1027 = tpu.bitcast %parallel_loop3A_1026 : vector<16xi32> -> vector<16xf32>
        %parallel_loop3A_1028 = arith.mulf %parallel_loop3A_1019, %parallel_loop3A_1027 : vector<16xf32>
        %parallel_loop3A_1029 = arith.mulf %parallel_loop3A_1027, %parallel_loop3A_1028 : vector<16xf32>
        %parallel_loop3A_1030 = arith.constant -5.000000e-01 : f32
        %parallel_loop3A_1031 = vector.broadcast %parallel_loop3A_1030 : f32 to vector<16xf32>
        %parallel_loop3A_1032 = arith.mulf %parallel_loop3A_1029, %parallel_loop3A_1031 : vector<16xf32>
        %parallel_loop3A_1033 = arith.constant 1.500000e+00 : f32
        %parallel_loop3A_1034 = vector.broadcast %parallel_loop3A_1033 : f32 to vector<16xf32>
        %parallel_loop3A_1035 = arith.addf %parallel_loop3A_1032, %parallel_loop3A_1034 : vector<16xf32>
        %parallel_loop3A_1036 = arith.mulf %parallel_loop3A_1028, %parallel_loop3A_1035 : vector<16xf32>
        %parallel_loop3A_1037 = arith.addf %parallel_loop3A_984, %parallel_loop3A_1036 : vector<16xf32>
        %parallel_loop3A_1038 = arith.index_cast %rem3A_54 : i32 to index
        %parallel_loop3A_1039 = arith.index_cast %parallel_loop3A_982 : i32 to index
        %parallel_loop3A_1040 = arith.constant 16 : index
        %parallel_loop3A_1041 = tpu.vector_load %arg11[%parallel_loop3A_1038, %parallel_loop3A_1039, %parallel_loop3A_1040] {strides = array<i32>} : memref<2x64x128xf32, #tpu.memory_space<vmem>>, vector<16xf32>,
        %parallel_loop3A_1042 = arith.index_cast %rem3A_54 : i32 to index
        %parallel_loop3A_1043 = arith.index_cast %parallel_loop3A_982 : i32 to index
        %parallel_loop3A_1044 = arith.constant 80 : index
        %parallel_loop3A_1045 = tpu.vector_load %arg11[%parallel_loop3A_1042, %parallel_loop3A_1043, %parallel_loop3A_1044] {strides = array<i32>} : memref<2x64x128xf32, #tpu.memory_space<vmem>>, vector<16xf32>,
        %parallel_loop3A_1046 = arith.index_cast %rem3A_54 : i32 to index
        %parallel_loop3A_1047 = arith.index_cast %parallel_loop3A_982 : i32 to index
        %parallel_loop3A_1048 = arith.constant 16 : index
        %parallel_loop3A_1049 = tpu.vector_load %arg12[%parallel_loop3A_1046, %parallel_loop3A_1047, %parallel_loop3A_1048] {strides = array<i32>} : memref<2x64x128xf32, #tpu.memory_space<vmem>>, vector<16xf32>,
        %parallel_loop3A_1050 = arith.index_cast %rem3A_54 : i32 to index
        %parallel_loop3A_1051 = arith.index_cast %parallel_loop3A_982 : i32 to index
        %parallel_loop3A_1052 = arith.constant 80 : index
        %parallel_loop3A_1053 = tpu.vector_load %arg12[%parallel_loop3A_1050, %parallel_loop3A_1051, %parallel_loop3A_1052] {strides = array<i32>} : memref<2x64x128xf32, #tpu.memory_space<vmem>>, vector<16xf32>,
        %parallel_loop3A_1054 = arith.index_cast %rem3A_54 : i32 to index
        %parallel_loop3A_1055 = arith.index_cast %parallel_loop3A_982 : i32 to index
        %parallel_loop3A_1056 = arith.constant 16 : index
        %parallel_loop3A_1057 = tpu.vector_load %arg13[%parallel_loop3A_1054, %parallel_loop3A_1055, %parallel_loop3A_1056] {strides = array<i32>} : memref<2x64x128xf32, #tpu.memory_space<vmem>>, vector<16xf32>,
        %parallel_loop3A_1058 = arith.index_cast %rem3A_54 : i32 to index
        %parallel_loop3A_1059 = arith.index_cast %parallel_loop3A_982 : i32 to index
        %parallel_loop3A_1060 = arith.constant 80 : index
        %parallel_loop3A_1061 = tpu.vector_load %arg13[%parallel_loop3A_1058, %parallel_loop3A_1059, %parallel_loop3A_1060] {strides = array<i32>} : memref<2x64x128xf32, #tpu.memory_space<vmem>>, vector<16xf32>,
        %parallel_loop3A_1062 = arith.mulf %parallel_loop3A_1041, %parallel_loop3A_1057 : vector<16xf32>
        %parallel_loop3A_1063 = arith.mulf %parallel_loop3A_1045, %parallel_loop3A_1061 : vector<16xf32>
        %parallel_loop3A_1064 = arith.subf %parallel_loop3A_1062, %parallel_loop3A_1063 : vector<16xf32>
        %parallel_loop3A_1065 = arith.subf %parallel_loop3A_1064, %parallel_loop3A_1049 : vector<16xf32>
        %parallel_loop3A_1066 = arith.mulf %parallel_loop3A_1041, %parallel_loop3A_1061 : vector<16xf32>
        %parallel_loop3A_1067 = arith.mulf %parallel_loop3A_1045, %parallel_loop3A_1057 : vector<16xf32>
        %parallel_loop3A_1068 = arith.addf %parallel_loop3A_1066, %parallel_loop3A_1067 : vector<16xf32>
        %parallel_loop3A_1069 = arith.subf %parallel_loop3A_1068, %parallel_loop3A_1053 : vector<16xf32>
        %parallel_loop3A_1070 = arith.mulf %parallel_loop3A_1065, %parallel_loop3A_1065 : vector<16xf32>
        %parallel_loop3A_1071 = arith.mulf %parallel_loop3A_1069, %parallel_loop3A_1069 : vector<16xf32>
        %parallel_loop3A_1072 = arith.addf %parallel_loop3A_1070, %parallel_loop3A_1071 : vector<16xf32>
        %parallel_loop3A_1073 = tpu.bitcast %parallel_loop3A_1072 : vector<16xf32> -> vector<16xi32>
        %parallel_loop3A_1074 = arith.constant 1 : i32
        %parallel_loop3A_1075 = vector.broadcast %parallel_loop3A_1074 : i32 to vector<16xi32>
        %parallel_loop3A_1076 = arith.shrsi %parallel_loop3A_1073, %parallel_loop3A_1075 : vector<16xi32>
        %parallel_loop3A_1077 = arith.constant 1597463007 : i32
        %parallel_loop3A_1078 = vector.broadcast %parallel_loop3A_1077 : i32 to vector<16xi32>
        %parallel_loop3A_1079 = arith.subi %parallel_loop3A_1078, %parallel_loop3A_1076 : vector<16xi32>
        %parallel_loop3A_1080 = tpu.bitcast %parallel_loop3A_1079 : vector<16xi32> -> vector<16xf32>
        %parallel_loop3A_1081 = arith.mulf %parallel_loop3A_1072, %parallel_loop3A_1080 : vector<16xf32>
        %parallel_loop3A_1082 = arith.mulf %parallel_loop3A_1080, %parallel_loop3A_1081 : vector<16xf32>
        %parallel_loop3A_1083 = arith.constant -5.000000e-01 : f32
        %parallel_loop3A_1084 = vector.broadcast %parallel_loop3A_1083 : f32 to vector<16xf32>
        %parallel_loop3A_1085 = arith.mulf %parallel_loop3A_1082, %parallel_loop3A_1084 : vector<16xf32>
        %parallel_loop3A_1086 = arith.constant 1.500000e+00 : f32
        %parallel_loop3A_1087 = vector.broadcast %parallel_loop3A_1086 : f32 to vector<16xf32>
        %parallel_loop3A_1088 = arith.addf %parallel_loop3A_1085, %parallel_loop3A_1087 : vector<16xf32>
        %parallel_loop3A_1089 = arith.mulf %parallel_loop3A_1081, %parallel_loop3A_1088 : vector<16xf32>
        %parallel_loop3A_1090 = arith.addf %parallel_loop3A_1037, %parallel_loop3A_1089 : vector<16xf32>
        %parallel_loop3A_1091 = arith.index_cast %rem3A_54 : i32 to index
        %parallel_loop3A_1092 = arith.index_cast %parallel_loop3A_982 : i32 to index
        %parallel_loop3A_1093 = arith.constant 32 : index
        %parallel_loop3A_1094 = tpu.vector_load %arg11[%parallel_loop3A_1091, %parallel_loop3A_1092, %parallel_loop3A_1093] {strides = array<i32>} : memref<2x64x128xf32, #tpu.memory_space<vmem>>, vector<16xf32>,
        %parallel_loop3A_1095 = arith.index_cast %rem3A_54 : i32 to index
        %parallel_loop3A_1096 = arith.index_cast %parallel_loop3A_982 : i32 to index
        %parallel_loop3A_1097 = arith.constant 96 : index
        %parallel_loop3A_1098 = tpu.vector_load %arg11[%parallel_loop3A_1095, %parallel_loop3A_1096, %parallel_loop3A_1097] {strides = array<i32>} : memref<2x64x128xf32, #tpu.memory_space<vmem>>, vector<16xf32>,
        %parallel_loop3A_1099 = arith.index_cast %rem3A_54 : i32 to index
        %parallel_loop3A_1100 = arith.index_cast %parallel_loop3A_982 : i32 to index
        %parallel_loop3A_1101 = arith.constant 32 : index
        %parallel_loop3A_1102 = tpu.vector_load %arg12[%parallel_loop3A_1099, %parallel_loop3A_1100, %parallel_loop3A_1101] {strides = array<i32>} : memref<2x64x128xf32, #tpu.memory_space<vmem>>, vector<16xf32>,
        %parallel_loop3A_1103 = arith.index_cast %rem3A_54 : i32 to index
        %parallel_loop3A_1104 = arith.index_cast %parallel_loop3A_982 : i32 to index
        %parallel_loop3A_1105 = arith.constant 96 : index
        %parallel_loop3A_1106 = tpu.vector_load %arg12[%parallel_loop3A_1103, %parallel_loop3A_1104, %parallel_loop3A_1105] {strides = array<i32>} : memref<2x64x128xf32, #tpu.memory_space<vmem>>, vector<16xf32>,
        %parallel_loop3A_1107 = arith.index_cast %rem3A_54 : i32 to index
        %parallel_loop3A_1108 = arith.index_cast %parallel_loop3A_982 : i32 to index
        %parallel_loop3A_1109 = arith.constant 32 : index
        %parallel_loop3A_1110 = tpu.vector_load %arg13[%parallel_loop3A_1107, %parallel_loop3A_1108, %parallel_loop3A_1109] {strides = array<i32>} : memref<2x64x128xf32, #tpu.memory_space<vmem>>, vector<16xf32>,
        %parallel_loop3A_1111 = arith.index_cast %rem3A_54 : i32 to index
        %parallel_loop3A_1112 = arith.index_cast %parallel_loop3A_982 : i32 to index
        %parallel_loop3A_1113 = arith.constant 96 : index
        %parallel_loop3A_1114 = tpu.vector_load %arg13[%parallel_loop3A_1111, %parallel_loop3A_1112, %parallel_loop3A_1113] {strides = array<i32>} : memref<2x64x128xf32, #tpu.memory_space<vmem>>, vector<16xf32>,
        %parallel_loop3A_1115 = arith.mulf %parallel_loop3A_1094, %parallel_loop3A_1110 : vector<16xf32>
        %parallel_loop3A_1116 = arith.mulf %parallel_loop3A_1098, %parallel_loop3A_1114 : vector<16xf32>
        %parallel_loop3A_1117 = arith.subf %parallel_loop3A_1115, %parallel_loop3A_1116 : vector<16xf32>
        %parallel_loop3A_1118 = arith.subf %parallel_loop3A_1117, %parallel_loop3A_1102 : vector<16xf32>
        %parallel_loop3A_1119 = arith.mulf %parallel_loop3A_1094, %parallel_loop3A_1114 : vector<16xf32>
        %parallel_loop3A_1120 = arith.mulf %parallel_loop3A_1098, %parallel_loop3A_1110 : vector<16xf32>
        %parallel_loop3A_1121 = arith.addf %parallel_loop3A_1119, %parallel_loop3A_1120 : vector<16xf32>
        %parallel_loop3A_1122 = arith.subf %parallel_loop3A_1121, %parallel_loop3A_1106 : vector<16xf32>
        %parallel_loop3A_1123 = arith.mulf %parallel_loop3A_1118, %parallel_loop3A_1118 : vector<16xf32>
        %parallel_loop3A_1124 = arith.mulf %parallel_loop3A_1122, %parallel_loop3A_1122 : vector<16xf32>
        %parallel_loop3A_1125 = arith.addf %parallel_loop3A_1123, %parallel_loop3A_1124 : vector<16xf32>
        %parallel_loop3A_1126 = tpu.bitcast %parallel_loop3A_1125 : vector<16xf32> -> vector<16xi32>
        %parallel_loop3A_1127 = arith.constant 1 : i32
        %parallel_loop3A_1128 = vector.broadcast %parallel_loop3A_1127 : i32 to vector<16xi32>
        %parallel_loop3A_1129 = arith.shrsi %parallel_loop3A_1126, %parallel_loop3A_1128 : vector<16xi32>
        %parallel_loop3A_1130 = arith.constant 1597463007 : i32
        %parallel_loop3A_1131 = vector.broadcast %parallel_loop3A_1130 : i32 to vector<16xi32>
        %parallel_loop3A_1132 = arith.subi %parallel_loop3A_1131, %parallel_loop3A_1129 : vector<16xi32>
        %parallel_loop3A_1133 = tpu.bitcast %parallel_loop3A_1132 : vector<16xi32> -> vector<16xf32>
        %parallel_loop3A_1134 = arith.mulf %parallel_loop3A_1125, %parallel_loop3A_1133 : vector<16xf32>
        %parallel_loop3A_1135 = arith.mulf %parallel_loop3A_1133, %parallel_loop3A_1134 : vector<16xf32>
        %parallel_loop3A_1136 = arith.constant -5.000000e-01 : f32
        %parallel_loop3A_1137 = vector.broadcast %parallel_loop3A_1136 : f32 to vector<16xf32>
        %parallel_loop3A_1138 = arith.mulf %parallel_loop3A_1135, %parallel_loop3A_1137 : vector<16xf32>
        %parallel_loop3A_1139 = arith.constant 1.500000e+00 : f32
        %parallel_loop3A_1140 = vector.broadcast %parallel_loop3A_1139 : f32 to vector<16xf32>
        %parallel_loop3A_1141 = arith.addf %parallel_loop3A_1138, %parallel_loop3A_1140 : vector<16xf32>
        %parallel_loop3A_1142 = arith.mulf %parallel_loop3A_1134, %parallel_loop3A_1141 : vector<16xf32>
        %parallel_loop3A_1143 = arith.addf %parallel_loop3A_1090, %parallel_loop3A_1142 : vector<16xf32>
        %parallel_loop3A_1144 = arith.index_cast %rem3A_54 : i32 to index
        %parallel_loop3A_1145 = arith.index_cast %parallel_loop3A_982 : i32 to index
        %parallel_loop3A_1146 = arith.constant 48 : index
        %parallel_loop3A_1147 = tpu.vector_load %arg11[%parallel_loop3A_1144, %parallel_loop3A_1145, %parallel_loop3A_1146] {strides = array<i32>} : memref<2x64x128xf32, #tpu.memory_space<vmem>>, vector<16xf32>,
        %parallel_loop3A_1148 = arith.index_cast %rem3A_54 : i32 to index
        %parallel_loop3A_1149 = arith.index_cast %parallel_loop3A_982 : i32 to index
        %parallel_loop3A_1150 = arith.constant 112 : index
        %parallel_loop3A_1151 = tpu.vector_load %arg11[%parallel_loop3A_1148, %parallel_loop3A_1149, %parallel_loop3A_1150] {strides = array<i32>} : memref<2x64x128xf32, #tpu.memory_space<vmem>>, vector<16xf32>,
        %parallel_loop3A_1152 = arith.index_cast %rem3A_54 : i32 to index
        %parallel_loop3A_1153 = arith.index_cast %parallel_loop3A_982 : i32 to index
        %parallel_loop3A_1154 = arith.constant 48 : index
        %parallel_loop3A_1155 = tpu.vector_load %arg12[%parallel_loop3A_1152, %parallel_loop3A_1153, %parallel_loop3A_1154] {strides = array<i32>} : memref<2x64x128xf32, #tpu.memory_space<vmem>>, vector<16xf32>,
        %parallel_loop3A_1156 = arith.index_cast %rem3A_54 : i32 to index
        %parallel_loop3A_1157 = arith.index_cast %parallel_loop3A_982 : i32 to index
        %parallel_loop3A_1158 = arith.constant 112 : index
        %parallel_loop3A_1159 = tpu.vector_load %arg12[%parallel_loop3A_1156, %parallel_loop3A_1157, %parallel_loop3A_1158] {strides = array<i32>} : memref<2x64x128xf32, #tpu.memory_space<vmem>>, vector<16xf32>,
        %parallel_loop3A_1160 = arith.index_cast %rem3A_54 : i32 to index
        %parallel_loop3A_1161 = arith.index_cast %parallel_loop3A_982 : i32 to index
        %parallel_loop3A_1162 = arith.constant 48 : index
        %parallel_loop3A_1163 = tpu.vector_load %arg13[%parallel_loop3A_1160, %parallel_loop3A_1161, %parallel_loop3A_1162] {strides = array<i32>} : memref<2x64x128xf32, #tpu.memory_space<vmem>>, vector<16xf32>,
        %parallel_loop3A_1164 = arith.index_cast %rem3A_54 : i32 to index
        %parallel_loop3A_1165 = arith.index_cast %parallel_loop3A_982 : i32 to index
        %parallel_loop3A_1166 = arith.constant 112 : index
        %parallel_loop3A_1167 = tpu.vector_load %arg13[%parallel_loop3A_1164, %parallel_loop3A_1165, %parallel_loop3A_1166] {strides = array<i32>} : memref<2x64x128xf32, #tpu.memory_space<vmem>>, vector<16xf32>,
        %parallel_loop3A_1168 = arith.mulf %parallel_loop3A_1147, %parallel_loop3A_1163 : vector<16xf32>
        %parallel_loop3A_1169 = arith.mulf %parallel_loop3A_1151, %parallel_loop3A_1167 : vector<16xf32>
        %parallel_loop3A_1170 = arith.subf %parallel_loop3A_1168, %parallel_loop3A_1169 : vector<16xf32>
        %parallel_loop3A_1171 = arith.subf %parallel_loop3A_1170, %parallel_loop3A_1155 : vector<16xf32>
        %parallel_loop3A_1172 = arith.mulf %parallel_loop3A_1147, %parallel_loop3A_1167 : vector<16xf32>
        %parallel_loop3A_1173 = arith.mulf %parallel_loop3A_1151, %parallel_loop3A_1163 : vector<16xf32>
        %parallel_loop3A_1174 = arith.addf %parallel_loop3A_1172, %parallel_loop3A_1173 : vector<16xf32>
        %parallel_loop3A_1175 = arith.subf %parallel_loop3A_1174, %parallel_loop3A_1159 : vector<16xf32>
        %parallel_loop3A_1176 = arith.mulf %parallel_loop3A_1171, %parallel_loop3A_1171 : vector<16xf32>
        %parallel_loop3A_1177 = arith.mulf %parallel_loop3A_1175, %parallel_loop3A_1175 : vector<16xf32>
        %parallel_loop3A_1178 = arith.addf %parallel_loop3A_1176, %parallel_loop3A_1177 : vector<16xf32>
        %parallel_loop3A_1179 = tpu.bitcast %parallel_loop3A_1178 : vector<16xf32> -> vector<16xi32>
        %parallel_loop3A_1180 = arith.constant 1 : i32
        %parallel_loop3A_1181 = vector.broadcast %parallel_loop3A_1180 : i32 to vector<16xi32>
        %parallel_loop3A_1182 = arith.shrsi %parallel_loop3A_1179, %parallel_loop3A_1181 : vector<16xi32>
        %parallel_loop3A_1183 = arith.constant 1597463007 : i32
        %parallel_loop3A_1184 = vector.broadcast %parallel_loop3A_1183 : i32 to vector<16xi32>
        %parallel_loop3A_1185 = arith.subi %parallel_loop3A_1184, %parallel_loop3A_1182 : vector<16xi32>
        %parallel_loop3A_1186 = tpu.bitcast %parallel_loop3A_1185 : vector<16xi32> -> vector<16xf32>
        %parallel_loop3A_1187 = arith.mulf %parallel_loop3A_1178, %parallel_loop3A_1186 : vector<16xf32>
        %parallel_loop3A_1188 = arith.mulf %parallel_loop3A_1186, %parallel_loop3A_1187 : vector<16xf32>
        %parallel_loop3A_1189 = arith.constant -5.000000e-01 : f32
        %parallel_loop3A_1190 = vector.broadcast %parallel_loop3A_1189 : f32 to vector<16xf32>
        %parallel_loop3A_1191 = arith.mulf %parallel_loop3A_1188, %parallel_loop3A_1190 : vector<16xf32>
        %parallel_loop3A_1192 = arith.constant 1.500000e+00 : f32
        %parallel_loop3A_1193 = vector.broadcast %parallel_loop3A_1192 : f32 to vector<16xf32>
        %parallel_loop3A_1194 = arith.addf %parallel_loop3A_1191, %parallel_loop3A_1193 : vector<16xf32>
        %parallel_loop3A_1195 = arith.mulf %parallel_loop3A_1187, %parallel_loop3A_1194 : vector<16xf32>
        %parallel_loop3A_1196 = arith.addf %parallel_loop3A_1143, %parallel_loop3A_1195 : vector<16xf32>
        %parallel_loop3A_1197 = arith.constant 64 : i32
        %parallel_loop3A_1198 = arith.addi %parallel_loop3A_90, %parallel_loop3A_1197 : i32
        %parallel_loop3A_1199 = arith.index_cast %parallel_loop3A_1198 : i32 to index
        %parallel_loop3A_1200 = tpu.vector_load %arg14[%parallel_loop3A_1199] {strides = array<i32>} : memref<1024xf32, #tpu.memory_space<vmem>>, vector<16xf32>,
        tpu.vector_store %arg14[%parallel_loop3A_1199], %parallel_loop3A_1196 {strides = array<i32>} : memref<1024xf32, #tpu.memory_space<vmem>>, vector<16xf32>,
        %parallel_loop3A_1201 = arith.constant 16 : i32
        %parallel_loop3A_1202 = arith.muli %parallel_loop3A_88, %parallel_loop3A_1201 : i32
        %parallel_loop3A_1203 = arith.constant 5 : i32
        %parallel_loop3A_1204 = arith.addi %parallel_loop3A_1202, %parallel_loop3A_1203 : i32
        %parallel_loop3A_1205 = arith.constant 0.000000e+00 : f32
        %parallel_loop3A_1206 = vector.broadcast %parallel_loop3A_1205 : f32 to vector<16xf32>
        %parallel_loop3A_1207 = arith.index_cast %rem3A_54 : i32 to index
        %parallel_loop3A_1208 = arith.index_cast %parallel_loop3A_1204 : i32 to index
        %parallel_loop3A_1209 = arith.constant 0 : index
        %parallel_loop3A_1210 = tpu.vector_load %arg11[%parallel_loop3A_1207, %parallel_loop3A_1208, %parallel_loop3A_1209] {strides = array<i32>} : memref<2x64x128xf32, #tpu.memory_space<vmem>>, vector<16xf32>,
        %parallel_loop3A_1211 = arith.index_cast %rem3A_54 : i32 to index
        %parallel_loop3A_1212 = arith.index_cast %parallel_loop3A_1204 : i32 to index
        %parallel_loop3A_1213 = arith.constant 64 : index
        %parallel_loop3A_1214 = tpu.vector_load %arg11[%parallel_loop3A_1211, %parallel_loop3A_1212, %parallel_loop3A_1213] {strides = array<i32>} : memref<2x64x128xf32, #tpu.memory_space<vmem>>, vector<16xf32>,
        %parallel_loop3A_1215 = arith.index_cast %rem3A_54 : i32 to index
        %parallel_loop3A_1216 = arith.index_cast %parallel_loop3A_1204 : i32 to index
        %parallel_loop3A_1217 = arith.constant 0 : index
        %parallel_loop3A_1218 = tpu.vector_load %arg12[%parallel_loop3A_1215, %parallel_loop3A_1216, %parallel_loop3A_1217] {strides = array<i32>} : memref<2x64x128xf32, #tpu.memory_space<vmem>>, vector<16xf32>,
        %parallel_loop3A_1219 = arith.index_cast %rem3A_54 : i32 to index
        %parallel_loop3A_1220 = arith.index_cast %parallel_loop3A_1204 : i32 to index
        %parallel_loop3A_1221 = arith.constant 64 : index
        %parallel_loop3A_1222 = tpu.vector_load %arg12[%parallel_loop3A_1219, %parallel_loop3A_1220, %parallel_loop3A_1221] {strides = array<i32>} : memref<2x64x128xf32, #tpu.memory_space<vmem>>, vector<16xf32>,
        %parallel_loop3A_1223 = arith.index_cast %rem3A_54 : i32 to index
        %parallel_loop3A_1224 = arith.index_cast %parallel_loop3A_1204 : i32 to index
        %parallel_loop3A_1225 = arith.constant 0 : index
        %parallel_loop3A_1226 = tpu.vector_load %arg13[%parallel_loop3A_1223, %parallel_loop3A_1224, %parallel_loop3A_1225] {strides = array<i32>} : memref<2x64x128xf32, #tpu.memory_space<vmem>>, vector<16xf32>,
        %parallel_loop3A_1227 = arith.index_cast %rem3A_54 : i32 to index
        %parallel_loop3A_1228 = arith.index_cast %parallel_loop3A_1204 : i32 to index
        %parallel_loop3A_1229 = arith.constant 64 : index
        %parallel_loop3A_1230 = tpu.vector_load %arg13[%parallel_loop3A_1227, %parallel_loop3A_1228, %parallel_loop3A_1229] {strides = array<i32>} : memref<2x64x128xf32, #tpu.memory_space<vmem>>, vector<16xf32>,
        %parallel_loop3A_1231 = arith.mulf %parallel_loop3A_1210, %parallel_loop3A_1226 : vector<16xf32>
        %parallel_loop3A_1232 = arith.mulf %parallel_loop3A_1214, %parallel_loop3A_1230 : vector<16xf32>
        %parallel_loop3A_1233 = arith.subf %parallel_loop3A_1231, %parallel_loop3A_1232 : vector<16xf32>
        %parallel_loop3A_1234 = arith.subf %parallel_loop3A_1233, %parallel_loop3A_1218 : vector<16xf32>
        %parallel_loop3A_1235 = arith.mulf %parallel_loop3A_1210, %parallel_loop3A_1230 : vector<16xf32>
        %parallel_loop3A_1236 = arith.mulf %parallel_loop3A_1214, %parallel_loop3A_1226 : vector<16xf32>
        %parallel_loop3A_1237 = arith.addf %parallel_loop3A_1235, %parallel_loop3A_1236 : vector<16xf32>
        %parallel_loop3A_1238 = arith.subf %parallel_loop3A_1237, %parallel_loop3A_1222 : vector<16xf32>
        %parallel_loop3A_1239 = arith.mulf %parallel_loop3A_1234, %parallel_loop3A_1234 : vector<16xf32>
        %parallel_loop3A_1240 = arith.mulf %parallel_loop3A_1238, %parallel_loop3A_1238 : vector<16xf32>
        %parallel_loop3A_1241 = arith.addf %parallel_loop3A_1239, %parallel_loop3A_1240 : vector<16xf32>
        %parallel_loop3A_1242 = tpu.bitcast %parallel_loop3A_1241 : vector<16xf32> -> vector<16xi32>
        %parallel_loop3A_1243 = arith.constant 1 : i32
        %parallel_loop3A_1244 = vector.broadcast %parallel_loop3A_1243 : i32 to vector<16xi32>
        %parallel_loop3A_1245 = arith.shrsi %parallel_loop3A_1242, %parallel_loop3A_1244 : vector<16xi32>
        %parallel_loop3A_1246 = arith.constant 1597463007 : i32
        %parallel_loop3A_1247 = vector.broadcast %parallel_loop3A_1246 : i32 to vector<16xi32>
        %parallel_loop3A_1248 = arith.subi %parallel_loop3A_1247, %parallel_loop3A_1245 : vector<16xi32>
        %parallel_loop3A_1249 = tpu.bitcast %parallel_loop3A_1248 : vector<16xi32> -> vector<16xf32>
        %parallel_loop3A_1250 = arith.mulf %parallel_loop3A_1241, %parallel_loop3A_1249 : vector<16xf32>
        %parallel_loop3A_1251 = arith.mulf %parallel_loop3A_1249, %parallel_loop3A_1250 : vector<16xf32>
        %parallel_loop3A_1252 = arith.constant -5.000000e-01 : f32
        %parallel_loop3A_1253 = vector.broadcast %parallel_loop3A_1252 : f32 to vector<16xf32>
        %parallel_loop3A_1254 = arith.mulf %parallel_loop3A_1251, %parallel_loop3A_1253 : vector<16xf32>
        %parallel_loop3A_1255 = arith.constant 1.500000e+00 : f32
        %parallel_loop3A_1256 = vector.broadcast %parallel_loop3A_1255 : f32 to vector<16xf32>
        %parallel_loop3A_1257 = arith.addf %parallel_loop3A_1254, %parallel_loop3A_1256 : vector<16xf32>
        %parallel_loop3A_1258 = arith.mulf %parallel_loop3A_1250, %parallel_loop3A_1257 : vector<16xf32>
        %parallel_loop3A_1259 = arith.addf %parallel_loop3A_1206, %parallel_loop3A_1258 : vector<16xf32>
        %parallel_loop3A_1260 = arith.index_cast %rem3A_54 : i32 to index
        %parallel_loop3A_1261 = arith.index_cast %parallel_loop3A_1204 : i32 to index
        %parallel_loop3A_1262 = arith.constant 16 : index
        %parallel_loop3A_1263 = tpu.vector_load %arg11[%parallel_loop3A_1260, %parallel_loop3A_1261, %parallel_loop3A_1262] {strides = array<i32>} : memref<2x64x128xf32, #tpu.memory_space<vmem>>, vector<16xf32>,
        %parallel_loop3A_1264 = arith.index_cast %rem3A_54 : i32 to index
        %parallel_loop3A_1265 = arith.index_cast %parallel_loop3A_1204 : i32 to index
        %parallel_loop3A_1266 = arith.constant 80 : index
        %parallel_loop3A_1267 = tpu.vector_load %arg11[%parallel_loop3A_1264, %parallel_loop3A_1265, %parallel_loop3A_1266] {strides = array<i32>} : memref<2x64x128xf32, #tpu.memory_space<vmem>>, vector<16xf32>,
        %parallel_loop3A_1268 = arith.index_cast %rem3A_54 : i32 to index
        %parallel_loop3A_1269 = arith.index_cast %parallel_loop3A_1204 : i32 to index
        %parallel_loop3A_1270 = arith.constant 16 : index
        %parallel_loop3A_1271 = tpu.vector_load %arg12[%parallel_loop3A_1268, %parallel_loop3A_1269, %parallel_loop3A_1270] {strides = array<i32>} : memref<2x64x128xf32, #tpu.memory_space<vmem>>, vector<16xf32>,
        %parallel_loop3A_1272 = arith.index_cast %rem3A_54 : i32 to index
        %parallel_loop3A_1273 = arith.index_cast %parallel_loop3A_1204 : i32 to index
        %parallel_loop3A_1274 = arith.constant 80 : index
        %parallel_loop3A_1275 = tpu.vector_load %arg12[%parallel_loop3A_1272, %parallel_loop3A_1273, %parallel_loop3A_1274] {strides = array<i32>} : memref<2x64x128xf32, #tpu.memory_space<vmem>>, vector<16xf32>,
        %parallel_loop3A_1276 = arith.index_cast %rem3A_54 : i32 to index
        %parallel_loop3A_1277 = arith.index_cast %parallel_loop3A_1204 : i32 to index
        %parallel_loop3A_1278 = arith.constant 16 : index
        %parallel_loop3A_1279 = tpu.vector_load %arg13[%parallel_loop3A_1276, %parallel_loop3A_1277, %parallel_loop3A_1278] {strides = array<i32>} : memref<2x64x128xf32, #tpu.memory_space<vmem>>, vector<16xf32>,
        %parallel_loop3A_1280 = arith.index_cast %rem3A_54 : i32 to index
        %parallel_loop3A_1281 = arith.index_cast %parallel_loop3A_1204 : i32 to index
        %parallel_loop3A_1282 = arith.constant 80 : index
        %parallel_loop3A_1283 = tpu.vector_load %arg13[%parallel_loop3A_1280, %parallel_loop3A_1281, %parallel_loop3A_1282] {strides = array<i32>} : memref<2x64x128xf32, #tpu.memory_space<vmem>>, vector<16xf32>,
        %parallel_loop3A_1284 = arith.mulf %parallel_loop3A_1263, %parallel_loop3A_1279 : vector<16xf32>
        %parallel_loop3A_1285 = arith.mulf %parallel_loop3A_1267, %parallel_loop3A_1283 : vector<16xf32>
        %parallel_loop3A_1286 = arith.subf %parallel_loop3A_1284, %parallel_loop3A_1285 : vector<16xf32>
        %parallel_loop3A_1287 = arith.subf %parallel_loop3A_1286, %parallel_loop3A_1271 : vector<16xf32>
        %parallel_loop3A_1288 = arith.mulf %parallel_loop3A_1263, %parallel_loop3A_1283 : vector<16xf32>
        %parallel_loop3A_1289 = arith.mulf %parallel_loop3A_1267, %parallel_loop3A_1279 : vector<16xf32>
        %parallel_loop3A_1290 = arith.addf %parallel_loop3A_1288, %parallel_loop3A_1289 : vector<16xf32>
        %parallel_loop3A_1291 = arith.subf %parallel_loop3A_1290, %parallel_loop3A_1275 : vector<16xf32>
        %parallel_loop3A_1292 = arith.mulf %parallel_loop3A_1287, %parallel_loop3A_1287 : vector<16xf32>
        %parallel_loop3A_1293 = arith.mulf %parallel_loop3A_1291, %parallel_loop3A_1291 : vector<16xf32>
        %parallel_loop3A_1294 = arith.addf %parallel_loop3A_1292, %parallel_loop3A_1293 : vector<16xf32>
        %parallel_loop3A_1295 = tpu.bitcast %parallel_loop3A_1294 : vector<16xf32> -> vector<16xi32>
        %parallel_loop3A_1296 = arith.constant 1 : i32
        %parallel_loop3A_1297 = vector.broadcast %parallel_loop3A_1296 : i32 to vector<16xi32>
        %parallel_loop3A_1298 = arith.shrsi %parallel_loop3A_1295, %parallel_loop3A_1297 : vector<16xi32>
        %parallel_loop3A_1299 = arith.constant 1597463007 : i32
        %parallel_loop3A_1300 = vector.broadcast %parallel_loop3A_1299 : i32 to vector<16xi32>
        %parallel_loop3A_1301 = arith.subi %parallel_loop3A_1300, %parallel_loop3A_1298 : vector<16xi32>
        %parallel_loop3A_1302 = tpu.bitcast %parallel_loop3A_1301 : vector<16xi32> -> vector<16xf32>
        %parallel_loop3A_1303 = arith.mulf %parallel_loop3A_1294, %parallel_loop3A_1302 : vector<16xf32>
        %parallel_loop3A_1304 = arith.mulf %parallel_loop3A_1302, %parallel_loop3A_1303 : vector<16xf32>
        %parallel_loop3A_1305 = arith.constant -5.000000e-01 : f32
        %parallel_loop3A_1306 = vector.broadcast %parallel_loop3A_1305 : f32 to vector<16xf32>
        %parallel_loop3A_1307 = arith.mulf %parallel_loop3A_1304, %parallel_loop3A_1306 : vector<16xf32>
        %parallel_loop3A_1308 = arith.constant 1.500000e+00 : f32
        %parallel_loop3A_1309 = vector.broadcast %parallel_loop3A_1308 : f32 to vector<16xf32>
        %parallel_loop3A_1310 = arith.addf %parallel_loop3A_1307, %parallel_loop3A_1309 : vector<16xf32>
        %parallel_loop3A_1311 = arith.mulf %parallel_loop3A_1303, %parallel_loop3A_1310 : vector<16xf32>
        %parallel_loop3A_1312 = arith.addf %parallel_loop3A_1259, %parallel_loop3A_1311 : vector<16xf32>
        %parallel_loop3A_1313 = arith.index_cast %rem3A_54 : i32 to index
        %parallel_loop3A_1314 = arith.index_cast %parallel_loop3A_1204 : i32 to index
        %parallel_loop3A_1315 = arith.constant 32 : index
        %parallel_loop3A_1316 = tpu.vector_load %arg11[%parallel_loop3A_1313, %parallel_loop3A_1314, %parallel_loop3A_1315] {strides = array<i32>} : memref<2x64x128xf32, #tpu.memory_space<vmem>>, vector<16xf32>,
        %parallel_loop3A_1317 = arith.index_cast %rem3A_54 : i32 to index
        %parallel_loop3A_1318 = arith.index_cast %parallel_loop3A_1204 : i32 to index
        %parallel_loop3A_1319 = arith.constant 96 : index
        %parallel_loop3A_1320 = tpu.vector_load %arg11[%parallel_loop3A_1317, %parallel_loop3A_1318, %parallel_loop3A_1319] {strides = array<i32>} : memref<2x64x128xf32, #tpu.memory_space<vmem>>, vector<16xf32>,
        %parallel_loop3A_1321 = arith.index_cast %rem3A_54 : i32 to index
        %parallel_loop3A_1322 = arith.index_cast %parallel_loop3A_1204 : i32 to index
        %parallel_loop3A_1323 = arith.constant 32 : index
        %parallel_loop3A_1324 = tpu.vector_load %arg12[%parallel_loop3A_1321, %parallel_loop3A_1322, %parallel_loop3A_1323] {strides = array<i32>} : memref<2x64x128xf32, #tpu.memory_space<vmem>>, vector<16xf32>,
        %parallel_loop3A_1325 = arith.index_cast %rem3A_54 : i32 to index
        %parallel_loop3A_1326 = arith.index_cast %parallel_loop3A_1204 : i32 to index
        %parallel_loop3A_1327 = arith.constant 96 : index
        %parallel_loop3A_1328 = tpu.vector_load %arg12[%parallel_loop3A_1325, %parallel_loop3A_1326, %parallel_loop3A_1327] {strides = array<i32>} : memref<2x64x128xf32, #tpu.memory_space<vmem>>, vector<16xf32>,
        %parallel_loop3A_1329 = arith.index_cast %rem3A_54 : i32 to index
        %parallel_loop3A_1330 = arith.index_cast %parallel_loop3A_1204 : i32 to index
        %parallel_loop3A_1331 = arith.constant 32 : index
        %parallel_loop3A_1332 = tpu.vector_load %arg13[%parallel_loop3A_1329, %parallel_loop3A_1330, %parallel_loop3A_1331] {strides = array<i32>} : memref<2x64x128xf32, #tpu.memory_space<vmem>>, vector<16xf32>,
        %parallel_loop3A_1333 = arith.index_cast %rem3A_54 : i32 to index
        %parallel_loop3A_1334 = arith.index_cast %parallel_loop3A_1204 : i32 to index
        %parallel_loop3A_1335 = arith.constant 96 : index
        %parallel_loop3A_1336 = tpu.vector_load %arg13[%parallel_loop3A_1333, %parallel_loop3A_1334, %parallel_loop3A_1335] {strides = array<i32>} : memref<2x64x128xf32, #tpu.memory_space<vmem>>, vector<16xf32>,
        %parallel_loop3A_1337 = arith.mulf %parallel_loop3A_1316, %parallel_loop3A_1332 : vector<16xf32>
        %parallel_loop3A_1338 = arith.mulf %parallel_loop3A_1320, %parallel_loop3A_1336 : vector<16xf32>
        %parallel_loop3A_1339 = arith.subf %parallel_loop3A_1337, %parallel_loop3A_1338 : vector<16xf32>
        %parallel_loop3A_1340 = arith.subf %parallel_loop3A_1339, %parallel_loop3A_1324 : vector<16xf32>
        %parallel_loop3A_1341 = arith.mulf %parallel_loop3A_1316, %parallel_loop3A_1336 : vector<16xf32>
        %parallel_loop3A_1342 = arith.mulf %parallel_loop3A_1320, %parallel_loop3A_1332 : vector<16xf32>
        %parallel_loop3A_1343 = arith.addf %parallel_loop3A_1341, %parallel_loop3A_1342 : vector<16xf32>
        %parallel_loop3A_1344 = arith.subf %parallel_loop3A_1343, %parallel_loop3A_1328 : vector<16xf32>
        %parallel_loop3A_1345 = arith.mulf %parallel_loop3A_1340, %parallel_loop3A_1340 : vector<16xf32>
        %parallel_loop3A_1346 = arith.mulf %parallel_loop3A_1344, %parallel_loop3A_1344 : vector<16xf32>
        %parallel_loop3A_1347 = arith.addf %parallel_loop3A_1345, %parallel_loop3A_1346 : vector<16xf32>
        %parallel_loop3A_1348 = tpu.bitcast %parallel_loop3A_1347 : vector<16xf32> -> vector<16xi32>
        %parallel_loop3A_1349 = arith.constant 1 : i32
        %parallel_loop3A_1350 = vector.broadcast %parallel_loop3A_1349 : i32 to vector<16xi32>
        %parallel_loop3A_1351 = arith.shrsi %parallel_loop3A_1348, %parallel_loop3A_1350 : vector<16xi32>
        %parallel_loop3A_1352 = arith.constant 1597463007 : i32
        %parallel_loop3A_1353 = vector.broadcast %parallel_loop3A_1352 : i32 to vector<16xi32>
        %parallel_loop3A_1354 = arith.subi %parallel_loop3A_1353, %parallel_loop3A_1351 : vector<16xi32>
        %parallel_loop3A_1355 = tpu.bitcast %parallel_loop3A_1354 : vector<16xi32> -> vector<16xf32>
        %parallel_loop3A_1356 = arith.mulf %parallel_loop3A_1347, %parallel_loop3A_1355 : vector<16xf32>
        %parallel_loop3A_1357 = arith.mulf %parallel_loop3A_1355, %parallel_loop3A_1356 : vector<16xf32>
        %parallel_loop3A_1358 = arith.constant -5.000000e-01 : f32
        %parallel_loop3A_1359 = vector.broadcast %parallel_loop3A_1358 : f32 to vector<16xf32>
        %parallel_loop3A_1360 = arith.mulf %parallel_loop3A_1357, %parallel_loop3A_1359 : vector<16xf32>
        %parallel_loop3A_1361 = arith.constant 1.500000e+00 : f32
        %parallel_loop3A_1362 = vector.broadcast %parallel_loop3A_1361 : f32 to vector<16xf32>
        %parallel_loop3A_1363 = arith.addf %parallel_loop3A_1360, %parallel_loop3A_1362 : vector<16xf32>
        %parallel_loop3A_1364 = arith.mulf %parallel_loop3A_1356, %parallel_loop3A_1363 : vector<16xf32>
        %parallel_loop3A_1365 = arith.addf %parallel_loop3A_1312, %parallel_loop3A_1364 : vector<16xf32>
        %parallel_loop3A_1366 = arith.index_cast %rem3A_54 : i32 to index
        %parallel_loop3A_1367 = arith.index_cast %parallel_loop3A_1204 : i32 to index
        %parallel_loop3A_1368 = arith.constant 48 : index
        %parallel_loop3A_1369 = tpu.vector_load %arg11[%parallel_loop3A_1366, %parallel_loop3A_1367, %parallel_loop3A_1368] {strides = array<i32>} : memref<2x64x128xf32, #tpu.memory_space<vmem>>, vector<16xf32>,
        %parallel_loop3A_1370 = arith.index_cast %rem3A_54 : i32 to index
        %parallel_loop3A_1371 = arith.index_cast %parallel_loop3A_1204 : i32 to index
        %parallel_loop3A_1372 = arith.constant 112 : index
        %parallel_loop3A_1373 = tpu.vector_load %arg11[%parallel_loop3A_1370, %parallel_loop3A_1371, %parallel_loop3A_1372] {strides = array<i32>} : memref<2x64x128xf32, #tpu.memory_space<vmem>>, vector<16xf32>,
        %parallel_loop3A_1374 = arith.index_cast %rem3A_54 : i32 to index
        %parallel_loop3A_1375 = arith.index_cast %parallel_loop3A_1204 : i32 to index
        %parallel_loop3A_1376 = arith.constant 48 : index
        %parallel_loop3A_1377 = tpu.vector_load %arg12[%parallel_loop3A_1374, %parallel_loop3A_1375, %parallel_loop3A_1376] {strides = array<i32>} : memref<2x64x128xf32, #tpu.memory_space<vmem>>, vector<16xf32>,
        %parallel_loop3A_1378 = arith.index_cast %rem3A_54 : i32 to index
        %parallel_loop3A_1379 = arith.index_cast %parallel_loop3A_1204 : i32 to index
        %parallel_loop3A_1380 = arith.constant 112 : index
        %parallel_loop3A_1381 = tpu.vector_load %arg12[%parallel_loop3A_1378, %parallel_loop3A_1379, %parallel_loop3A_1380] {strides = array<i32>} : memref<2x64x128xf32, #tpu.memory_space<vmem>>, vector<16xf32>,
        %parallel_loop3A_1382 = arith.index_cast %rem3A_54 : i32 to index
        %parallel_loop3A_1383 = arith.index_cast %parallel_loop3A_1204 : i32 to index
        %parallel_loop3A_1384 = arith.constant 48 : index
        %parallel_loop3A_1385 = tpu.vector_load %arg13[%parallel_loop3A_1382, %parallel_loop3A_1383, %parallel_loop3A_1384] {strides = array<i32>} : memref<2x64x128xf32, #tpu.memory_space<vmem>>, vector<16xf32>,
        %parallel_loop3A_1386 = arith.index_cast %rem3A_54 : i32 to index
        %parallel_loop3A_1387 = arith.index_cast %parallel_loop3A_1204 : i32 to index
        %parallel_loop3A_1388 = arith.constant 112 : index
        %parallel_loop3A_1389 = tpu.vector_load %arg13[%parallel_loop3A_1386, %parallel_loop3A_1387, %parallel_loop3A_1388] {strides = array<i32>} : memref<2x64x128xf32, #tpu.memory_space<vmem>>, vector<16xf32>,
        %parallel_loop3A_1390 = arith.mulf %parallel_loop3A_1369, %parallel_loop3A_1385 : vector<16xf32>
        %parallel_loop3A_1391 = arith.mulf %parallel_loop3A_1373, %parallel_loop3A_1389 : vector<16xf32>
        %parallel_loop3A_1392 = arith.subf %parallel_loop3A_1390, %parallel_loop3A_1391 : vector<16xf32>
        %parallel_loop3A_1393 = arith.subf %parallel_loop3A_1392, %parallel_loop3A_1377 : vector<16xf32>
        %parallel_loop3A_1394 = arith.mulf %parallel_loop3A_1369, %parallel_loop3A_1389 : vector<16xf32>
        %parallel_loop3A_1395 = arith.mulf %parallel_loop3A_1373, %parallel_loop3A_1385 : vector<16xf32>
        %parallel_loop3A_1396 = arith.addf %parallel_loop3A_1394, %parallel_loop3A_1395 : vector<16xf32>
        %parallel_loop3A_1397 = arith.subf %parallel_loop3A_1396, %parallel_loop3A_1381 : vector<16xf32>
        %parallel_loop3A_1398 = arith.mulf %parallel_loop3A_1393, %parallel_loop3A_1393 : vector<16xf32>
        %parallel_loop3A_1399 = arith.mulf %parallel_loop3A_1397, %parallel_loop3A_1397 : vector<16xf32>
        %parallel_loop3A_1400 = arith.addf %parallel_loop3A_1398, %parallel_loop3A_1399 : vector<16xf32>
        %parallel_loop3A_1401 = tpu.bitcast %parallel_loop3A_1400 : vector<16xf32> -> vector<16xi32>
        %parallel_loop3A_1402 = arith.constant 1 : i32
        %parallel_loop3A_1403 = vector.broadcast %parallel_loop3A_1402 : i32 to vector<16xi32>
        %parallel_loop3A_1404 = arith.shrsi %parallel_loop3A_1401, %parallel_loop3A_1403 : vector<16xi32>
        %parallel_loop3A_1405 = arith.constant 1597463007 : i32
        %parallel_loop3A_1406 = vector.broadcast %parallel_loop3A_1405 : i32 to vector<16xi32>
        %parallel_loop3A_1407 = arith.subi %parallel_loop3A_1406, %parallel_loop3A_1404 : vector<16xi32>
        %parallel_loop3A_1408 = tpu.bitcast %parallel_loop3A_1407 : vector<16xi32> -> vector<16xf32>
        %parallel_loop3A_1409 = arith.mulf %parallel_loop3A_1400, %parallel_loop3A_1408 : vector<16xf32>
        %parallel_loop3A_1410 = arith.mulf %parallel_loop3A_1408, %parallel_loop3A_1409 : vector<16xf32>
        %parallel_loop3A_1411 = arith.constant -5.000000e-01 : f32
        %parallel_loop3A_1412 = vector.broadcast %parallel_loop3A_1411 : f32 to vector<16xf32>
        %parallel_loop3A_1413 = arith.mulf %parallel_loop3A_1410, %parallel_loop3A_1412 : vector<16xf32>
        %parallel_loop3A_1414 = arith.constant 1.500000e+00 : f32
        %parallel_loop3A_1415 = vector.broadcast %parallel_loop3A_1414 : f32 to vector<16xf32>
        %parallel_loop3A_1416 = arith.addf %parallel_loop3A_1413, %parallel_loop3A_1415 : vector<16xf32>
        %parallel_loop3A_1417 = arith.mulf %parallel_loop3A_1409, %parallel_loop3A_1416 : vector<16xf32>
        %parallel_loop3A_1418 = arith.addf %parallel_loop3A_1365, %parallel_loop3A_1417 : vector<16xf32>
        %parallel_loop3A_1419 = arith.constant 80 : i32
        %parallel_loop3A_1420 = arith.addi %parallel_loop3A_90, %parallel_loop3A_1419 : i32
        %parallel_loop3A_1421 = arith.index_cast %parallel_loop3A_1420 : i32 to index
        %parallel_loop3A_1422 = tpu.vector_load %arg14[%parallel_loop3A_1421] {strides = array<i32>} : memref<1024xf32, #tpu.memory_space<vmem>>, vector<16xf32>,
        tpu.vector_store %arg14[%parallel_loop3A_1421], %parallel_loop3A_1418 {strides = array<i32>} : memref<1024xf32, #tpu.memory_space<vmem>>, vector<16xf32>,
        %parallel_loop3A_1423 = arith.constant 16 : i32
        %parallel_loop3A_1424 = arith.muli %parallel_loop3A_88, %parallel_loop3A_1423 : i32
        %parallel_loop3A_1425 = arith.constant 6 : i32
        %parallel_loop3A_1426 = arith.addi %parallel_loop3A_1424, %parallel_loop3A_1425 : i32
        %parallel_loop3A_1427 = arith.constant 0.000000e+00 : f32
        %parallel_loop3A_1428 = vector.broadcast %parallel_loop3A_1427 : f32 to vector<16xf32>
        %parallel_loop3A_1429 = arith.index_cast %rem3A_54 : i32 to index
        %parallel_loop3A_1430 = arith.index_cast %parallel_loop3A_1426 : i32 to index
        %parallel_loop3A_1431 = arith.constant 0 : index
        %parallel_loop3A_1432 = tpu.vector_load %arg11[%parallel_loop3A_1429, %parallel_loop3A_1430, %parallel_loop3A_1431] {strides = array<i32>} : memref<2x64x128xf32, #tpu.memory_space<vmem>>, vector<16xf32>,
        %parallel_loop3A_1433 = arith.index_cast %rem3A_54 : i32 to index
        %parallel_loop3A_1434 = arith.index_cast %parallel_loop3A_1426 : i32 to index
        %parallel_loop3A_1435 = arith.constant 64 : index
        %parallel_loop3A_1436 = tpu.vector_load %arg11[%parallel_loop3A_1433, %parallel_loop3A_1434, %parallel_loop3A_1435] {strides = array<i32>} : memref<2x64x128xf32, #tpu.memory_space<vmem>>, vector<16xf32>,
        %parallel_loop3A_1437 = arith.index_cast %rem3A_54 : i32 to index
        %parallel_loop3A_1438 = arith.index_cast %parallel_loop3A_1426 : i32 to index
        %parallel_loop3A_1439 = arith.constant 0 : index
        %parallel_loop3A_1440 = tpu.vector_load %arg12[%parallel_loop3A_1437, %parallel_loop3A_1438, %parallel_loop3A_1439] {strides = array<i32>} : memref<2x64x128xf32, #tpu.memory_space<vmem>>, vector<16xf32>,
        %parallel_loop3A_1441 = arith.index_cast %rem3A_54 : i32 to index
        %parallel_loop3A_1442 = arith.index_cast %parallel_loop3A_1426 : i32 to index
        %parallel_loop3A_1443 = arith.constant 64 : index
        %parallel_loop3A_1444 = tpu.vector_load %arg12[%parallel_loop3A_1441, %parallel_loop3A_1442, %parallel_loop3A_1443] {strides = array<i32>} : memref<2x64x128xf32, #tpu.memory_space<vmem>>, vector<16xf32>,
        %parallel_loop3A_1445 = arith.index_cast %rem3A_54 : i32 to index
        %parallel_loop3A_1446 = arith.index_cast %parallel_loop3A_1426 : i32 to index
        %parallel_loop3A_1447 = arith.constant 0 : index
        %parallel_loop3A_1448 = tpu.vector_load %arg13[%parallel_loop3A_1445, %parallel_loop3A_1446, %parallel_loop3A_1447] {strides = array<i32>} : memref<2x64x128xf32, #tpu.memory_space<vmem>>, vector<16xf32>,
        %parallel_loop3A_1449 = arith.index_cast %rem3A_54 : i32 to index
        %parallel_loop3A_1450 = arith.index_cast %parallel_loop3A_1426 : i32 to index
        %parallel_loop3A_1451 = arith.constant 64 : index
        %parallel_loop3A_1452 = tpu.vector_load %arg13[%parallel_loop3A_1449, %parallel_loop3A_1450, %parallel_loop3A_1451] {strides = array<i32>} : memref<2x64x128xf32, #tpu.memory_space<vmem>>, vector<16xf32>,
        %parallel_loop3A_1453 = arith.mulf %parallel_loop3A_1432, %parallel_loop3A_1448 : vector<16xf32>
        %parallel_loop3A_1454 = arith.mulf %parallel_loop3A_1436, %parallel_loop3A_1452 : vector<16xf32>
        %parallel_loop3A_1455 = arith.subf %parallel_loop3A_1453, %parallel_loop3A_1454 : vector<16xf32>
        %parallel_loop3A_1456 = arith.subf %parallel_loop3A_1455, %parallel_loop3A_1440 : vector<16xf32>
        %parallel_loop3A_1457 = arith.mulf %parallel_loop3A_1432, %parallel_loop3A_1452 : vector<16xf32>
        %parallel_loop3A_1458 = arith.mulf %parallel_loop3A_1436, %parallel_loop3A_1448 : vector<16xf32>
        %parallel_loop3A_1459 = arith.addf %parallel_loop3A_1457, %parallel_loop3A_1458 : vector<16xf32>
        %parallel_loop3A_1460 = arith.subf %parallel_loop3A_1459, %parallel_loop3A_1444 : vector<16xf32>
        %parallel_loop3A_1461 = arith.mulf %parallel_loop3A_1456, %parallel_loop3A_1456 : vector<16xf32>
        %parallel_loop3A_1462 = arith.mulf %parallel_loop3A_1460, %parallel_loop3A_1460 : vector<16xf32>
        %parallel_loop3A_1463 = arith.addf %parallel_loop3A_1461, %parallel_loop3A_1462 : vector<16xf32>
        %parallel_loop3A_1464 = tpu.bitcast %parallel_loop3A_1463 : vector<16xf32> -> vector<16xi32>
        %parallel_loop3A_1465 = arith.constant 1 : i32
        %parallel_loop3A_1466 = vector.broadcast %parallel_loop3A_1465 : i32 to vector<16xi32>
        %parallel_loop3A_1467 = arith.shrsi %parallel_loop3A_1464, %parallel_loop3A_1466 : vector<16xi32>
        %parallel_loop3A_1468 = arith.constant 1597463007 : i32
        %parallel_loop3A_1469 = vector.broadcast %parallel_loop3A_1468 : i32 to vector<16xi32>
        %parallel_loop3A_1470 = arith.subi %parallel_loop3A_1469, %parallel_loop3A_1467 : vector<16xi32>
        %parallel_loop3A_1471 = tpu.bitcast %parallel_loop3A_1470 : vector<16xi32> -> vector<16xf32>
        %parallel_loop3A_1472 = arith.mulf %parallel_loop3A_1463, %parallel_loop3A_1471 : vector<16xf32>
        %parallel_loop3A_1473 = arith.mulf %parallel_loop3A_1471, %parallel_loop3A_1472 : vector<16xf32>
        %parallel_loop3A_1474 = arith.constant -5.000000e-01 : f32
        %parallel_loop3A_1475 = vector.broadcast %parallel_loop3A_1474 : f32 to vector<16xf32>
        %parallel_loop3A_1476 = arith.mulf %parallel_loop3A_1473, %parallel_loop3A_1475 : vector<16xf32>
        %parallel_loop3A_1477 = arith.constant 1.500000e+00 : f32
        %parallel_loop3A_1478 = vector.broadcast %parallel_loop3A_1477 : f32 to vector<16xf32>
        %parallel_loop3A_1479 = arith.addf %parallel_loop3A_1476, %parallel_loop3A_1478 : vector<16xf32>
        %parallel_loop3A_1480 = arith.mulf %parallel_loop3A_1472, %parallel_loop3A_1479 : vector<16xf32>
        %parallel_loop3A_1481 = arith.addf %parallel_loop3A_1428, %parallel_loop3A_1480 : vector<16xf32>
        %parallel_loop3A_1482 = arith.index_cast %rem3A_54 : i32 to index
        %parallel_loop3A_1483 = arith.index_cast %parallel_loop3A_1426 : i32 to index
        %parallel_loop3A_1484 = arith.constant 16 : index
        %parallel_loop3A_1485 = tpu.vector_load %arg11[%parallel_loop3A_1482, %parallel_loop3A_1483, %parallel_loop3A_1484] {strides = array<i32>} : memref<2x64x128xf32, #tpu.memory_space<vmem>>, vector<16xf32>,
        %parallel_loop3A_1486 = arith.index_cast %rem3A_54 : i32 to index
        %parallel_loop3A_1487 = arith.index_cast %parallel_loop3A_1426 : i32 to index
        %parallel_loop3A_1488 = arith.constant 80 : index
        %parallel_loop3A_1489 = tpu.vector_load %arg11[%parallel_loop3A_1486, %parallel_loop3A_1487, %parallel_loop3A_1488] {strides = array<i32>} : memref<2x64x128xf32, #tpu.memory_space<vmem>>, vector<16xf32>,
        %parallel_loop3A_1490 = arith.index_cast %rem3A_54 : i32 to index
        %parallel_loop3A_1491 = arith.index_cast %parallel_loop3A_1426 : i32 to index
        %parallel_loop3A_1492 = arith.constant 16 : index
        %parallel_loop3A_1493 = tpu.vector_load %arg12[%parallel_loop3A_1490, %parallel_loop3A_1491, %parallel_loop3A_1492] {strides = array<i32>} : memref<2x64x128xf32, #tpu.memory_space<vmem>>, vector<16xf32>,
        %parallel_loop3A_1494 = arith.index_cast %rem3A_54 : i32 to index
        %parallel_loop3A_1495 = arith.index_cast %parallel_loop3A_1426 : i32 to index
        %parallel_loop3A_1496 = arith.constant 80 : index
        %parallel_loop3A_1497 = tpu.vector_load %arg12[%parallel_loop3A_1494, %parallel_loop3A_1495, %parallel_loop3A_1496] {strides = array<i32>} : memref<2x64x128xf32, #tpu.memory_space<vmem>>, vector<16xf32>,
        %parallel_loop3A_1498 = arith.index_cast %rem3A_54 : i32 to index
        %parallel_loop3A_1499 = arith.index_cast %parallel_loop3A_1426 : i32 to index
        %parallel_loop3A_1500 = arith.constant 16 : index
        %parallel_loop3A_1501 = tpu.vector_load %arg13[%parallel_loop3A_1498, %parallel_loop3A_1499, %parallel_loop3A_1500] {strides = array<i32>} : memref<2x64x128xf32, #tpu.memory_space<vmem>>, vector<16xf32>,
        %parallel_loop3A_1502 = arith.index_cast %rem3A_54 : i32 to index
        %parallel_loop3A_1503 = arith.index_cast %parallel_loop3A_1426 : i32 to index
        %parallel_loop3A_1504 = arith.constant 80 : index
        %parallel_loop3A_1505 = tpu.vector_load %arg13[%parallel_loop3A_1502, %parallel_loop3A_1503, %parallel_loop3A_1504] {strides = array<i32>} : memref<2x64x128xf32, #tpu.memory_space<vmem>>, vector<16xf32>,
        %parallel_loop3A_1506 = arith.mulf %parallel_loop3A_1485, %parallel_loop3A_1501 : vector<16xf32>
        %parallel_loop3A_1507 = arith.mulf %parallel_loop3A_1489, %parallel_loop3A_1505 : vector<16xf32>
        %parallel_loop3A_1508 = arith.subf %parallel_loop3A_1506, %parallel_loop3A_1507 : vector<16xf32>
        %parallel_loop3A_1509 = arith.subf %parallel_loop3A_1508, %parallel_loop3A_1493 : vector<16xf32>
        %parallel_loop3A_1510 = arith.mulf %parallel_loop3A_1485, %parallel_loop3A_1505 : vector<16xf32>
        %parallel_loop3A_1511 = arith.mulf %parallel_loop3A_1489, %parallel_loop3A_1501 : vector<16xf32>
        %parallel_loop3A_1512 = arith.addf %parallel_loop3A_1510, %parallel_loop3A_1511 : vector<16xf32>
        %parallel_loop3A_1513 = arith.subf %parallel_loop3A_1512, %parallel_loop3A_1497 : vector<16xf32>
        %parallel_loop3A_1514 = arith.mulf %parallel_loop3A_1509, %parallel_loop3A_1509 : vector<16xf32>
        %parallel_loop3A_1515 = arith.mulf %parallel_loop3A_1513, %parallel_loop3A_1513 : vector<16xf32>
        %parallel_loop3A_1516 = arith.addf %parallel_loop3A_1514, %parallel_loop3A_1515 : vector<16xf32>
        %parallel_loop3A_1517 = tpu.bitcast %parallel_loop3A_1516 : vector<16xf32> -> vector<16xi32>
        %parallel_loop3A_1518 = arith.constant 1 : i32
        %parallel_loop3A_1519 = vector.broadcast %parallel_loop3A_1518 : i32 to vector<16xi32>
        %parallel_loop3A_1520 = arith.shrsi %parallel_loop3A_1517, %parallel_loop3A_1519 : vector<16xi32>
        %parallel_loop3A_1521 = arith.constant 1597463007 : i32
        %parallel_loop3A_1522 = vector.broadcast %parallel_loop3A_1521 : i32 to vector<16xi32>
        %parallel_loop3A_1523 = arith.subi %parallel_loop3A_1522, %parallel_loop3A_1520 : vector<16xi32>
        %parallel_loop3A_1524 = tpu.bitcast %parallel_loop3A_1523 : vector<16xi32> -> vector<16xf32>
        %parallel_loop3A_1525 = arith.mulf %parallel_loop3A_1516, %parallel_loop3A_1524 : vector<16xf32>
        %parallel_loop3A_1526 = arith.mulf %parallel_loop3A_1524, %parallel_loop3A_1525 : vector<16xf32>
        %parallel_loop3A_1527 = arith.constant -5.000000e-01 : f32
        %parallel_loop3A_1528 = vector.broadcast %parallel_loop3A_1527 : f32 to vector<16xf32>
        %parallel_loop3A_1529 = arith.mulf %parallel_loop3A_1526, %parallel_loop3A_1528 : vector<16xf32>
        %parallel_loop3A_1530 = arith.constant 1.500000e+00 : f32
        %parallel_loop3A_1531 = vector.broadcast %parallel_loop3A_1530 : f32 to vector<16xf32>
        %parallel_loop3A_1532 = arith.addf %parallel_loop3A_1529, %parallel_loop3A_1531 : vector<16xf32>
        %parallel_loop3A_1533 = arith.mulf %parallel_loop3A_1525, %parallel_loop3A_1532 : vector<16xf32>
        %parallel_loop3A_1534 = arith.addf %parallel_loop3A_1481, %parallel_loop3A_1533 : vector<16xf32>
        %parallel_loop3A_1535 = arith.index_cast %rem3A_54 : i32 to index
        %parallel_loop3A_1536 = arith.index_cast %parallel_loop3A_1426 : i32 to index
        %parallel_loop3A_1537 = arith.constant 32 : index
        %parallel_loop3A_1538 = tpu.vector_load %arg11[%parallel_loop3A_1535, %parallel_loop3A_1536, %parallel_loop3A_1537] {strides = array<i32>} : memref<2x64x128xf32, #tpu.memory_space<vmem>>, vector<16xf32>,
        %parallel_loop3A_1539 = arith.index_cast %rem3A_54 : i32 to index
        %parallel_loop3A_1540 = arith.index_cast %parallel_loop3A_1426 : i32 to index
        %parallel_loop3A_1541 = arith.constant 96 : index
        %parallel_loop3A_1542 = tpu.vector_load %arg11[%parallel_loop3A_1539, %parallel_loop3A_1540, %parallel_loop3A_1541] {strides = array<i32>} : memref<2x64x128xf32, #tpu.memory_space<vmem>>, vector<16xf32>,
        %parallel_loop3A_1543 = arith.index_cast %rem3A_54 : i32 to index
        %parallel_loop3A_1544 = arith.index_cast %parallel_loop3A_1426 : i32 to index
        %parallel_loop3A_1545 = arith.constant 32 : index
        %parallel_loop3A_1546 = tpu.vector_load %arg12[%parallel_loop3A_1543, %parallel_loop3A_1544, %parallel_loop3A_1545] {strides = array<i32>} : memref<2x64x128xf32, #tpu.memory_space<vmem>>, vector<16xf32>,
        %parallel_loop3A_1547 = arith.index_cast %rem3A_54 : i32 to index
        %parallel_loop3A_1548 = arith.index_cast %parallel_loop3A_1426 : i32 to index
        %parallel_loop3A_1549 = arith.constant 96 : index
        %parallel_loop3A_1550 = tpu.vector_load %arg12[%parallel_loop3A_1547, %parallel_loop3A_1548, %parallel_loop3A_1549] {strides = array<i32>} : memref<2x64x128xf32, #tpu.memory_space<vmem>>, vector<16xf32>,
        %parallel_loop3A_1551 = arith.index_cast %rem3A_54 : i32 to index
        %parallel_loop3A_1552 = arith.index_cast %parallel_loop3A_1426 : i32 to index
        %parallel_loop3A_1553 = arith.constant 32 : index
        %parallel_loop3A_1554 = tpu.vector_load %arg13[%parallel_loop3A_1551, %parallel_loop3A_1552, %parallel_loop3A_1553] {strides = array<i32>} : memref<2x64x128xf32, #tpu.memory_space<vmem>>, vector<16xf32>,
        %parallel_loop3A_1555 = arith.index_cast %rem3A_54 : i32 to index
        %parallel_loop3A_1556 = arith.index_cast %parallel_loop3A_1426 : i32 to index
        %parallel_loop3A_1557 = arith.constant 96 : index
        %parallel_loop3A_1558 = tpu.vector_load %arg13[%parallel_loop3A_1555, %parallel_loop3A_1556, %parallel_loop3A_1557] {strides = array<i32>} : memref<2x64x128xf32, #tpu.memory_space<vmem>>, vector<16xf32>,
        %parallel_loop3A_1559 = arith.mulf %parallel_loop3A_1538, %parallel_loop3A_1554 : vector<16xf32>
        %parallel_loop3A_1560 = arith.mulf %parallel_loop3A_1542, %parallel_loop3A_1558 : vector<16xf32>
        %parallel_loop3A_1561 = arith.subf %parallel_loop3A_1559, %parallel_loop3A_1560 : vector<16xf32>
        %parallel_loop3A_1562 = arith.subf %parallel_loop3A_1561, %parallel_loop3A_1546 : vector<16xf32>
        %parallel_loop3A_1563 = arith.mulf %parallel_loop3A_1538, %parallel_loop3A_1558 : vector<16xf32>
        %parallel_loop3A_1564 = arith.mulf %parallel_loop3A_1542, %parallel_loop3A_1554 : vector<16xf32>
        %parallel_loop3A_1565 = arith.addf %parallel_loop3A_1563, %parallel_loop3A_1564 : vector<16xf32>
        %parallel_loop3A_1566 = arith.subf %parallel_loop3A_1565, %parallel_loop3A_1550 : vector<16xf32>
        %parallel_loop3A_1567 = arith.mulf %parallel_loop3A_1562, %parallel_loop3A_1562 : vector<16xf32>
        %parallel_loop3A_1568 = arith.mulf %parallel_loop3A_1566, %parallel_loop3A_1566 : vector<16xf32>
        %parallel_loop3A_1569 = arith.addf %parallel_loop3A_1567, %parallel_loop3A_1568 : vector<16xf32>
        %parallel_loop3A_1570 = tpu.bitcast %parallel_loop3A_1569 : vector<16xf32> -> vector<16xi32>
        %parallel_loop3A_1571 = arith.constant 1 : i32
        %parallel_loop3A_1572 = vector.broadcast %parallel_loop3A_1571 : i32 to vector<16xi32>
        %parallel_loop3A_1573 = arith.shrsi %parallel_loop3A_1570, %parallel_loop3A_1572 : vector<16xi32>
        %parallel_loop3A_1574 = arith.constant 1597463007 : i32
        %parallel_loop3A_1575 = vector.broadcast %parallel_loop3A_1574 : i32 to vector<16xi32>
        %parallel_loop3A_1576 = arith.subi %parallel_loop3A_1575, %parallel_loop3A_1573 : vector<16xi32>
        %parallel_loop3A_1577 = tpu.bitcast %parallel_loop3A_1576 : vector<16xi32> -> vector<16xf32>
        %parallel_loop3A_1578 = arith.mulf %parallel_loop3A_1569, %parallel_loop3A_1577 : vector<16xf32>
        %parallel_loop3A_1579 = arith.mulf %parallel_loop3A_1577, %parallel_loop3A_1578 : vector<16xf32>
        %parallel_loop3A_1580 = arith.constant -5.000000e-01 : f32
        %parallel_loop3A_1581 = vector.broadcast %parallel_loop3A_1580 : f32 to vector<16xf32>
        %parallel_loop3A_1582 = arith.mulf %parallel_loop3A_1579, %parallel_loop3A_1581 : vector<16xf32>
        %parallel_loop3A_1583 = arith.constant 1.500000e+00 : f32
        %parallel_loop3A_1584 = vector.broadcast %parallel_loop3A_1583 : f32 to vector<16xf32>
        %parallel_loop3A_1585 = arith.addf %parallel_loop3A_1582, %parallel_loop3A_1584 : vector<16xf32>
        %parallel_loop3A_1586 = arith.mulf %parallel_loop3A_1578, %parallel_loop3A_1585 : vector<16xf32>
        %parallel_loop3A_1587 = arith.addf %parallel_loop3A_1534, %parallel_loop3A_1586 : vector<16xf32>
        %parallel_loop3A_1588 = arith.index_cast %rem3A_54 : i32 to index
        %parallel_loop3A_1589 = arith.index_cast %parallel_loop3A_1426 : i32 to index
        %parallel_loop3A_1590 = arith.constant 48 : index
        %parallel_loop3A_1591 = tpu.vector_load %arg11[%parallel_loop3A_1588, %parallel_loop3A_1589, %parallel_loop3A_1590] {strides = array<i32>} : memref<2x64x128xf32, #tpu.memory_space<vmem>>, vector<16xf32>,
        %parallel_loop3A_1592 = arith.index_cast %rem3A_54 : i32 to index
        %parallel_loop3A_1593 = arith.index_cast %parallel_loop3A_1426 : i32 to index
        %parallel_loop3A_1594 = arith.constant 112 : index
        %parallel_loop3A_1595 = tpu.vector_load %arg11[%parallel_loop3A_1592, %parallel_loop3A_1593, %parallel_loop3A_1594] {strides = array<i32>} : memref<2x64x128xf32, #tpu.memory_space<vmem>>, vector<16xf32>,
        %parallel_loop3A_1596 = arith.index_cast %rem3A_54 : i32 to index
        %parallel_loop3A_1597 = arith.index_cast %parallel_loop3A_1426 : i32 to index
        %parallel_loop3A_1598 = arith.constant 48 : index
        %parallel_loop3A_1599 = tpu.vector_load %arg12[%parallel_loop3A_1596, %parallel_loop3A_1597, %parallel_loop3A_1598] {strides = array<i32>} : memref<2x64x128xf32, #tpu.memory_space<vmem>>, vector<16xf32>,
        %parallel_loop3A_1600 = arith.index_cast %rem3A_54 : i32 to index
        %parallel_loop3A_1601 = arith.index_cast %parallel_loop3A_1426 : i32 to index
        %parallel_loop3A_1602 = arith.constant 112 : index
        %parallel_loop3A_1603 = tpu.vector_load %arg12[%parallel_loop3A_1600, %parallel_loop3A_1601, %parallel_loop3A_1602] {strides = array<i32>} : memref<2x64x128xf32, #tpu.memory_space<vmem>>, vector<16xf32>,
        %parallel_loop3A_1604 = arith.index_cast %rem3A_54 : i32 to index
        %parallel_loop3A_1605 = arith.index_cast %parallel_loop3A_1426 : i32 to index
        %parallel_loop3A_1606 = arith.constant 48 : index
        %parallel_loop3A_1607 = tpu.vector_load %arg13[%parallel_loop3A_1604, %parallel_loop3A_1605, %parallel_loop3A_1606] {strides = array<i32>} : memref<2x64x128xf32, #tpu.memory_space<vmem>>, vector<16xf32>,
        %parallel_loop3A_1608 = arith.index_cast %rem3A_54 : i32 to index
        %parallel_loop3A_1609 = arith.index_cast %parallel_loop3A_1426 : i32 to index
        %parallel_loop3A_1610 = arith.constant 112 : index
        %parallel_loop3A_1611 = tpu.vector_load %arg13[%parallel_loop3A_1608, %parallel_loop3A_1609, %parallel_loop3A_1610] {strides = array<i32>} : memref<2x64x128xf32, #tpu.memory_space<vmem>>, vector<16xf32>,
        %parallel_loop3A_1612 = arith.mulf %parallel_loop3A_1591, %parallel_loop3A_1607 : vector<16xf32>
        %parallel_loop3A_1613 = arith.mulf %parallel_loop3A_1595, %parallel_loop3A_1611 : vector<16xf32>
        %parallel_loop3A_1614 = arith.subf %parallel_loop3A_1612, %parallel_loop3A_1613 : vector<16xf32>
        %parallel_loop3A_1615 = arith.subf %parallel_loop3A_1614, %parallel_loop3A_1599 : vector<16xf32>
        %parallel_loop3A_1616 = arith.mulf %parallel_loop3A_1591, %parallel_loop3A_1611 : vector<16xf32>
        %parallel_loop3A_1617 = arith.mulf %parallel_loop3A_1595, %parallel_loop3A_1607 : vector<16xf32>
        %parallel_loop3A_1618 = arith.addf %parallel_loop3A_1616, %parallel_loop3A_1617 : vector<16xf32>
        %parallel_loop3A_1619 = arith.subf %parallel_loop3A_1618, %parallel_loop3A_1603 : vector<16xf32>
        %parallel_loop3A_1620 = arith.mulf %parallel_loop3A_1615, %parallel_loop3A_1615 : vector<16xf32>
        %parallel_loop3A_1621 = arith.mulf %parallel_loop3A_1619, %parallel_loop3A_1619 : vector<16xf32>
        %parallel_loop3A_1622 = arith.addf %parallel_loop3A_1620, %parallel_loop3A_1621 : vector<16xf32>
        %parallel_loop3A_1623 = tpu.bitcast %parallel_loop3A_1622 : vector<16xf32> -> vector<16xi32>
        %parallel_loop3A_1624 = arith.constant 1 : i32
        %parallel_loop3A_1625 = vector.broadcast %parallel_loop3A_1624 : i32 to vector<16xi32>
        %parallel_loop3A_1626 = arith.shrsi %parallel_loop3A_1623, %parallel_loop3A_1625 : vector<16xi32>
        %parallel_loop3A_1627 = arith.constant 1597463007 : i32
        %parallel_loop3A_1628 = vector.broadcast %parallel_loop3A_1627 : i32 to vector<16xi32>
        %parallel_loop3A_1629 = arith.subi %parallel_loop3A_1628, %parallel_loop3A_1626 : vector<16xi32>
        %parallel_loop3A_1630 = tpu.bitcast %parallel_loop3A_1629 : vector<16xi32> -> vector<16xf32>
        %parallel_loop3A_1631 = arith.mulf %parallel_loop3A_1622, %parallel_loop3A_1630 : vector<16xf32>
        %parallel_loop3A_1632 = arith.mulf %parallel_loop3A_1630, %parallel_loop3A_1631 : vector<16xf32>
        %parallel_loop3A_1633 = arith.constant -5.000000e-01 : f32
        %parallel_loop3A_1634 = vector.broadcast %parallel_loop3A_1633 : f32 to vector<16xf32>
        %parallel_loop3A_1635 = arith.mulf %parallel_loop3A_1632, %parallel_loop3A_1634 : vector<16xf32>
        %parallel_loop3A_1636 = arith.constant 1.500000e+00 : f32
        %parallel_loop3A_1637 = vector.broadcast %parallel_loop3A_1636 : f32 to vector<16xf32>
        %parallel_loop3A_1638 = arith.addf %parallel_loop3A_1635, %parallel_loop3A_1637 : vector<16xf32>
        %parallel_loop3A_1639 = arith.mulf %parallel_loop3A_1631, %parallel_loop3A_1638 : vector<16xf32>
        %parallel_loop3A_1640 = arith.addf %parallel_loop3A_1587, %parallel_loop3A_1639 : vector<16xf32>
        %parallel_loop3A_1641 = arith.constant 96 : i32
        %parallel_loop3A_1642 = arith.addi %parallel_loop3A_90, %parallel_loop3A_1641 : i32
        %parallel_loop3A_1643 = arith.index_cast %parallel_loop3A_1642 : i32 to index
        %parallel_loop3A_1644 = tpu.vector_load %arg14[%parallel_loop3A_1643] {strides = array<i32>} : memref<1024xf32, #tpu.memory_space<vmem>>, vector<16xf32>,
        tpu.vector_store %arg14[%parallel_loop3A_1643], %parallel_loop3A_1640 {strides = array<i32>} : memref<1024xf32, #tpu.memory_space<vmem>>, vector<16xf32>,
        %parallel_loop3A_1645 = arith.constant 16 : i32
        %parallel_loop3A_1646 = arith.muli %parallel_loop3A_88, %parallel_loop3A_1645 : i32
        %parallel_loop3A_1647 = arith.constant 7 : i32
        %parallel_loop3A_1648 = arith.addi %parallel_loop3A_1646, %parallel_loop3A_1647 : i32
        %parallel_loop3A_1649 = arith.constant 0.000000e+00 : f32
        %parallel_loop3A_1650 = vector.broadcast %parallel_loop3A_1649 : f32 to vector<16xf32>
        %parallel_loop3A_1651 = arith.index_cast %rem3A_54 : i32 to index
        %parallel_loop3A_1652 = arith.index_cast %parallel_loop3A_1648 : i32 to index
        %parallel_loop3A_1653 = arith.constant 0 : index
        %parallel_loop3A_1654 = tpu.vector_load %arg11[%parallel_loop3A_1651, %parallel_loop3A_1652, %parallel_loop3A_1653] {strides = array<i32>} : memref<2x64x128xf32, #tpu.memory_space<vmem>>, vector<16xf32>,
        %parallel_loop3A_1655 = arith.index_cast %rem3A_54 : i32 to index
        %parallel_loop3A_1656 = arith.index_cast %parallel_loop3A_1648 : i32 to index
        %parallel_loop3A_1657 = arith.constant 64 : index
        %parallel_loop3A_1658 = tpu.vector_load %arg11[%parallel_loop3A_1655, %parallel_loop3A_1656, %parallel_loop3A_1657] {strides = array<i32>} : memref<2x64x128xf32, #tpu.memory_space<vmem>>, vector<16xf32>,
        %parallel_loop3A_1659 = arith.index_cast %rem3A_54 : i32 to index
        %parallel_loop3A_1660 = arith.index_cast %parallel_loop3A_1648 : i32 to index
        %parallel_loop3A_1661 = arith.constant 0 : index
        %parallel_loop3A_1662 = tpu.vector_load %arg12[%parallel_loop3A_1659, %parallel_loop3A_1660, %parallel_loop3A_1661] {strides = array<i32>} : memref<2x64x128xf32, #tpu.memory_space<vmem>>, vector<16xf32>,
        %parallel_loop3A_1663 = arith.index_cast %rem3A_54 : i32 to index
        %parallel_loop3A_1664 = arith.index_cast %parallel_loop3A_1648 : i32 to index
        %parallel_loop3A_1665 = arith.constant 64 : index
        %parallel_loop3A_1666 = tpu.vector_load %arg12[%parallel_loop3A_1663, %parallel_loop3A_1664, %parallel_loop3A_1665] {strides = array<i32>} : memref<2x64x128xf32, #tpu.memory_space<vmem>>, vector<16xf32>,
        %parallel_loop3A_1667 = arith.index_cast %rem3A_54 : i32 to index
        %parallel_loop3A_1668 = arith.index_cast %parallel_loop3A_1648 : i32 to index
        %parallel_loop3A_1669 = arith.constant 0 : index
        %parallel_loop3A_1670 = tpu.vector_load %arg13[%parallel_loop3A_1667, %parallel_loop3A_1668, %parallel_loop3A_1669] {strides = array<i32>} : memref<2x64x128xf32, #tpu.memory_space<vmem>>, vector<16xf32>,
        %parallel_loop3A_1671 = arith.index_cast %rem3A_54 : i32 to index
        %parallel_loop3A_1672 = arith.index_cast %parallel_loop3A_1648 : i32 to index
        %parallel_loop3A_1673 = arith.constant 64 : index
        %parallel_loop3A_1674 = tpu.vector_load %arg13[%parallel_loop3A_1671, %parallel_loop3A_1672, %parallel_loop3A_1673] {strides = array<i32>} : memref<2x64x128xf32, #tpu.memory_space<vmem>>, vector<16xf32>,
        %parallel_loop3A_1675 = arith.mulf %parallel_loop3A_1654, %parallel_loop3A_1670 : vector<16xf32>
        %parallel_loop3A_1676 = arith.mulf %parallel_loop3A_1658, %parallel_loop3A_1674 : vector<16xf32>
        %parallel_loop3A_1677 = arith.subf %parallel_loop3A_1675, %parallel_loop3A_1676 : vector<16xf32>
        %parallel_loop3A_1678 = arith.subf %parallel_loop3A_1677, %parallel_loop3A_1662 : vector<16xf32>
        %parallel_loop3A_1679 = arith.mulf %parallel_loop3A_1654, %parallel_loop3A_1674 : vector<16xf32>
        %parallel_loop3A_1680 = arith.mulf %parallel_loop3A_1658, %parallel_loop3A_1670 : vector<16xf32>
        %parallel_loop3A_1681 = arith.addf %parallel_loop3A_1679, %parallel_loop3A_1680 : vector<16xf32>
        %parallel_loop3A_1682 = arith.subf %parallel_loop3A_1681, %parallel_loop3A_1666 : vector<16xf32>
        %parallel_loop3A_1683 = arith.mulf %parallel_loop3A_1678, %parallel_loop3A_1678 : vector<16xf32>
        %parallel_loop3A_1684 = arith.mulf %parallel_loop3A_1682, %parallel_loop3A_1682 : vector<16xf32>
        %parallel_loop3A_1685 = arith.addf %parallel_loop3A_1683, %parallel_loop3A_1684 : vector<16xf32>
        %parallel_loop3A_1686 = tpu.bitcast %parallel_loop3A_1685 : vector<16xf32> -> vector<16xi32>
        %parallel_loop3A_1687 = arith.constant 1 : i32
        %parallel_loop3A_1688 = vector.broadcast %parallel_loop3A_1687 : i32 to vector<16xi32>
        %parallel_loop3A_1689 = arith.shrsi %parallel_loop3A_1686, %parallel_loop3A_1688 : vector<16xi32>
        %parallel_loop3A_1690 = arith.constant 1597463007 : i32
        %parallel_loop3A_1691 = vector.broadcast %parallel_loop3A_1690 : i32 to vector<16xi32>
        %parallel_loop3A_1692 = arith.subi %parallel_loop3A_1691, %parallel_loop3A_1689 : vector<16xi32>
        %parallel_loop3A_1693 = tpu.bitcast %parallel_loop3A_1692 : vector<16xi32> -> vector<16xf32>
        %parallel_loop3A_1694 = arith.mulf %parallel_loop3A_1685, %parallel_loop3A_1693 : vector<16xf32>
        %parallel_loop3A_1695 = arith.mulf %parallel_loop3A_1693, %parallel_loop3A_1694 : vector<16xf32>
        %parallel_loop3A_1696 = arith.constant -5.000000e-01 : f32
        %parallel_loop3A_1697 = vector.broadcast %parallel_loop3A_1696 : f32 to vector<16xf32>
        %parallel_loop3A_1698 = arith.mulf %parallel_loop3A_1695, %parallel_loop3A_1697 : vector<16xf32>
        %parallel_loop3A_1699 = arith.constant 1.500000e+00 : f32
        %parallel_loop3A_1700 = vector.broadcast %parallel_loop3A_1699 : f32 to vector<16xf32>
        %parallel_loop3A_1701 = arith.addf %parallel_loop3A_1698, %parallel_loop3A_1700 : vector<16xf32>
        %parallel_loop3A_1702 = arith.mulf %parallel_loop3A_1694, %parallel_loop3A_1701 : vector<16xf32>
        %parallel_loop3A_1703 = arith.addf %parallel_loop3A_1650, %parallel_loop3A_1702 : vector<16xf32>
        %parallel_loop3A_1704 = arith.index_cast %rem3A_54 : i32 to index
        %parallel_loop3A_1705 = arith.index_cast %parallel_loop3A_1648 : i32 to index
        %parallel_loop3A_1706 = arith.constant 16 : index
        %parallel_loop3A_1707 = tpu.vector_load %arg11[%parallel_loop3A_1704, %parallel_loop3A_1705, %parallel_loop3A_1706] {strides = array<i32>} : memref<2x64x128xf32, #tpu.memory_space<vmem>>, vector<16xf32>,
        %parallel_loop3A_1708 = arith.index_cast %rem3A_54 : i32 to index
        %parallel_loop3A_1709 = arith.index_cast %parallel_loop3A_1648 : i32 to index
        %parallel_loop3A_1710 = arith.constant 80 : index
        %parallel_loop3A_1711 = tpu.vector_load %arg11[%parallel_loop3A_1708, %parallel_loop3A_1709, %parallel_loop3A_1710] {strides = array<i32>} : memref<2x64x128xf32, #tpu.memory_space<vmem>>, vector<16xf32>,
        %parallel_loop3A_1712 = arith.index_cast %rem3A_54 : i32 to index
        %parallel_loop3A_1713 = arith.index_cast %parallel_loop3A_1648 : i32 to index
        %parallel_loop3A_1714 = arith.constant 16 : index
        %parallel_loop3A_1715 = tpu.vector_load %arg12[%parallel_loop3A_1712, %parallel_loop3A_1713, %parallel_loop3A_1714] {strides = array<i32>} : memref<2x64x128xf32, #tpu.memory_space<vmem>>, vector<16xf32>,
        %parallel_loop3A_1716 = arith.index_cast %rem3A_54 : i32 to index
        %parallel_loop3A_1717 = arith.index_cast %parallel_loop3A_1648 : i32 to index
        %parallel_loop3A_1718 = arith.constant 80 : index
        %parallel_loop3A_1719 = tpu.vector_load %arg12[%parallel_loop3A_1716, %parallel_loop3A_1717, %parallel_loop3A_1718] {strides = array<i32>} : memref<2x64x128xf32, #tpu.memory_space<vmem>>, vector<16xf32>,
        %parallel_loop3A_1720 = arith.index_cast %rem3A_54 : i32 to index
        %parallel_loop3A_1721 = arith.index_cast %parallel_loop3A_1648 : i32 to index
        %parallel_loop3A_1722 = arith.constant 16 : index
        %parallel_loop3A_1723 = tpu.vector_load %arg13[%parallel_loop3A_1720, %parallel_loop3A_1721, %parallel_loop3A_1722] {strides = array<i32>} : memref<2x64x128xf32, #tpu.memory_space<vmem>>, vector<16xf32>,
        %parallel_loop3A_1724 = arith.index_cast %rem3A_54 : i32 to index
        %parallel_loop3A_1725 = arith.index_cast %parallel_loop3A_1648 : i32 to index
        %parallel_loop3A_1726 = arith.constant 80 : index
        %parallel_loop3A_1727 = tpu.vector_load %arg13[%parallel_loop3A_1724, %parallel_loop3A_1725, %parallel_loop3A_1726] {strides = array<i32>} : memref<2x64x128xf32, #tpu.memory_space<vmem>>, vector<16xf32>,
        %parallel_loop3A_1728 = arith.mulf %parallel_loop3A_1707, %parallel_loop3A_1723 : vector<16xf32>
        %parallel_loop3A_1729 = arith.mulf %parallel_loop3A_1711, %parallel_loop3A_1727 : vector<16xf32>
        %parallel_loop3A_1730 = arith.subf %parallel_loop3A_1728, %parallel_loop3A_1729 : vector<16xf32>
        %parallel_loop3A_1731 = arith.subf %parallel_loop3A_1730, %parallel_loop3A_1715 : vector<16xf32>
        %parallel_loop3A_1732 = arith.mulf %parallel_loop3A_1707, %parallel_loop3A_1727 : vector<16xf32>
        %parallel_loop3A_1733 = arith.mulf %parallel_loop3A_1711, %parallel_loop3A_1723 : vector<16xf32>
        %parallel_loop3A_1734 = arith.addf %parallel_loop3A_1732, %parallel_loop3A_1733 : vector<16xf32>
        %parallel_loop3A_1735 = arith.subf %parallel_loop3A_1734, %parallel_loop3A_1719 : vector<16xf32>
        %parallel_loop3A_1736 = arith.mulf %parallel_loop3A_1731, %parallel_loop3A_1731 : vector<16xf32>
        %parallel_loop3A_1737 = arith.mulf %parallel_loop3A_1735, %parallel_loop3A_1735 : vector<16xf32>
        %parallel_loop3A_1738 = arith.addf %parallel_loop3A_1736, %parallel_loop3A_1737 : vector<16xf32>
        %parallel_loop3A_1739 = tpu.bitcast %parallel_loop3A_1738 : vector<16xf32> -> vector<16xi32>
        %parallel_loop3A_1740 = arith.constant 1 : i32
        %parallel_loop3A_1741 = vector.broadcast %parallel_loop3A_1740 : i32 to vector<16xi32>
        %parallel_loop3A_1742 = arith.shrsi %parallel_loop3A_1739, %parallel_loop3A_1741 : vector<16xi32>
        %parallel_loop3A_1743 = arith.constant 1597463007 : i32
        %parallel_loop3A_1744 = vector.broadcast %parallel_loop3A_1743 : i32 to vector<16xi32>
        %parallel_loop3A_1745 = arith.subi %parallel_loop3A_1744, %parallel_loop3A_1742 : vector<16xi32>
        %parallel_loop3A_1746 = tpu.bitcast %parallel_loop3A_1745 : vector<16xi32> -> vector<16xf32>
        %parallel_loop3A_1747 = arith.mulf %parallel_loop3A_1738, %parallel_loop3A_1746 : vector<16xf32>
        %parallel_loop3A_1748 = arith.mulf %parallel_loop3A_1746, %parallel_loop3A_1747 : vector<16xf32>
        %parallel_loop3A_1749 = arith.constant -5.000000e-01 : f32
        %parallel_loop3A_1750 = vector.broadcast %parallel_loop3A_1749 : f32 to vector<16xf32>
        %parallel_loop3A_1751 = arith.mulf %parallel_loop3A_1748, %parallel_loop3A_1750 : vector<16xf32>
        %parallel_loop3A_1752 = arith.constant 1.500000e+00 : f32
        %parallel_loop3A_1753 = vector.broadcast %parallel_loop3A_1752 : f32 to vector<16xf32>
        %parallel_loop3A_1754 = arith.addf %parallel_loop3A_1751, %parallel_loop3A_1753 : vector<16xf32>
        %parallel_loop3A_1755 = arith.mulf %parallel_loop3A_1747, %parallel_loop3A_1754 : vector<16xf32>
        %parallel_loop3A_1756 = arith.addf %parallel_loop3A_1703, %parallel_loop3A_1755 : vector<16xf32>
        %parallel_loop3A_1757 = arith.index_cast %rem3A_54 : i32 to index
        %parallel_loop3A_1758 = arith.index_cast %parallel_loop3A_1648 : i32 to index
        %parallel_loop3A_1759 = arith.constant 32 : index
        %parallel_loop3A_1760 = tpu.vector_load %arg11[%parallel_loop3A_1757, %parallel_loop3A_1758, %parallel_loop3A_1759] {strides = array<i32>} : memref<2x64x128xf32, #tpu.memory_space<vmem>>, vector<16xf32>,
        %parallel_loop3A_1761 = arith.index_cast %rem3A_54 : i32 to index
        %parallel_loop3A_1762 = arith.index_cast %parallel_loop3A_1648 : i32 to index
        %parallel_loop3A_1763 = arith.constant 96 : index
        %parallel_loop3A_1764 = tpu.vector_load %arg11[%parallel_loop3A_1761, %parallel_loop3A_1762, %parallel_loop3A_1763] {strides = array<i32>} : memref<2x64x128xf32, #tpu.memory_space<vmem>>, vector<16xf32>,
        %parallel_loop3A_1765 = arith.index_cast %rem3A_54 : i32 to index
        %parallel_loop3A_1766 = arith.index_cast %parallel_loop3A_1648 : i32 to index
        %parallel_loop3A_1767 = arith.constant 32 : index
        %parallel_loop3A_1768 = tpu.vector_load %arg12[%parallel_loop3A_1765, %parallel_loop3A_1766, %parallel_loop3A_1767] {strides = array<i32>} : memref<2x64x128xf32, #tpu.memory_space<vmem>>, vector<16xf32>,
        %parallel_loop3A_1769 = arith.index_cast %rem3A_54 : i32 to index
        %parallel_loop3A_1770 = arith.index_cast %parallel_loop3A_1648 : i32 to index
        %parallel_loop3A_1771 = arith.constant 96 : index
        %parallel_loop3A_1772 = tpu.vector_load %arg12[%parallel_loop3A_1769, %parallel_loop3A_1770, %parallel_loop3A_1771] {strides = array<i32>} : memref<2x64x128xf32, #tpu.memory_space<vmem>>, vector<16xf32>,
        %parallel_loop3A_1773 = arith.index_cast %rem3A_54 : i32 to index
        %parallel_loop3A_1774 = arith.index_cast %parallel_loop3A_1648 : i32 to index
        %parallel_loop3A_1775 = arith.constant 32 : index
        %parallel_loop3A_1776 = tpu.vector_load %arg13[%parallel_loop3A_1773, %parallel_loop3A_1774, %parallel_loop3A_1775] {strides = array<i32>} : memref<2x64x128xf32, #tpu.memory_space<vmem>>, vector<16xf32>,
        %parallel_loop3A_1777 = arith.index_cast %rem3A_54 : i32 to index
        %parallel_loop3A_1778 = arith.index_cast %parallel_loop3A_1648 : i32 to index
        %parallel_loop3A_1779 = arith.constant 96 : index
        %parallel_loop3A_1780 = tpu.vector_load %arg13[%parallel_loop3A_1777, %parallel_loop3A_1778, %parallel_loop3A_1779] {strides = array<i32>} : memref<2x64x128xf32, #tpu.memory_space<vmem>>, vector<16xf32>,
        %parallel_loop3A_1781 = arith.mulf %parallel_loop3A_1760, %parallel_loop3A_1776 : vector<16xf32>
        %parallel_loop3A_1782 = arith.mulf %parallel_loop3A_1764, %parallel_loop3A_1780 : vector<16xf32>
        %parallel_loop3A_1783 = arith.subf %parallel_loop3A_1781, %parallel_loop3A_1782 : vector<16xf32>
        %parallel_loop3A_1784 = arith.subf %parallel_loop3A_1783, %parallel_loop3A_1768 : vector<16xf32>
        %parallel_loop3A_1785 = arith.mulf %parallel_loop3A_1760, %parallel_loop3A_1780 : vector<16xf32>
        %parallel_loop3A_1786 = arith.mulf %parallel_loop3A_1764, %parallel_loop3A_1776 : vector<16xf32>
        %parallel_loop3A_1787 = arith.addf %parallel_loop3A_1785, %parallel_loop3A_1786 : vector<16xf32>
        %parallel_loop3A_1788 = arith.subf %parallel_loop3A_1787, %parallel_loop3A_1772 : vector<16xf32>
        %parallel_loop3A_1789 = arith.mulf %parallel_loop3A_1784, %parallel_loop3A_1784 : vector<16xf32>
        %parallel_loop3A_1790 = arith.mulf %parallel_loop3A_1788, %parallel_loop3A_1788 : vector<16xf32>
        %parallel_loop3A_1791 = arith.addf %parallel_loop3A_1789, %parallel_loop3A_1790 : vector<16xf32>
        %parallel_loop3A_1792 = tpu.bitcast %parallel_loop3A_1791 : vector<16xf32> -> vector<16xi32>
        %parallel_loop3A_1793 = arith.constant 1 : i32
        %parallel_loop3A_1794 = vector.broadcast %parallel_loop3A_1793 : i32 to vector<16xi32>
        %parallel_loop3A_1795 = arith.shrsi %parallel_loop3A_1792, %parallel_loop3A_1794 : vector<16xi32>
        %parallel_loop3A_1796 = arith.constant 1597463007 : i32
        %parallel_loop3A_1797 = vector.broadcast %parallel_loop3A_1796 : i32 to vector<16xi32>
        %parallel_loop3A_1798 = arith.subi %parallel_loop3A_1797, %parallel_loop3A_1795 : vector<16xi32>
        %parallel_loop3A_1799 = tpu.bitcast %parallel_loop3A_1798 : vector<16xi32> -> vector<16xf32>
        %parallel_loop3A_1800 = arith.mulf %parallel_loop3A_1791, %parallel_loop3A_1799 : vector<16xf32>
        %parallel_loop3A_1801 = arith.mulf %parallel_loop3A_1799, %parallel_loop3A_1800 : vector<16xf32>
        %parallel_loop3A_1802 = arith.constant -5.000000e-01 : f32
        %parallel_loop3A_1803 = vector.broadcast %parallel_loop3A_1802 : f32 to vector<16xf32>
        %parallel_loop3A_1804 = arith.mulf %parallel_loop3A_1801, %parallel_loop3A_1803 : vector<16xf32>
        %parallel_loop3A_1805 = arith.constant 1.500000e+00 : f32
        %parallel_loop3A_1806 = vector.broadcast %parallel_loop3A_1805 : f32 to vector<16xf32>
        %parallel_loop3A_1807 = arith.addf %parallel_loop3A_1804, %parallel_loop3A_1806 : vector<16xf32>
        %parallel_loop3A_1808 = arith.mulf %parallel_loop3A_1800, %parallel_loop3A_1807 : vector<16xf32>
        %parallel_loop3A_1809 = arith.addf %parallel_loop3A_1756, %parallel_loop3A_1808 : vector<16xf32>
        %parallel_loop3A_1810 = arith.index_cast %rem3A_54 : i32 to index
        %parallel_loop3A_1811 = arith.index_cast %parallel_loop3A_1648 : i32 to index
        %parallel_loop3A_1812 = arith.constant 48 : index
        %parallel_loop3A_1813 = tpu.vector_load %arg11[%parallel_loop3A_1810, %parallel_loop3A_1811, %parallel_loop3A_1812] {strides = array<i32>} : memref<2x64x128xf32, #tpu.memory_space<vmem>>, vector<16xf32>,
        %parallel_loop3A_1814 = arith.index_cast %rem3A_54 : i32 to index
        %parallel_loop3A_1815 = arith.index_cast %parallel_loop3A_1648 : i32 to index
        %parallel_loop3A_1816 = arith.constant 112 : index
        %parallel_loop3A_1817 = tpu.vector_load %arg11[%parallel_loop3A_1814, %parallel_loop3A_1815, %parallel_loop3A_1816] {strides = array<i32>} : memref<2x64x128xf32, #tpu.memory_space<vmem>>, vector<16xf32>,
        %parallel_loop3A_1818 = arith.index_cast %rem3A_54 : i32 to index
        %parallel_loop3A_1819 = arith.index_cast %parallel_loop3A_1648 : i32 to index
        %parallel_loop3A_1820 = arith.constant 48 : index
        %parallel_loop3A_1821 = tpu.vector_load %arg12[%parallel_loop3A_1818, %parallel_loop3A_1819, %parallel_loop3A_1820] {strides = array<i32>} : memref<2x64x128xf32, #tpu.memory_space<vmem>>, vector<16xf32>,
        %parallel_loop3A_1822 = arith.index_cast %rem3A_54 : i32 to index
        %parallel_loop3A_1823 = arith.index_cast %parallel_loop3A_1648 : i32 to index
        %parallel_loop3A_1824 = arith.constant 112 : index
        %parallel_loop3A_1825 = tpu.vector_load %arg12[%parallel_loop3A_1822, %parallel_loop3A_1823, %parallel_loop3A_1824] {strides = array<i32>} : memref<2x64x128xf32, #tpu.memory_space<vmem>>, vector<16xf32>,
        %parallel_loop3A_1826 = arith.index_cast %rem3A_54 : i32 to index
        %parallel_loop3A_1827 = arith.index_cast %parallel_loop3A_1648 : i32 to index
        %parallel_loop3A_1828 = arith.constant 48 : index
        %parallel_loop3A_1829 = tpu.vector_load %arg13[%parallel_loop3A_1826, %parallel_loop3A_1827, %parallel_loop3A_1828] {strides = array<i32>} : memref<2x64x128xf32, #tpu.memory_space<vmem>>, vector<16xf32>,
        %parallel_loop3A_1830 = arith.index_cast %rem3A_54 : i32 to index
        %parallel_loop3A_1831 = arith.index_cast %parallel_loop3A_1648 : i32 to index
        %parallel_loop3A_1832 = arith.constant 112 : index
        %parallel_loop3A_1833 = tpu.vector_load %arg13[%parallel_loop3A_1830, %parallel_loop3A_1831, %parallel_loop3A_1832] {strides = array<i32>} : memref<2x64x128xf32, #tpu.memory_space<vmem>>, vector<16xf32>,
        %parallel_loop3A_1834 = arith.mulf %parallel_loop3A_1813, %parallel_loop3A_1829 : vector<16xf32>
        %parallel_loop3A_1835 = arith.mulf %parallel_loop3A_1817, %parallel_loop3A_1833 : vector<16xf32>
        %parallel_loop3A_1836 = arith.subf %parallel_loop3A_1834, %parallel_loop3A_1835 : vector<16xf32>
        %parallel_loop3A_1837 = arith.subf %parallel_loop3A_1836, %parallel_loop3A_1821 : vector<16xf32>
        %parallel_loop3A_1838 = arith.mulf %parallel_loop3A_1813, %parallel_loop3A_1833 : vector<16xf32>
        %parallel_loop3A_1839 = arith.mulf %parallel_loop3A_1817, %parallel_loop3A_1829 : vector<16xf32>
        %parallel_loop3A_1840 = arith.addf %parallel_loop3A_1838, %parallel_loop3A_1839 : vector<16xf32>
        %parallel_loop3A_1841 = arith.subf %parallel_loop3A_1840, %parallel_loop3A_1825 : vector<16xf32>
        %parallel_loop3A_1842 = arith.mulf %parallel_loop3A_1837, %parallel_loop3A_1837 : vector<16xf32>
        %parallel_loop3A_1843 = arith.mulf %parallel_loop3A_1841, %parallel_loop3A_1841 : vector<16xf32>
        %parallel_loop3A_1844 = arith.addf %parallel_loop3A_1842, %parallel_loop3A_1843 : vector<16xf32>
        %parallel_loop3A_1845 = tpu.bitcast %parallel_loop3A_1844 : vector<16xf32> -> vector<16xi32>
        %parallel_loop3A_1846 = arith.constant 1 : i32
        %parallel_loop3A_1847 = vector.broadcast %parallel_loop3A_1846 : i32 to vector<16xi32>
        %parallel_loop3A_1848 = arith.shrsi %parallel_loop3A_1845, %parallel_loop3A_1847 : vector<16xi32>
        %parallel_loop3A_1849 = arith.constant 1597463007 : i32
        %parallel_loop3A_1850 = vector.broadcast %parallel_loop3A_1849 : i32 to vector<16xi32>
        %parallel_loop3A_1851 = arith.subi %parallel_loop3A_1850, %parallel_loop3A_1848 : vector<16xi32>
        %parallel_loop3A_1852 = tpu.bitcast %parallel_loop3A_1851 : vector<16xi32> -> vector<16xf32>
        %parallel_loop3A_1853 = arith.mulf %parallel_loop3A_1844, %parallel_loop3A_1852 : vector<16xf32>
        %parallel_loop3A_1854 = arith.mulf %parallel_loop3A_1852, %parallel_loop3A_1853 : vector<16xf32>
        %parallel_loop3A_1855 = arith.constant -5.000000e-01 : f32
        %parallel_loop3A_1856 = vector.broadcast %parallel_loop3A_1855 : f32 to vector<16xf32>
        %parallel_loop3A_1857 = arith.mulf %parallel_loop3A_1854, %parallel_loop3A_1856 : vector<16xf32>
        %parallel_loop3A_1858 = arith.constant 1.500000e+00 : f32
        %parallel_loop3A_1859 = vector.broadcast %parallel_loop3A_1858 : f32 to vector<16xf32>
        %parallel_loop3A_1860 = arith.addf %parallel_loop3A_1857, %parallel_loop3A_1859 : vector<16xf32>
        %parallel_loop3A_1861 = arith.mulf %parallel_loop3A_1853, %parallel_loop3A_1860 : vector<16xf32>
        %parallel_loop3A_1862 = arith.addf %parallel_loop3A_1809, %parallel_loop3A_1861 : vector<16xf32>
        %parallel_loop3A_1863 = arith.constant 112 : i32
        %parallel_loop3A_1864 = arith.addi %parallel_loop3A_90, %parallel_loop3A_1863 : i32
        %parallel_loop3A_1865 = arith.index_cast %parallel_loop3A_1864 : i32 to index
        %parallel_loop3A_1866 = tpu.vector_load %arg14[%parallel_loop3A_1865] {strides = array<i32>} : memref<1024xf32, #tpu.memory_space<vmem>>, vector<16xf32>,
        tpu.vector_store %arg14[%parallel_loop3A_1865], %parallel_loop3A_1862 {strides = array<i32>} : memref<1024xf32, #tpu.memory_space<vmem>>, vector<16xf32>,
        %parallel_loop3A_1867 = arith.constant 16 : i32
        %parallel_loop3A_1868 = arith.muli %parallel_loop3A_88, %parallel_loop3A_1867 : i32
        %parallel_loop3A_1869 = arith.constant 8 : i32
        %parallel_loop3A_1870 = arith.addi %parallel_loop3A_1868, %parallel_loop3A_1869 : i32
        %parallel_loop3A_1871 = arith.constant 0.000000e+00 : f32
        %parallel_loop3A_1872 = vector.broadcast %parallel_loop3A_1871 : f32 to vector<16xf32>
        %parallel_loop3A_1873 = arith.index_cast %rem3A_54 : i32 to index
        %parallel_loop3A_1874 = arith.index_cast %parallel_loop3A_1870 : i32 to index
        %parallel_loop3A_1875 = arith.constant 0 : index
        %parallel_loop3A_1876 = tpu.vector_load %arg11[%parallel_loop3A_1873, %parallel_loop3A_1874, %parallel_loop3A_1875] {strides = array<i32>} : memref<2x64x128xf32, #tpu.memory_space<vmem>>, vector<16xf32>,
        %parallel_loop3A_1877 = arith.index_cast %rem3A_54 : i32 to index
        %parallel_loop3A_1878 = arith.index_cast %parallel_loop3A_1870 : i32 to index
        %parallel_loop3A_1879 = arith.constant 64 : index
        %parallel_loop3A_1880 = tpu.vector_load %arg11[%parallel_loop3A_1877, %parallel_loop3A_1878, %parallel_loop3A_1879] {strides = array<i32>} : memref<2x64x128xf32, #tpu.memory_space<vmem>>, vector<16xf32>,
        %parallel_loop3A_1881 = arith.index_cast %rem3A_54 : i32 to index
        %parallel_loop3A_1882 = arith.index_cast %parallel_loop3A_1870 : i32 to index
        %parallel_loop3A_1883 = arith.constant 0 : index
        %parallel_loop3A_1884 = tpu.vector_load %arg12[%parallel_loop3A_1881, %parallel_loop3A_1882, %parallel_loop3A_1883] {strides = array<i32>} : memref<2x64x128xf32, #tpu.memory_space<vmem>>, vector<16xf32>,
        %parallel_loop3A_1885 = arith.index_cast %rem3A_54 : i32 to index
        %parallel_loop3A_1886 = arith.index_cast %parallel_loop3A_1870 : i32 to index
        %parallel_loop3A_1887 = arith.constant 64 : index
        %parallel_loop3A_1888 = tpu.vector_load %arg12[%parallel_loop3A_1885, %parallel_loop3A_1886, %parallel_loop3A_1887] {strides = array<i32>} : memref<2x64x128xf32, #tpu.memory_space<vmem>>, vector<16xf32>,
        %parallel_loop3A_1889 = arith.index_cast %rem3A_54 : i32 to index
        %parallel_loop3A_1890 = arith.index_cast %parallel_loop3A_1870 : i32 to index
        %parallel_loop3A_1891 = arith.constant 0 : index
        %parallel_loop3A_1892 = tpu.vector_load %arg13[%parallel_loop3A_1889, %parallel_loop3A_1890, %parallel_loop3A_1891] {strides = array<i32>} : memref<2x64x128xf32, #tpu.memory_space<vmem>>, vector<16xf32>,
        %parallel_loop3A_1893 = arith.index_cast %rem3A_54 : i32 to index
        %parallel_loop3A_1894 = arith.index_cast %parallel_loop3A_1870 : i32 to index
        %parallel_loop3A_1895 = arith.constant 64 : index
        %parallel_loop3A_1896 = tpu.vector_load %arg13[%parallel_loop3A_1893, %parallel_loop3A_1894, %parallel_loop3A_1895] {strides = array<i32>} : memref<2x64x128xf32, #tpu.memory_space<vmem>>, vector<16xf32>,
        %parallel_loop3A_1897 = arith.mulf %parallel_loop3A_1876, %parallel_loop3A_1892 : vector<16xf32>
        %parallel_loop3A_1898 = arith.mulf %parallel_loop3A_1880, %parallel_loop3A_1896 : vector<16xf32>
        %parallel_loop3A_1899 = arith.subf %parallel_loop3A_1897, %parallel_loop3A_1898 : vector<16xf32>
        %parallel_loop3A_1900 = arith.subf %parallel_loop3A_1899, %parallel_loop3A_1884 : vector<16xf32>
        %parallel_loop3A_1901 = arith.mulf %parallel_loop3A_1876, %parallel_loop3A_1896 : vector<16xf32>
        %parallel_loop3A_1902 = arith.mulf %parallel_loop3A_1880, %parallel_loop3A_1892 : vector<16xf32>
        %parallel_loop3A_1903 = arith.addf %parallel_loop3A_1901, %parallel_loop3A_1902 : vector<16xf32>
        %parallel_loop3A_1904 = arith.subf %parallel_loop3A_1903, %parallel_loop3A_1888 : vector<16xf32>
        %parallel_loop3A_1905 = arith.mulf %parallel_loop3A_1900, %parallel_loop3A_1900 : vector<16xf32>
        %parallel_loop3A_1906 = arith.mulf %parallel_loop3A_1904, %parallel_loop3A_1904 : vector<16xf32>
        %parallel_loop3A_1907 = arith.addf %parallel_loop3A_1905, %parallel_loop3A_1906 : vector<16xf32>
        %parallel_loop3A_1908 = tpu.bitcast %parallel_loop3A_1907 : vector<16xf32> -> vector<16xi32>
        %parallel_loop3A_1909 = arith.constant 1 : i32
        %parallel_loop3A_1910 = vector.broadcast %parallel_loop3A_1909 : i32 to vector<16xi32>
        %parallel_loop3A_1911 = arith.shrsi %parallel_loop3A_1908, %parallel_loop3A_1910 : vector<16xi32>
        %parallel_loop3A_1912 = arith.constant 1597463007 : i32
        %parallel_loop3A_1913 = vector.broadcast %parallel_loop3A_1912 : i32 to vector<16xi32>
        %parallel_loop3A_1914 = arith.subi %parallel_loop3A_1913, %parallel_loop3A_1911 : vector<16xi32>
        %parallel_loop3A_1915 = tpu.bitcast %parallel_loop3A_1914 : vector<16xi32> -> vector<16xf32>
        %parallel_loop3A_1916 = arith.mulf %parallel_loop3A_1907, %parallel_loop3A_1915 : vector<16xf32>
        %parallel_loop3A_1917 = arith.mulf %parallel_loop3A_1915, %parallel_loop3A_1916 : vector<16xf32>
        %parallel_loop3A_1918 = arith.constant -5.000000e-01 : f32
        %parallel_loop3A_1919 = vector.broadcast %parallel_loop3A_1918 : f32 to vector<16xf32>
        %parallel_loop3A_1920 = arith.mulf %parallel_loop3A_1917, %parallel_loop3A_1919 : vector<16xf32>
        %parallel_loop3A_1921 = arith.constant 1.500000e+00 : f32
        %parallel_loop3A_1922 = vector.broadcast %parallel_loop3A_1921 : f32 to vector<16xf32>
        %parallel_loop3A_1923 = arith.addf %parallel_loop3A_1920, %parallel_loop3A_1922 : vector<16xf32>
        %parallel_loop3A_1924 = arith.mulf %parallel_loop3A_1916, %parallel_loop3A_1923 : vector<16xf32>
        %parallel_loop3A_1925 = arith.addf %parallel_loop3A_1872, %parallel_loop3A_1924 : vector<16xf32>
        %parallel_loop3A_1926 = arith.index_cast %rem3A_54 : i32 to index
        %parallel_loop3A_1927 = arith.index_cast %parallel_loop3A_1870 : i32 to index
        %parallel_loop3A_1928 = arith.constant 16 : index
        %parallel_loop3A_1929 = tpu.vector_load %arg11[%parallel_loop3A_1926, %parallel_loop3A_1927, %parallel_loop3A_1928] {strides = array<i32>} : memref<2x64x128xf32, #tpu.memory_space<vmem>>, vector<16xf32>,
        %parallel_loop3A_1930 = arith.index_cast %rem3A_54 : i32 to index
        %parallel_loop3A_1931 = arith.index_cast %parallel_loop3A_1870 : i32 to index
        %parallel_loop3A_1932 = arith.constant 80 : index
        %parallel_loop3A_1933 = tpu.vector_load %arg11[%parallel_loop3A_1930, %parallel_loop3A_1931, %parallel_loop3A_1932] {strides = array<i32>} : memref<2x64x128xf32, #tpu.memory_space<vmem>>, vector<16xf32>,
        %parallel_loop3A_1934 = arith.index_cast %rem3A_54 : i32 to index
        %parallel_loop3A_1935 = arith.index_cast %parallel_loop3A_1870 : i32 to index
        %parallel_loop3A_1936 = arith.constant 16 : index
        %parallel_loop3A_1937 = tpu.vector_load %arg12[%parallel_loop3A_1934, %parallel_loop3A_1935, %parallel_loop3A_1936] {strides = array<i32>} : memref<2x64x128xf32, #tpu.memory_space<vmem>>, vector<16xf32>,
        %parallel_loop3A_1938 = arith.index_cast %rem3A_54 : i32 to index
        %parallel_loop3A_1939 = arith.index_cast %parallel_loop3A_1870 : i32 to index
        %parallel_loop3A_1940 = arith.constant 80 : index
        %parallel_loop3A_1941 = tpu.vector_load %arg12[%parallel_loop3A_1938, %parallel_loop3A_1939, %parallel_loop3A_1940] {strides = array<i32>} : memref<2x64x128xf32, #tpu.memory_space<vmem>>, vector<16xf32>,
        %parallel_loop3A_1942 = arith.index_cast %rem3A_54 : i32 to index
        %parallel_loop3A_1943 = arith.index_cast %parallel_loop3A_1870 : i32 to index
        %parallel_loop3A_1944 = arith.constant 16 : index
        %parallel_loop3A_1945 = tpu.vector_load %arg13[%parallel_loop3A_1942, %parallel_loop3A_1943, %parallel_loop3A_1944] {strides = array<i32>} : memref<2x64x128xf32, #tpu.memory_space<vmem>>, vector<16xf32>,
        %parallel_loop3A_1946 = arith.index_cast %rem3A_54 : i32 to index
        %parallel_loop3A_1947 = arith.index_cast %parallel_loop3A_1870 : i32 to index
        %parallel_loop3A_1948 = arith.constant 80 : index
        %parallel_loop3A_1949 = tpu.vector_load %arg13[%parallel_loop3A_1946, %parallel_loop3A_1947, %parallel_loop3A_1948] {strides = array<i32>} : memref<2x64x128xf32, #tpu.memory_space<vmem>>, vector<16xf32>,
        %parallel_loop3A_1950 = arith.mulf %parallel_loop3A_1929, %parallel_loop3A_1945 : vector<16xf32>
        %parallel_loop3A_1951 = arith.mulf %parallel_loop3A_1933, %parallel_loop3A_1949 : vector<16xf32>
        %parallel_loop3A_1952 = arith.subf %parallel_loop3A_1950, %parallel_loop3A_1951 : vector<16xf32>
        %parallel_loop3A_1953 = arith.subf %parallel_loop3A_1952, %parallel_loop3A_1937 : vector<16xf32>
        %parallel_loop3A_1954 = arith.mulf %parallel_loop3A_1929, %parallel_loop3A_1949 : vector<16xf32>
        %parallel_loop3A_1955 = arith.mulf %parallel_loop3A_1933, %parallel_loop3A_1945 : vector<16xf32>
        %parallel_loop3A_1956 = arith.addf %parallel_loop3A_1954, %parallel_loop3A_1955 : vector<16xf32>
        %parallel_loop3A_1957 = arith.subf %parallel_loop3A_1956, %parallel_loop3A_1941 : vector<16xf32>
        %parallel_loop3A_1958 = arith.mulf %parallel_loop3A_1953, %parallel_loop3A_1953 : vector<16xf32>
        %parallel_loop3A_1959 = arith.mulf %parallel_loop3A_1957, %parallel_loop3A_1957 : vector<16xf32>
        %parallel_loop3A_1960 = arith.addf %parallel_loop3A_1958, %parallel_loop3A_1959 : vector<16xf32>
        %parallel_loop3A_1961 = tpu.bitcast %parallel_loop3A_1960 : vector<16xf32> -> vector<16xi32>
        %parallel_loop3A_1962 = arith.constant 1 : i32
        %parallel_loop3A_1963 = vector.broadcast %parallel_loop3A_1962 : i32 to vector<16xi32>
        %parallel_loop3A_1964 = arith.shrsi %parallel_loop3A_1961, %parallel_loop3A_1963 : vector<16xi32>
        %parallel_loop3A_1965 = arith.constant 1597463007 : i32
        %parallel_loop3A_1966 = vector.broadcast %parallel_loop3A_1965 : i32 to vector<16xi32>
        %parallel_loop3A_1967 = arith.subi %parallel_loop3A_1966, %parallel_loop3A_1964 : vector<16xi32>
        %parallel_loop3A_1968 = tpu.bitcast %parallel_loop3A_1967 : vector<16xi32> -> vector<16xf32>
        %parallel_loop3A_1969 = arith.mulf %parallel_loop3A_1960, %parallel_loop3A_1968 : vector<16xf32>
        %parallel_loop3A_1970 = arith.mulf %parallel_loop3A_1968, %parallel_loop3A_1969 : vector<16xf32>
        %parallel_loop3A_1971 = arith.constant -5.000000e-01 : f32
        %parallel_loop3A_1972 = vector.broadcast %parallel_loop3A_1971 : f32 to vector<16xf32>
        %parallel_loop3A_1973 = arith.mulf %parallel_loop3A_1970, %parallel_loop3A_1972 : vector<16xf32>
        %parallel_loop3A_1974 = arith.constant 1.500000e+00 : f32
        %parallel_loop3A_1975 = vector.broadcast %parallel_loop3A_1974 : f32 to vector<16xf32>
        %parallel_loop3A_1976 = arith.addf %parallel_loop3A_1973, %parallel_loop3A_1975 : vector<16xf32>
        %parallel_loop3A_1977 = arith.mulf %parallel_loop3A_1969, %parallel_loop3A_1976 : vector<16xf32>
        %parallel_loop3A_1978 = arith.addf %parallel_loop3A_1925, %parallel_loop3A_1977 : vector<16xf32>
        %parallel_loop3A_1979 = arith.index_cast %rem3A_54 : i32 to index
        %parallel_loop3A_1980 = arith.index_cast %parallel_loop3A_1870 : i32 to index
        %parallel_loop3A_1981 = arith.constant 32 : index
        %parallel_loop3A_1982 = tpu.vector_load %arg11[%parallel_loop3A_1979, %parallel_loop3A_1980, %parallel_loop3A_1981] {strides = array<i32>} : memref<2x64x128xf32, #tpu.memory_space<vmem>>, vector<16xf32>,
        %parallel_loop3A_1983 = arith.index_cast %rem3A_54 : i32 to index
        %parallel_loop3A_1984 = arith.index_cast %parallel_loop3A_1870 : i32 to index
        %parallel_loop3A_1985 = arith.constant 96 : index
        %parallel_loop3A_1986 = tpu.vector_load %arg11[%parallel_loop3A_1983, %parallel_loop3A_1984, %parallel_loop3A_1985] {strides = array<i32>} : memref<2x64x128xf32, #tpu.memory_space<vmem>>, vector<16xf32>,
        %parallel_loop3A_1987 = arith.index_cast %rem3A_54 : i32 to index
        %parallel_loop3A_1988 = arith.index_cast %parallel_loop3A_1870 : i32 to index
        %parallel_loop3A_1989 = arith.constant 32 : index
        %parallel_loop3A_1990 = tpu.vector_load %arg12[%parallel_loop3A_1987, %parallel_loop3A_1988, %parallel_loop3A_1989] {strides = array<i32>} : memref<2x64x128xf32, #tpu.memory_space<vmem>>, vector<16xf32>,
        %parallel_loop3A_1991 = arith.index_cast %rem3A_54 : i32 to index
        %parallel_loop3A_1992 = arith.index_cast %parallel_loop3A_1870 : i32 to index
        %parallel_loop3A_1993 = arith.constant 96 : index
        %parallel_loop3A_1994 = tpu.vector_load %arg12[%parallel_loop3A_1991, %parallel_loop3A_1992, %parallel_loop3A_1993] {strides = array<i32>} : memref<2x64x128xf32, #tpu.memory_space<vmem>>, vector<16xf32>,
        %parallel_loop3A_1995 = arith.index_cast %rem3A_54 : i32 to index
        %parallel_loop3A_1996 = arith.index_cast %parallel_loop3A_1870 : i32 to index
        %parallel_loop3A_1997 = arith.constant 32 : index
        %parallel_loop3A_1998 = tpu.vector_load %arg13[%parallel_loop3A_1995, %parallel_loop3A_1996, %parallel_loop3A_1997] {strides = array<i32>} : memref<2x64x128xf32, #tpu.memory_space<vmem>>, vector<16xf32>,
        %parallel_loop3A_1999 = arith.index_cast %rem3A_54 : i32 to index
        %parallel_loop3A_2000 = arith.index_cast %parallel_loop3A_1870 : i32 to index
        %parallel_loop3A_2001 = arith.constant 96 : index
        %parallel_loop3A_2002 = tpu.vector_load %arg13[%parallel_loop3A_1999, %parallel_loop3A_2000, %parallel_loop3A_2001] {strides = array<i32>} : memref<2x64x128xf32, #tpu.memory_space<vmem>>, vector<16xf32>,
        %parallel_loop3A_2003 = arith.mulf %parallel_loop3A_1982, %parallel_loop3A_1998 : vector<16xf32>
        %parallel_loop3A_2004 = arith.mulf %parallel_loop3A_1986, %parallel_loop3A_2002 : vector<16xf32>
        %parallel_loop3A_2005 = arith.subf %parallel_loop3A_2003, %parallel_loop3A_2004 : vector<16xf32>
        %parallel_loop3A_2006 = arith.subf %parallel_loop3A_2005, %parallel_loop3A_1990 : vector<16xf32>
        %parallel_loop3A_2007 = arith.mulf %parallel_loop3A_1982, %parallel_loop3A_2002 : vector<16xf32>
        %parallel_loop3A_2008 = arith.mulf %parallel_loop3A_1986, %parallel_loop3A_1998 : vector<16xf32>
        %parallel_loop3A_2009 = arith.addf %parallel_loop3A_2007, %parallel_loop3A_2008 : vector<16xf32>
        %parallel_loop3A_2010 = arith.subf %parallel_loop3A_2009, %parallel_loop3A_1994 : vector<16xf32>
        %parallel_loop3A_2011 = arith.mulf %parallel_loop3A_2006, %parallel_loop3A_2006 : vector<16xf32>
        %parallel_loop3A_2012 = arith.mulf %parallel_loop3A_2010, %parallel_loop3A_2010 : vector<16xf32>
        %parallel_loop3A_2013 = arith.addf %parallel_loop3A_2011, %parallel_loop3A_2012 : vector<16xf32>
        %parallel_loop3A_2014 = tpu.bitcast %parallel_loop3A_2013 : vector<16xf32> -> vector<16xi32>
        %parallel_loop3A_2015 = arith.constant 1 : i32
        %parallel_loop3A_2016 = vector.broadcast %parallel_loop3A_2015 : i32 to vector<16xi32>
        %parallel_loop3A_2017 = arith.shrsi %parallel_loop3A_2014, %parallel_loop3A_2016 : vector<16xi32>
        %parallel_loop3A_2018 = arith.constant 1597463007 : i32
        %parallel_loop3A_2019 = vector.broadcast %parallel_loop3A_2018 : i32 to vector<16xi32>
        %parallel_loop3A_2020 = arith.subi %parallel_loop3A_2019, %parallel_loop3A_2017 : vector<16xi32>
        %parallel_loop3A_2021 = tpu.bitcast %parallel_loop3A_2020 : vector<16xi32> -> vector<16xf32>
        %parallel_loop3A_2022 = arith.mulf %parallel_loop3A_2013, %parallel_loop3A_2021 : vector<16xf32>
        %parallel_loop3A_2023 = arith.mulf %parallel_loop3A_2021, %parallel_loop3A_2022 : vector<16xf32>
        %parallel_loop3A_2024 = arith.constant -5.000000e-01 : f32
        %parallel_loop3A_2025 = vector.broadcast %parallel_loop3A_2024 : f32 to vector<16xf32>
        %parallel_loop3A_2026 = arith.mulf %parallel_loop3A_2023, %parallel_loop3A_2025 : vector<16xf32>
        %parallel_loop3A_2027 = arith.constant 1.500000e+00 : f32
        %parallel_loop3A_2028 = vector.broadcast %parallel_loop3A_2027 : f32 to vector<16xf32>
        %parallel_loop3A_2029 = arith.addf %parallel_loop3A_2026, %parallel_loop3A_2028 : vector<16xf32>
        %parallel_loop3A_2030 = arith.mulf %parallel_loop3A_2022, %parallel_loop3A_2029 : vector<16xf32>
        %parallel_loop3A_2031 = arith.addf %parallel_loop3A_1978, %parallel_loop3A_2030 : vector<16xf32>
        %parallel_loop3A_2032 = arith.index_cast %rem3A_54 : i32 to index
        %parallel_loop3A_2033 = arith.index_cast %parallel_loop3A_1870 : i32 to index
        %parallel_loop3A_2034 = arith.constant 48 : index
        %parallel_loop3A_2035 = tpu.vector_load %arg11[%parallel_loop3A_2032, %parallel_loop3A_2033, %parallel_loop3A_2034] {strides = array<i32>} : memref<2x64x128xf32, #tpu.memory_space<vmem>>, vector<16xf32>,
        %parallel_loop3A_2036 = arith.index_cast %rem3A_54 : i32 to index
        %parallel_loop3A_2037 = arith.index_cast %parallel_loop3A_1870 : i32 to index
        %parallel_loop3A_2038 = arith.constant 112 : index
        %parallel_loop3A_2039 = tpu.vector_load %arg11[%parallel_loop3A_2036, %parallel_loop3A_2037, %parallel_loop3A_2038] {strides = array<i32>} : memref<2x64x128xf32, #tpu.memory_space<vmem>>, vector<16xf32>,
        %parallel_loop3A_2040 = arith.index_cast %rem3A_54 : i32 to index
        %parallel_loop3A_2041 = arith.index_cast %parallel_loop3A_1870 : i32 to index
        %parallel_loop3A_2042 = arith.constant 48 : index
        %parallel_loop3A_2043 = tpu.vector_load %arg12[%parallel_loop3A_2040, %parallel_loop3A_2041, %parallel_loop3A_2042] {strides = array<i32>} : memref<2x64x128xf32, #tpu.memory_space<vmem>>, vector<16xf32>,
        %parallel_loop3A_2044 = arith.index_cast %rem3A_54 : i32 to index
        %parallel_loop3A_2045 = arith.index_cast %parallel_loop3A_1870 : i32 to index
        %parallel_loop3A_2046 = arith.constant 112 : index
        %parallel_loop3A_2047 = tpu.vector_load %arg12[%parallel_loop3A_2044, %parallel_loop3A_2045, %parallel_loop3A_2046] {strides = array<i32>} : memref<2x64x128xf32, #tpu.memory_space<vmem>>, vector<16xf32>,
        %parallel_loop3A_2048 = arith.index_cast %rem3A_54 : i32 to index
        %parallel_loop3A_2049 = arith.index_cast %parallel_loop3A_1870 : i32 to index
        %parallel_loop3A_2050 = arith.constant 48 : index
        %parallel_loop3A_2051 = tpu.vector_load %arg13[%parallel_loop3A_2048, %parallel_loop3A_2049, %parallel_loop3A_2050] {strides = array<i32>} : memref<2x64x128xf32, #tpu.memory_space<vmem>>, vector<16xf32>,
        %parallel_loop3A_2052 = arith.index_cast %rem3A_54 : i32 to index
        %parallel_loop3A_2053 = arith.index_cast %parallel_loop3A_1870 : i32 to index
        %parallel_loop3A_2054 = arith.constant 112 : index
        %parallel_loop3A_2055 = tpu.vector_load %arg13[%parallel_loop3A_2052, %parallel_loop3A_2053, %parallel_loop3A_2054] {strides = array<i32>} : memref<2x64x128xf32, #tpu.memory_space<vmem>>, vector<16xf32>,
        %parallel_loop3A_2056 = arith.mulf %parallel_loop3A_2035, %parallel_loop3A_2051 : vector<16xf32>
        %parallel_loop3A_2057 = arith.mulf %parallel_loop3A_2039, %parallel_loop3A_2055 : vector<16xf32>
        %parallel_loop3A_2058 = arith.subf %parallel_loop3A_2056, %parallel_loop3A_2057 : vector<16xf32>
        %parallel_loop3A_2059 = arith.subf %parallel_loop3A_2058, %parallel_loop3A_2043 : vector<16xf32>
        %parallel_loop3A_2060 = arith.mulf %parallel_loop3A_2035, %parallel_loop3A_2055 : vector<16xf32>
        %parallel_loop3A_2061 = arith.mulf %parallel_loop3A_2039, %parallel_loop3A_2051 : vector<16xf32>
        %parallel_loop3A_2062 = arith.addf %parallel_loop3A_2060, %parallel_loop3A_2061 : vector<16xf32>
        %parallel_loop3A_2063 = arith.subf %parallel_loop3A_2062, %parallel_loop3A_2047 : vector<16xf32>
        %parallel_loop3A_2064 = arith.mulf %parallel_loop3A_2059, %parallel_loop3A_2059 : vector<16xf32>
        %parallel_loop3A_2065 = arith.mulf %parallel_loop3A_2063, %parallel_loop3A_2063 : vector<16xf32>
        %parallel_loop3A_2066 = arith.addf %parallel_loop3A_2064, %parallel_loop3A_2065 : vector<16xf32>
        %parallel_loop3A_2067 = tpu.bitcast %parallel_loop3A_2066 : vector<16xf32> -> vector<16xi32>
        %parallel_loop3A_2068 = arith.constant 1 : i32
        %parallel_loop3A_2069 = vector.broadcast %parallel_loop3A_2068 : i32 to vector<16xi32>
        %parallel_loop3A_2070 = arith.shrsi %parallel_loop3A_2067, %parallel_loop3A_2069 : vector<16xi32>
        %parallel_loop3A_2071 = arith.constant 1597463007 : i32
        %parallel_loop3A_2072 = vector.broadcast %parallel_loop3A_2071 : i32 to vector<16xi32>
        %parallel_loop3A_2073 = arith.subi %parallel_loop3A_2072, %parallel_loop3A_2070 : vector<16xi32>
        %parallel_loop3A_2074 = tpu.bitcast %parallel_loop3A_2073 : vector<16xi32> -> vector<16xf32>
        %parallel_loop3A_2075 = arith.mulf %parallel_loop3A_2066, %parallel_loop3A_2074 : vector<16xf32>
        %parallel_loop3A_2076 = arith.mulf %parallel_loop3A_2074, %parallel_loop3A_2075 : vector<16xf32>
        %parallel_loop3A_2077 = arith.constant -5.000000e-01 : f32
        %parallel_loop3A_2078 = vector.broadcast %parallel_loop3A_2077 : f32 to vector<16xf32>
        %parallel_loop3A_2079 = arith.mulf %parallel_loop3A_2076, %parallel_loop3A_2078 : vector<16xf32>
        %parallel_loop3A_2080 = arith.constant 1.500000e+00 : f32
        %parallel_loop3A_2081 = vector.broadcast %parallel_loop3A_2080 : f32 to vector<16xf32>
        %parallel_loop3A_2082 = arith.addf %parallel_loop3A_2079, %parallel_loop3A_2081 : vector<16xf32>
        %parallel_loop3A_2083 = arith.mulf %parallel_loop3A_2075, %parallel_loop3A_2082 : vector<16xf32>
        %parallel_loop3A_2084 = arith.addf %parallel_loop3A_2031, %parallel_loop3A_2083 : vector<16xf32>
        %parallel_loop3A_2085 = arith.constant 128 : i32
        %parallel_loop3A_2086 = arith.addi %parallel_loop3A_90, %parallel_loop3A_2085 : i32
        %parallel_loop3A_2087 = arith.index_cast %parallel_loop3A_2086 : i32 to index
        %parallel_loop3A_2088 = tpu.vector_load %arg14[%parallel_loop3A_2087] {strides = array<i32>} : memref<1024xf32, #tpu.memory_space<vmem>>, vector<16xf32>,
        tpu.vector_store %arg14[%parallel_loop3A_2087], %parallel_loop3A_2084 {strides = array<i32>} : memref<1024xf32, #tpu.memory_space<vmem>>, vector<16xf32>,
        %parallel_loop3A_2089 = arith.constant 16 : i32
        %parallel_loop3A_2090 = arith.muli %parallel_loop3A_88, %parallel_loop3A_2089 : i32
        %parallel_loop3A_2091 = arith.constant 9 : i32
        %parallel_loop3A_2092 = arith.addi %parallel_loop3A_2090, %parallel_loop3A_2091 : i32
        %parallel_loop3A_2093 = arith.constant 0.000000e+00 : f32
        %parallel_loop3A_2094 = vector.broadcast %parallel_loop3A_2093 : f32 to vector<16xf32>
        %parallel_loop3A_2095 = arith.index_cast %rem3A_54 : i32 to index
        %parallel_loop3A_2096 = arith.index_cast %parallel_loop3A_2092 : i32 to index
        %parallel_loop3A_2097 = arith.constant 0 : index
        %parallel_loop3A_2098 = tpu.vector_load %arg11[%parallel_loop3A_2095, %parallel_loop3A_2096, %parallel_loop3A_2097] {strides = array<i32>} : memref<2x64x128xf32, #tpu.memory_space<vmem>>, vector<16xf32>,
        %parallel_loop3A_2099 = arith.index_cast %rem3A_54 : i32 to index
        %parallel_loop3A_2100 = arith.index_cast %parallel_loop3A_2092 : i32 to index
        %parallel_loop3A_2101 = arith.constant 64 : index
        %parallel_loop3A_2102 = tpu.vector_load %arg11[%parallel_loop3A_2099, %parallel_loop3A_2100, %parallel_loop3A_2101] {strides = array<i32>} : memref<2x64x128xf32, #tpu.memory_space<vmem>>, vector<16xf32>,
        %parallel_loop3A_2103 = arith.index_cast %rem3A_54 : i32 to index
        %parallel_loop3A_2104 = arith.index_cast %parallel_loop3A_2092 : i32 to index
        %parallel_loop3A_2105 = arith.constant 0 : index
        %parallel_loop3A_2106 = tpu.vector_load %arg12[%parallel_loop3A_2103, %parallel_loop3A_2104, %parallel_loop3A_2105] {strides = array<i32>} : memref<2x64x128xf32, #tpu.memory_space<vmem>>, vector<16xf32>,
        %parallel_loop3A_2107 = arith.index_cast %rem3A_54 : i32 to index
        %parallel_loop3A_2108 = arith.index_cast %parallel_loop3A_2092 : i32 to index
        %parallel_loop3A_2109 = arith.constant 64 : index
        %parallel_loop3A_2110 = tpu.vector_load %arg12[%parallel_loop3A_2107, %parallel_loop3A_2108, %parallel_loop3A_2109] {strides = array<i32>} : memref<2x64x128xf32, #tpu.memory_space<vmem>>, vector<16xf32>,
        %parallel_loop3A_2111 = arith.index_cast %rem3A_54 : i32 to index
        %parallel_loop3A_2112 = arith.index_cast %parallel_loop3A_2092 : i32 to index
        %parallel_loop3A_2113 = arith.constant 0 : index
        %parallel_loop3A_2114 = tpu.vector_load %arg13[%parallel_loop3A_2111, %parallel_loop3A_2112, %parallel_loop3A_2113] {strides = array<i32>} : memref<2x64x128xf32, #tpu.memory_space<vmem>>, vector<16xf32>,
        %parallel_loop3A_2115 = arith.index_cast %rem3A_54 : i32 to index
        %parallel_loop3A_2116 = arith.index_cast %parallel_loop3A_2092 : i32 to index
        %parallel_loop3A_2117 = arith.constant 64 : index
        %parallel_loop3A_2118 = tpu.vector_load %arg13[%parallel_loop3A_2115, %parallel_loop3A_2116, %parallel_loop3A_2117] {strides = array<i32>} : memref<2x64x128xf32, #tpu.memory_space<vmem>>, vector<16xf32>,
        %parallel_loop3A_2119 = arith.mulf %parallel_loop3A_2098, %parallel_loop3A_2114 : vector<16xf32>
        %parallel_loop3A_2120 = arith.mulf %parallel_loop3A_2102, %parallel_loop3A_2118 : vector<16xf32>
        %parallel_loop3A_2121 = arith.subf %parallel_loop3A_2119, %parallel_loop3A_2120 : vector<16xf32>
        %parallel_loop3A_2122 = arith.subf %parallel_loop3A_2121, %parallel_loop3A_2106 : vector<16xf32>
        %parallel_loop3A_2123 = arith.mulf %parallel_loop3A_2098, %parallel_loop3A_2118 : vector<16xf32>
        %parallel_loop3A_2124 = arith.mulf %parallel_loop3A_2102, %parallel_loop3A_2114 : vector<16xf32>
        %parallel_loop3A_2125 = arith.addf %parallel_loop3A_2123, %parallel_loop3A_2124 : vector<16xf32>
        %parallel_loop3A_2126 = arith.subf %parallel_loop3A_2125, %parallel_loop3A_2110 : vector<16xf32>
        %parallel_loop3A_2127 = arith.mulf %parallel_loop3A_2122, %parallel_loop3A_2122 : vector<16xf32>
        %parallel_loop3A_2128 = arith.mulf %parallel_loop3A_2126, %parallel_loop3A_2126 : vector<16xf32>
        %parallel_loop3A_2129 = arith.addf %parallel_loop3A_2127, %parallel_loop3A_2128 : vector<16xf32>
        %parallel_loop3A_2130 = tpu.bitcast %parallel_loop3A_2129 : vector<16xf32> -> vector<16xi32>
        %parallel_loop3A_2131 = arith.constant 1 : i32
        %parallel_loop3A_2132 = vector.broadcast %parallel_loop3A_2131 : i32 to vector<16xi32>
        %parallel_loop3A_2133 = arith.shrsi %parallel_loop3A_2130, %parallel_loop3A_2132 : vector<16xi32>
        %parallel_loop3A_2134 = arith.constant 1597463007 : i32
        %parallel_loop3A_2135 = vector.broadcast %parallel_loop3A_2134 : i32 to vector<16xi32>
        %parallel_loop3A_2136 = arith.subi %parallel_loop3A_2135, %parallel_loop3A_2133 : vector<16xi32>
        %parallel_loop3A_2137 = tpu.bitcast %parallel_loop3A_2136 : vector<16xi32> -> vector<16xf32>
        %parallel_loop3A_2138 = arith.mulf %parallel_loop3A_2129, %parallel_loop3A_2137 : vector<16xf32>
        %parallel_loop3A_2139 = arith.mulf %parallel_loop3A_2137, %parallel_loop3A_2138 : vector<16xf32>
        %parallel_loop3A_2140 = arith.constant -5.000000e-01 : f32
        %parallel_loop3A_2141 = vector.broadcast %parallel_loop3A_2140 : f32 to vector<16xf32>
        %parallel_loop3A_2142 = arith.mulf %parallel_loop3A_2139, %parallel_loop3A_2141 : vector<16xf32>
        %parallel_loop3A_2143 = arith.constant 1.500000e+00 : f32
        %parallel_loop3A_2144 = vector.broadcast %parallel_loop3A_2143 : f32 to vector<16xf32>
        %parallel_loop3A_2145 = arith.addf %parallel_loop3A_2142, %parallel_loop3A_2144 : vector<16xf32>
        %parallel_loop3A_2146 = arith.mulf %parallel_loop3A_2138, %parallel_loop3A_2145 : vector<16xf32>
        %parallel_loop3A_2147 = arith.addf %parallel_loop3A_2094, %parallel_loop3A_2146 : vector<16xf32>
        %parallel_loop3A_2148 = arith.index_cast %rem3A_54 : i32 to index
        %parallel_loop3A_2149 = arith.index_cast %parallel_loop3A_2092 : i32 to index
        %parallel_loop3A_2150 = arith.constant 16 : index
        %parallel_loop3A_2151 = tpu.vector_load %arg11[%parallel_loop3A_2148, %parallel_loop3A_2149, %parallel_loop3A_2150] {strides = array<i32>} : memref<2x64x128xf32, #tpu.memory_space<vmem>>, vector<16xf32>,
        %parallel_loop3A_2152 = arith.index_cast %rem3A_54 : i32 to index
        %parallel_loop3A_2153 = arith.index_cast %parallel_loop3A_2092 : i32 to index
        %parallel_loop3A_2154 = arith.constant 80 : index
        %parallel_loop3A_2155 = tpu.vector_load %arg11[%parallel_loop3A_2152, %parallel_loop3A_2153, %parallel_loop3A_2154] {strides = array<i32>} : memref<2x64x128xf32, #tpu.memory_space<vmem>>, vector<16xf32>,
        %parallel_loop3A_2156 = arith.index_cast %rem3A_54 : i32 to index
        %parallel_loop3A_2157 = arith.index_cast %parallel_loop3A_2092 : i32 to index
        %parallel_loop3A_2158 = arith.constant 16 : index
        %parallel_loop3A_2159 = tpu.vector_load %arg12[%parallel_loop3A_2156, %parallel_loop3A_2157, %parallel_loop3A_2158] {strides = array<i32>} : memref<2x64x128xf32, #tpu.memory_space<vmem>>, vector<16xf32>,
        %parallel_loop3A_2160 = arith.index_cast %rem3A_54 : i32 to index
        %parallel_loop3A_2161 = arith.index_cast %parallel_loop3A_2092 : i32 to index
        %parallel_loop3A_2162 = arith.constant 80 : index
        %parallel_loop3A_2163 = tpu.vector_load %arg12[%parallel_loop3A_2160, %parallel_loop3A_2161, %parallel_loop3A_2162] {strides = array<i32>} : memref<2x64x128xf32, #tpu.memory_space<vmem>>, vector<16xf32>,
        %parallel_loop3A_2164 = arith.index_cast %rem3A_54 : i32 to index
        %parallel_loop3A_2165 = arith.index_cast %parallel_loop3A_2092 : i32 to index
        %parallel_loop3A_2166 = arith.constant 16 : index
        %parallel_loop3A_2167 = tpu.vector_load %arg13[%parallel_loop3A_2164, %parallel_loop3A_2165, %parallel_loop3A_2166] {strides = array<i32>} : memref<2x64x128xf32, #tpu.memory_space<vmem>>, vector<16xf32>,
        %parallel_loop3A_2168 = arith.index_cast %rem3A_54 : i32 to index
        %parallel_loop3A_2169 = arith.index_cast %parallel_loop3A_2092 : i32 to index
        %parallel_loop3A_2170 = arith.constant 80 : index
        %parallel_loop3A_2171 = tpu.vector_load %arg13[%parallel_loop3A_2168, %parallel_loop3A_2169, %parallel_loop3A_2170] {strides = array<i32>} : memref<2x64x128xf32, #tpu.memory_space<vmem>>, vector<16xf32>,
        %parallel_loop3A_2172 = arith.mulf %parallel_loop3A_2151, %parallel_loop3A_2167 : vector<16xf32>
        %parallel_loop3A_2173 = arith.mulf %parallel_loop3A_2155, %parallel_loop3A_2171 : vector<16xf32>
        %parallel_loop3A_2174 = arith.subf %parallel_loop3A_2172, %parallel_loop3A_2173 : vector<16xf32>
        %parallel_loop3A_2175 = arith.subf %parallel_loop3A_2174, %parallel_loop3A_2159 : vector<16xf32>
        %parallel_loop3A_2176 = arith.mulf %parallel_loop3A_2151, %parallel_loop3A_2171 : vector<16xf32>
        %parallel_loop3A_2177 = arith.mulf %parallel_loop3A_2155, %parallel_loop3A_2167 : vector<16xf32>
        %parallel_loop3A_2178 = arith.addf %parallel_loop3A_2176, %parallel_loop3A_2177 : vector<16xf32>
        %parallel_loop3A_2179 = arith.subf %parallel_loop3A_2178, %parallel_loop3A_2163 : vector<16xf32>
        %parallel_loop3A_2180 = arith.mulf %parallel_loop3A_2175, %parallel_loop3A_2175 : vector<16xf32>
        %parallel_loop3A_2181 = arith.mulf %parallel_loop3A_2179, %parallel_loop3A_2179 : vector<16xf32>
        %parallel_loop3A_2182 = arith.addf %parallel_loop3A_2180, %parallel_loop3A_2181 : vector<16xf32>
        %parallel_loop3A_2183 = tpu.bitcast %parallel_loop3A_2182 : vector<16xf32> -> vector<16xi32>
        %parallel_loop3A_2184 = arith.constant 1 : i32
        %parallel_loop3A_2185 = vector.broadcast %parallel_loop3A_2184 : i32 to vector<16xi32>
        %parallel_loop3A_2186 = arith.shrsi %parallel_loop3A_2183, %parallel_loop3A_2185 : vector<16xi32>
        %parallel_loop3A_2187 = arith.constant 1597463007 : i32
        %parallel_loop3A_2188 = vector.broadcast %parallel_loop3A_2187 : i32 to vector<16xi32>
        %parallel_loop3A_2189 = arith.subi %parallel_loop3A_2188, %parallel_loop3A_2186 : vector<16xi32>
        %parallel_loop3A_2190 = tpu.bitcast %parallel_loop3A_2189 : vector<16xi32> -> vector<16xf32>
        %parallel_loop3A_2191 = arith.mulf %parallel_loop3A_2182, %parallel_loop3A_2190 : vector<16xf32>
        %parallel_loop3A_2192 = arith.mulf %parallel_loop3A_2190, %parallel_loop3A_2191 : vector<16xf32>
        %parallel_loop3A_2193 = arith.constant -5.000000e-01 : f32
        %parallel_loop3A_2194 = vector.broadcast %parallel_loop3A_2193 : f32 to vector<16xf32>
        %parallel_loop3A_2195 = arith.mulf %parallel_loop3A_2192, %parallel_loop3A_2194 : vector<16xf32>
        %parallel_loop3A_2196 = arith.constant 1.500000e+00 : f32
        %parallel_loop3A_2197 = vector.broadcast %parallel_loop3A_2196 : f32 to vector<16xf32>
        %parallel_loop3A_2198 = arith.addf %parallel_loop3A_2195, %parallel_loop3A_2197 : vector<16xf32>
        %parallel_loop3A_2199 = arith.mulf %parallel_loop3A_2191, %parallel_loop3A_2198 : vector<16xf32>
        %parallel_loop3A_2200 = arith.addf %parallel_loop3A_2147, %parallel_loop3A_2199 : vector<16xf32>
        %parallel_loop3A_2201 = arith.index_cast %rem3A_54 : i32 to index
        %parallel_loop3A_2202 = arith.index_cast %parallel_loop3A_2092 : i32 to index
        %parallel_loop3A_2203 = arith.constant 32 : index
        %parallel_loop3A_2204 = tpu.vector_load %arg11[%parallel_loop3A_2201, %parallel_loop3A_2202, %parallel_loop3A_2203] {strides = array<i32>} : memref<2x64x128xf32, #tpu.memory_space<vmem>>, vector<16xf32>,
        %parallel_loop3A_2205 = arith.index_cast %rem3A_54 : i32 to index
        %parallel_loop3A_2206 = arith.index_cast %parallel_loop3A_2092 : i32 to index
        %parallel_loop3A_2207 = arith.constant 96 : index
        %parallel_loop3A_2208 = tpu.vector_load %arg11[%parallel_loop3A_2205, %parallel_loop3A_2206, %parallel_loop3A_2207] {strides = array<i32>} : memref<2x64x128xf32, #tpu.memory_space<vmem>>, vector<16xf32>,
        %parallel_loop3A_2209 = arith.index_cast %rem3A_54 : i32 to index
        %parallel_loop3A_2210 = arith.index_cast %parallel_loop3A_2092 : i32 to index
        %parallel_loop3A_2211 = arith.constant 32 : index
        %parallel_loop3A_2212 = tpu.vector_load %arg12[%parallel_loop3A_2209, %parallel_loop3A_2210, %parallel_loop3A_2211] {strides = array<i32>} : memref<2x64x128xf32, #tpu.memory_space<vmem>>, vector<16xf32>,
        %parallel_loop3A_2213 = arith.index_cast %rem3A_54 : i32 to index
        %parallel_loop3A_2214 = arith.index_cast %parallel_loop3A_2092 : i32 to index
        %parallel_loop3A_2215 = arith.constant 96 : index
        %parallel_loop3A_2216 = tpu.vector_load %arg12[%parallel_loop3A_2213, %parallel_loop3A_2214, %parallel_loop3A_2215] {strides = array<i32>} : memref<2x64x128xf32, #tpu.memory_space<vmem>>, vector<16xf32>,
        %parallel_loop3A_2217 = arith.index_cast %rem3A_54 : i32 to index
        %parallel_loop3A_2218 = arith.index_cast %parallel_loop3A_2092 : i32 to index
        %parallel_loop3A_2219 = arith.constant 32 : index
        %parallel_loop3A_2220 = tpu.vector_load %arg13[%parallel_loop3A_2217, %parallel_loop3A_2218, %parallel_loop3A_2219] {strides = array<i32>} : memref<2x64x128xf32, #tpu.memory_space<vmem>>, vector<16xf32>,
        %parallel_loop3A_2221 = arith.index_cast %rem3A_54 : i32 to index
        %parallel_loop3A_2222 = arith.index_cast %parallel_loop3A_2092 : i32 to index
        %parallel_loop3A_2223 = arith.constant 96 : index
        %parallel_loop3A_2224 = tpu.vector_load %arg13[%parallel_loop3A_2221, %parallel_loop3A_2222, %parallel_loop3A_2223] {strides = array<i32>} : memref<2x64x128xf32, #tpu.memory_space<vmem>>, vector<16xf32>,
        %parallel_loop3A_2225 = arith.mulf %parallel_loop3A_2204, %parallel_loop3A_2220 : vector<16xf32>
        %parallel_loop3A_2226 = arith.mulf %parallel_loop3A_2208, %parallel_loop3A_2224 : vector<16xf32>
        %parallel_loop3A_2227 = arith.subf %parallel_loop3A_2225, %parallel_loop3A_2226 : vector<16xf32>
        %parallel_loop3A_2228 = arith.subf %parallel_loop3A_2227, %parallel_loop3A_2212 : vector<16xf32>
        %parallel_loop3A_2229 = arith.mulf %parallel_loop3A_2204, %parallel_loop3A_2224 : vector<16xf32>
        %parallel_loop3A_2230 = arith.mulf %parallel_loop3A_2208, %parallel_loop3A_2220 : vector<16xf32>
        %parallel_loop3A_2231 = arith.addf %parallel_loop3A_2229, %parallel_loop3A_2230 : vector<16xf32>
        %parallel_loop3A_2232 = arith.subf %parallel_loop3A_2231, %parallel_loop3A_2216 : vector<16xf32>
        %parallel_loop3A_2233 = arith.mulf %parallel_loop3A_2228, %parallel_loop3A_2228 : vector<16xf32>
        %parallel_loop3A_2234 = arith.mulf %parallel_loop3A_2232, %parallel_loop3A_2232 : vector<16xf32>
        %parallel_loop3A_2235 = arith.addf %parallel_loop3A_2233, %parallel_loop3A_2234 : vector<16xf32>
        %parallel_loop3A_2236 = tpu.bitcast %parallel_loop3A_2235 : vector<16xf32> -> vector<16xi32>
        %parallel_loop3A_2237 = arith.constant 1 : i32
        %parallel_loop3A_2238 = vector.broadcast %parallel_loop3A_2237 : i32 to vector<16xi32>
        %parallel_loop3A_2239 = arith.shrsi %parallel_loop3A_2236, %parallel_loop3A_2238 : vector<16xi32>
        %parallel_loop3A_2240 = arith.constant 1597463007 : i32
        %parallel_loop3A_2241 = vector.broadcast %parallel_loop3A_2240 : i32 to vector<16xi32>
        %parallel_loop3A_2242 = arith.subi %parallel_loop3A_2241, %parallel_loop3A_2239 : vector<16xi32>
        %parallel_loop3A_2243 = tpu.bitcast %parallel_loop3A_2242 : vector<16xi32> -> vector<16xf32>
        %parallel_loop3A_2244 = arith.mulf %parallel_loop3A_2235, %parallel_loop3A_2243 : vector<16xf32>
        %parallel_loop3A_2245 = arith.mulf %parallel_loop3A_2243, %parallel_loop3A_2244 : vector<16xf32>
        %parallel_loop3A_2246 = arith.constant -5.000000e-01 : f32
        %parallel_loop3A_2247 = vector.broadcast %parallel_loop3A_2246 : f32 to vector<16xf32>
        %parallel_loop3A_2248 = arith.mulf %parallel_loop3A_2245, %parallel_loop3A_2247 : vector<16xf32>
        %parallel_loop3A_2249 = arith.constant 1.500000e+00 : f32
        %parallel_loop3A_2250 = vector.broadcast %parallel_loop3A_2249 : f32 to vector<16xf32>
        %parallel_loop3A_2251 = arith.addf %parallel_loop3A_2248, %parallel_loop3A_2250 : vector<16xf32>
        %parallel_loop3A_2252 = arith.mulf %parallel_loop3A_2244, %parallel_loop3A_2251 : vector<16xf32>
        %parallel_loop3A_2253 = arith.addf %parallel_loop3A_2200, %parallel_loop3A_2252 : vector<16xf32>
        %parallel_loop3A_2254 = arith.index_cast %rem3A_54 : i32 to index
        %parallel_loop3A_2255 = arith.index_cast %parallel_loop3A_2092 : i32 to index
        %parallel_loop3A_2256 = arith.constant 48 : index
        %parallel_loop3A_2257 = tpu.vector_load %arg11[%parallel_loop3A_2254, %parallel_loop3A_2255, %parallel_loop3A_2256] {strides = array<i32>} : memref<2x64x128xf32, #tpu.memory_space<vmem>>, vector<16xf32>,
        %parallel_loop3A_2258 = arith.index_cast %rem3A_54 : i32 to index
        %parallel_loop3A_2259 = arith.index_cast %parallel_loop3A_2092 : i32 to index
        %parallel_loop3A_2260 = arith.constant 112 : index
        %parallel_loop3A_2261 = tpu.vector_load %arg11[%parallel_loop3A_2258, %parallel_loop3A_2259, %parallel_loop3A_2260] {strides = array<i32>} : memref<2x64x128xf32, #tpu.memory_space<vmem>>, vector<16xf32>,
        %parallel_loop3A_2262 = arith.index_cast %rem3A_54 : i32 to index
        %parallel_loop3A_2263 = arith.index_cast %parallel_loop3A_2092 : i32 to index
        %parallel_loop3A_2264 = arith.constant 48 : index
        %parallel_loop3A_2265 = tpu.vector_load %arg12[%parallel_loop3A_2262, %parallel_loop3A_2263, %parallel_loop3A_2264] {strides = array<i32>} : memref<2x64x128xf32, #tpu.memory_space<vmem>>, vector<16xf32>,
        %parallel_loop3A_2266 = arith.index_cast %rem3A_54 : i32 to index
        %parallel_loop3A_2267 = arith.index_cast %parallel_loop3A_2092 : i32 to index
        %parallel_loop3A_2268 = arith.constant 112 : index
        %parallel_loop3A_2269 = tpu.vector_load %arg12[%parallel_loop3A_2266, %parallel_loop3A_2267, %parallel_loop3A_2268] {strides = array<i32>} : memref<2x64x128xf32, #tpu.memory_space<vmem>>, vector<16xf32>,
        %parallel_loop3A_2270 = arith.index_cast %rem3A_54 : i32 to index
        %parallel_loop3A_2271 = arith.index_cast %parallel_loop3A_2092 : i32 to index
        %parallel_loop3A_2272 = arith.constant 48 : index
        %parallel_loop3A_2273 = tpu.vector_load %arg13[%parallel_loop3A_2270, %parallel_loop3A_2271, %parallel_loop3A_2272] {strides = array<i32>} : memref<2x64x128xf32, #tpu.memory_space<vmem>>, vector<16xf32>,
        %parallel_loop3A_2274 = arith.index_cast %rem3A_54 : i32 to index
        %parallel_loop3A_2275 = arith.index_cast %parallel_loop3A_2092 : i32 to index
        %parallel_loop3A_2276 = arith.constant 112 : index
        %parallel_loop3A_2277 = tpu.vector_load %arg13[%parallel_loop3A_2274, %parallel_loop3A_2275, %parallel_loop3A_2276] {strides = array<i32>} : memref<2x64x128xf32, #tpu.memory_space<vmem>>, vector<16xf32>,
        %parallel_loop3A_2278 = arith.mulf %parallel_loop3A_2257, %parallel_loop3A_2273 : vector<16xf32>
        %parallel_loop3A_2279 = arith.mulf %parallel_loop3A_2261, %parallel_loop3A_2277 : vector<16xf32>
        %parallel_loop3A_2280 = arith.subf %parallel_loop3A_2278, %parallel_loop3A_2279 : vector<16xf32>
        %parallel_loop3A_2281 = arith.subf %parallel_loop3A_2280, %parallel_loop3A_2265 : vector<16xf32>
        %parallel_loop3A_2282 = arith.mulf %parallel_loop3A_2257, %parallel_loop3A_2277 : vector<16xf32>
        %parallel_loop3A_2283 = arith.mulf %parallel_loop3A_2261, %parallel_loop3A_2273 : vector<16xf32>
        %parallel_loop3A_2284 = arith.addf %parallel_loop3A_2282, %parallel_loop3A_2283 : vector<16xf32>
        %parallel_loop3A_2285 = arith.subf %parallel_loop3A_2284, %parallel_loop3A_2269 : vector<16xf32>
        %parallel_loop3A_2286 = arith.mulf %parallel_loop3A_2281, %parallel_loop3A_2281 : vector<16xf32>
        %parallel_loop3A_2287 = arith.mulf %parallel_loop3A_2285, %parallel_loop3A_2285 : vector<16xf32>
        %parallel_loop3A_2288 = arith.addf %parallel_loop3A_2286, %parallel_loop3A_2287 : vector<16xf32>
        %parallel_loop3A_2289 = tpu.bitcast %parallel_loop3A_2288 : vector<16xf32> -> vector<16xi32>
        %parallel_loop3A_2290 = arith.constant 1 : i32
        %parallel_loop3A_2291 = vector.broadcast %parallel_loop3A_2290 : i32 to vector<16xi32>
        %parallel_loop3A_2292 = arith.shrsi %parallel_loop3A_2289, %parallel_loop3A_2291 : vector<16xi32>
        %parallel_loop3A_2293 = arith.constant 1597463007 : i32
        %parallel_loop3A_2294 = vector.broadcast %parallel_loop3A_2293 : i32 to vector<16xi32>
        %parallel_loop3A_2295 = arith.subi %parallel_loop3A_2294, %parallel_loop3A_2292 : vector<16xi32>
        %parallel_loop3A_2296 = tpu.bitcast %parallel_loop3A_2295 : vector<16xi32> -> vector<16xf32>
        %parallel_loop3A_2297 = arith.mulf %parallel_loop3A_2288, %parallel_loop3A_2296 : vector<16xf32>
        %parallel_loop3A_2298 = arith.mulf %parallel_loop3A_2296, %parallel_loop3A_2297 : vector<16xf32>
        %parallel_loop3A_2299 = arith.constant -5.000000e-01 : f32
        %parallel_loop3A_2300 = vector.broadcast %parallel_loop3A_2299 : f32 to vector<16xf32>
        %parallel_loop3A_2301 = arith.mulf %parallel_loop3A_2298, %parallel_loop3A_2300 : vector<16xf32>
        %parallel_loop3A_2302 = arith.constant 1.500000e+00 : f32
        %parallel_loop3A_2303 = vector.broadcast %parallel_loop3A_2302 : f32 to vector<16xf32>
        %parallel_loop3A_2304 = arith.addf %parallel_loop3A_2301, %parallel_loop3A_2303 : vector<16xf32>
        %parallel_loop3A_2305 = arith.mulf %parallel_loop3A_2297, %parallel_loop3A_2304 : vector<16xf32>
        %parallel_loop3A_2306 = arith.addf %parallel_loop3A_2253, %parallel_loop3A_2305 : vector<16xf32>
        %parallel_loop3A_2307 = arith.constant 144 : i32
        %parallel_loop3A_2308 = arith.addi %parallel_loop3A_90, %parallel_loop3A_2307 : i32
        %parallel_loop3A_2309 = arith.index_cast %parallel_loop3A_2308 : i32 to index
        %parallel_loop3A_2310 = tpu.vector_load %arg14[%parallel_loop3A_2309] {strides = array<i32>} : memref<1024xf32, #tpu.memory_space<vmem>>, vector<16xf32>,
        tpu.vector_store %arg14[%parallel_loop3A_2309], %parallel_loop3A_2306 {strides = array<i32>} : memref<1024xf32, #tpu.memory_space<vmem>>, vector<16xf32>,
        %parallel_loop3A_2311 = arith.constant 16 : i32
        %parallel_loop3A_2312 = arith.muli %parallel_loop3A_88, %parallel_loop3A_2311 : i32
        %parallel_loop3A_2313 = arith.constant 10 : i32
        %parallel_loop3A_2314 = arith.addi %parallel_loop3A_2312, %parallel_loop3A_2313 : i32
        %parallel_loop3A_2315 = arith.constant 0.000000e+00 : f32
        %parallel_loop3A_2316 = vector.broadcast %parallel_loop3A_2315 : f32 to vector<16xf32>
        %parallel_loop3A_2317 = arith.index_cast %rem3A_54 : i32 to index
        %parallel_loop3A_2318 = arith.index_cast %parallel_loop3A_2314 : i32 to index
        %parallel_loop3A_2319 = arith.constant 0 : index
        %parallel_loop3A_2320 = tpu.vector_load %arg11[%parallel_loop3A_2317, %parallel_loop3A_2318, %parallel_loop3A_2319] {strides = array<i32>} : memref<2x64x128xf32, #tpu.memory_space<vmem>>, vector<16xf32>,
        %parallel_loop3A_2321 = arith.index_cast %rem3A_54 : i32 to index
        %parallel_loop3A_2322 = arith.index_cast %parallel_loop3A_2314 : i32 to index
        %parallel_loop3A_2323 = arith.constant 64 : index
        %parallel_loop3A_2324 = tpu.vector_load %arg11[%parallel_loop3A_2321, %parallel_loop3A_2322, %parallel_loop3A_2323] {strides = array<i32>} : memref<2x64x128xf32, #tpu.memory_space<vmem>>, vector<16xf32>,
        %parallel_loop3A_2325 = arith.index_cast %rem3A_54 : i32 to index
        %parallel_loop3A_2326 = arith.index_cast %parallel_loop3A_2314 : i32 to index
        %parallel_loop3A_2327 = arith.constant 0 : index
        %parallel_loop3A_2328 = tpu.vector_load %arg12[%parallel_loop3A_2325, %parallel_loop3A_2326, %parallel_loop3A_2327] {strides = array<i32>} : memref<2x64x128xf32, #tpu.memory_space<vmem>>, vector<16xf32>,
        %parallel_loop3A_2329 = arith.index_cast %rem3A_54 : i32 to index
        %parallel_loop3A_2330 = arith.index_cast %parallel_loop3A_2314 : i32 to index
        %parallel_loop3A_2331 = arith.constant 64 : index
        %parallel_loop3A_2332 = tpu.vector_load %arg12[%parallel_loop3A_2329, %parallel_loop3A_2330, %parallel_loop3A_2331] {strides = array<i32>} : memref<2x64x128xf32, #tpu.memory_space<vmem>>, vector<16xf32>,
        %parallel_loop3A_2333 = arith.index_cast %rem3A_54 : i32 to index
        %parallel_loop3A_2334 = arith.index_cast %parallel_loop3A_2314 : i32 to index
        %parallel_loop3A_2335 = arith.constant 0 : index
        %parallel_loop3A_2336 = tpu.vector_load %arg13[%parallel_loop3A_2333, %parallel_loop3A_2334, %parallel_loop3A_2335] {strides = array<i32>} : memref<2x64x128xf32, #tpu.memory_space<vmem>>, vector<16xf32>,
        %parallel_loop3A_2337 = arith.index_cast %rem3A_54 : i32 to index
        %parallel_loop3A_2338 = arith.index_cast %parallel_loop3A_2314 : i32 to index
        %parallel_loop3A_2339 = arith.constant 64 : index
        %parallel_loop3A_2340 = tpu.vector_load %arg13[%parallel_loop3A_2337, %parallel_loop3A_2338, %parallel_loop3A_2339] {strides = array<i32>} : memref<2x64x128xf32, #tpu.memory_space<vmem>>, vector<16xf32>,
        %parallel_loop3A_2341 = arith.mulf %parallel_loop3A_2320, %parallel_loop3A_2336 : vector<16xf32>
        %parallel_loop3A_2342 = arith.mulf %parallel_loop3A_2324, %parallel_loop3A_2340 : vector<16xf32>
        %parallel_loop3A_2343 = arith.subf %parallel_loop3A_2341, %parallel_loop3A_2342 : vector<16xf32>
        %parallel_loop3A_2344 = arith.subf %parallel_loop3A_2343, %parallel_loop3A_2328 : vector<16xf32>
        %parallel_loop3A_2345 = arith.mulf %parallel_loop3A_2320, %parallel_loop3A_2340 : vector<16xf32>
        %parallel_loop3A_2346 = arith.mulf %parallel_loop3A_2324, %parallel_loop3A_2336 : vector<16xf32>
        %parallel_loop3A_2347 = arith.addf %parallel_loop3A_2345, %parallel_loop3A_2346 : vector<16xf32>
        %parallel_loop3A_2348 = arith.subf %parallel_loop3A_2347, %parallel_loop3A_2332 : vector<16xf32>
        %parallel_loop3A_2349 = arith.mulf %parallel_loop3A_2344, %parallel_loop3A_2344 : vector<16xf32>
        %parallel_loop3A_2350 = arith.mulf %parallel_loop3A_2348, %parallel_loop3A_2348 : vector<16xf32>
        %parallel_loop3A_2351 = arith.addf %parallel_loop3A_2349, %parallel_loop3A_2350 : vector<16xf32>
        %parallel_loop3A_2352 = tpu.bitcast %parallel_loop3A_2351 : vector<16xf32> -> vector<16xi32>
        %parallel_loop3A_2353 = arith.constant 1 : i32
        %parallel_loop3A_2354 = vector.broadcast %parallel_loop3A_2353 : i32 to vector<16xi32>
        %parallel_loop3A_2355 = arith.shrsi %parallel_loop3A_2352, %parallel_loop3A_2354 : vector<16xi32>
        %parallel_loop3A_2356 = arith.constant 1597463007 : i32
        %parallel_loop3A_2357 = vector.broadcast %parallel_loop3A_2356 : i32 to vector<16xi32>
        %parallel_loop3A_2358 = arith.subi %parallel_loop3A_2357, %parallel_loop3A_2355 : vector<16xi32>
        %parallel_loop3A_2359 = tpu.bitcast %parallel_loop3A_2358 : vector<16xi32> -> vector<16xf32>
        %parallel_loop3A_2360 = arith.mulf %parallel_loop3A_2351, %parallel_loop3A_2359 : vector<16xf32>
        %parallel_loop3A_2361 = arith.mulf %parallel_loop3A_2359, %parallel_loop3A_2360 : vector<16xf32>
        %parallel_loop3A_2362 = arith.constant -5.000000e-01 : f32
        %parallel_loop3A_2363 = vector.broadcast %parallel_loop3A_2362 : f32 to vector<16xf32>
        %parallel_loop3A_2364 = arith.mulf %parallel_loop3A_2361, %parallel_loop3A_2363 : vector<16xf32>
        %parallel_loop3A_2365 = arith.constant 1.500000e+00 : f32
        %parallel_loop3A_2366 = vector.broadcast %parallel_loop3A_2365 : f32 to vector<16xf32>
        %parallel_loop3A_2367 = arith.addf %parallel_loop3A_2364, %parallel_loop3A_2366 : vector<16xf32>
        %parallel_loop3A_2368 = arith.mulf %parallel_loop3A_2360, %parallel_loop3A_2367 : vector<16xf32>
        %parallel_loop3A_2369 = arith.addf %parallel_loop3A_2316, %parallel_loop3A_2368 : vector<16xf32>
        %parallel_loop3A_2370 = arith.index_cast %rem3A_54 : i32 to index
        %parallel_loop3A_2371 = arith.index_cast %parallel_loop3A_2314 : i32 to index
        %parallel_loop3A_2372 = arith.constant 16 : index
        %parallel_loop3A_2373 = tpu.vector_load %arg11[%parallel_loop3A_2370, %parallel_loop3A_2371, %parallel_loop3A_2372] {strides = array<i32>} : memref<2x64x128xf32, #tpu.memory_space<vmem>>, vector<16xf32>,
        %parallel_loop3A_2374 = arith.index_cast %rem3A_54 : i32 to index
        %parallel_loop3A_2375 = arith.index_cast %parallel_loop3A_2314 : i32 to index
        %parallel_loop3A_2376 = arith.constant 80 : index
        %parallel_loop3A_2377 = tpu.vector_load %arg11[%parallel_loop3A_2374, %parallel_loop3A_2375, %parallel_loop3A_2376] {strides = array<i32>} : memref<2x64x128xf32, #tpu.memory_space<vmem>>, vector<16xf32>,
        %parallel_loop3A_2378 = arith.index_cast %rem3A_54 : i32 to index
        %parallel_loop3A_2379 = arith.index_cast %parallel_loop3A_2314 : i32 to index
        %parallel_loop3A_2380 = arith.constant 16 : index
        %parallel_loop3A_2381 = tpu.vector_load %arg12[%parallel_loop3A_2378, %parallel_loop3A_2379, %parallel_loop3A_2380] {strides = array<i32>} : memref<2x64x128xf32, #tpu.memory_space<vmem>>, vector<16xf32>,
        %parallel_loop3A_2382 = arith.index_cast %rem3A_54 : i32 to index
        %parallel_loop3A_2383 = arith.index_cast %parallel_loop3A_2314 : i32 to index
        %parallel_loop3A_2384 = arith.constant 80 : index
        %parallel_loop3A_2385 = tpu.vector_load %arg12[%parallel_loop3A_2382, %parallel_loop3A_2383, %parallel_loop3A_2384] {strides = array<i32>} : memref<2x64x128xf32, #tpu.memory_space<vmem>>, vector<16xf32>,
        %parallel_loop3A_2386 = arith.index_cast %rem3A_54 : i32 to index
        %parallel_loop3A_2387 = arith.index_cast %parallel_loop3A_2314 : i32 to index
        %parallel_loop3A_2388 = arith.constant 16 : index
        %parallel_loop3A_2389 = tpu.vector_load %arg13[%parallel_loop3A_2386, %parallel_loop3A_2387, %parallel_loop3A_2388] {strides = array<i32>} : memref<2x64x128xf32, #tpu.memory_space<vmem>>, vector<16xf32>,
        %parallel_loop3A_2390 = arith.index_cast %rem3A_54 : i32 to index
        %parallel_loop3A_2391 = arith.index_cast %parallel_loop3A_2314 : i32 to index
        %parallel_loop3A_2392 = arith.constant 80 : index
        %parallel_loop3A_2393 = tpu.vector_load %arg13[%parallel_loop3A_2390, %parallel_loop3A_2391, %parallel_loop3A_2392] {strides = array<i32>} : memref<2x64x128xf32, #tpu.memory_space<vmem>>, vector<16xf32>,
        %parallel_loop3A_2394 = arith.mulf %parallel_loop3A_2373, %parallel_loop3A_2389 : vector<16xf32>
        %parallel_loop3A_2395 = arith.mulf %parallel_loop3A_2377, %parallel_loop3A_2393 : vector<16xf32>
        %parallel_loop3A_2396 = arith.subf %parallel_loop3A_2394, %parallel_loop3A_2395 : vector<16xf32>
        %parallel_loop3A_2397 = arith.subf %parallel_loop3A_2396, %parallel_loop3A_2381 : vector<16xf32>
        %parallel_loop3A_2398 = arith.mulf %parallel_loop3A_2373, %parallel_loop3A_2393 : vector<16xf32>
        %parallel_loop3A_2399 = arith.mulf %parallel_loop3A_2377, %parallel_loop3A_2389 : vector<16xf32>
        %parallel_loop3A_2400 = arith.addf %parallel_loop3A_2398, %parallel_loop3A_2399 : vector<16xf32>
        %parallel_loop3A_2401 = arith.subf %parallel_loop3A_2400, %parallel_loop3A_2385 : vector<16xf32>
        %parallel_loop3A_2402 = arith.mulf %parallel_loop3A_2397, %parallel_loop3A_2397 : vector<16xf32>
        %parallel_loop3A_2403 = arith.mulf %parallel_loop3A_2401, %parallel_loop3A_2401 : vector<16xf32>
        %parallel_loop3A_2404 = arith.addf %parallel_loop3A_2402, %parallel_loop3A_2403 : vector<16xf32>
        %parallel_loop3A_2405 = tpu.bitcast %parallel_loop3A_2404 : vector<16xf32> -> vector<16xi32>
        %parallel_loop3A_2406 = arith.constant 1 : i32
        %parallel_loop3A_2407 = vector.broadcast %parallel_loop3A_2406 : i32 to vector<16xi32>
        %parallel_loop3A_2408 = arith.shrsi %parallel_loop3A_2405, %parallel_loop3A_2407 : vector<16xi32>
        %parallel_loop3A_2409 = arith.constant 1597463007 : i32
        %parallel_loop3A_2410 = vector.broadcast %parallel_loop3A_2409 : i32 to vector<16xi32>
        %parallel_loop3A_2411 = arith.subi %parallel_loop3A_2410, %parallel_loop3A_2408 : vector<16xi32>
        %parallel_loop3A_2412 = tpu.bitcast %parallel_loop3A_2411 : vector<16xi32> -> vector<16xf32>
        %parallel_loop3A_2413 = arith.mulf %parallel_loop3A_2404, %parallel_loop3A_2412 : vector<16xf32>
        %parallel_loop3A_2414 = arith.mulf %parallel_loop3A_2412, %parallel_loop3A_2413 : vector<16xf32>
        %parallel_loop3A_2415 = arith.constant -5.000000e-01 : f32
        %parallel_loop3A_2416 = vector.broadcast %parallel_loop3A_2415 : f32 to vector<16xf32>
        %parallel_loop3A_2417 = arith.mulf %parallel_loop3A_2414, %parallel_loop3A_2416 : vector<16xf32>
        %parallel_loop3A_2418 = arith.constant 1.500000e+00 : f32
        %parallel_loop3A_2419 = vector.broadcast %parallel_loop3A_2418 : f32 to vector<16xf32>
        %parallel_loop3A_2420 = arith.addf %parallel_loop3A_2417, %parallel_loop3A_2419 : vector<16xf32>
        %parallel_loop3A_2421 = arith.mulf %parallel_loop3A_2413, %parallel_loop3A_2420 : vector<16xf32>
        %parallel_loop3A_2422 = arith.addf %parallel_loop3A_2369, %parallel_loop3A_2421 : vector<16xf32>
        %parallel_loop3A_2423 = arith.index_cast %rem3A_54 : i32 to index
        %parallel_loop3A_2424 = arith.index_cast %parallel_loop3A_2314 : i32 to index
        %parallel_loop3A_2425 = arith.constant 32 : index
        %parallel_loop3A_2426 = tpu.vector_load %arg11[%parallel_loop3A_2423, %parallel_loop3A_2424, %parallel_loop3A_2425] {strides = array<i32>} : memref<2x64x128xf32, #tpu.memory_space<vmem>>, vector<16xf32>,
        %parallel_loop3A_2427 = arith.index_cast %rem3A_54 : i32 to index
        %parallel_loop3A_2428 = arith.index_cast %parallel_loop3A_2314 : i32 to index
        %parallel_loop3A_2429 = arith.constant 96 : index
        %parallel_loop3A_2430 = tpu.vector_load %arg11[%parallel_loop3A_2427, %parallel_loop3A_2428, %parallel_loop3A_2429] {strides = array<i32>} : memref<2x64x128xf32, #tpu.memory_space<vmem>>, vector<16xf32>,
        %parallel_loop3A_2431 = arith.index_cast %rem3A_54 : i32 to index
        %parallel_loop3A_2432 = arith.index_cast %parallel_loop3A_2314 : i32 to index
        %parallel_loop3A_2433 = arith.constant 32 : index
        %parallel_loop3A_2434 = tpu.vector_load %arg12[%parallel_loop3A_2431, %parallel_loop3A_2432, %parallel_loop3A_2433] {strides = array<i32>} : memref<2x64x128xf32, #tpu.memory_space<vmem>>, vector<16xf32>,
        %parallel_loop3A_2435 = arith.index_cast %rem3A_54 : i32 to index
        %parallel_loop3A_2436 = arith.index_cast %parallel_loop3A_2314 : i32 to index
        %parallel_loop3A_2437 = arith.constant 96 : index
        %parallel_loop3A_2438 = tpu.vector_load %arg12[%parallel_loop3A_2435, %parallel_loop3A_2436, %parallel_loop3A_2437] {strides = array<i32>} : memref<2x64x128xf32, #tpu.memory_space<vmem>>, vector<16xf32>,
        %parallel_loop3A_2439 = arith.index_cast %rem3A_54 : i32 to index
        %parallel_loop3A_2440 = arith.index_cast %parallel_loop3A_2314 : i32 to index
        %parallel_loop3A_2441 = arith.constant 32 : index
        %parallel_loop3A_2442 = tpu.vector_load %arg13[%parallel_loop3A_2439, %parallel_loop3A_2440, %parallel_loop3A_2441] {strides = array<i32>} : memref<2x64x128xf32, #tpu.memory_space<vmem>>, vector<16xf32>,
        %parallel_loop3A_2443 = arith.index_cast %rem3A_54 : i32 to index
        %parallel_loop3A_2444 = arith.index_cast %parallel_loop3A_2314 : i32 to index
        %parallel_loop3A_2445 = arith.constant 96 : index
        %parallel_loop3A_2446 = tpu.vector_load %arg13[%parallel_loop3A_2443, %parallel_loop3A_2444, %parallel_loop3A_2445] {strides = array<i32>} : memref<2x64x128xf32, #tpu.memory_space<vmem>>, vector<16xf32>,
        %parallel_loop3A_2447 = arith.mulf %parallel_loop3A_2426, %parallel_loop3A_2442 : vector<16xf32>
        %parallel_loop3A_2448 = arith.mulf %parallel_loop3A_2430, %parallel_loop3A_2446 : vector<16xf32>
        %parallel_loop3A_2449 = arith.subf %parallel_loop3A_2447, %parallel_loop3A_2448 : vector<16xf32>
        %parallel_loop3A_2450 = arith.subf %parallel_loop3A_2449, %parallel_loop3A_2434 : vector<16xf32>
        %parallel_loop3A_2451 = arith.mulf %parallel_loop3A_2426, %parallel_loop3A_2446 : vector<16xf32>
        %parallel_loop3A_2452 = arith.mulf %parallel_loop3A_2430, %parallel_loop3A_2442 : vector<16xf32>
        %parallel_loop3A_2453 = arith.addf %parallel_loop3A_2451, %parallel_loop3A_2452 : vector<16xf32>
        %parallel_loop3A_2454 = arith.subf %parallel_loop3A_2453, %parallel_loop3A_2438 : vector<16xf32>
        %parallel_loop3A_2455 = arith.mulf %parallel_loop3A_2450, %parallel_loop3A_2450 : vector<16xf32>
        %parallel_loop3A_2456 = arith.mulf %parallel_loop3A_2454, %parallel_loop3A_2454 : vector<16xf32>
        %parallel_loop3A_2457 = arith.addf %parallel_loop3A_2455, %parallel_loop3A_2456 : vector<16xf32>
        %parallel_loop3A_2458 = tpu.bitcast %parallel_loop3A_2457 : vector<16xf32> -> vector<16xi32>
        %parallel_loop3A_2459 = arith.constant 1 : i32
        %parallel_loop3A_2460 = vector.broadcast %parallel_loop3A_2459 : i32 to vector<16xi32>
        %parallel_loop3A_2461 = arith.shrsi %parallel_loop3A_2458, %parallel_loop3A_2460 : vector<16xi32>
        %parallel_loop3A_2462 = arith.constant 1597463007 : i32
        %parallel_loop3A_2463 = vector.broadcast %parallel_loop3A_2462 : i32 to vector<16xi32>
        %parallel_loop3A_2464 = arith.subi %parallel_loop3A_2463, %parallel_loop3A_2461 : vector<16xi32>
        %parallel_loop3A_2465 = tpu.bitcast %parallel_loop3A_2464 : vector<16xi32> -> vector<16xf32>
        %parallel_loop3A_2466 = arith.mulf %parallel_loop3A_2457, %parallel_loop3A_2465 : vector<16xf32>
        %parallel_loop3A_2467 = arith.mulf %parallel_loop3A_2465, %parallel_loop3A_2466 : vector<16xf32>
        %parallel_loop3A_2468 = arith.constant -5.000000e-01 : f32
        %parallel_loop3A_2469 = vector.broadcast %parallel_loop3A_2468 : f32 to vector<16xf32>
        %parallel_loop3A_2470 = arith.mulf %parallel_loop3A_2467, %parallel_loop3A_2469 : vector<16xf32>
        %parallel_loop3A_2471 = arith.constant 1.500000e+00 : f32
        %parallel_loop3A_2472 = vector.broadcast %parallel_loop3A_2471 : f32 to vector<16xf32>
        %parallel_loop3A_2473 = arith.addf %parallel_loop3A_2470, %parallel_loop3A_2472 : vector<16xf32>
        %parallel_loop3A_2474 = arith.mulf %parallel_loop3A_2466, %parallel_loop3A_2473 : vector<16xf32>
        %parallel_loop3A_2475 = arith.addf %parallel_loop3A_2422, %parallel_loop3A_2474 : vector<16xf32>
        %parallel_loop3A_2476 = arith.index_cast %rem3A_54 : i32 to index
        %parallel_loop3A_2477 = arith.index_cast %parallel_loop3A_2314 : i32 to index
        %parallel_loop3A_2478 = arith.constant 48 : index
        %parallel_loop3A_2479 = tpu.vector_load %arg11[%parallel_loop3A_2476, %parallel_loop3A_2477, %parallel_loop3A_2478] {strides = array<i32>} : memref<2x64x128xf32, #tpu.memory_space<vmem>>, vector<16xf32>,
        %parallel_loop3A_2480 = arith.index_cast %rem3A_54 : i32 to index
        %parallel_loop3A_2481 = arith.index_cast %parallel_loop3A_2314 : i32 to index
        %parallel_loop3A_2482 = arith.constant 112 : index
        %parallel_loop3A_2483 = tpu.vector_load %arg11[%parallel_loop3A_2480, %parallel_loop3A_2481, %parallel_loop3A_2482] {strides = array<i32>} : memref<2x64x128xf32, #tpu.memory_space<vmem>>, vector<16xf32>,
        %parallel_loop3A_2484 = arith.index_cast %rem3A_54 : i32 to index
        %parallel_loop3A_2485 = arith.index_cast %parallel_loop3A_2314 : i32 to index
        %parallel_loop3A_2486 = arith.constant 48 : index
        %parallel_loop3A_2487 = tpu.vector_load %arg12[%parallel_loop3A_2484, %parallel_loop3A_2485, %parallel_loop3A_2486] {strides = array<i32>} : memref<2x64x128xf32, #tpu.memory_space<vmem>>, vector<16xf32>,
        %parallel_loop3A_2488 = arith.index_cast %rem3A_54 : i32 to index
        %parallel_loop3A_2489 = arith.index_cast %parallel_loop3A_2314 : i32 to index
        %parallel_loop3A_2490 = arith.constant 112 : index
        %parallel_loop3A_2491 = tpu.vector_load %arg12[%parallel_loop3A_2488, %parallel_loop3A_2489, %parallel_loop3A_2490] {strides = array<i32>} : memref<2x64x128xf32, #tpu.memory_space<vmem>>, vector<16xf32>,
        %parallel_loop3A_2492 = arith.index_cast %rem3A_54 : i32 to index
        %parallel_loop3A_2493 = arith.index_cast %parallel_loop3A_2314 : i32 to index
        %parallel_loop3A_2494 = arith.constant 48 : index
        %parallel_loop3A_2495 = tpu.vector_load %arg13[%parallel_loop3A_2492, %parallel_loop3A_2493, %parallel_loop3A_2494] {strides = array<i32>} : memref<2x64x128xf32, #tpu.memory_space<vmem>>, vector<16xf32>,
        %parallel_loop3A_2496 = arith.index_cast %rem3A_54 : i32 to index
        %parallel_loop3A_2497 = arith.index_cast %parallel_loop3A_2314 : i32 to index
        %parallel_loop3A_2498 = arith.constant 112 : index
        %parallel_loop3A_2499 = tpu.vector_load %arg13[%parallel_loop3A_2496, %parallel_loop3A_2497, %parallel_loop3A_2498] {strides = array<i32>} : memref<2x64x128xf32, #tpu.memory_space<vmem>>, vector<16xf32>,
        %parallel_loop3A_2500 = arith.mulf %parallel_loop3A_2479, %parallel_loop3A_2495 : vector<16xf32>
        %parallel_loop3A_2501 = arith.mulf %parallel_loop3A_2483, %parallel_loop3A_2499 : vector<16xf32>
        %parallel_loop3A_2502 = arith.subf %parallel_loop3A_2500, %parallel_loop3A_2501 : vector<16xf32>
        %parallel_loop3A_2503 = arith.subf %parallel_loop3A_2502, %parallel_loop3A_2487 : vector<16xf32>
        %parallel_loop3A_2504 = arith.mulf %parallel_loop3A_2479, %parallel_loop3A_2499 : vector<16xf32>
        %parallel_loop3A_2505 = arith.mulf %parallel_loop3A_2483, %parallel_loop3A_2495 : vector<16xf32>
        %parallel_loop3A_2506 = arith.addf %parallel_loop3A_2504, %parallel_loop3A_2505 : vector<16xf32>
        %parallel_loop3A_2507 = arith.subf %parallel_loop3A_2506, %parallel_loop3A_2491 : vector<16xf32>
        %parallel_loop3A_2508 = arith.mulf %parallel_loop3A_2503, %parallel_loop3A_2503 : vector<16xf32>
        %parallel_loop3A_2509 = arith.mulf %parallel_loop3A_2507, %parallel_loop3A_2507 : vector<16xf32>
        %parallel_loop3A_2510 = arith.addf %parallel_loop3A_2508, %parallel_loop3A_2509 : vector<16xf32>
        %parallel_loop3A_2511 = tpu.bitcast %parallel_loop3A_2510 : vector<16xf32> -> vector<16xi32>
        %parallel_loop3A_2512 = arith.constant 1 : i32
        %parallel_loop3A_2513 = vector.broadcast %parallel_loop3A_2512 : i32 to vector<16xi32>
        %parallel_loop3A_2514 = arith.shrsi %parallel_loop3A_2511, %parallel_loop3A_2513 : vector<16xi32>
        %parallel_loop3A_2515 = arith.constant 1597463007 : i32
        %parallel_loop3A_2516 = vector.broadcast %parallel_loop3A_2515 : i32 to vector<16xi32>
        %parallel_loop3A_2517 = arith.subi %parallel_loop3A_2516, %parallel_loop3A_2514 : vector<16xi32>
        %parallel_loop3A_2518 = tpu.bitcast %parallel_loop3A_2517 : vector<16xi32> -> vector<16xf32>
        %parallel_loop3A_2519 = arith.mulf %parallel_loop3A_2510, %parallel_loop3A_2518 : vector<16xf32>
        %parallel_loop3A_2520 = arith.mulf %parallel_loop3A_2518, %parallel_loop3A_2519 : vector<16xf32>
        %parallel_loop3A_2521 = arith.constant -5.000000e-01 : f32
        %parallel_loop3A_2522 = vector.broadcast %parallel_loop3A_2521 : f32 to vector<16xf32>
        %parallel_loop3A_2523 = arith.mulf %parallel_loop3A_2520, %parallel_loop3A_2522 : vector<16xf32>
        %parallel_loop3A_2524 = arith.constant 1.500000e+00 : f32
        %parallel_loop3A_2525 = vector.broadcast %parallel_loop3A_2524 : f32 to vector<16xf32>
        %parallel_loop3A_2526 = arith.addf %parallel_loop3A_2523, %parallel_loop3A_2525 : vector<16xf32>
        %parallel_loop3A_2527 = arith.mulf %parallel_loop3A_2519, %parallel_loop3A_2526 : vector<16xf32>
        %parallel_loop3A_2528 = arith.addf %parallel_loop3A_2475, %parallel_loop3A_2527 : vector<16xf32>
        %parallel_loop3A_2529 = arith.constant 160 : i32
        %parallel_loop3A_2530 = arith.addi %parallel_loop3A_90, %parallel_loop3A_2529 : i32
        %parallel_loop3A_2531 = arith.index_cast %parallel_loop3A_2530 : i32 to index
        %parallel_loop3A_2532 = tpu.vector_load %arg14[%parallel_loop3A_2531] {strides = array<i32>} : memref<1024xf32, #tpu.memory_space<vmem>>, vector<16xf32>,
        tpu.vector_store %arg14[%parallel_loop3A_2531], %parallel_loop3A_2528 {strides = array<i32>} : memref<1024xf32, #tpu.memory_space<vmem>>, vector<16xf32>,
        %parallel_loop3A_2533 = arith.constant 16 : i32
        %parallel_loop3A_2534 = arith.muli %parallel_loop3A_88, %parallel_loop3A_2533 : i32
        %parallel_loop3A_2535 = arith.constant 11 : i32
        %parallel_loop3A_2536 = arith.addi %parallel_loop3A_2534, %parallel_loop3A_2535 : i32
        %parallel_loop3A_2537 = arith.constant 0.000000e+00 : f32
        %parallel_loop3A_2538 = vector.broadcast %parallel_loop3A_2537 : f32 to vector<16xf32>
        %parallel_loop3A_2539 = arith.index_cast %rem3A_54 : i32 to index
        %parallel_loop3A_2540 = arith.index_cast %parallel_loop3A_2536 : i32 to index
        %parallel_loop3A_2541 = arith.constant 0 : index
        %parallel_loop3A_2542 = tpu.vector_load %arg11[%parallel_loop3A_2539, %parallel_loop3A_2540, %parallel_loop3A_2541] {strides = array<i32>} : memref<2x64x128xf32, #tpu.memory_space<vmem>>, vector<16xf32>,
        %parallel_loop3A_2543 = arith.index_cast %rem3A_54 : i32 to index
        %parallel_loop3A_2544 = arith.index_cast %parallel_loop3A_2536 : i32 to index
        %parallel_loop3A_2545 = arith.constant 64 : index
        %parallel_loop3A_2546 = tpu.vector_load %arg11[%parallel_loop3A_2543, %parallel_loop3A_2544, %parallel_loop3A_2545] {strides = array<i32>} : memref<2x64x128xf32, #tpu.memory_space<vmem>>, vector<16xf32>,
        %parallel_loop3A_2547 = arith.index_cast %rem3A_54 : i32 to index
        %parallel_loop3A_2548 = arith.index_cast %parallel_loop3A_2536 : i32 to index
        %parallel_loop3A_2549 = arith.constant 0 : index
        %parallel_loop3A_2550 = tpu.vector_load %arg12[%parallel_loop3A_2547, %parallel_loop3A_2548, %parallel_loop3A_2549] {strides = array<i32>} : memref<2x64x128xf32, #tpu.memory_space<vmem>>, vector<16xf32>,
        %parallel_loop3A_2551 = arith.index_cast %rem3A_54 : i32 to index
        %parallel_loop3A_2552 = arith.index_cast %parallel_loop3A_2536 : i32 to index
        %parallel_loop3A_2553 = arith.constant 64 : index
        %parallel_loop3A_2554 = tpu.vector_load %arg12[%parallel_loop3A_2551, %parallel_loop3A_2552, %parallel_loop3A_2553] {strides = array<i32>} : memref<2x64x128xf32, #tpu.memory_space<vmem>>, vector<16xf32>,
        %parallel_loop3A_2555 = arith.index_cast %rem3A_54 : i32 to index
        %parallel_loop3A_2556 = arith.index_cast %parallel_loop3A_2536 : i32 to index
        %parallel_loop3A_2557 = arith.constant 0 : index
        %parallel_loop3A_2558 = tpu.vector_load %arg13[%parallel_loop3A_2555, %parallel_loop3A_2556, %parallel_loop3A_2557] {strides = array<i32>} : memref<2x64x128xf32, #tpu.memory_space<vmem>>, vector<16xf32>,
        %parallel_loop3A_2559 = arith.index_cast %rem3A_54 : i32 to index
        %parallel_loop3A_2560 = arith.index_cast %parallel_loop3A_2536 : i32 to index
        %parallel_loop3A_2561 = arith.constant 64 : index
        %parallel_loop3A_2562 = tpu.vector_load %arg13[%parallel_loop3A_2559, %parallel_loop3A_2560, %parallel_loop3A_2561] {strides = array<i32>} : memref<2x64x128xf32, #tpu.memory_space<vmem>>, vector<16xf32>,
        %parallel_loop3A_2563 = arith.mulf %parallel_loop3A_2542, %parallel_loop3A_2558 : vector<16xf32>
        %parallel_loop3A_2564 = arith.mulf %parallel_loop3A_2546, %parallel_loop3A_2562 : vector<16xf32>
        %parallel_loop3A_2565 = arith.subf %parallel_loop3A_2563, %parallel_loop3A_2564 : vector<16xf32>
        %parallel_loop3A_2566 = arith.subf %parallel_loop3A_2565, %parallel_loop3A_2550 : vector<16xf32>
        %parallel_loop3A_2567 = arith.mulf %parallel_loop3A_2542, %parallel_loop3A_2562 : vector<16xf32>
        %parallel_loop3A_2568 = arith.mulf %parallel_loop3A_2546, %parallel_loop3A_2558 : vector<16xf32>
        %parallel_loop3A_2569 = arith.addf %parallel_loop3A_2567, %parallel_loop3A_2568 : vector<16xf32>
        %parallel_loop3A_2570 = arith.subf %parallel_loop3A_2569, %parallel_loop3A_2554 : vector<16xf32>
        %parallel_loop3A_2571 = arith.mulf %parallel_loop3A_2566, %parallel_loop3A_2566 : vector<16xf32>
        %parallel_loop3A_2572 = arith.mulf %parallel_loop3A_2570, %parallel_loop3A_2570 : vector<16xf32>
        %parallel_loop3A_2573 = arith.addf %parallel_loop3A_2571, %parallel_loop3A_2572 : vector<16xf32>
        %parallel_loop3A_2574 = tpu.bitcast %parallel_loop3A_2573 : vector<16xf32> -> vector<16xi32>
        %parallel_loop3A_2575 = arith.constant 1 : i32
        %parallel_loop3A_2576 = vector.broadcast %parallel_loop3A_2575 : i32 to vector<16xi32>
        %parallel_loop3A_2577 = arith.shrsi %parallel_loop3A_2574, %parallel_loop3A_2576 : vector<16xi32>
        %parallel_loop3A_2578 = arith.constant 1597463007 : i32
        %parallel_loop3A_2579 = vector.broadcast %parallel_loop3A_2578 : i32 to vector<16xi32>
        %parallel_loop3A_2580 = arith.subi %parallel_loop3A_2579, %parallel_loop3A_2577 : vector<16xi32>
        %parallel_loop3A_2581 = tpu.bitcast %parallel_loop3A_2580 : vector<16xi32> -> vector<16xf32>
        %parallel_loop3A_2582 = arith.mulf %parallel_loop3A_2573, %parallel_loop3A_2581 : vector<16xf32>
        %parallel_loop3A_2583 = arith.mulf %parallel_loop3A_2581, %parallel_loop3A_2582 : vector<16xf32>
        %parallel_loop3A_2584 = arith.constant -5.000000e-01 : f32
        %parallel_loop3A_2585 = vector.broadcast %parallel_loop3A_2584 : f32 to vector<16xf32>
        %parallel_loop3A_2586 = arith.mulf %parallel_loop3A_2583, %parallel_loop3A_2585 : vector<16xf32>
        %parallel_loop3A_2587 = arith.constant 1.500000e+00 : f32
        %parallel_loop3A_2588 = vector.broadcast %parallel_loop3A_2587 : f32 to vector<16xf32>
        %parallel_loop3A_2589 = arith.addf %parallel_loop3A_2586, %parallel_loop3A_2588 : vector<16xf32>
        %parallel_loop3A_2590 = arith.mulf %parallel_loop3A_2582, %parallel_loop3A_2589 : vector<16xf32>
        %parallel_loop3A_2591 = arith.addf %parallel_loop3A_2538, %parallel_loop3A_2590 : vector<16xf32>
        %parallel_loop3A_2592 = arith.index_cast %rem3A_54 : i32 to index
        %parallel_loop3A_2593 = arith.index_cast %parallel_loop3A_2536 : i32 to index
        %parallel_loop3A_2594 = arith.constant 16 : index
        %parallel_loop3A_2595 = tpu.vector_load %arg11[%parallel_loop3A_2592, %parallel_loop3A_2593, %parallel_loop3A_2594] {strides = array<i32>} : memref<2x64x128xf32, #tpu.memory_space<vmem>>, vector<16xf32>,
        %parallel_loop3A_2596 = arith.index_cast %rem3A_54 : i32 to index
        %parallel_loop3A_2597 = arith.index_cast %parallel_loop3A_2536 : i32 to index
        %parallel_loop3A_2598 = arith.constant 80 : index
        %parallel_loop3A_2599 = tpu.vector_load %arg11[%parallel_loop3A_2596, %parallel_loop3A_2597, %parallel_loop3A_2598] {strides = array<i32>} : memref<2x64x128xf32, #tpu.memory_space<vmem>>, vector<16xf32>,
        %parallel_loop3A_2600 = arith.index_cast %rem3A_54 : i32 to index
        %parallel_loop3A_2601 = arith.index_cast %parallel_loop3A_2536 : i32 to index
        %parallel_loop3A_2602 = arith.constant 16 : index
        %parallel_loop3A_2603 = tpu.vector_load %arg12[%parallel_loop3A_2600, %parallel_loop3A_2601, %parallel_loop3A_2602] {strides = array<i32>} : memref<2x64x128xf32, #tpu.memory_space<vmem>>, vector<16xf32>,
        %parallel_loop3A_2604 = arith.index_cast %rem3A_54 : i32 to index
        %parallel_loop3A_2605 = arith.index_cast %parallel_loop3A_2536 : i32 to index
        %parallel_loop3A_2606 = arith.constant 80 : index
        %parallel_loop3A_2607 = tpu.vector_load %arg12[%parallel_loop3A_2604, %parallel_loop3A_2605, %parallel_loop3A_2606] {strides = array<i32>} : memref<2x64x128xf32, #tpu.memory_space<vmem>>, vector<16xf32>,
        %parallel_loop3A_2608 = arith.index_cast %rem3A_54 : i32 to index
        %parallel_loop3A_2609 = arith.index_cast %parallel_loop3A_2536 : i32 to index
        %parallel_loop3A_2610 = arith.constant 16 : index
        %parallel_loop3A_2611 = tpu.vector_load %arg13[%parallel_loop3A_2608, %parallel_loop3A_2609, %parallel_loop3A_2610] {strides = array<i32>} : memref<2x64x128xf32, #tpu.memory_space<vmem>>, vector<16xf32>,
        %parallel_loop3A_2612 = arith.index_cast %rem3A_54 : i32 to index
        %parallel_loop3A_2613 = arith.index_cast %parallel_loop3A_2536 : i32 to index
        %parallel_loop3A_2614 = arith.constant 80 : index
        %parallel_loop3A_2615 = tpu.vector_load %arg13[%parallel_loop3A_2612, %parallel_loop3A_2613, %parallel_loop3A_2614] {strides = array<i32>} : memref<2x64x128xf32, #tpu.memory_space<vmem>>, vector<16xf32>,
        %parallel_loop3A_2616 = arith.mulf %parallel_loop3A_2595, %parallel_loop3A_2611 : vector<16xf32>
        %parallel_loop3A_2617 = arith.mulf %parallel_loop3A_2599, %parallel_loop3A_2615 : vector<16xf32>
        %parallel_loop3A_2618 = arith.subf %parallel_loop3A_2616, %parallel_loop3A_2617 : vector<16xf32>
        %parallel_loop3A_2619 = arith.subf %parallel_loop3A_2618, %parallel_loop3A_2603 : vector<16xf32>
        %parallel_loop3A_2620 = arith.mulf %parallel_loop3A_2595, %parallel_loop3A_2615 : vector<16xf32>
        %parallel_loop3A_2621 = arith.mulf %parallel_loop3A_2599, %parallel_loop3A_2611 : vector<16xf32>
        %parallel_loop3A_2622 = arith.addf %parallel_loop3A_2620, %parallel_loop3A_2621 : vector<16xf32>
        %parallel_loop3A_2623 = arith.subf %parallel_loop3A_2622, %parallel_loop3A_2607 : vector<16xf32>
        %parallel_loop3A_2624 = arith.mulf %parallel_loop3A_2619, %parallel_loop3A_2619 : vector<16xf32>
        %parallel_loop3A_2625 = arith.mulf %parallel_loop3A_2623, %parallel_loop3A_2623 : vector<16xf32>
        %parallel_loop3A_2626 = arith.addf %parallel_loop3A_2624, %parallel_loop3A_2625 : vector<16xf32>
        %parallel_loop3A_2627 = tpu.bitcast %parallel_loop3A_2626 : vector<16xf32> -> vector<16xi32>
        %parallel_loop3A_2628 = arith.constant 1 : i32
        %parallel_loop3A_2629 = vector.broadcast %parallel_loop3A_2628 : i32 to vector<16xi32>
        %parallel_loop3A_2630 = arith.shrsi %parallel_loop3A_2627, %parallel_loop3A_2629 : vector<16xi32>
        %parallel_loop3A_2631 = arith.constant 1597463007 : i32
        %parallel_loop3A_2632 = vector.broadcast %parallel_loop3A_2631 : i32 to vector<16xi32>
        %parallel_loop3A_2633 = arith.subi %parallel_loop3A_2632, %parallel_loop3A_2630 : vector<16xi32>
        %parallel_loop3A_2634 = tpu.bitcast %parallel_loop3A_2633 : vector<16xi32> -> vector<16xf32>
        %parallel_loop3A_2635 = arith.mulf %parallel_loop3A_2626, %parallel_loop3A_2634 : vector<16xf32>
        %parallel_loop3A_2636 = arith.mulf %parallel_loop3A_2634, %parallel_loop3A_2635 : vector<16xf32>
        %parallel_loop3A_2637 = arith.constant -5.000000e-01 : f32
        %parallel_loop3A_2638 = vector.broadcast %parallel_loop3A_2637 : f32 to vector<16xf32>
        %parallel_loop3A_2639 = arith.mulf %parallel_loop3A_2636, %parallel_loop3A_2638 : vector<16xf32>
        %parallel_loop3A_2640 = arith.constant 1.500000e+00 : f32
        %parallel_loop3A_2641 = vector.broadcast %parallel_loop3A_2640 : f32 to vector<16xf32>
        %parallel_loop3A_2642 = arith.addf %parallel_loop3A_2639, %parallel_loop3A_2641 : vector<16xf32>
        %parallel_loop3A_2643 = arith.mulf %parallel_loop3A_2635, %parallel_loop3A_2642 : vector<16xf32>
        %parallel_loop3A_2644 = arith.addf %parallel_loop3A_2591, %parallel_loop3A_2643 : vector<16xf32>
        %parallel_loop3A_2645 = arith.index_cast %rem3A_54 : i32 to index
        %parallel_loop3A_2646 = arith.index_cast %parallel_loop3A_2536 : i32 to index
        %parallel_loop3A_2647 = arith.constant 32 : index
        %parallel_loop3A_2648 = tpu.vector_load %arg11[%parallel_loop3A_2645, %parallel_loop3A_2646, %parallel_loop3A_2647] {strides = array<i32>} : memref<2x64x128xf32, #tpu.memory_space<vmem>>, vector<16xf32>,
        %parallel_loop3A_2649 = arith.index_cast %rem3A_54 : i32 to index
        %parallel_loop3A_2650 = arith.index_cast %parallel_loop3A_2536 : i32 to index
        %parallel_loop3A_2651 = arith.constant 96 : index
        %parallel_loop3A_2652 = tpu.vector_load %arg11[%parallel_loop3A_2649, %parallel_loop3A_2650, %parallel_loop3A_2651] {strides = array<i32>} : memref<2x64x128xf32, #tpu.memory_space<vmem>>, vector<16xf32>,
        %parallel_loop3A_2653 = arith.index_cast %rem3A_54 : i32 to index
        %parallel_loop3A_2654 = arith.index_cast %parallel_loop3A_2536 : i32 to index
        %parallel_loop3A_2655 = arith.constant 32 : index
        %parallel_loop3A_2656 = tpu.vector_load %arg12[%parallel_loop3A_2653, %parallel_loop3A_2654, %parallel_loop3A_2655] {strides = array<i32>} : memref<2x64x128xf32, #tpu.memory_space<vmem>>, vector<16xf32>,
        %parallel_loop3A_2657 = arith.index_cast %rem3A_54 : i32 to index
        %parallel_loop3A_2658 = arith.index_cast %parallel_loop3A_2536 : i32 to index
        %parallel_loop3A_2659 = arith.constant 96 : index
        %parallel_loop3A_2660 = tpu.vector_load %arg12[%parallel_loop3A_2657, %parallel_loop3A_2658, %parallel_loop3A_2659] {strides = array<i32>} : memref<2x64x128xf32, #tpu.memory_space<vmem>>, vector<16xf32>,
        %parallel_loop3A_2661 = arith.index_cast %rem3A_54 : i32 to index
        %parallel_loop3A_2662 = arith.index_cast %parallel_loop3A_2536 : i32 to index
        %parallel_loop3A_2663 = arith.constant 32 : index
        %parallel_loop3A_2664 = tpu.vector_load %arg13[%parallel_loop3A_2661, %parallel_loop3A_2662, %parallel_loop3A_2663] {strides = array<i32>} : memref<2x64x128xf32, #tpu.memory_space<vmem>>, vector<16xf32>,
        %parallel_loop3A_2665 = arith.index_cast %rem3A_54 : i32 to index
        %parallel_loop3A_2666 = arith.index_cast %parallel_loop3A_2536 : i32 to index
        %parallel_loop3A_2667 = arith.constant 96 : index
        %parallel_loop3A_2668 = tpu.vector_load %arg13[%parallel_loop3A_2665, %parallel_loop3A_2666, %parallel_loop3A_2667] {strides = array<i32>} : memref<2x64x128xf32, #tpu.memory_space<vmem>>, vector<16xf32>,
        %parallel_loop3A_2669 = arith.mulf %parallel_loop3A_2648, %parallel_loop3A_2664 : vector<16xf32>
        %parallel_loop3A_2670 = arith.mulf %parallel_loop3A_2652, %parallel_loop3A_2668 : vector<16xf32>
        %parallel_loop3A_2671 = arith.subf %parallel_loop3A_2669, %parallel_loop3A_2670 : vector<16xf32>
        %parallel_loop3A_2672 = arith.subf %parallel_loop3A_2671, %parallel_loop3A_2656 : vector<16xf32>
        %parallel_loop3A_2673 = arith.mulf %parallel_loop3A_2648, %parallel_loop3A_2668 : vector<16xf32>
        %parallel_loop3A_2674 = arith.mulf %parallel_loop3A_2652, %parallel_loop3A_2664 : vector<16xf32>
        %parallel_loop3A_2675 = arith.addf %parallel_loop3A_2673, %parallel_loop3A_2674 : vector<16xf32>
        %parallel_loop3A_2676 = arith.subf %parallel_loop3A_2675, %parallel_loop3A_2660 : vector<16xf32>
        %parallel_loop3A_2677 = arith.mulf %parallel_loop3A_2672, %parallel_loop3A_2672 : vector<16xf32>
        %parallel_loop3A_2678 = arith.mulf %parallel_loop3A_2676, %parallel_loop3A_2676 : vector<16xf32>
        %parallel_loop3A_2679 = arith.addf %parallel_loop3A_2677, %parallel_loop3A_2678 : vector<16xf32>
        %parallel_loop3A_2680 = tpu.bitcast %parallel_loop3A_2679 : vector<16xf32> -> vector<16xi32>
        %parallel_loop3A_2681 = arith.constant 1 : i32
        %parallel_loop3A_2682 = vector.broadcast %parallel_loop3A_2681 : i32 to vector<16xi32>
        %parallel_loop3A_2683 = arith.shrsi %parallel_loop3A_2680, %parallel_loop3A_2682 : vector<16xi32>
        %parallel_loop3A_2684 = arith.constant 1597463007 : i32
        %parallel_loop3A_2685 = vector.broadcast %parallel_loop3A_2684 : i32 to vector<16xi32>
        %parallel_loop3A_2686 = arith.subi %parallel_loop3A_2685, %parallel_loop3A_2683 : vector<16xi32>
        %parallel_loop3A_2687 = tpu.bitcast %parallel_loop3A_2686 : vector<16xi32> -> vector<16xf32>
        %parallel_loop3A_2688 = arith.mulf %parallel_loop3A_2679, %parallel_loop3A_2687 : vector<16xf32>
        %parallel_loop3A_2689 = arith.mulf %parallel_loop3A_2687, %parallel_loop3A_2688 : vector<16xf32>
        %parallel_loop3A_2690 = arith.constant -5.000000e-01 : f32
        %parallel_loop3A_2691 = vector.broadcast %parallel_loop3A_2690 : f32 to vector<16xf32>
        %parallel_loop3A_2692 = arith.mulf %parallel_loop3A_2689, %parallel_loop3A_2691 : vector<16xf32>
        %parallel_loop3A_2693 = arith.constant 1.500000e+00 : f32
        %parallel_loop3A_2694 = vector.broadcast %parallel_loop3A_2693 : f32 to vector<16xf32>
        %parallel_loop3A_2695 = arith.addf %parallel_loop3A_2692, %parallel_loop3A_2694 : vector<16xf32>
        %parallel_loop3A_2696 = arith.mulf %parallel_loop3A_2688, %parallel_loop3A_2695 : vector<16xf32>
        %parallel_loop3A_2697 = arith.addf %parallel_loop3A_2644, %parallel_loop3A_2696 : vector<16xf32>
        %parallel_loop3A_2698 = arith.index_cast %rem3A_54 : i32 to index
        %parallel_loop3A_2699 = arith.index_cast %parallel_loop3A_2536 : i32 to index
        %parallel_loop3A_2700 = arith.constant 48 : index
        %parallel_loop3A_2701 = tpu.vector_load %arg11[%parallel_loop3A_2698, %parallel_loop3A_2699, %parallel_loop3A_2700] {strides = array<i32>} : memref<2x64x128xf32, #tpu.memory_space<vmem>>, vector<16xf32>,
        %parallel_loop3A_2702 = arith.index_cast %rem3A_54 : i32 to index
        %parallel_loop3A_2703 = arith.index_cast %parallel_loop3A_2536 : i32 to index
        %parallel_loop3A_2704 = arith.constant 112 : index
        %parallel_loop3A_2705 = tpu.vector_load %arg11[%parallel_loop3A_2702, %parallel_loop3A_2703, %parallel_loop3A_2704] {strides = array<i32>} : memref<2x64x128xf32, #tpu.memory_space<vmem>>, vector<16xf32>,
        %parallel_loop3A_2706 = arith.index_cast %rem3A_54 : i32 to index
        %parallel_loop3A_2707 = arith.index_cast %parallel_loop3A_2536 : i32 to index
        %parallel_loop3A_2708 = arith.constant 48 : index
        %parallel_loop3A_2709 = tpu.vector_load %arg12[%parallel_loop3A_2706, %parallel_loop3A_2707, %parallel_loop3A_2708] {strides = array<i32>} : memref<2x64x128xf32, #tpu.memory_space<vmem>>, vector<16xf32>,
        %parallel_loop3A_2710 = arith.index_cast %rem3A_54 : i32 to index
        %parallel_loop3A_2711 = arith.index_cast %parallel_loop3A_2536 : i32 to index
        %parallel_loop3A_2712 = arith.constant 112 : index
        %parallel_loop3A_2713 = tpu.vector_load %arg12[%parallel_loop3A_2710, %parallel_loop3A_2711, %parallel_loop3A_2712] {strides = array<i32>} : memref<2x64x128xf32, #tpu.memory_space<vmem>>, vector<16xf32>,
        %parallel_loop3A_2714 = arith.index_cast %rem3A_54 : i32 to index
        %parallel_loop3A_2715 = arith.index_cast %parallel_loop3A_2536 : i32 to index
        %parallel_loop3A_2716 = arith.constant 48 : index
        %parallel_loop3A_2717 = tpu.vector_load %arg13[%parallel_loop3A_2714, %parallel_loop3A_2715, %parallel_loop3A_2716] {strides = array<i32>} : memref<2x64x128xf32, #tpu.memory_space<vmem>>, vector<16xf32>,
        %parallel_loop3A_2718 = arith.index_cast %rem3A_54 : i32 to index
        %parallel_loop3A_2719 = arith.index_cast %parallel_loop3A_2536 : i32 to index
        %parallel_loop3A_2720 = arith.constant 112 : index
        %parallel_loop3A_2721 = tpu.vector_load %arg13[%parallel_loop3A_2718, %parallel_loop3A_2719, %parallel_loop3A_2720] {strides = array<i32>} : memref<2x64x128xf32, #tpu.memory_space<vmem>>, vector<16xf32>,
        %parallel_loop3A_2722 = arith.mulf %parallel_loop3A_2701, %parallel_loop3A_2717 : vector<16xf32>
        %parallel_loop3A_2723 = arith.mulf %parallel_loop3A_2705, %parallel_loop3A_2721 : vector<16xf32>
        %parallel_loop3A_2724 = arith.subf %parallel_loop3A_2722, %parallel_loop3A_2723 : vector<16xf32>
        %parallel_loop3A_2725 = arith.subf %parallel_loop3A_2724, %parallel_loop3A_2709 : vector<16xf32>
        %parallel_loop3A_2726 = arith.mulf %parallel_loop3A_2701, %parallel_loop3A_2721 : vector<16xf32>
        %parallel_loop3A_2727 = arith.mulf %parallel_loop3A_2705, %parallel_loop3A_2717 : vector<16xf32>
        %parallel_loop3A_2728 = arith.addf %parallel_loop3A_2726, %parallel_loop3A_2727 : vector<16xf32>
        %parallel_loop3A_2729 = arith.subf %parallel_loop3A_2728, %parallel_loop3A_2713 : vector<16xf32>
        %parallel_loop3A_2730 = arith.mulf %parallel_loop3A_2725, %parallel_loop3A_2725 : vector<16xf32>
        %parallel_loop3A_2731 = arith.mulf %parallel_loop3A_2729, %parallel_loop3A_2729 : vector<16xf32>
        %parallel_loop3A_2732 = arith.addf %parallel_loop3A_2730, %parallel_loop3A_2731 : vector<16xf32>
        %parallel_loop3A_2733 = tpu.bitcast %parallel_loop3A_2732 : vector<16xf32> -> vector<16xi32>
        %parallel_loop3A_2734 = arith.constant 1 : i32
        %parallel_loop3A_2735 = vector.broadcast %parallel_loop3A_2734 : i32 to vector<16xi32>
        %parallel_loop3A_2736 = arith.shrsi %parallel_loop3A_2733, %parallel_loop3A_2735 : vector<16xi32>
        %parallel_loop3A_2737 = arith.constant 1597463007 : i32
        %parallel_loop3A_2738 = vector.broadcast %parallel_loop3A_2737 : i32 to vector<16xi32>
        %parallel_loop3A_2739 = arith.subi %parallel_loop3A_2738, %parallel_loop3A_2736 : vector<16xi32>
        %parallel_loop3A_2740 = tpu.bitcast %parallel_loop3A_2739 : vector<16xi32> -> vector<16xf32>
        %parallel_loop3A_2741 = arith.mulf %parallel_loop3A_2732, %parallel_loop3A_2740 : vector<16xf32>
        %parallel_loop3A_2742 = arith.mulf %parallel_loop3A_2740, %parallel_loop3A_2741 : vector<16xf32>
        %parallel_loop3A_2743 = arith.constant -5.000000e-01 : f32
        %parallel_loop3A_2744 = vector.broadcast %parallel_loop3A_2743 : f32 to vector<16xf32>
        %parallel_loop3A_2745 = arith.mulf %parallel_loop3A_2742, %parallel_loop3A_2744 : vector<16xf32>
        %parallel_loop3A_2746 = arith.constant 1.500000e+00 : f32
        %parallel_loop3A_2747 = vector.broadcast %parallel_loop3A_2746 : f32 to vector<16xf32>
        %parallel_loop3A_2748 = arith.addf %parallel_loop3A_2745, %parallel_loop3A_2747 : vector<16xf32>
        %parallel_loop3A_2749 = arith.mulf %parallel_loop3A_2741, %parallel_loop3A_2748 : vector<16xf32>
        %parallel_loop3A_2750 = arith.addf %parallel_loop3A_2697, %parallel_loop3A_2749 : vector<16xf32>
        %parallel_loop3A_2751 = arith.constant 176 : i32
        %parallel_loop3A_2752 = arith.addi %parallel_loop3A_90, %parallel_loop3A_2751 : i32
        %parallel_loop3A_2753 = arith.index_cast %parallel_loop3A_2752 : i32 to index
        %parallel_loop3A_2754 = tpu.vector_load %arg14[%parallel_loop3A_2753] {strides = array<i32>} : memref<1024xf32, #tpu.memory_space<vmem>>, vector<16xf32>,
        tpu.vector_store %arg14[%parallel_loop3A_2753], %parallel_loop3A_2750 {strides = array<i32>} : memref<1024xf32, #tpu.memory_space<vmem>>, vector<16xf32>,
        %parallel_loop3A_2755 = arith.constant 16 : i32
        %parallel_loop3A_2756 = arith.muli %parallel_loop3A_88, %parallel_loop3A_2755 : i32
        %parallel_loop3A_2757 = arith.constant 12 : i32
        %parallel_loop3A_2758 = arith.addi %parallel_loop3A_2756, %parallel_loop3A_2757 : i32
        %parallel_loop3A_2759 = arith.constant 0.000000e+00 : f32
        %parallel_loop3A_2760 = vector.broadcast %parallel_loop3A_2759 : f32 to vector<16xf32>
        %parallel_loop3A_2761 = arith.index_cast %rem3A_54 : i32 to index
        %parallel_loop3A_2762 = arith.index_cast %parallel_loop3A_2758 : i32 to index
        %parallel_loop3A_2763 = arith.constant 0 : index
        %parallel_loop3A_2764 = tpu.vector_load %arg11[%parallel_loop3A_2761, %parallel_loop3A_2762, %parallel_loop3A_2763] {strides = array<i32>} : memref<2x64x128xf32, #tpu.memory_space<vmem>>, vector<16xf32>,
        %parallel_loop3A_2765 = arith.index_cast %rem3A_54 : i32 to index
        %parallel_loop3A_2766 = arith.index_cast %parallel_loop3A_2758 : i32 to index
        %parallel_loop3A_2767 = arith.constant 64 : index
        %parallel_loop3A_2768 = tpu.vector_load %arg11[%parallel_loop3A_2765, %parallel_loop3A_2766, %parallel_loop3A_2767] {strides = array<i32>} : memref<2x64x128xf32, #tpu.memory_space<vmem>>, vector<16xf32>,
        %parallel_loop3A_2769 = arith.index_cast %rem3A_54 : i32 to index
        %parallel_loop3A_2770 = arith.index_cast %parallel_loop3A_2758 : i32 to index
        %parallel_loop3A_2771 = arith.constant 0 : index
        %parallel_loop3A_2772 = tpu.vector_load %arg12[%parallel_loop3A_2769, %parallel_loop3A_2770, %parallel_loop3A_2771] {strides = array<i32>} : memref<2x64x128xf32, #tpu.memory_space<vmem>>, vector<16xf32>,
        %parallel_loop3A_2773 = arith.index_cast %rem3A_54 : i32 to index
        %parallel_loop3A_2774 = arith.index_cast %parallel_loop3A_2758 : i32 to index
        %parallel_loop3A_2775 = arith.constant 64 : index
        %parallel_loop3A_2776 = tpu.vector_load %arg12[%parallel_loop3A_2773, %parallel_loop3A_2774, %parallel_loop3A_2775] {strides = array<i32>} : memref<2x64x128xf32, #tpu.memory_space<vmem>>, vector<16xf32>,
        %parallel_loop3A_2777 = arith.index_cast %rem3A_54 : i32 to index
        %parallel_loop3A_2778 = arith.index_cast %parallel_loop3A_2758 : i32 to index
        %parallel_loop3A_2779 = arith.constant 0 : index
        %parallel_loop3A_2780 = tpu.vector_load %arg13[%parallel_loop3A_2777, %parallel_loop3A_2778, %parallel_loop3A_2779] {strides = array<i32>} : memref<2x64x128xf32, #tpu.memory_space<vmem>>, vector<16xf32>,
        %parallel_loop3A_2781 = arith.index_cast %rem3A_54 : i32 to index
        %parallel_loop3A_2782 = arith.index_cast %parallel_loop3A_2758 : i32 to index
        %parallel_loop3A_2783 = arith.constant 64 : index
        %parallel_loop3A_2784 = tpu.vector_load %arg13[%parallel_loop3A_2781, %parallel_loop3A_2782, %parallel_loop3A_2783] {strides = array<i32>} : memref<2x64x128xf32, #tpu.memory_space<vmem>>, vector<16xf32>,
        %parallel_loop3A_2785 = arith.mulf %parallel_loop3A_2764, %parallel_loop3A_2780 : vector<16xf32>
        %parallel_loop3A_2786 = arith.mulf %parallel_loop3A_2768, %parallel_loop3A_2784 : vector<16xf32>
        %parallel_loop3A_2787 = arith.subf %parallel_loop3A_2785, %parallel_loop3A_2786 : vector<16xf32>
        %parallel_loop3A_2788 = arith.subf %parallel_loop3A_2787, %parallel_loop3A_2772 : vector<16xf32>
        %parallel_loop3A_2789 = arith.mulf %parallel_loop3A_2764, %parallel_loop3A_2784 : vector<16xf32>
        %parallel_loop3A_2790 = arith.mulf %parallel_loop3A_2768, %parallel_loop3A_2780 : vector<16xf32>
        %parallel_loop3A_2791 = arith.addf %parallel_loop3A_2789, %parallel_loop3A_2790 : vector<16xf32>
        %parallel_loop3A_2792 = arith.subf %parallel_loop3A_2791, %parallel_loop3A_2776 : vector<16xf32>
        %parallel_loop3A_2793 = arith.mulf %parallel_loop3A_2788, %parallel_loop3A_2788 : vector<16xf32>
        %parallel_loop3A_2794 = arith.mulf %parallel_loop3A_2792, %parallel_loop3A_2792 : vector<16xf32>
        %parallel_loop3A_2795 = arith.addf %parallel_loop3A_2793, %parallel_loop3A_2794 : vector<16xf32>
        %parallel_loop3A_2796 = tpu.bitcast %parallel_loop3A_2795 : vector<16xf32> -> vector<16xi32>
        %parallel_loop3A_2797 = arith.constant 1 : i32
        %parallel_loop3A_2798 = vector.broadcast %parallel_loop3A_2797 : i32 to vector<16xi32>
        %parallel_loop3A_2799 = arith.shrsi %parallel_loop3A_2796, %parallel_loop3A_2798 : vector<16xi32>
        %parallel_loop3A_2800 = arith.constant 1597463007 : i32
        %parallel_loop3A_2801 = vector.broadcast %parallel_loop3A_2800 : i32 to vector<16xi32>
        %parallel_loop3A_2802 = arith.subi %parallel_loop3A_2801, %parallel_loop3A_2799 : vector<16xi32>
        %parallel_loop3A_2803 = tpu.bitcast %parallel_loop3A_2802 : vector<16xi32> -> vector<16xf32>
        %parallel_loop3A_2804 = arith.mulf %parallel_loop3A_2795, %parallel_loop3A_2803 : vector<16xf32>
        %parallel_loop3A_2805 = arith.mulf %parallel_loop3A_2803, %parallel_loop3A_2804 : vector<16xf32>
        %parallel_loop3A_2806 = arith.constant -5.000000e-01 : f32
        %parallel_loop3A_2807 = vector.broadcast %parallel_loop3A_2806 : f32 to vector<16xf32>
        %parallel_loop3A_2808 = arith.mulf %parallel_loop3A_2805, %parallel_loop3A_2807 : vector<16xf32>
        %parallel_loop3A_2809 = arith.constant 1.500000e+00 : f32
        %parallel_loop3A_2810 = vector.broadcast %parallel_loop3A_2809 : f32 to vector<16xf32>
        %parallel_loop3A_2811 = arith.addf %parallel_loop3A_2808, %parallel_loop3A_2810 : vector<16xf32>
        %parallel_loop3A_2812 = arith.mulf %parallel_loop3A_2804, %parallel_loop3A_2811 : vector<16xf32>
        %parallel_loop3A_2813 = arith.addf %parallel_loop3A_2760, %parallel_loop3A_2812 : vector<16xf32>
        %parallel_loop3A_2814 = arith.index_cast %rem3A_54 : i32 to index
        %parallel_loop3A_2815 = arith.index_cast %parallel_loop3A_2758 : i32 to index
        %parallel_loop3A_2816 = arith.constant 16 : index
        %parallel_loop3A_2817 = tpu.vector_load %arg11[%parallel_loop3A_2814, %parallel_loop3A_2815, %parallel_loop3A_2816] {strides = array<i32>} : memref<2x64x128xf32, #tpu.memory_space<vmem>>, vector<16xf32>,
        %parallel_loop3A_2818 = arith.index_cast %rem3A_54 : i32 to index
        %parallel_loop3A_2819 = arith.index_cast %parallel_loop3A_2758 : i32 to index
        %parallel_loop3A_2820 = arith.constant 80 : index
        %parallel_loop3A_2821 = tpu.vector_load %arg11[%parallel_loop3A_2818, %parallel_loop3A_2819, %parallel_loop3A_2820] {strides = array<i32>} : memref<2x64x128xf32, #tpu.memory_space<vmem>>, vector<16xf32>,
        %parallel_loop3A_2822 = arith.index_cast %rem3A_54 : i32 to index
        %parallel_loop3A_2823 = arith.index_cast %parallel_loop3A_2758 : i32 to index
        %parallel_loop3A_2824 = arith.constant 16 : index
        %parallel_loop3A_2825 = tpu.vector_load %arg12[%parallel_loop3A_2822, %parallel_loop3A_2823, %parallel_loop3A_2824] {strides = array<i32>} : memref<2x64x128xf32, #tpu.memory_space<vmem>>, vector<16xf32>,
        %parallel_loop3A_2826 = arith.index_cast %rem3A_54 : i32 to index
        %parallel_loop3A_2827 = arith.index_cast %parallel_loop3A_2758 : i32 to index
        %parallel_loop3A_2828 = arith.constant 80 : index
        %parallel_loop3A_2829 = tpu.vector_load %arg12[%parallel_loop3A_2826, %parallel_loop3A_2827, %parallel_loop3A_2828] {strides = array<i32>} : memref<2x64x128xf32, #tpu.memory_space<vmem>>, vector<16xf32>,
        %parallel_loop3A_2830 = arith.index_cast %rem3A_54 : i32 to index
        %parallel_loop3A_2831 = arith.index_cast %parallel_loop3A_2758 : i32 to index
        %parallel_loop3A_2832 = arith.constant 16 : index
        %parallel_loop3A_2833 = tpu.vector_load %arg13[%parallel_loop3A_2830, %parallel_loop3A_2831, %parallel_loop3A_2832] {strides = array<i32>} : memref<2x64x128xf32, #tpu.memory_space<vmem>>, vector<16xf32>,
        %parallel_loop3A_2834 = arith.index_cast %rem3A_54 : i32 to index
        %parallel_loop3A_2835 = arith.index_cast %parallel_loop3A_2758 : i32 to index
        %parallel_loop3A_2836 = arith.constant 80 : index
        %parallel_loop3A_2837 = tpu.vector_load %arg13[%parallel_loop3A_2834, %parallel_loop3A_2835, %parallel_loop3A_2836] {strides = array<i32>} : memref<2x64x128xf32, #tpu.memory_space<vmem>>, vector<16xf32>,
        %parallel_loop3A_2838 = arith.mulf %parallel_loop3A_2817, %parallel_loop3A_2833 : vector<16xf32>
        %parallel_loop3A_2839 = arith.mulf %parallel_loop3A_2821, %parallel_loop3A_2837 : vector<16xf32>
        %parallel_loop3A_2840 = arith.subf %parallel_loop3A_2838, %parallel_loop3A_2839 : vector<16xf32>
        %parallel_loop3A_2841 = arith.subf %parallel_loop3A_2840, %parallel_loop3A_2825 : vector<16xf32>
        %parallel_loop3A_2842 = arith.mulf %parallel_loop3A_2817, %parallel_loop3A_2837 : vector<16xf32>
        %parallel_loop3A_2843 = arith.mulf %parallel_loop3A_2821, %parallel_loop3A_2833 : vector<16xf32>
        %parallel_loop3A_2844 = arith.addf %parallel_loop3A_2842, %parallel_loop3A_2843 : vector<16xf32>
        %parallel_loop3A_2845 = arith.subf %parallel_loop3A_2844, %parallel_loop3A_2829 : vector<16xf32>
        %parallel_loop3A_2846 = arith.mulf %parallel_loop3A_2841, %parallel_loop3A_2841 : vector<16xf32>
        %parallel_loop3A_2847 = arith.mulf %parallel_loop3A_2845, %parallel_loop3A_2845 : vector<16xf32>
        %parallel_loop3A_2848 = arith.addf %parallel_loop3A_2846, %parallel_loop3A_2847 : vector<16xf32>
        %parallel_loop3A_2849 = tpu.bitcast %parallel_loop3A_2848 : vector<16xf32> -> vector<16xi32>
        %parallel_loop3A_2850 = arith.constant 1 : i32
        %parallel_loop3A_2851 = vector.broadcast %parallel_loop3A_2850 : i32 to vector<16xi32>
        %parallel_loop3A_2852 = arith.shrsi %parallel_loop3A_2849, %parallel_loop3A_2851 : vector<16xi32>
        %parallel_loop3A_2853 = arith.constant 1597463007 : i32
        %parallel_loop3A_2854 = vector.broadcast %parallel_loop3A_2853 : i32 to vector<16xi32>
        %parallel_loop3A_2855 = arith.subi %parallel_loop3A_2854, %parallel_loop3A_2852 : vector<16xi32>
        %parallel_loop3A_2856 = tpu.bitcast %parallel_loop3A_2855 : vector<16xi32> -> vector<16xf32>
        %parallel_loop3A_2857 = arith.mulf %parallel_loop3A_2848, %parallel_loop3A_2856 : vector<16xf32>
        %parallel_loop3A_2858 = arith.mulf %parallel_loop3A_2856, %parallel_loop3A_2857 : vector<16xf32>
        %parallel_loop3A_2859 = arith.constant -5.000000e-01 : f32
        %parallel_loop3A_2860 = vector.broadcast %parallel_loop3A_2859 : f32 to vector<16xf32>
        %parallel_loop3A_2861 = arith.mulf %parallel_loop3A_2858, %parallel_loop3A_2860 : vector<16xf32>
        %parallel_loop3A_2862 = arith.constant 1.500000e+00 : f32
        %parallel_loop3A_2863 = vector.broadcast %parallel_loop3A_2862 : f32 to vector<16xf32>
        %parallel_loop3A_2864 = arith.addf %parallel_loop3A_2861, %parallel_loop3A_2863 : vector<16xf32>
        %parallel_loop3A_2865 = arith.mulf %parallel_loop3A_2857, %parallel_loop3A_2864 : vector<16xf32>
        %parallel_loop3A_2866 = arith.addf %parallel_loop3A_2813, %parallel_loop3A_2865 : vector<16xf32>
        %parallel_loop3A_2867 = arith.index_cast %rem3A_54 : i32 to index
        %parallel_loop3A_2868 = arith.index_cast %parallel_loop3A_2758 : i32 to index
        %parallel_loop3A_2869 = arith.constant 32 : index
        %parallel_loop3A_2870 = tpu.vector_load %arg11[%parallel_loop3A_2867, %parallel_loop3A_2868, %parallel_loop3A_2869] {strides = array<i32>} : memref<2x64x128xf32, #tpu.memory_space<vmem>>, vector<16xf32>,
        %parallel_loop3A_2871 = arith.index_cast %rem3A_54 : i32 to index
        %parallel_loop3A_2872 = arith.index_cast %parallel_loop3A_2758 : i32 to index
        %parallel_loop3A_2873 = arith.constant 96 : index
        %parallel_loop3A_2874 = tpu.vector_load %arg11[%parallel_loop3A_2871, %parallel_loop3A_2872, %parallel_loop3A_2873] {strides = array<i32>} : memref<2x64x128xf32, #tpu.memory_space<vmem>>, vector<16xf32>,
        %parallel_loop3A_2875 = arith.index_cast %rem3A_54 : i32 to index
        %parallel_loop3A_2876 = arith.index_cast %parallel_loop3A_2758 : i32 to index
        %parallel_loop3A_2877 = arith.constant 32 : index
        %parallel_loop3A_2878 = tpu.vector_load %arg12[%parallel_loop3A_2875, %parallel_loop3A_2876, %parallel_loop3A_2877] {strides = array<i32>} : memref<2x64x128xf32, #tpu.memory_space<vmem>>, vector<16xf32>,
        %parallel_loop3A_2879 = arith.index_cast %rem3A_54 : i32 to index
        %parallel_loop3A_2880 = arith.index_cast %parallel_loop3A_2758 : i32 to index
        %parallel_loop3A_2881 = arith.constant 96 : index
        %parallel_loop3A_2882 = tpu.vector_load %arg12[%parallel_loop3A_2879, %parallel_loop3A_2880, %parallel_loop3A_2881] {strides = array<i32>} : memref<2x64x128xf32, #tpu.memory_space<vmem>>, vector<16xf32>,
        %parallel_loop3A_2883 = arith.index_cast %rem3A_54 : i32 to index
        %parallel_loop3A_2884 = arith.index_cast %parallel_loop3A_2758 : i32 to index
        %parallel_loop3A_2885 = arith.constant 32 : index
        %parallel_loop3A_2886 = tpu.vector_load %arg13[%parallel_loop3A_2883, %parallel_loop3A_2884, %parallel_loop3A_2885] {strides = array<i32>} : memref<2x64x128xf32, #tpu.memory_space<vmem>>, vector<16xf32>,
        %parallel_loop3A_2887 = arith.index_cast %rem3A_54 : i32 to index
        %parallel_loop3A_2888 = arith.index_cast %parallel_loop3A_2758 : i32 to index
        %parallel_loop3A_2889 = arith.constant 96 : index
        %parallel_loop3A_2890 = tpu.vector_load %arg13[%parallel_loop3A_2887, %parallel_loop3A_2888, %parallel_loop3A_2889] {strides = array<i32>} : memref<2x64x128xf32, #tpu.memory_space<vmem>>, vector<16xf32>,
        %parallel_loop3A_2891 = arith.mulf %parallel_loop3A_2870, %parallel_loop3A_2886 : vector<16xf32>
        %parallel_loop3A_2892 = arith.mulf %parallel_loop3A_2874, %parallel_loop3A_2890 : vector<16xf32>
        %parallel_loop3A_2893 = arith.subf %parallel_loop3A_2891, %parallel_loop3A_2892 : vector<16xf32>
        %parallel_loop3A_2894 = arith.subf %parallel_loop3A_2893, %parallel_loop3A_2878 : vector<16xf32>
        %parallel_loop3A_2895 = arith.mulf %parallel_loop3A_2870, %parallel_loop3A_2890 : vector<16xf32>
        %parallel_loop3A_2896 = arith.mulf %parallel_loop3A_2874, %parallel_loop3A_2886 : vector<16xf32>
        %parallel_loop3A_2897 = arith.addf %parallel_loop3A_2895, %parallel_loop3A_2896 : vector<16xf32>
        %parallel_loop3A_2898 = arith.subf %parallel_loop3A_2897, %parallel_loop3A_2882 : vector<16xf32>
        %parallel_loop3A_2899 = arith.mulf %parallel_loop3A_2894, %parallel_loop3A_2894 : vector<16xf32>
        %parallel_loop3A_2900 = arith.mulf %parallel_loop3A_2898, %parallel_loop3A_2898 : vector<16xf32>
        %parallel_loop3A_2901 = arith.addf %parallel_loop3A_2899, %parallel_loop3A_2900 : vector<16xf32>
        %parallel_loop3A_2902 = tpu.bitcast %parallel_loop3A_2901 : vector<16xf32> -> vector<16xi32>
        %parallel_loop3A_2903 = arith.constant 1 : i32
        %parallel_loop3A_2904 = vector.broadcast %parallel_loop3A_2903 : i32 to vector<16xi32>
        %parallel_loop3A_2905 = arith.shrsi %parallel_loop3A_2902, %parallel_loop3A_2904 : vector<16xi32>
        %parallel_loop3A_2906 = arith.constant 1597463007 : i32
        %parallel_loop3A_2907 = vector.broadcast %parallel_loop3A_2906 : i32 to vector<16xi32>
        %parallel_loop3A_2908 = arith.subi %parallel_loop3A_2907, %parallel_loop3A_2905 : vector<16xi32>
        %parallel_loop3A_2909 = tpu.bitcast %parallel_loop3A_2908 : vector<16xi32> -> vector<16xf32>
        %parallel_loop3A_2910 = arith.mulf %parallel_loop3A_2901, %parallel_loop3A_2909 : vector<16xf32>
        %parallel_loop3A_2911 = arith.mulf %parallel_loop3A_2909, %parallel_loop3A_2910 : vector<16xf32>
        %parallel_loop3A_2912 = arith.constant -5.000000e-01 : f32
        %parallel_loop3A_2913 = vector.broadcast %parallel_loop3A_2912 : f32 to vector<16xf32>
        %parallel_loop3A_2914 = arith.mulf %parallel_loop3A_2911, %parallel_loop3A_2913 : vector<16xf32>
        %parallel_loop3A_2915 = arith.constant 1.500000e+00 : f32
        %parallel_loop3A_2916 = vector.broadcast %parallel_loop3A_2915 : f32 to vector<16xf32>
        %parallel_loop3A_2917 = arith.addf %parallel_loop3A_2914, %parallel_loop3A_2916 : vector<16xf32>
        %parallel_loop3A_2918 = arith.mulf %parallel_loop3A_2910, %parallel_loop3A_2917 : vector<16xf32>
        %parallel_loop3A_2919 = arith.addf %parallel_loop3A_2866, %parallel_loop3A_2918 : vector<16xf32>
        %parallel_loop3A_2920 = arith.index_cast %rem3A_54 : i32 to index
        %parallel_loop3A_2921 = arith.index_cast %parallel_loop3A_2758 : i32 to index
        %parallel_loop3A_2922 = arith.constant 48 : index
        %parallel_loop3A_2923 = tpu.vector_load %arg11[%parallel_loop3A_2920, %parallel_loop3A_2921, %parallel_loop3A_2922] {strides = array<i32>} : memref<2x64x128xf32, #tpu.memory_space<vmem>>, vector<16xf32>,
        %parallel_loop3A_2924 = arith.index_cast %rem3A_54 : i32 to index
        %parallel_loop3A_2925 = arith.index_cast %parallel_loop3A_2758 : i32 to index
        %parallel_loop3A_2926 = arith.constant 112 : index
        %parallel_loop3A_2927 = tpu.vector_load %arg11[%parallel_loop3A_2924, %parallel_loop3A_2925, %parallel_loop3A_2926] {strides = array<i32>} : memref<2x64x128xf32, #tpu.memory_space<vmem>>, vector<16xf32>,
        %parallel_loop3A_2928 = arith.index_cast %rem3A_54 : i32 to index
        %parallel_loop3A_2929 = arith.index_cast %parallel_loop3A_2758 : i32 to index
        %parallel_loop3A_2930 = arith.constant 48 : index
        %parallel_loop3A_2931 = tpu.vector_load %arg12[%parallel_loop3A_2928, %parallel_loop3A_2929, %parallel_loop3A_2930] {strides = array<i32>} : memref<2x64x128xf32, #tpu.memory_space<vmem>>, vector<16xf32>,
        %parallel_loop3A_2932 = arith.index_cast %rem3A_54 : i32 to index
        %parallel_loop3A_2933 = arith.index_cast %parallel_loop3A_2758 : i32 to index
        %parallel_loop3A_2934 = arith.constant 112 : index
        %parallel_loop3A_2935 = tpu.vector_load %arg12[%parallel_loop3A_2932, %parallel_loop3A_2933, %parallel_loop3A_2934] {strides = array<i32>} : memref<2x64x128xf32, #tpu.memory_space<vmem>>, vector<16xf32>,
        %parallel_loop3A_2936 = arith.index_cast %rem3A_54 : i32 to index
        %parallel_loop3A_2937 = arith.index_cast %parallel_loop3A_2758 : i32 to index
        %parallel_loop3A_2938 = arith.constant 48 : index
        %parallel_loop3A_2939 = tpu.vector_load %arg13[%parallel_loop3A_2936, %parallel_loop3A_2937, %parallel_loop3A_2938] {strides = array<i32>} : memref<2x64x128xf32, #tpu.memory_space<vmem>>, vector<16xf32>,
        %parallel_loop3A_2940 = arith.index_cast %rem3A_54 : i32 to index
        %parallel_loop3A_2941 = arith.index_cast %parallel_loop3A_2758 : i32 to index
        %parallel_loop3A_2942 = arith.constant 112 : index
        %parallel_loop3A_2943 = tpu.vector_load %arg13[%parallel_loop3A_2940, %parallel_loop3A_2941, %parallel_loop3A_2942] {strides = array<i32>} : memref<2x64x128xf32, #tpu.memory_space<vmem>>, vector<16xf32>,
        %parallel_loop3A_2944 = arith.mulf %parallel_loop3A_2923, %parallel_loop3A_2939 : vector<16xf32>
        %parallel_loop3A_2945 = arith.mulf %parallel_loop3A_2927, %parallel_loop3A_2943 : vector<16xf32>
        %parallel_loop3A_2946 = arith.subf %parallel_loop3A_2944, %parallel_loop3A_2945 : vector<16xf32>
        %parallel_loop3A_2947 = arith.subf %parallel_loop3A_2946, %parallel_loop3A_2931 : vector<16xf32>
        %parallel_loop3A_2948 = arith.mulf %parallel_loop3A_2923, %parallel_loop3A_2943 : vector<16xf32>
        %parallel_loop3A_2949 = arith.mulf %parallel_loop3A_2927, %parallel_loop3A_2939 : vector<16xf32>
        %parallel_loop3A_2950 = arith.addf %parallel_loop3A_2948, %parallel_loop3A_2949 : vector<16xf32>
        %parallel_loop3A_2951 = arith.subf %parallel_loop3A_2950, %parallel_loop3A_2935 : vector<16xf32>
        %parallel_loop3A_2952 = arith.mulf %parallel_loop3A_2947, %parallel_loop3A_2947 : vector<16xf32>
        %parallel_loop3A_2953 = arith.mulf %parallel_loop3A_2951, %parallel_loop3A_2951 : vector<16xf32>
        %parallel_loop3A_2954 = arith.addf %parallel_loop3A_2952, %parallel_loop3A_2953 : vector<16xf32>
        %parallel_loop3A_2955 = tpu.bitcast %parallel_loop3A_2954 : vector<16xf32> -> vector<16xi32>
        %parallel_loop3A_2956 = arith.constant 1 : i32
        %parallel_loop3A_2957 = vector.broadcast %parallel_loop3A_2956 : i32 to vector<16xi32>
        %parallel_loop3A_2958 = arith.shrsi %parallel_loop3A_2955, %parallel_loop3A_2957 : vector<16xi32>
        %parallel_loop3A_2959 = arith.constant 1597463007 : i32
        %parallel_loop3A_2960 = vector.broadcast %parallel_loop3A_2959 : i32 to vector<16xi32>
        %parallel_loop3A_2961 = arith.subi %parallel_loop3A_2960, %parallel_loop3A_2958 : vector<16xi32>
        %parallel_loop3A_2962 = tpu.bitcast %parallel_loop3A_2961 : vector<16xi32> -> vector<16xf32>
        %parallel_loop3A_2963 = arith.mulf %parallel_loop3A_2954, %parallel_loop3A_2962 : vector<16xf32>
        %parallel_loop3A_2964 = arith.mulf %parallel_loop3A_2962, %parallel_loop3A_2963 : vector<16xf32>
        %parallel_loop3A_2965 = arith.constant -5.000000e-01 : f32
        %parallel_loop3A_2966 = vector.broadcast %parallel_loop3A_2965 : f32 to vector<16xf32>
        %parallel_loop3A_2967 = arith.mulf %parallel_loop3A_2964, %parallel_loop3A_2966 : vector<16xf32>
        %parallel_loop3A_2968 = arith.constant 1.500000e+00 : f32
        %parallel_loop3A_2969 = vector.broadcast %parallel_loop3A_2968 : f32 to vector<16xf32>
        %parallel_loop3A_2970 = arith.addf %parallel_loop3A_2967, %parallel_loop3A_2969 : vector<16xf32>
        %parallel_loop3A_2971 = arith.mulf %parallel_loop3A_2963, %parallel_loop3A_2970 : vector<16xf32>
        %parallel_loop3A_2972 = arith.addf %parallel_loop3A_2919, %parallel_loop3A_2971 : vector<16xf32>
        %parallel_loop3A_2973 = arith.constant 192 : i32
        %parallel_loop3A_2974 = arith.addi %parallel_loop3A_90, %parallel_loop3A_2973 : i32
        %parallel_loop3A_2975 = arith.index_cast %parallel_loop3A_2974 : i32 to index
        %parallel_loop3A_2976 = tpu.vector_load %arg14[%parallel_loop3A_2975] {strides = array<i32>} : memref<1024xf32, #tpu.memory_space<vmem>>, vector<16xf32>,
        tpu.vector_store %arg14[%parallel_loop3A_2975], %parallel_loop3A_2972 {strides = array<i32>} : memref<1024xf32, #tpu.memory_space<vmem>>, vector<16xf32>,
        %parallel_loop3A_2977 = arith.constant 16 : i32
        %parallel_loop3A_2978 = arith.muli %parallel_loop3A_88, %parallel_loop3A_2977 : i32
        %parallel_loop3A_2979 = arith.constant 13 : i32
        %parallel_loop3A_2980 = arith.addi %parallel_loop3A_2978, %parallel_loop3A_2979 : i32
        %parallel_loop3A_2981 = arith.constant 0.000000e+00 : f32
        %parallel_loop3A_2982 = vector.broadcast %parallel_loop3A_2981 : f32 to vector<16xf32>
        %parallel_loop3A_2983 = arith.index_cast %rem3A_54 : i32 to index
        %parallel_loop3A_2984 = arith.index_cast %parallel_loop3A_2980 : i32 to index
        %parallel_loop3A_2985 = arith.constant 0 : index
        %parallel_loop3A_2986 = tpu.vector_load %arg11[%parallel_loop3A_2983, %parallel_loop3A_2984, %parallel_loop3A_2985] {strides = array<i32>} : memref<2x64x128xf32, #tpu.memory_space<vmem>>, vector<16xf32>,
        %parallel_loop3A_2987 = arith.index_cast %rem3A_54 : i32 to index
        %parallel_loop3A_2988 = arith.index_cast %parallel_loop3A_2980 : i32 to index
        %parallel_loop3A_2989 = arith.constant 64 : index
        %parallel_loop3A_2990 = tpu.vector_load %arg11[%parallel_loop3A_2987, %parallel_loop3A_2988, %parallel_loop3A_2989] {strides = array<i32>} : memref<2x64x128xf32, #tpu.memory_space<vmem>>, vector<16xf32>,
        %parallel_loop3A_2991 = arith.index_cast %rem3A_54 : i32 to index
        %parallel_loop3A_2992 = arith.index_cast %parallel_loop3A_2980 : i32 to index
        %parallel_loop3A_2993 = arith.constant 0 : index
        %parallel_loop3A_2994 = tpu.vector_load %arg12[%parallel_loop3A_2991, %parallel_loop3A_2992, %parallel_loop3A_2993] {strides = array<i32>} : memref<2x64x128xf32, #tpu.memory_space<vmem>>, vector<16xf32>,
        %parallel_loop3A_2995 = arith.index_cast %rem3A_54 : i32 to index
        %parallel_loop3A_2996 = arith.index_cast %parallel_loop3A_2980 : i32 to index
        %parallel_loop3A_2997 = arith.constant 64 : index
        %parallel_loop3A_2998 = tpu.vector_load %arg12[%parallel_loop3A_2995, %parallel_loop3A_2996, %parallel_loop3A_2997] {strides = array<i32>} : memref<2x64x128xf32, #tpu.memory_space<vmem>>, vector<16xf32>,
        %parallel_loop3A_2999 = arith.index_cast %rem3A_54 : i32 to index
        %parallel_loop3A_3000 = arith.index_cast %parallel_loop3A_2980 : i32 to index
        %parallel_loop3A_3001 = arith.constant 0 : index
        %parallel_loop3A_3002 = tpu.vector_load %arg13[%parallel_loop3A_2999, %parallel_loop3A_3000, %parallel_loop3A_3001] {strides = array<i32>} : memref<2x64x128xf32, #tpu.memory_space<vmem>>, vector<16xf32>,
        %parallel_loop3A_3003 = arith.index_cast %rem3A_54 : i32 to index
        %parallel_loop3A_3004 = arith.index_cast %parallel_loop3A_2980 : i32 to index
        %parallel_loop3A_3005 = arith.constant 64 : index
        %parallel_loop3A_3006 = tpu.vector_load %arg13[%parallel_loop3A_3003, %parallel_loop3A_3004, %parallel_loop3A_3005] {strides = array<i32>} : memref<2x64x128xf32, #tpu.memory_space<vmem>>, vector<16xf32>,
        %parallel_loop3A_3007 = arith.mulf %parallel_loop3A_2986, %parallel_loop3A_3002 : vector<16xf32>
        %parallel_loop3A_3008 = arith.mulf %parallel_loop3A_2990, %parallel_loop3A_3006 : vector<16xf32>
        %parallel_loop3A_3009 = arith.subf %parallel_loop3A_3007, %parallel_loop3A_3008 : vector<16xf32>
        %parallel_loop3A_3010 = arith.subf %parallel_loop3A_3009, %parallel_loop3A_2994 : vector<16xf32>
        %parallel_loop3A_3011 = arith.mulf %parallel_loop3A_2986, %parallel_loop3A_3006 : vector<16xf32>
        %parallel_loop3A_3012 = arith.mulf %parallel_loop3A_2990, %parallel_loop3A_3002 : vector<16xf32>
        %parallel_loop3A_3013 = arith.addf %parallel_loop3A_3011, %parallel_loop3A_3012 : vector<16xf32>
        %parallel_loop3A_3014 = arith.subf %parallel_loop3A_3013, %parallel_loop3A_2998 : vector<16xf32>
        %parallel_loop3A_3015 = arith.mulf %parallel_loop3A_3010, %parallel_loop3A_3010 : vector<16xf32>
        %parallel_loop3A_3016 = arith.mulf %parallel_loop3A_3014, %parallel_loop3A_3014 : vector<16xf32>
        %parallel_loop3A_3017 = arith.addf %parallel_loop3A_3015, %parallel_loop3A_3016 : vector<16xf32>
        %parallel_loop3A_3018 = tpu.bitcast %parallel_loop3A_3017 : vector<16xf32> -> vector<16xi32>
        %parallel_loop3A_3019 = arith.constant 1 : i32
        %parallel_loop3A_3020 = vector.broadcast %parallel_loop3A_3019 : i32 to vector<16xi32>
        %parallel_loop3A_3021 = arith.shrsi %parallel_loop3A_3018, %parallel_loop3A_3020 : vector<16xi32>
        %parallel_loop3A_3022 = arith.constant 1597463007 : i32
        %parallel_loop3A_3023 = vector.broadcast %parallel_loop3A_3022 : i32 to vector<16xi32>
        %parallel_loop3A_3024 = arith.subi %parallel_loop3A_3023, %parallel_loop3A_3021 : vector<16xi32>
        %parallel_loop3A_3025 = tpu.bitcast %parallel_loop3A_3024 : vector<16xi32> -> vector<16xf32>
        %parallel_loop3A_3026 = arith.mulf %parallel_loop3A_3017, %parallel_loop3A_3025 : vector<16xf32>
        %parallel_loop3A_3027 = arith.mulf %parallel_loop3A_3025, %parallel_loop3A_3026 : vector<16xf32>
        %parallel_loop3A_3028 = arith.constant -5.000000e-01 : f32
        %parallel_loop3A_3029 = vector.broadcast %parallel_loop3A_3028 : f32 to vector<16xf32>
        %parallel_loop3A_3030 = arith.mulf %parallel_loop3A_3027, %parallel_loop3A_3029 : vector<16xf32>
        %parallel_loop3A_3031 = arith.constant 1.500000e+00 : f32
        %parallel_loop3A_3032 = vector.broadcast %parallel_loop3A_3031 : f32 to vector<16xf32>
        %parallel_loop3A_3033 = arith.addf %parallel_loop3A_3030, %parallel_loop3A_3032 : vector<16xf32>
        %parallel_loop3A_3034 = arith.mulf %parallel_loop3A_3026, %parallel_loop3A_3033 : vector<16xf32>
        %parallel_loop3A_3035 = arith.addf %parallel_loop3A_2982, %parallel_loop3A_3034 : vector<16xf32>
        %parallel_loop3A_3036 = arith.index_cast %rem3A_54 : i32 to index
        %parallel_loop3A_3037 = arith.index_cast %parallel_loop3A_2980 : i32 to index
        %parallel_loop3A_3038 = arith.constant 16 : index
        %parallel_loop3A_3039 = tpu.vector_load %arg11[%parallel_loop3A_3036, %parallel_loop3A_3037, %parallel_loop3A_3038] {strides = array<i32>} : memref<2x64x128xf32, #tpu.memory_space<vmem>>, vector<16xf32>,
        %parallel_loop3A_3040 = arith.index_cast %rem3A_54 : i32 to index
        %parallel_loop3A_3041 = arith.index_cast %parallel_loop3A_2980 : i32 to index
        %parallel_loop3A_3042 = arith.constant 80 : index
        %parallel_loop3A_3043 = tpu.vector_load %arg11[%parallel_loop3A_3040, %parallel_loop3A_3041, %parallel_loop3A_3042] {strides = array<i32>} : memref<2x64x128xf32, #tpu.memory_space<vmem>>, vector<16xf32>,
        %parallel_loop3A_3044 = arith.index_cast %rem3A_54 : i32 to index
        %parallel_loop3A_3045 = arith.index_cast %parallel_loop3A_2980 : i32 to index
        %parallel_loop3A_3046 = arith.constant 16 : index
        %parallel_loop3A_3047 = tpu.vector_load %arg12[%parallel_loop3A_3044, %parallel_loop3A_3045, %parallel_loop3A_3046] {strides = array<i32>} : memref<2x64x128xf32, #tpu.memory_space<vmem>>, vector<16xf32>,
        %parallel_loop3A_3048 = arith.index_cast %rem3A_54 : i32 to index
        %parallel_loop3A_3049 = arith.index_cast %parallel_loop3A_2980 : i32 to index
        %parallel_loop3A_3050 = arith.constant 80 : index
        %parallel_loop3A_3051 = tpu.vector_load %arg12[%parallel_loop3A_3048, %parallel_loop3A_3049, %parallel_loop3A_3050] {strides = array<i32>} : memref<2x64x128xf32, #tpu.memory_space<vmem>>, vector<16xf32>,
        %parallel_loop3A_3052 = arith.index_cast %rem3A_54 : i32 to index
        %parallel_loop3A_3053 = arith.index_cast %parallel_loop3A_2980 : i32 to index
        %parallel_loop3A_3054 = arith.constant 16 : index
        %parallel_loop3A_3055 = tpu.vector_load %arg13[%parallel_loop3A_3052, %parallel_loop3A_3053, %parallel_loop3A_3054] {strides = array<i32>} : memref<2x64x128xf32, #tpu.memory_space<vmem>>, vector<16xf32>,
        %parallel_loop3A_3056 = arith.index_cast %rem3A_54 : i32 to index
        %parallel_loop3A_3057 = arith.index_cast %parallel_loop3A_2980 : i32 to index
        %parallel_loop3A_3058 = arith.constant 80 : index
        %parallel_loop3A_3059 = tpu.vector_load %arg13[%parallel_loop3A_3056, %parallel_loop3A_3057, %parallel_loop3A_3058] {strides = array<i32>} : memref<2x64x128xf32, #tpu.memory_space<vmem>>, vector<16xf32>,
        %parallel_loop3A_3060 = arith.mulf %parallel_loop3A_3039, %parallel_loop3A_3055 : vector<16xf32>
        %parallel_loop3A_3061 = arith.mulf %parallel_loop3A_3043, %parallel_loop3A_3059 : vector<16xf32>
        %parallel_loop3A_3062 = arith.subf %parallel_loop3A_3060, %parallel_loop3A_3061 : vector<16xf32>
        %parallel_loop3A_3063 = arith.subf %parallel_loop3A_3062, %parallel_loop3A_3047 : vector<16xf32>
        %parallel_loop3A_3064 = arith.mulf %parallel_loop3A_3039, %parallel_loop3A_3059 : vector<16xf32>
        %parallel_loop3A_3065 = arith.mulf %parallel_loop3A_3043, %parallel_loop3A_3055 : vector<16xf32>
        %parallel_loop3A_3066 = arith.addf %parallel_loop3A_3064, %parallel_loop3A_3065 : vector<16xf32>
        %parallel_loop3A_3067 = arith.subf %parallel_loop3A_3066, %parallel_loop3A_3051 : vector<16xf32>
        %parallel_loop3A_3068 = arith.mulf %parallel_loop3A_3063, %parallel_loop3A_3063 : vector<16xf32>
        %parallel_loop3A_3069 = arith.mulf %parallel_loop3A_3067, %parallel_loop3A_3067 : vector<16xf32>
        %parallel_loop3A_3070 = arith.addf %parallel_loop3A_3068, %parallel_loop3A_3069 : vector<16xf32>
        %parallel_loop3A_3071 = tpu.bitcast %parallel_loop3A_3070 : vector<16xf32> -> vector<16xi32>
        %parallel_loop3A_3072 = arith.constant 1 : i32
        %parallel_loop3A_3073 = vector.broadcast %parallel_loop3A_3072 : i32 to vector<16xi32>
        %parallel_loop3A_3074 = arith.shrsi %parallel_loop3A_3071, %parallel_loop3A_3073 : vector<16xi32>
        %parallel_loop3A_3075 = arith.constant 1597463007 : i32
        %parallel_loop3A_3076 = vector.broadcast %parallel_loop3A_3075 : i32 to vector<16xi32>
        %parallel_loop3A_3077 = arith.subi %parallel_loop3A_3076, %parallel_loop3A_3074 : vector<16xi32>
        %parallel_loop3A_3078 = tpu.bitcast %parallel_loop3A_3077 : vector<16xi32> -> vector<16xf32>
        %parallel_loop3A_3079 = arith.mulf %parallel_loop3A_3070, %parallel_loop3A_3078 : vector<16xf32>
        %parallel_loop3A_3080 = arith.mulf %parallel_loop3A_3078, %parallel_loop3A_3079 : vector<16xf32>
        %parallel_loop3A_3081 = arith.constant -5.000000e-01 : f32
        %parallel_loop3A_3082 = vector.broadcast %parallel_loop3A_3081 : f32 to vector<16xf32>
        %parallel_loop3A_3083 = arith.mulf %parallel_loop3A_3080, %parallel_loop3A_3082 : vector<16xf32>
        %parallel_loop3A_3084 = arith.constant 1.500000e+00 : f32
        %parallel_loop3A_3085 = vector.broadcast %parallel_loop3A_3084 : f32 to vector<16xf32>
        %parallel_loop3A_3086 = arith.addf %parallel_loop3A_3083, %parallel_loop3A_3085 : vector<16xf32>
        %parallel_loop3A_3087 = arith.mulf %parallel_loop3A_3079, %parallel_loop3A_3086 : vector<16xf32>
        %parallel_loop3A_3088 = arith.addf %parallel_loop3A_3035, %parallel_loop3A_3087 : vector<16xf32>
        %parallel_loop3A_3089 = arith.index_cast %rem3A_54 : i32 to index
        %parallel_loop3A_3090 = arith.index_cast %parallel_loop3A_2980 : i32 to index
        %parallel_loop3A_3091 = arith.constant 32 : index
        %parallel_loop3A_3092 = tpu.vector_load %arg11[%parallel_loop3A_3089, %parallel_loop3A_3090, %parallel_loop3A_3091] {strides = array<i32>} : memref<2x64x128xf32, #tpu.memory_space<vmem>>, vector<16xf32>,
        %parallel_loop3A_3093 = arith.index_cast %rem3A_54 : i32 to index
        %parallel_loop3A_3094 = arith.index_cast %parallel_loop3A_2980 : i32 to index
        %parallel_loop3A_3095 = arith.constant 96 : index
        %parallel_loop3A_3096 = tpu.vector_load %arg11[%parallel_loop3A_3093, %parallel_loop3A_3094, %parallel_loop3A_3095] {strides = array<i32>} : memref<2x64x128xf32, #tpu.memory_space<vmem>>, vector<16xf32>,
        %parallel_loop3A_3097 = arith.index_cast %rem3A_54 : i32 to index
        %parallel_loop3A_3098 = arith.index_cast %parallel_loop3A_2980 : i32 to index
        %parallel_loop3A_3099 = arith.constant 32 : index
        %parallel_loop3A_3100 = tpu.vector_load %arg12[%parallel_loop3A_3097, %parallel_loop3A_3098, %parallel_loop3A_3099] {strides = array<i32>} : memref<2x64x128xf32, #tpu.memory_space<vmem>>, vector<16xf32>,
        %parallel_loop3A_3101 = arith.index_cast %rem3A_54 : i32 to index
        %parallel_loop3A_3102 = arith.index_cast %parallel_loop3A_2980 : i32 to index
        %parallel_loop3A_3103 = arith.constant 96 : index
        %parallel_loop3A_3104 = tpu.vector_load %arg12[%parallel_loop3A_3101, %parallel_loop3A_3102, %parallel_loop3A_3103] {strides = array<i32>} : memref<2x64x128xf32, #tpu.memory_space<vmem>>, vector<16xf32>,
        %parallel_loop3A_3105 = arith.index_cast %rem3A_54 : i32 to index
        %parallel_loop3A_3106 = arith.index_cast %parallel_loop3A_2980 : i32 to index
        %parallel_loop3A_3107 = arith.constant 32 : index
        %parallel_loop3A_3108 = tpu.vector_load %arg13[%parallel_loop3A_3105, %parallel_loop3A_3106, %parallel_loop3A_3107] {strides = array<i32>} : memref<2x64x128xf32, #tpu.memory_space<vmem>>, vector<16xf32>,
        %parallel_loop3A_3109 = arith.index_cast %rem3A_54 : i32 to index
        %parallel_loop3A_3110 = arith.index_cast %parallel_loop3A_2980 : i32 to index
        %parallel_loop3A_3111 = arith.constant 96 : index
        %parallel_loop3A_3112 = tpu.vector_load %arg13[%parallel_loop3A_3109, %parallel_loop3A_3110, %parallel_loop3A_3111] {strides = array<i32>} : memref<2x64x128xf32, #tpu.memory_space<vmem>>, vector<16xf32>,
        %parallel_loop3A_3113 = arith.mulf %parallel_loop3A_3092, %parallel_loop3A_3108 : vector<16xf32>
        %parallel_loop3A_3114 = arith.mulf %parallel_loop3A_3096, %parallel_loop3A_3112 : vector<16xf32>
        %parallel_loop3A_3115 = arith.subf %parallel_loop3A_3113, %parallel_loop3A_3114 : vector<16xf32>
        %parallel_loop3A_3116 = arith.subf %parallel_loop3A_3115, %parallel_loop3A_3100 : vector<16xf32>
        %parallel_loop3A_3117 = arith.mulf %parallel_loop3A_3092, %parallel_loop3A_3112 : vector<16xf32>
        %parallel_loop3A_3118 = arith.mulf %parallel_loop3A_3096, %parallel_loop3A_3108 : vector<16xf32>
        %parallel_loop3A_3119 = arith.addf %parallel_loop3A_3117, %parallel_loop3A_3118 : vector<16xf32>
        %parallel_loop3A_3120 = arith.subf %parallel_loop3A_3119, %parallel_loop3A_3104 : vector<16xf32>
        %parallel_loop3A_3121 = arith.mulf %parallel_loop3A_3116, %parallel_loop3A_3116 : vector<16xf32>
        %parallel_loop3A_3122 = arith.mulf %parallel_loop3A_3120, %parallel_loop3A_3120 : vector<16xf32>
        %parallel_loop3A_3123 = arith.addf %parallel_loop3A_3121, %parallel_loop3A_3122 : vector<16xf32>
        %parallel_loop3A_3124 = tpu.bitcast %parallel_loop3A_3123 : vector<16xf32> -> vector<16xi32>
        %parallel_loop3A_3125 = arith.constant 1 : i32
        %parallel_loop3A_3126 = vector.broadcast %parallel_loop3A_3125 : i32 to vector<16xi32>
        %parallel_loop3A_3127 = arith.shrsi %parallel_loop3A_3124, %parallel_loop3A_3126 : vector<16xi32>
        %parallel_loop3A_3128 = arith.constant 1597463007 : i32
        %parallel_loop3A_3129 = vector.broadcast %parallel_loop3A_3128 : i32 to vector<16xi32>
        %parallel_loop3A_3130 = arith.subi %parallel_loop3A_3129, %parallel_loop3A_3127 : vector<16xi32>
        %parallel_loop3A_3131 = tpu.bitcast %parallel_loop3A_3130 : vector<16xi32> -> vector<16xf32>
        %parallel_loop3A_3132 = arith.mulf %parallel_loop3A_3123, %parallel_loop3A_3131 : vector<16xf32>
        %parallel_loop3A_3133 = arith.mulf %parallel_loop3A_3131, %parallel_loop3A_3132 : vector<16xf32>
        %parallel_loop3A_3134 = arith.constant -5.000000e-01 : f32
        %parallel_loop3A_3135 = vector.broadcast %parallel_loop3A_3134 : f32 to vector<16xf32>
        %parallel_loop3A_3136 = arith.mulf %parallel_loop3A_3133, %parallel_loop3A_3135 : vector<16xf32>
        %parallel_loop3A_3137 = arith.constant 1.500000e+00 : f32
        %parallel_loop3A_3138 = vector.broadcast %parallel_loop3A_3137 : f32 to vector<16xf32>
        %parallel_loop3A_3139 = arith.addf %parallel_loop3A_3136, %parallel_loop3A_3138 : vector<16xf32>
        %parallel_loop3A_3140 = arith.mulf %parallel_loop3A_3132, %parallel_loop3A_3139 : vector<16xf32>
        %parallel_loop3A_3141 = arith.addf %parallel_loop3A_3088, %parallel_loop3A_3140 : vector<16xf32>
        %parallel_loop3A_3142 = arith.index_cast %rem3A_54 : i32 to index
        %parallel_loop3A_3143 = arith.index_cast %parallel_loop3A_2980 : i32 to index
        %parallel_loop3A_3144 = arith.constant 48 : index
        %parallel_loop3A_3145 = tpu.vector_load %arg11[%parallel_loop3A_3142, %parallel_loop3A_3143, %parallel_loop3A_3144] {strides = array<i32>} : memref<2x64x128xf32, #tpu.memory_space<vmem>>, vector<16xf32>,
        %parallel_loop3A_3146 = arith.index_cast %rem3A_54 : i32 to index
        %parallel_loop3A_3147 = arith.index_cast %parallel_loop3A_2980 : i32 to index
        %parallel_loop3A_3148 = arith.constant 112 : index
        %parallel_loop3A_3149 = tpu.vector_load %arg11[%parallel_loop3A_3146, %parallel_loop3A_3147, %parallel_loop3A_3148] {strides = array<i32>} : memref<2x64x128xf32, #tpu.memory_space<vmem>>, vector<16xf32>,
        %parallel_loop3A_3150 = arith.index_cast %rem3A_54 : i32 to index
        %parallel_loop3A_3151 = arith.index_cast %parallel_loop3A_2980 : i32 to index
        %parallel_loop3A_3152 = arith.constant 48 : index
        %parallel_loop3A_3153 = tpu.vector_load %arg12[%parallel_loop3A_3150, %parallel_loop3A_3151, %parallel_loop3A_3152] {strides = array<i32>} : memref<2x64x128xf32, #tpu.memory_space<vmem>>, vector<16xf32>,
        %parallel_loop3A_3154 = arith.index_cast %rem3A_54 : i32 to index
        %parallel_loop3A_3155 = arith.index_cast %parallel_loop3A_2980 : i32 to index
        %parallel_loop3A_3156 = arith.constant 112 : index
        %parallel_loop3A_3157 = tpu.vector_load %arg12[%parallel_loop3A_3154, %parallel_loop3A_3155, %parallel_loop3A_3156] {strides = array<i32>} : memref<2x64x128xf32, #tpu.memory_space<vmem>>, vector<16xf32>,
        %parallel_loop3A_3158 = arith.index_cast %rem3A_54 : i32 to index
        %parallel_loop3A_3159 = arith.index_cast %parallel_loop3A_2980 : i32 to index
        %parallel_loop3A_3160 = arith.constant 48 : index
        %parallel_loop3A_3161 = tpu.vector_load %arg13[%parallel_loop3A_3158, %parallel_loop3A_3159, %parallel_loop3A_3160] {strides = array<i32>} : memref<2x64x128xf32, #tpu.memory_space<vmem>>, vector<16xf32>,
        %parallel_loop3A_3162 = arith.index_cast %rem3A_54 : i32 to index
        %parallel_loop3A_3163 = arith.index_cast %parallel_loop3A_2980 : i32 to index
        %parallel_loop3A_3164 = arith.constant 112 : index
        %parallel_loop3A_3165 = tpu.vector_load %arg13[%parallel_loop3A_3162, %parallel_loop3A_3163, %parallel_loop3A_3164] {strides = array<i32>} : memref<2x64x128xf32, #tpu.memory_space<vmem>>, vector<16xf32>,
        %parallel_loop3A_3166 = arith.mulf %parallel_loop3A_3145, %parallel_loop3A_3161 : vector<16xf32>
        %parallel_loop3A_3167 = arith.mulf %parallel_loop3A_3149, %parallel_loop3A_3165 : vector<16xf32>
        %parallel_loop3A_3168 = arith.subf %parallel_loop3A_3166, %parallel_loop3A_3167 : vector<16xf32>
        %parallel_loop3A_3169 = arith.subf %parallel_loop3A_3168, %parallel_loop3A_3153 : vector<16xf32>
        %parallel_loop3A_3170 = arith.mulf %parallel_loop3A_3145, %parallel_loop3A_3165 : vector<16xf32>
        %parallel_loop3A_3171 = arith.mulf %parallel_loop3A_3149, %parallel_loop3A_3161 : vector<16xf32>
        %parallel_loop3A_3172 = arith.addf %parallel_loop3A_3170, %parallel_loop3A_3171 : vector<16xf32>
        %parallel_loop3A_3173 = arith.subf %parallel_loop3A_3172, %parallel_loop3A_3157 : vector<16xf32>
        %parallel_loop3A_3174 = arith.mulf %parallel_loop3A_3169, %parallel_loop3A_3169 : vector<16xf32>
        %parallel_loop3A_3175 = arith.mulf %parallel_loop3A_3173, %parallel_loop3A_3173 : vector<16xf32>
        %parallel_loop3A_3176 = arith.addf %parallel_loop3A_3174, %parallel_loop3A_3175 : vector<16xf32>
        %parallel_loop3A_3177 = tpu.bitcast %parallel_loop3A_3176 : vector<16xf32> -> vector<16xi32>
        %parallel_loop3A_3178 = arith.constant 1 : i32
        %parallel_loop3A_3179 = vector.broadcast %parallel_loop3A_3178 : i32 to vector<16xi32>
        %parallel_loop3A_3180 = arith.shrsi %parallel_loop3A_3177, %parallel_loop3A_3179 : vector<16xi32>
        %parallel_loop3A_3181 = arith.constant 1597463007 : i32
        %parallel_loop3A_3182 = vector.broadcast %parallel_loop3A_3181 : i32 to vector<16xi32>
        %parallel_loop3A_3183 = arith.subi %parallel_loop3A_3182, %parallel_loop3A_3180 : vector<16xi32>
        %parallel_loop3A_3184 = tpu.bitcast %parallel_loop3A_3183 : vector<16xi32> -> vector<16xf32>
        %parallel_loop3A_3185 = arith.mulf %parallel_loop3A_3176, %parallel_loop3A_3184 : vector<16xf32>
        %parallel_loop3A_3186 = arith.mulf %parallel_loop3A_3184, %parallel_loop3A_3185 : vector<16xf32>
        %parallel_loop3A_3187 = arith.constant -5.000000e-01 : f32
        %parallel_loop3A_3188 = vector.broadcast %parallel_loop3A_3187 : f32 to vector<16xf32>
        %parallel_loop3A_3189 = arith.mulf %parallel_loop3A_3186, %parallel_loop3A_3188 : vector<16xf32>
        %parallel_loop3A_3190 = arith.constant 1.500000e+00 : f32
        %parallel_loop3A_3191 = vector.broadcast %parallel_loop3A_3190 : f32 to vector<16xf32>
        %parallel_loop3A_3192 = arith.addf %parallel_loop3A_3189, %parallel_loop3A_3191 : vector<16xf32>
        %parallel_loop3A_3193 = arith.mulf %parallel_loop3A_3185, %parallel_loop3A_3192 : vector<16xf32>
        %parallel_loop3A_3194 = arith.addf %parallel_loop3A_3141, %parallel_loop3A_3193 : vector<16xf32>
        %parallel_loop3A_3195 = arith.constant 208 : i32
        %parallel_loop3A_3196 = arith.addi %parallel_loop3A_90, %parallel_loop3A_3195 : i32
        %parallel_loop3A_3197 = arith.index_cast %parallel_loop3A_3196 : i32 to index
        %parallel_loop3A_3198 = tpu.vector_load %arg14[%parallel_loop3A_3197] {strides = array<i32>} : memref<1024xf32, #tpu.memory_space<vmem>>, vector<16xf32>,
        tpu.vector_store %arg14[%parallel_loop3A_3197], %parallel_loop3A_3194 {strides = array<i32>} : memref<1024xf32, #tpu.memory_space<vmem>>, vector<16xf32>,
        %parallel_loop3A_3199 = arith.constant 16 : i32
        %parallel_loop3A_3200 = arith.muli %parallel_loop3A_88, %parallel_loop3A_3199 : i32
        %parallel_loop3A_3201 = arith.constant 14 : i32
        %parallel_loop3A_3202 = arith.addi %parallel_loop3A_3200, %parallel_loop3A_3201 : i32
        %parallel_loop3A_3203 = arith.constant 0.000000e+00 : f32
        %parallel_loop3A_3204 = vector.broadcast %parallel_loop3A_3203 : f32 to vector<16xf32>
        %parallel_loop3A_3205 = arith.index_cast %rem3A_54 : i32 to index
        %parallel_loop3A_3206 = arith.index_cast %parallel_loop3A_3202 : i32 to index
        %parallel_loop3A_3207 = arith.constant 0 : index
        %parallel_loop3A_3208 = tpu.vector_load %arg11[%parallel_loop3A_3205, %parallel_loop3A_3206, %parallel_loop3A_3207] {strides = array<i32>} : memref<2x64x128xf32, #tpu.memory_space<vmem>>, vector<16xf32>,
        %parallel_loop3A_3209 = arith.index_cast %rem3A_54 : i32 to index
        %parallel_loop3A_3210 = arith.index_cast %parallel_loop3A_3202 : i32 to index
        %parallel_loop3A_3211 = arith.constant 64 : index
        %parallel_loop3A_3212 = tpu.vector_load %arg11[%parallel_loop3A_3209, %parallel_loop3A_3210, %parallel_loop3A_3211] {strides = array<i32>} : memref<2x64x128xf32, #tpu.memory_space<vmem>>, vector<16xf32>,
        %parallel_loop3A_3213 = arith.index_cast %rem3A_54 : i32 to index
        %parallel_loop3A_3214 = arith.index_cast %parallel_loop3A_3202 : i32 to index
        %parallel_loop3A_3215 = arith.constant 0 : index
        %parallel_loop3A_3216 = tpu.vector_load %arg12[%parallel_loop3A_3213, %parallel_loop3A_3214, %parallel_loop3A_3215] {strides = array<i32>} : memref<2x64x128xf32, #tpu.memory_space<vmem>>, vector<16xf32>,
        %parallel_loop3A_3217 = arith.index_cast %rem3A_54 : i32 to index
        %parallel_loop3A_3218 = arith.index_cast %parallel_loop3A_3202 : i32 to index
        %parallel_loop3A_3219 = arith.constant 64 : index
        %parallel_loop3A_3220 = tpu.vector_load %arg12[%parallel_loop3A_3217, %parallel_loop3A_3218, %parallel_loop3A_3219] {strides = array<i32>} : memref<2x64x128xf32, #tpu.memory_space<vmem>>, vector<16xf32>,
        %parallel_loop3A_3221 = arith.index_cast %rem3A_54 : i32 to index
        %parallel_loop3A_3222 = arith.index_cast %parallel_loop3A_3202 : i32 to index
        %parallel_loop3A_3223 = arith.constant 0 : index
        %parallel_loop3A_3224 = tpu.vector_load %arg13[%parallel_loop3A_3221, %parallel_loop3A_3222, %parallel_loop3A_3223] {strides = array<i32>} : memref<2x64x128xf32, #tpu.memory_space<vmem>>, vector<16xf32>,
        %parallel_loop3A_3225 = arith.index_cast %rem3A_54 : i32 to index
        %parallel_loop3A_3226 = arith.index_cast %parallel_loop3A_3202 : i32 to index
        %parallel_loop3A_3227 = arith.constant 64 : index
        %parallel_loop3A_3228 = tpu.vector_load %arg13[%parallel_loop3A_3225, %parallel_loop3A_3226, %parallel_loop3A_3227] {strides = array<i32>} : memref<2x64x128xf32, #tpu.memory_space<vmem>>, vector<16xf32>,
        %parallel_loop3A_3229 = arith.mulf %parallel_loop3A_3208, %parallel_loop3A_3224 : vector<16xf32>
        %parallel_loop3A_3230 = arith.mulf %parallel_loop3A_3212, %parallel_loop3A_3228 : vector<16xf32>
        %parallel_loop3A_3231 = arith.subf %parallel_loop3A_3229, %parallel_loop3A_3230 : vector<16xf32>
        %parallel_loop3A_3232 = arith.subf %parallel_loop3A_3231, %parallel_loop3A_3216 : vector<16xf32>
        %parallel_loop3A_3233 = arith.mulf %parallel_loop3A_3208, %parallel_loop3A_3228 : vector<16xf32>
        %parallel_loop3A_3234 = arith.mulf %parallel_loop3A_3212, %parallel_loop3A_3224 : vector<16xf32>
        %parallel_loop3A_3235 = arith.addf %parallel_loop3A_3233, %parallel_loop3A_3234 : vector<16xf32>
        %parallel_loop3A_3236 = arith.subf %parallel_loop3A_3235, %parallel_loop3A_3220 : vector<16xf32>
        %parallel_loop3A_3237 = arith.mulf %parallel_loop3A_3232, %parallel_loop3A_3232 : vector<16xf32>
        %parallel_loop3A_3238 = arith.mulf %parallel_loop3A_3236, %parallel_loop3A_3236 : vector<16xf32>
        %parallel_loop3A_3239 = arith.addf %parallel_loop3A_3237, %parallel_loop3A_3238 : vector<16xf32>
        %parallel_loop3A_3240 = tpu.bitcast %parallel_loop3A_3239 : vector<16xf32> -> vector<16xi32>
        %parallel_loop3A_3241 = arith.constant 1 : i32
        %parallel_loop3A_3242 = vector.broadcast %parallel_loop3A_3241 : i32 to vector<16xi32>
        %parallel_loop3A_3243 = arith.shrsi %parallel_loop3A_3240, %parallel_loop3A_3242 : vector<16xi32>
        %parallel_loop3A_3244 = arith.constant 1597463007 : i32
        %parallel_loop3A_3245 = vector.broadcast %parallel_loop3A_3244 : i32 to vector<16xi32>
        %parallel_loop3A_3246 = arith.subi %parallel_loop3A_3245, %parallel_loop3A_3243 : vector<16xi32>
        %parallel_loop3A_3247 = tpu.bitcast %parallel_loop3A_3246 : vector<16xi32> -> vector<16xf32>
        %parallel_loop3A_3248 = arith.mulf %parallel_loop3A_3239, %parallel_loop3A_3247 : vector<16xf32>
        %parallel_loop3A_3249 = arith.mulf %parallel_loop3A_3247, %parallel_loop3A_3248 : vector<16xf32>
        %parallel_loop3A_3250 = arith.constant -5.000000e-01 : f32
        %parallel_loop3A_3251 = vector.broadcast %parallel_loop3A_3250 : f32 to vector<16xf32>
        %parallel_loop3A_3252 = arith.mulf %parallel_loop3A_3249, %parallel_loop3A_3251 : vector<16xf32>
        %parallel_loop3A_3253 = arith.constant 1.500000e+00 : f32
        %parallel_loop3A_3254 = vector.broadcast %parallel_loop3A_3253 : f32 to vector<16xf32>
        %parallel_loop3A_3255 = arith.addf %parallel_loop3A_3252, %parallel_loop3A_3254 : vector<16xf32>
        %parallel_loop3A_3256 = arith.mulf %parallel_loop3A_3248, %parallel_loop3A_3255 : vector<16xf32>
        %parallel_loop3A_3257 = arith.addf %parallel_loop3A_3204, %parallel_loop3A_3256 : vector<16xf32>
        %parallel_loop3A_3258 = arith.index_cast %rem3A_54 : i32 to index
        %parallel_loop3A_3259 = arith.index_cast %parallel_loop3A_3202 : i32 to index
        %parallel_loop3A_3260 = arith.constant 16 : index
        %parallel_loop3A_3261 = tpu.vector_load %arg11[%parallel_loop3A_3258, %parallel_loop3A_3259, %parallel_loop3A_3260] {strides = array<i32>} : memref<2x64x128xf32, #tpu.memory_space<vmem>>, vector<16xf32>,
        %parallel_loop3A_3262 = arith.index_cast %rem3A_54 : i32 to index
        %parallel_loop3A_3263 = arith.index_cast %parallel_loop3A_3202 : i32 to index
        %parallel_loop3A_3264 = arith.constant 80 : index
        %parallel_loop3A_3265 = tpu.vector_load %arg11[%parallel_loop3A_3262, %parallel_loop3A_3263, %parallel_loop3A_3264] {strides = array<i32>} : memref<2x64x128xf32, #tpu.memory_space<vmem>>, vector<16xf32>,
        %parallel_loop3A_3266 = arith.index_cast %rem3A_54 : i32 to index
        %parallel_loop3A_3267 = arith.index_cast %parallel_loop3A_3202 : i32 to index
        %parallel_loop3A_3268 = arith.constant 16 : index
        %parallel_loop3A_3269 = tpu.vector_load %arg12[%parallel_loop3A_3266, %parallel_loop3A_3267, %parallel_loop3A_3268] {strides = array<i32>} : memref<2x64x128xf32, #tpu.memory_space<vmem>>, vector<16xf32>,
        %parallel_loop3A_3270 = arith.index_cast %rem3A_54 : i32 to index
        %parallel_loop3A_3271 = arith.index_cast %parallel_loop3A_3202 : i32 to index
        %parallel_loop3A_3272 = arith.constant 80 : index
        %parallel_loop3A_3273 = tpu.vector_load %arg12[%parallel_loop3A_3270, %parallel_loop3A_3271, %parallel_loop3A_3272] {strides = array<i32>} : memref<2x64x128xf32, #tpu.memory_space<vmem>>, vector<16xf32>,
        %parallel_loop3A_3274 = arith.index_cast %rem3A_54 : i32 to index
        %parallel_loop3A_3275 = arith.index_cast %parallel_loop3A_3202 : i32 to index
        %parallel_loop3A_3276 = arith.constant 16 : index
        %parallel_loop3A_3277 = tpu.vector_load %arg13[%parallel_loop3A_3274, %parallel_loop3A_3275, %parallel_loop3A_3276] {strides = array<i32>} : memref<2x64x128xf32, #tpu.memory_space<vmem>>, vector<16xf32>,
        %parallel_loop3A_3278 = arith.index_cast %rem3A_54 : i32 to index
        %parallel_loop3A_3279 = arith.index_cast %parallel_loop3A_3202 : i32 to index
        %parallel_loop3A_3280 = arith.constant 80 : index
        %parallel_loop3A_3281 = tpu.vector_load %arg13[%parallel_loop3A_3278, %parallel_loop3A_3279, %parallel_loop3A_3280] {strides = array<i32>} : memref<2x64x128xf32, #tpu.memory_space<vmem>>, vector<16xf32>,
        %parallel_loop3A_3282 = arith.mulf %parallel_loop3A_3261, %parallel_loop3A_3277 : vector<16xf32>
        %parallel_loop3A_3283 = arith.mulf %parallel_loop3A_3265, %parallel_loop3A_3281 : vector<16xf32>
        %parallel_loop3A_3284 = arith.subf %parallel_loop3A_3282, %parallel_loop3A_3283 : vector<16xf32>
        %parallel_loop3A_3285 = arith.subf %parallel_loop3A_3284, %parallel_loop3A_3269 : vector<16xf32>
        %parallel_loop3A_3286 = arith.mulf %parallel_loop3A_3261, %parallel_loop3A_3281 : vector<16xf32>
        %parallel_loop3A_3287 = arith.mulf %parallel_loop3A_3265, %parallel_loop3A_3277 : vector<16xf32>
        %parallel_loop3A_3288 = arith.addf %parallel_loop3A_3286, %parallel_loop3A_3287 : vector<16xf32>
        %parallel_loop3A_3289 = arith.subf %parallel_loop3A_3288, %parallel_loop3A_3273 : vector<16xf32>
        %parallel_loop3A_3290 = arith.mulf %parallel_loop3A_3285, %parallel_loop3A_3285 : vector<16xf32>
        %parallel_loop3A_3291 = arith.mulf %parallel_loop3A_3289, %parallel_loop3A_3289 : vector<16xf32>
        %parallel_loop3A_3292 = arith.addf %parallel_loop3A_3290, %parallel_loop3A_3291 : vector<16xf32>
        %parallel_loop3A_3293 = tpu.bitcast %parallel_loop3A_3292 : vector<16xf32> -> vector<16xi32>
        %parallel_loop3A_3294 = arith.constant 1 : i32
        %parallel_loop3A_3295 = vector.broadcast %parallel_loop3A_3294 : i32 to vector<16xi32>
        %parallel_loop3A_3296 = arith.shrsi %parallel_loop3A_3293, %parallel_loop3A_3295 : vector<16xi32>
        %parallel_loop3A_3297 = arith.constant 1597463007 : i32
        %parallel_loop3A_3298 = vector.broadcast %parallel_loop3A_3297 : i32 to vector<16xi32>
        %parallel_loop3A_3299 = arith.subi %parallel_loop3A_3298, %parallel_loop3A_3296 : vector<16xi32>
        %parallel_loop3A_3300 = tpu.bitcast %parallel_loop3A_3299 : vector<16xi32> -> vector<16xf32>
        %parallel_loop3A_3301 = arith.mulf %parallel_loop3A_3292, %parallel_loop3A_3300 : vector<16xf32>
        %parallel_loop3A_3302 = arith.mulf %parallel_loop3A_3300, %parallel_loop3A_3301 : vector<16xf32>
        %parallel_loop3A_3303 = arith.constant -5.000000e-01 : f32
        %parallel_loop3A_3304 = vector.broadcast %parallel_loop3A_3303 : f32 to vector<16xf32>
        %parallel_loop3A_3305 = arith.mulf %parallel_loop3A_3302, %parallel_loop3A_3304 : vector<16xf32>
        %parallel_loop3A_3306 = arith.constant 1.500000e+00 : f32
        %parallel_loop3A_3307 = vector.broadcast %parallel_loop3A_3306 : f32 to vector<16xf32>
        %parallel_loop3A_3308 = arith.addf %parallel_loop3A_3305, %parallel_loop3A_3307 : vector<16xf32>
        %parallel_loop3A_3309 = arith.mulf %parallel_loop3A_3301, %parallel_loop3A_3308 : vector<16xf32>
        %parallel_loop3A_3310 = arith.addf %parallel_loop3A_3257, %parallel_loop3A_3309 : vector<16xf32>
        %parallel_loop3A_3311 = arith.index_cast %rem3A_54 : i32 to index
        %parallel_loop3A_3312 = arith.index_cast %parallel_loop3A_3202 : i32 to index
        %parallel_loop3A_3313 = arith.constant 32 : index
        %parallel_loop3A_3314 = tpu.vector_load %arg11[%parallel_loop3A_3311, %parallel_loop3A_3312, %parallel_loop3A_3313] {strides = array<i32>} : memref<2x64x128xf32, #tpu.memory_space<vmem>>, vector<16xf32>,
        %parallel_loop3A_3315 = arith.index_cast %rem3A_54 : i32 to index
        %parallel_loop3A_3316 = arith.index_cast %parallel_loop3A_3202 : i32 to index
        %parallel_loop3A_3317 = arith.constant 96 : index
        %parallel_loop3A_3318 = tpu.vector_load %arg11[%parallel_loop3A_3315, %parallel_loop3A_3316, %parallel_loop3A_3317] {strides = array<i32>} : memref<2x64x128xf32, #tpu.memory_space<vmem>>, vector<16xf32>,
        %parallel_loop3A_3319 = arith.index_cast %rem3A_54 : i32 to index
        %parallel_loop3A_3320 = arith.index_cast %parallel_loop3A_3202 : i32 to index
        %parallel_loop3A_3321 = arith.constant 32 : index
        %parallel_loop3A_3322 = tpu.vector_load %arg12[%parallel_loop3A_3319, %parallel_loop3A_3320, %parallel_loop3A_3321] {strides = array<i32>} : memref<2x64x128xf32, #tpu.memory_space<vmem>>, vector<16xf32>,
        %parallel_loop3A_3323 = arith.index_cast %rem3A_54 : i32 to index
        %parallel_loop3A_3324 = arith.index_cast %parallel_loop3A_3202 : i32 to index
        %parallel_loop3A_3325 = arith.constant 96 : index
        %parallel_loop3A_3326 = tpu.vector_load %arg12[%parallel_loop3A_3323, %parallel_loop3A_3324, %parallel_loop3A_3325] {strides = array<i32>} : memref<2x64x128xf32, #tpu.memory_space<vmem>>, vector<16xf32>,
        %parallel_loop3A_3327 = arith.index_cast %rem3A_54 : i32 to index
        %parallel_loop3A_3328 = arith.index_cast %parallel_loop3A_3202 : i32 to index
        %parallel_loop3A_3329 = arith.constant 32 : index
        %parallel_loop3A_3330 = tpu.vector_load %arg13[%parallel_loop3A_3327, %parallel_loop3A_3328, %parallel_loop3A_3329] {strides = array<i32>} : memref<2x64x128xf32, #tpu.memory_space<vmem>>, vector<16xf32>,
        %parallel_loop3A_3331 = arith.index_cast %rem3A_54 : i32 to index
        %parallel_loop3A_3332 = arith.index_cast %parallel_loop3A_3202 : i32 to index
        %parallel_loop3A_3333 = arith.constant 96 : index
        %parallel_loop3A_3334 = tpu.vector_load %arg13[%parallel_loop3A_3331, %parallel_loop3A_3332, %parallel_loop3A_3333] {strides = array<i32>} : memref<2x64x128xf32, #tpu.memory_space<vmem>>, vector<16xf32>,
        %parallel_loop3A_3335 = arith.mulf %parallel_loop3A_3314, %parallel_loop3A_3330 : vector<16xf32>
        %parallel_loop3A_3336 = arith.mulf %parallel_loop3A_3318, %parallel_loop3A_3334 : vector<16xf32>
        %parallel_loop3A_3337 = arith.subf %parallel_loop3A_3335, %parallel_loop3A_3336 : vector<16xf32>
        %parallel_loop3A_3338 = arith.subf %parallel_loop3A_3337, %parallel_loop3A_3322 : vector<16xf32>
        %parallel_loop3A_3339 = arith.mulf %parallel_loop3A_3314, %parallel_loop3A_3334 : vector<16xf32>
        %parallel_loop3A_3340 = arith.mulf %parallel_loop3A_3318, %parallel_loop3A_3330 : vector<16xf32>
        %parallel_loop3A_3341 = arith.addf %parallel_loop3A_3339, %parallel_loop3A_3340 : vector<16xf32>
        %parallel_loop3A_3342 = arith.subf %parallel_loop3A_3341, %parallel_loop3A_3326 : vector<16xf32>
        %parallel_loop3A_3343 = arith.mulf %parallel_loop3A_3338, %parallel_loop3A_3338 : vector<16xf32>
        %parallel_loop3A_3344 = arith.mulf %parallel_loop3A_3342, %parallel_loop3A_3342 : vector<16xf32>
        %parallel_loop3A_3345 = arith.addf %parallel_loop3A_3343, %parallel_loop3A_3344 : vector<16xf32>
        %parallel_loop3A_3346 = tpu.bitcast %parallel_loop3A_3345 : vector<16xf32> -> vector<16xi32>
        %parallel_loop3A_3347 = arith.constant 1 : i32
        %parallel_loop3A_3348 = vector.broadcast %parallel_loop3A_3347 : i32 to vector<16xi32>
        %parallel_loop3A_3349 = arith.shrsi %parallel_loop3A_3346, %parallel_loop3A_3348 : vector<16xi32>
        %parallel_loop3A_3350 = arith.constant 1597463007 : i32
        %parallel_loop3A_3351 = vector.broadcast %parallel_loop3A_3350 : i32 to vector<16xi32>
        %parallel_loop3A_3352 = arith.subi %parallel_loop3A_3351, %parallel_loop3A_3349 : vector<16xi32>
        %parallel_loop3A_3353 = tpu.bitcast %parallel_loop3A_3352 : vector<16xi32> -> vector<16xf32>
        %parallel_loop3A_3354 = arith.mulf %parallel_loop3A_3345, %parallel_loop3A_3353 : vector<16xf32>
        %parallel_loop3A_3355 = arith.mulf %parallel_loop3A_3353, %parallel_loop3A_3354 : vector<16xf32>
        %parallel_loop3A_3356 = arith.constant -5.000000e-01 : f32
        %parallel_loop3A_3357 = vector.broadcast %parallel_loop3A_3356 : f32 to vector<16xf32>
        %parallel_loop3A_3358 = arith.mulf %parallel_loop3A_3355, %parallel_loop3A_3357 : vector<16xf32>
        %parallel_loop3A_3359 = arith.constant 1.500000e+00 : f32
        %parallel_loop3A_3360 = vector.broadcast %parallel_loop3A_3359 : f32 to vector<16xf32>
        %parallel_loop3A_3361 = arith.addf %parallel_loop3A_3358, %parallel_loop3A_3360 : vector<16xf32>
        %parallel_loop3A_3362 = arith.mulf %parallel_loop3A_3354, %parallel_loop3A_3361 : vector<16xf32>
        %parallel_loop3A_3363 = arith.addf %parallel_loop3A_3310, %parallel_loop3A_3362 : vector<16xf32>
        %parallel_loop3A_3364 = arith.index_cast %rem3A_54 : i32 to index
        %parallel_loop3A_3365 = arith.index_cast %parallel_loop3A_3202 : i32 to index
        %parallel_loop3A_3366 = arith.constant 48 : index
        %parallel_loop3A_3367 = tpu.vector_load %arg11[%parallel_loop3A_3364, %parallel_loop3A_3365, %parallel_loop3A_3366] {strides = array<i32>} : memref<2x64x128xf32, #tpu.memory_space<vmem>>, vector<16xf32>,
        %parallel_loop3A_3368 = arith.index_cast %rem3A_54 : i32 to index
        %parallel_loop3A_3369 = arith.index_cast %parallel_loop3A_3202 : i32 to index
        %parallel_loop3A_3370 = arith.constant 112 : index
        %parallel_loop3A_3371 = tpu.vector_load %arg11[%parallel_loop3A_3368, %parallel_loop3A_3369, %parallel_loop3A_3370] {strides = array<i32>} : memref<2x64x128xf32, #tpu.memory_space<vmem>>, vector<16xf32>,
        %parallel_loop3A_3372 = arith.index_cast %rem3A_54 : i32 to index
        %parallel_loop3A_3373 = arith.index_cast %parallel_loop3A_3202 : i32 to index
        %parallel_loop3A_3374 = arith.constant 48 : index
        %parallel_loop3A_3375 = tpu.vector_load %arg12[%parallel_loop3A_3372, %parallel_loop3A_3373, %parallel_loop3A_3374] {strides = array<i32>} : memref<2x64x128xf32, #tpu.memory_space<vmem>>, vector<16xf32>,
        %parallel_loop3A_3376 = arith.index_cast %rem3A_54 : i32 to index
        %parallel_loop3A_3377 = arith.index_cast %parallel_loop3A_3202 : i32 to index
        %parallel_loop3A_3378 = arith.constant 112 : index
        %parallel_loop3A_3379 = tpu.vector_load %arg12[%parallel_loop3A_3376, %parallel_loop3A_3377, %parallel_loop3A_3378] {strides = array<i32>} : memref<2x64x128xf32, #tpu.memory_space<vmem>>, vector<16xf32>,
        %parallel_loop3A_3380 = arith.index_cast %rem3A_54 : i32 to index
        %parallel_loop3A_3381 = arith.index_cast %parallel_loop3A_3202 : i32 to index
        %parallel_loop3A_3382 = arith.constant 48 : index
        %parallel_loop3A_3383 = tpu.vector_load %arg13[%parallel_loop3A_3380, %parallel_loop3A_3381, %parallel_loop3A_3382] {strides = array<i32>} : memref<2x64x128xf32, #tpu.memory_space<vmem>>, vector<16xf32>,
        %parallel_loop3A_3384 = arith.index_cast %rem3A_54 : i32 to index
        %parallel_loop3A_3385 = arith.index_cast %parallel_loop3A_3202 : i32 to index
        %parallel_loop3A_3386 = arith.constant 112 : index
        %parallel_loop3A_3387 = tpu.vector_load %arg13[%parallel_loop3A_3384, %parallel_loop3A_3385, %parallel_loop3A_3386] {strides = array<i32>} : memref<2x64x128xf32, #tpu.memory_space<vmem>>, vector<16xf32>,
        %parallel_loop3A_3388 = arith.mulf %parallel_loop3A_3367, %parallel_loop3A_3383 : vector<16xf32>
        %parallel_loop3A_3389 = arith.mulf %parallel_loop3A_3371, %parallel_loop3A_3387 : vector<16xf32>
        %parallel_loop3A_3390 = arith.subf %parallel_loop3A_3388, %parallel_loop3A_3389 : vector<16xf32>
        %parallel_loop3A_3391 = arith.subf %parallel_loop3A_3390, %parallel_loop3A_3375 : vector<16xf32>
        %parallel_loop3A_3392 = arith.mulf %parallel_loop3A_3367, %parallel_loop3A_3387 : vector<16xf32>
        %parallel_loop3A_3393 = arith.mulf %parallel_loop3A_3371, %parallel_loop3A_3383 : vector<16xf32>
        %parallel_loop3A_3394 = arith.addf %parallel_loop3A_3392, %parallel_loop3A_3393 : vector<16xf32>
        %parallel_loop3A_3395 = arith.subf %parallel_loop3A_3394, %parallel_loop3A_3379 : vector<16xf32>
        %parallel_loop3A_3396 = arith.mulf %parallel_loop3A_3391, %parallel_loop3A_3391 : vector<16xf32>
        %parallel_loop3A_3397 = arith.mulf %parallel_loop3A_3395, %parallel_loop3A_3395 : vector<16xf32>
        %parallel_loop3A_3398 = arith.addf %parallel_loop3A_3396, %parallel_loop3A_3397 : vector<16xf32>
        %parallel_loop3A_3399 = tpu.bitcast %parallel_loop3A_3398 : vector<16xf32> -> vector<16xi32>
        %parallel_loop3A_3400 = arith.constant 1 : i32
        %parallel_loop3A_3401 = vector.broadcast %parallel_loop3A_3400 : i32 to vector<16xi32>
        %parallel_loop3A_3402 = arith.shrsi %parallel_loop3A_3399, %parallel_loop3A_3401 : vector<16xi32>
        %parallel_loop3A_3403 = arith.constant 1597463007 : i32
        %parallel_loop3A_3404 = vector.broadcast %parallel_loop3A_3403 : i32 to vector<16xi32>
        %parallel_loop3A_3405 = arith.subi %parallel_loop3A_3404, %parallel_loop3A_3402 : vector<16xi32>
        %parallel_loop3A_3406 = tpu.bitcast %parallel_loop3A_3405 : vector<16xi32> -> vector<16xf32>
        %parallel_loop3A_3407 = arith.mulf %parallel_loop3A_3398, %parallel_loop3A_3406 : vector<16xf32>
        %parallel_loop3A_3408 = arith.mulf %parallel_loop3A_3406, %parallel_loop3A_3407 : vector<16xf32>
        %parallel_loop3A_3409 = arith.constant -5.000000e-01 : f32
        %parallel_loop3A_3410 = vector.broadcast %parallel_loop3A_3409 : f32 to vector<16xf32>
        %parallel_loop3A_3411 = arith.mulf %parallel_loop3A_3408, %parallel_loop3A_3410 : vector<16xf32>
        %parallel_loop3A_3412 = arith.constant 1.500000e+00 : f32
        %parallel_loop3A_3413 = vector.broadcast %parallel_loop3A_3412 : f32 to vector<16xf32>
        %parallel_loop3A_3414 = arith.addf %parallel_loop3A_3411, %parallel_loop3A_3413 : vector<16xf32>
        %parallel_loop3A_3415 = arith.mulf %parallel_loop3A_3407, %parallel_loop3A_3414 : vector<16xf32>
        %parallel_loop3A_3416 = arith.addf %parallel_loop3A_3363, %parallel_loop3A_3415 : vector<16xf32>
        %parallel_loop3A_3417 = arith.constant 224 : i32
        %parallel_loop3A_3418 = arith.addi %parallel_loop3A_90, %parallel_loop3A_3417 : i32
        %parallel_loop3A_3419 = arith.index_cast %parallel_loop3A_3418 : i32 to index
        %parallel_loop3A_3420 = tpu.vector_load %arg14[%parallel_loop3A_3419] {strides = array<i32>} : memref<1024xf32, #tpu.memory_space<vmem>>, vector<16xf32>,
        tpu.vector_store %arg14[%parallel_loop3A_3419], %parallel_loop3A_3416 {strides = array<i32>} : memref<1024xf32, #tpu.memory_space<vmem>>, vector<16xf32>,
        %parallel_loop3A_3421 = arith.constant 16 : i32
        %parallel_loop3A_3422 = arith.muli %parallel_loop3A_88, %parallel_loop3A_3421 : i32
        %parallel_loop3A_3423 = arith.constant 15 : i32
        %parallel_loop3A_3424 = arith.addi %parallel_loop3A_3422, %parallel_loop3A_3423 : i32
        %parallel_loop3A_3425 = arith.constant 0.000000e+00 : f32
        %parallel_loop3A_3426 = vector.broadcast %parallel_loop3A_3425 : f32 to vector<16xf32>
        %parallel_loop3A_3427 = arith.index_cast %rem3A_54 : i32 to index
        %parallel_loop3A_3428 = arith.index_cast %parallel_loop3A_3424 : i32 to index
        %parallel_loop3A_3429 = arith.constant 0 : index
        %parallel_loop3A_3430 = tpu.vector_load %arg11[%parallel_loop3A_3427, %parallel_loop3A_3428, %parallel_loop3A_3429] {strides = array<i32>} : memref<2x64x128xf32, #tpu.memory_space<vmem>>, vector<16xf32>,
        %parallel_loop3A_3431 = arith.index_cast %rem3A_54 : i32 to index
        %parallel_loop3A_3432 = arith.index_cast %parallel_loop3A_3424 : i32 to index
        %parallel_loop3A_3433 = arith.constant 64 : index
        %parallel_loop3A_3434 = tpu.vector_load %arg11[%parallel_loop3A_3431, %parallel_loop3A_3432, %parallel_loop3A_3433] {strides = array<i32>} : memref<2x64x128xf32, #tpu.memory_space<vmem>>, vector<16xf32>,
        %parallel_loop3A_3435 = arith.index_cast %rem3A_54 : i32 to index
        %parallel_loop3A_3436 = arith.index_cast %parallel_loop3A_3424 : i32 to index
        %parallel_loop3A_3437 = arith.constant 0 : index
        %parallel_loop3A_3438 = tpu.vector_load %arg12[%parallel_loop3A_3435, %parallel_loop3A_3436, %parallel_loop3A_3437] {strides = array<i32>} : memref<2x64x128xf32, #tpu.memory_space<vmem>>, vector<16xf32>,
        %parallel_loop3A_3439 = arith.index_cast %rem3A_54 : i32 to index
        %parallel_loop3A_3440 = arith.index_cast %parallel_loop3A_3424 : i32 to index
        %parallel_loop3A_3441 = arith.constant 64 : index
        %parallel_loop3A_3442 = tpu.vector_load %arg12[%parallel_loop3A_3439, %parallel_loop3A_3440, %parallel_loop3A_3441] {strides = array<i32>} : memref<2x64x128xf32, #tpu.memory_space<vmem>>, vector<16xf32>,
        %parallel_loop3A_3443 = arith.index_cast %rem3A_54 : i32 to index
        %parallel_loop3A_3444 = arith.index_cast %parallel_loop3A_3424 : i32 to index
        %parallel_loop3A_3445 = arith.constant 0 : index
        %parallel_loop3A_3446 = tpu.vector_load %arg13[%parallel_loop3A_3443, %parallel_loop3A_3444, %parallel_loop3A_3445] {strides = array<i32>} : memref<2x64x128xf32, #tpu.memory_space<vmem>>, vector<16xf32>,
        %parallel_loop3A_3447 = arith.index_cast %rem3A_54 : i32 to index
        %parallel_loop3A_3448 = arith.index_cast %parallel_loop3A_3424 : i32 to index
        %parallel_loop3A_3449 = arith.constant 64 : index
        %parallel_loop3A_3450 = tpu.vector_load %arg13[%parallel_loop3A_3447, %parallel_loop3A_3448, %parallel_loop3A_3449] {strides = array<i32>} : memref<2x64x128xf32, #tpu.memory_space<vmem>>, vector<16xf32>,
        %parallel_loop3A_3451 = arith.mulf %parallel_loop3A_3430, %parallel_loop3A_3446 : vector<16xf32>
        %parallel_loop3A_3452 = arith.mulf %parallel_loop3A_3434, %parallel_loop3A_3450 : vector<16xf32>
        %parallel_loop3A_3453 = arith.subf %parallel_loop3A_3451, %parallel_loop3A_3452 : vector<16xf32>
        %parallel_loop3A_3454 = arith.subf %parallel_loop3A_3453, %parallel_loop3A_3438 : vector<16xf32>
        %parallel_loop3A_3455 = arith.mulf %parallel_loop3A_3430, %parallel_loop3A_3450 : vector<16xf32>
        %parallel_loop3A_3456 = arith.mulf %parallel_loop3A_3434, %parallel_loop3A_3446 : vector<16xf32>
        %parallel_loop3A_3457 = arith.addf %parallel_loop3A_3455, %parallel_loop3A_3456 : vector<16xf32>
        %parallel_loop3A_3458 = arith.subf %parallel_loop3A_3457, %parallel_loop3A_3442 : vector<16xf32>
        %parallel_loop3A_3459 = arith.mulf %parallel_loop3A_3454, %parallel_loop3A_3454 : vector<16xf32>
        %parallel_loop3A_3460 = arith.mulf %parallel_loop3A_3458, %parallel_loop3A_3458 : vector<16xf32>
        %parallel_loop3A_3461 = arith.addf %parallel_loop3A_3459, %parallel_loop3A_3460 : vector<16xf32>
        %parallel_loop3A_3462 = tpu.bitcast %parallel_loop3A_3461 : vector<16xf32> -> vector<16xi32>
        %parallel_loop3A_3463 = arith.constant 1 : i32
        %parallel_loop3A_3464 = vector.broadcast %parallel_loop3A_3463 : i32 to vector<16xi32>
        %parallel_loop3A_3465 = arith.shrsi %parallel_loop3A_3462, %parallel_loop3A_3464 : vector<16xi32>
        %parallel_loop3A_3466 = arith.constant 1597463007 : i32
        %parallel_loop3A_3467 = vector.broadcast %parallel_loop3A_3466 : i32 to vector<16xi32>
        %parallel_loop3A_3468 = arith.subi %parallel_loop3A_3467, %parallel_loop3A_3465 : vector<16xi32>
        %parallel_loop3A_3469 = tpu.bitcast %parallel_loop3A_3468 : vector<16xi32> -> vector<16xf32>
        %parallel_loop3A_3470 = arith.mulf %parallel_loop3A_3461, %parallel_loop3A_3469 : vector<16xf32>
        %parallel_loop3A_3471 = arith.mulf %parallel_loop3A_3469, %parallel_loop3A_3470 : vector<16xf32>
        %parallel_loop3A_3472 = arith.constant -5.000000e-01 : f32
        %parallel_loop3A_3473 = vector.broadcast %parallel_loop3A_3472 : f32 to vector<16xf32>
        %parallel_loop3A_3474 = arith.mulf %parallel_loop3A_3471, %parallel_loop3A_3473 : vector<16xf32>
        %parallel_loop3A_3475 = arith.constant 1.500000e+00 : f32
        %parallel_loop3A_3476 = vector.broadcast %parallel_loop3A_3475 : f32 to vector<16xf32>
        %parallel_loop3A_3477 = arith.addf %parallel_loop3A_3474, %parallel_loop3A_3476 : vector<16xf32>
        %parallel_loop3A_3478 = arith.mulf %parallel_loop3A_3470, %parallel_loop3A_3477 : vector<16xf32>
        %parallel_loop3A_3479 = arith.addf %parallel_loop3A_3426, %parallel_loop3A_3478 : vector<16xf32>
        %parallel_loop3A_3480 = arith.index_cast %rem3A_54 : i32 to index
        %parallel_loop3A_3481 = arith.index_cast %parallel_loop3A_3424 : i32 to index
        %parallel_loop3A_3482 = arith.constant 16 : index
        %parallel_loop3A_3483 = tpu.vector_load %arg11[%parallel_loop3A_3480, %parallel_loop3A_3481, %parallel_loop3A_3482] {strides = array<i32>} : memref<2x64x128xf32, #tpu.memory_space<vmem>>, vector<16xf32>,
        %parallel_loop3A_3484 = arith.index_cast %rem3A_54 : i32 to index
        %parallel_loop3A_3485 = arith.index_cast %parallel_loop3A_3424 : i32 to index
        %parallel_loop3A_3486 = arith.constant 80 : index
        %parallel_loop3A_3487 = tpu.vector_load %arg11[%parallel_loop3A_3484, %parallel_loop3A_3485, %parallel_loop3A_3486] {strides = array<i32>} : memref<2x64x128xf32, #tpu.memory_space<vmem>>, vector<16xf32>,
        %parallel_loop3A_3488 = arith.index_cast %rem3A_54 : i32 to index
        %parallel_loop3A_3489 = arith.index_cast %parallel_loop3A_3424 : i32 to index
        %parallel_loop3A_3490 = arith.constant 16 : index
        %parallel_loop3A_3491 = tpu.vector_load %arg12[%parallel_loop3A_3488, %parallel_loop3A_3489, %parallel_loop3A_3490] {strides = array<i32>} : memref<2x64x128xf32, #tpu.memory_space<vmem>>, vector<16xf32>,
        %parallel_loop3A_3492 = arith.index_cast %rem3A_54 : i32 to index
        %parallel_loop3A_3493 = arith.index_cast %parallel_loop3A_3424 : i32 to index
        %parallel_loop3A_3494 = arith.constant 80 : index
        %parallel_loop3A_3495 = tpu.vector_load %arg12[%parallel_loop3A_3492, %parallel_loop3A_3493, %parallel_loop3A_3494] {strides = array<i32>} : memref<2x64x128xf32, #tpu.memory_space<vmem>>, vector<16xf32>,
        %parallel_loop3A_3496 = arith.index_cast %rem3A_54 : i32 to index
        %parallel_loop3A_3497 = arith.index_cast %parallel_loop3A_3424 : i32 to index
        %parallel_loop3A_3498 = arith.constant 16 : index
        %parallel_loop3A_3499 = tpu.vector_load %arg13[%parallel_loop3A_3496, %parallel_loop3A_3497, %parallel_loop3A_3498] {strides = array<i32>} : memref<2x64x128xf32, #tpu.memory_space<vmem>>, vector<16xf32>,
        %parallel_loop3A_3500 = arith.index_cast %rem3A_54 : i32 to index
        %parallel_loop3A_3501 = arith.index_cast %parallel_loop3A_3424 : i32 to index
        %parallel_loop3A_3502 = arith.constant 80 : index
        %parallel_loop3A_3503 = tpu.vector_load %arg13[%parallel_loop3A_3500, %parallel_loop3A_3501, %parallel_loop3A_3502] {strides = array<i32>} : memref<2x64x128xf32, #tpu.memory_space<vmem>>, vector<16xf32>,
        %parallel_loop3A_3504 = arith.mulf %parallel_loop3A_3483, %parallel_loop3A_3499 : vector<16xf32>
        %parallel_loop3A_3505 = arith.mulf %parallel_loop3A_3487, %parallel_loop3A_3503 : vector<16xf32>
        %parallel_loop3A_3506 = arith.subf %parallel_loop3A_3504, %parallel_loop3A_3505 : vector<16xf32>
        %parallel_loop3A_3507 = arith.subf %parallel_loop3A_3506, %parallel_loop3A_3491 : vector<16xf32>
        %parallel_loop3A_3508 = arith.mulf %parallel_loop3A_3483, %parallel_loop3A_3503 : vector<16xf32>
        %parallel_loop3A_3509 = arith.mulf %parallel_loop3A_3487, %parallel_loop3A_3499 : vector<16xf32>
        %parallel_loop3A_3510 = arith.addf %parallel_loop3A_3508, %parallel_loop3A_3509 : vector<16xf32>
        %parallel_loop3A_3511 = arith.subf %parallel_loop3A_3510, %parallel_loop3A_3495 : vector<16xf32>
        %parallel_loop3A_3512 = arith.mulf %parallel_loop3A_3507, %parallel_loop3A_3507 : vector<16xf32>
        %parallel_loop3A_3513 = arith.mulf %parallel_loop3A_3511, %parallel_loop3A_3511 : vector<16xf32>
        %parallel_loop3A_3514 = arith.addf %parallel_loop3A_3512, %parallel_loop3A_3513 : vector<16xf32>
        %parallel_loop3A_3515 = tpu.bitcast %parallel_loop3A_3514 : vector<16xf32> -> vector<16xi32>
        %parallel_loop3A_3516 = arith.constant 1 : i32
        %parallel_loop3A_3517 = vector.broadcast %parallel_loop3A_3516 : i32 to vector<16xi32>
        %parallel_loop3A_3518 = arith.shrsi %parallel_loop3A_3515, %parallel_loop3A_3517 : vector<16xi32>
        %parallel_loop3A_3519 = arith.constant 1597463007 : i32
        %parallel_loop3A_3520 = vector.broadcast %parallel_loop3A_3519 : i32 to vector<16xi32>
        %parallel_loop3A_3521 = arith.subi %parallel_loop3A_3520, %parallel_loop3A_3518 : vector<16xi32>
        %parallel_loop3A_3522 = tpu.bitcast %parallel_loop3A_3521 : vector<16xi32> -> vector<16xf32>
        %parallel_loop3A_3523 = arith.mulf %parallel_loop3A_3514, %parallel_loop3A_3522 : vector<16xf32>
        %parallel_loop3A_3524 = arith.mulf %parallel_loop3A_3522, %parallel_loop3A_3523 : vector<16xf32>
        %parallel_loop3A_3525 = arith.constant -5.000000e-01 : f32
        %parallel_loop3A_3526 = vector.broadcast %parallel_loop3A_3525 : f32 to vector<16xf32>
        %parallel_loop3A_3527 = arith.mulf %parallel_loop3A_3524, %parallel_loop3A_3526 : vector<16xf32>
        %parallel_loop3A_3528 = arith.constant 1.500000e+00 : f32
        %parallel_loop3A_3529 = vector.broadcast %parallel_loop3A_3528 : f32 to vector<16xf32>
        %parallel_loop3A_3530 = arith.addf %parallel_loop3A_3527, %parallel_loop3A_3529 : vector<16xf32>
        %parallel_loop3A_3531 = arith.mulf %parallel_loop3A_3523, %parallel_loop3A_3530 : vector<16xf32>
        %parallel_loop3A_3532 = arith.addf %parallel_loop3A_3479, %parallel_loop3A_3531 : vector<16xf32>
        %parallel_loop3A_3533 = arith.index_cast %rem3A_54 : i32 to index
        %parallel_loop3A_3534 = arith.index_cast %parallel_loop3A_3424 : i32 to index
        %parallel_loop3A_3535 = arith.constant 32 : index
        %parallel_loop3A_3536 = tpu.vector_load %arg11[%parallel_loop3A_3533, %parallel_loop3A_3534, %parallel_loop3A_3535] {strides = array<i32>} : memref<2x64x128xf32, #tpu.memory_space<vmem>>, vector<16xf32>,
        %parallel_loop3A_3537 = arith.index_cast %rem3A_54 : i32 to index
        %parallel_loop3A_3538 = arith.index_cast %parallel_loop3A_3424 : i32 to index
        %parallel_loop3A_3539 = arith.constant 96 : index
        %parallel_loop3A_3540 = tpu.vector_load %arg11[%parallel_loop3A_3537, %parallel_loop3A_3538, %parallel_loop3A_3539] {strides = array<i32>} : memref<2x64x128xf32, #tpu.memory_space<vmem>>, vector<16xf32>,
        %parallel_loop3A_3541 = arith.index_cast %rem3A_54 : i32 to index
        %parallel_loop3A_3542 = arith.index_cast %parallel_loop3A_3424 : i32 to index
        %parallel_loop3A_3543 = arith.constant 32 : index
        %parallel_loop3A_3544 = tpu.vector_load %arg12[%parallel_loop3A_3541, %parallel_loop3A_3542, %parallel_loop3A_3543] {strides = array<i32>} : memref<2x64x128xf32, #tpu.memory_space<vmem>>, vector<16xf32>,
        %parallel_loop3A_3545 = arith.index_cast %rem3A_54 : i32 to index
        %parallel_loop3A_3546 = arith.index_cast %parallel_loop3A_3424 : i32 to index
        %parallel_loop3A_3547 = arith.constant 96 : index
        %parallel_loop3A_3548 = tpu.vector_load %arg12[%parallel_loop3A_3545, %parallel_loop3A_3546, %parallel_loop3A_3547] {strides = array<i32>} : memref<2x64x128xf32, #tpu.memory_space<vmem>>, vector<16xf32>,
        %parallel_loop3A_3549 = arith.index_cast %rem3A_54 : i32 to index
        %parallel_loop3A_3550 = arith.index_cast %parallel_loop3A_3424 : i32 to index
        %parallel_loop3A_3551 = arith.constant 32 : index
        %parallel_loop3A_3552 = tpu.vector_load %arg13[%parallel_loop3A_3549, %parallel_loop3A_3550, %parallel_loop3A_3551] {strides = array<i32>} : memref<2x64x128xf32, #tpu.memory_space<vmem>>, vector<16xf32>,
        %parallel_loop3A_3553 = arith.index_cast %rem3A_54 : i32 to index
        %parallel_loop3A_3554 = arith.index_cast %parallel_loop3A_3424 : i32 to index
        %parallel_loop3A_3555 = arith.constant 96 : index
        %parallel_loop3A_3556 = tpu.vector_load %arg13[%parallel_loop3A_3553, %parallel_loop3A_3554, %parallel_loop3A_3555] {strides = array<i32>} : memref<2x64x128xf32, #tpu.memory_space<vmem>>, vector<16xf32>,
        %parallel_loop3A_3557 = arith.mulf %parallel_loop3A_3536, %parallel_loop3A_3552 : vector<16xf32>
        %parallel_loop3A_3558 = arith.mulf %parallel_loop3A_3540, %parallel_loop3A_3556 : vector<16xf32>
        %parallel_loop3A_3559 = arith.subf %parallel_loop3A_3557, %parallel_loop3A_3558 : vector<16xf32>
        %parallel_loop3A_3560 = arith.subf %parallel_loop3A_3559, %parallel_loop3A_3544 : vector<16xf32>
        %parallel_loop3A_3561 = arith.mulf %parallel_loop3A_3536, %parallel_loop3A_3556 : vector<16xf32>
        %parallel_loop3A_3562 = arith.mulf %parallel_loop3A_3540, %parallel_loop3A_3552 : vector<16xf32>
        %parallel_loop3A_3563 = arith.addf %parallel_loop3A_3561, %parallel_loop3A_3562 : vector<16xf32>
        %parallel_loop3A_3564 = arith.subf %parallel_loop3A_3563, %parallel_loop3A_3548 : vector<16xf32>
        %parallel_loop3A_3565 = arith.mulf %parallel_loop3A_3560, %parallel_loop3A_3560 : vector<16xf32>
        %parallel_loop3A_3566 = arith.mulf %parallel_loop3A_3564, %parallel_loop3A_3564 : vector<16xf32>
        %parallel_loop3A_3567 = arith.addf %parallel_loop3A_3565, %parallel_loop3A_3566 : vector<16xf32>
        %parallel_loop3A_3568 = tpu.bitcast %parallel_loop3A_3567 : vector<16xf32> -> vector<16xi32>
        %parallel_loop3A_3569 = arith.constant 1 : i32
        %parallel_loop3A_3570 = vector.broadcast %parallel_loop3A_3569 : i32 to vector<16xi32>
        %parallel_loop3A_3571 = arith.shrsi %parallel_loop3A_3568, %parallel_loop3A_3570 : vector<16xi32>
        %parallel_loop3A_3572 = arith.constant 1597463007 : i32
        %parallel_loop3A_3573 = vector.broadcast %parallel_loop3A_3572 : i32 to vector<16xi32>
        %parallel_loop3A_3574 = arith.subi %parallel_loop3A_3573, %parallel_loop3A_3571 : vector<16xi32>
        %parallel_loop3A_3575 = tpu.bitcast %parallel_loop3A_3574 : vector<16xi32> -> vector<16xf32>
        %parallel_loop3A_3576 = arith.mulf %parallel_loop3A_3567, %parallel_loop3A_3575 : vector<16xf32>
        %parallel_loop3A_3577 = arith.mulf %parallel_loop3A_3575, %parallel_loop3A_3576 : vector<16xf32>
        %parallel_loop3A_3578 = arith.constant -5.000000e-01 : f32
        %parallel_loop3A_3579 = vector.broadcast %parallel_loop3A_3578 : f32 to vector<16xf32>
        %parallel_loop3A_3580 = arith.mulf %parallel_loop3A_3577, %parallel_loop3A_3579 : vector<16xf32>
        %parallel_loop3A_3581 = arith.constant 1.500000e+00 : f32
        %parallel_loop3A_3582 = vector.broadcast %parallel_loop3A_3581 : f32 to vector<16xf32>
        %parallel_loop3A_3583 = arith.addf %parallel_loop3A_3580, %parallel_loop3A_3582 : vector<16xf32>
        %parallel_loop3A_3584 = arith.mulf %parallel_loop3A_3576, %parallel_loop3A_3583 : vector<16xf32>
        %parallel_loop3A_3585 = arith.addf %parallel_loop3A_3532, %parallel_loop3A_3584 : vector<16xf32>
        %parallel_loop3A_3586 = arith.index_cast %rem3A_54 : i32 to index
        %parallel_loop3A_3587 = arith.index_cast %parallel_loop3A_3424 : i32 to index
        %parallel_loop3A_3588 = arith.constant 48 : index
        %parallel_loop3A_3589 = tpu.vector_load %arg11[%parallel_loop3A_3586, %parallel_loop3A_3587, %parallel_loop3A_3588] {strides = array<i32>} : memref<2x64x128xf32, #tpu.memory_space<vmem>>, vector<16xf32>,
        %parallel_loop3A_3590 = arith.index_cast %rem3A_54 : i32 to index
        %parallel_loop3A_3591 = arith.index_cast %parallel_loop3A_3424 : i32 to index
        %parallel_loop3A_3592 = arith.constant 112 : index
        %parallel_loop3A_3593 = tpu.vector_load %arg11[%parallel_loop3A_3590, %parallel_loop3A_3591, %parallel_loop3A_3592] {strides = array<i32>} : memref<2x64x128xf32, #tpu.memory_space<vmem>>, vector<16xf32>,
        %parallel_loop3A_3594 = arith.index_cast %rem3A_54 : i32 to index
        %parallel_loop3A_3595 = arith.index_cast %parallel_loop3A_3424 : i32 to index
        %parallel_loop3A_3596 = arith.constant 48 : index
        %parallel_loop3A_3597 = tpu.vector_load %arg12[%parallel_loop3A_3594, %parallel_loop3A_3595, %parallel_loop3A_3596] {strides = array<i32>} : memref<2x64x128xf32, #tpu.memory_space<vmem>>, vector<16xf32>,
        %parallel_loop3A_3598 = arith.index_cast %rem3A_54 : i32 to index
        %parallel_loop3A_3599 = arith.index_cast %parallel_loop3A_3424 : i32 to index
        %parallel_loop3A_3600 = arith.constant 112 : index
        %parallel_loop3A_3601 = tpu.vector_load %arg12[%parallel_loop3A_3598, %parallel_loop3A_3599, %parallel_loop3A_3600] {strides = array<i32>} : memref<2x64x128xf32, #tpu.memory_space<vmem>>, vector<16xf32>,
        %parallel_loop3A_3602 = arith.index_cast %rem3A_54 : i32 to index
        %parallel_loop3A_3603 = arith.index_cast %parallel_loop3A_3424 : i32 to index
        %parallel_loop3A_3604 = arith.constant 48 : index
        %parallel_loop3A_3605 = tpu.vector_load %arg13[%parallel_loop3A_3602, %parallel_loop3A_3603, %parallel_loop3A_3604] {strides = array<i32>} : memref<2x64x128xf32, #tpu.memory_space<vmem>>, vector<16xf32>,
        %parallel_loop3A_3606 = arith.index_cast %rem3A_54 : i32 to index
        %parallel_loop3A_3607 = arith.index_cast %parallel_loop3A_3424 : i32 to index
        %parallel_loop3A_3608 = arith.constant 112 : index
        %parallel_loop3A_3609 = tpu.vector_load %arg13[%parallel_loop3A_3606, %parallel_loop3A_3607, %parallel_loop3A_3608] {strides = array<i32>} : memref<2x64x128xf32, #tpu.memory_space<vmem>>, vector<16xf32>,
        %parallel_loop3A_3610 = arith.mulf %parallel_loop3A_3589, %parallel_loop3A_3605 : vector<16xf32>
        %parallel_loop3A_3611 = arith.mulf %parallel_loop3A_3593, %parallel_loop3A_3609 : vector<16xf32>
        %parallel_loop3A_3612 = arith.subf %parallel_loop3A_3610, %parallel_loop3A_3611 : vector<16xf32>
        %parallel_loop3A_3613 = arith.subf %parallel_loop3A_3612, %parallel_loop3A_3597 : vector<16xf32>
        %parallel_loop3A_3614 = arith.mulf %parallel_loop3A_3589, %parallel_loop3A_3609 : vector<16xf32>
        %parallel_loop3A_3615 = arith.mulf %parallel_loop3A_3593, %parallel_loop3A_3605 : vector<16xf32>
        %parallel_loop3A_3616 = arith.addf %parallel_loop3A_3614, %parallel_loop3A_3615 : vector<16xf32>
        %parallel_loop3A_3617 = arith.subf %parallel_loop3A_3616, %parallel_loop3A_3601 : vector<16xf32>
        %parallel_loop3A_3618 = arith.mulf %parallel_loop3A_3613, %parallel_loop3A_3613 : vector<16xf32>
        %parallel_loop3A_3619 = arith.mulf %parallel_loop3A_3617, %parallel_loop3A_3617 : vector<16xf32>
        %parallel_loop3A_3620 = arith.addf %parallel_loop3A_3618, %parallel_loop3A_3619 : vector<16xf32>
        %parallel_loop3A_3621 = tpu.bitcast %parallel_loop3A_3620 : vector<16xf32> -> vector<16xi32>
        %parallel_loop3A_3622 = arith.constant 1 : i32
        %parallel_loop3A_3623 = vector.broadcast %parallel_loop3A_3622 : i32 to vector<16xi32>
        %parallel_loop3A_3624 = arith.shrsi %parallel_loop3A_3621, %parallel_loop3A_3623 : vector<16xi32>
        %parallel_loop3A_3625 = arith.constant 1597463007 : i32
        %parallel_loop3A_3626 = vector.broadcast %parallel_loop3A_3625 : i32 to vector<16xi32>
        %parallel_loop3A_3627 = arith.subi %parallel_loop3A_3626, %parallel_loop3A_3624 : vector<16xi32>
        %parallel_loop3A_3628 = tpu.bitcast %parallel_loop3A_3627 : vector<16xi32> -> vector<16xf32>
        %parallel_loop3A_3629 = arith.mulf %parallel_loop3A_3620, %parallel_loop3A_3628 : vector<16xf32>
        %parallel_loop3A_3630 = arith.mulf %parallel_loop3A_3628, %parallel_loop3A_3629 : vector<16xf32>
        %parallel_loop3A_3631 = arith.constant -5.000000e-01 : f32
        %parallel_loop3A_3632 = vector.broadcast %parallel_loop3A_3631 : f32 to vector<16xf32>
        %parallel_loop3A_3633 = arith.mulf %parallel_loop3A_3630, %parallel_loop3A_3632 : vector<16xf32>
        %parallel_loop3A_3634 = arith.constant 1.500000e+00 : f32
        %parallel_loop3A_3635 = vector.broadcast %parallel_loop3A_3634 : f32 to vector<16xf32>
        %parallel_loop3A_3636 = arith.addf %parallel_loop3A_3633, %parallel_loop3A_3635 : vector<16xf32>
        %parallel_loop3A_3637 = arith.mulf %parallel_loop3A_3629, %parallel_loop3A_3636 : vector<16xf32>
        %parallel_loop3A_3638 = arith.addf %parallel_loop3A_3585, %parallel_loop3A_3637 : vector<16xf32>
        %parallel_loop3A_3639 = arith.constant 240 : i32
        %parallel_loop3A_3640 = arith.addi %parallel_loop3A_90, %parallel_loop3A_3639 : i32
        %parallel_loop3A_3641 = arith.index_cast %parallel_loop3A_3640 : i32 to index
        %parallel_loop3A_3642 = tpu.vector_load %arg14[%parallel_loop3A_3641] {strides = array<i32>} : memref<1024xf32, #tpu.memory_space<vmem>>, vector<16xf32>,
        tpu.vector_store %arg14[%parallel_loop3A_3641], %parallel_loop3A_3638 {strides = array<i32>} : memref<1024xf32, #tpu.memory_space<vmem>>, vector<16xf32>,
        %parallel_loop3A_3643 = vector.broadcast %parallel_loop3A_90 : i32 to vector<16xi32>
        %parallel_loop3A_3644 = arith.addi %mul3A_15, %parallel_loop3A_3643 : vector<16xi32>
        %parallel_loop3A_3645 = tpu.vector_load_idx %arg14[%parallel_loop3A_3644] : memref<1024xf32, #tpu.memory_space<vmem>>[vector<16xi32>], vector<16xf32>,
        %parallel_loop3A_3646 = arith.constant 1 : i32
        %parallel_loop3A_3647 = vector.broadcast %parallel_loop3A_3646 : i32 to vector<16xi32>
        %parallel_loop3A_3648 = arith.addi %parallel_loop3A_3644, %parallel_loop3A_3647 : vector<16xi32>
        %parallel_loop3A_3649 = tpu.vector_load_idx %arg14[%parallel_loop3A_3648] : memref<1024xf32, #tpu.memory_space<vmem>>[vector<16xi32>], vector<16xf32>,
        %parallel_loop3A_3650 = arith.addf %parallel_loop3A_3645, %parallel_loop3A_3649 : vector<16xf32>
        %parallel_loop3A_3651 = arith.constant 2 : i32
        %parallel_loop3A_3652 = vector.broadcast %parallel_loop3A_3651 : i32 to vector<16xi32>
        %parallel_loop3A_3653 = arith.addi %parallel_loop3A_3644, %parallel_loop3A_3652 : vector<16xi32>
        %parallel_loop3A_3654 = tpu.vector_load_idx %arg14[%parallel_loop3A_3653] : memref<1024xf32, #tpu.memory_space<vmem>>[vector<16xi32>], vector<16xf32>,
        %parallel_loop3A_3655 = arith.addf %parallel_loop3A_3650, %parallel_loop3A_3654 : vector<16xf32>
        %parallel_loop3A_3656 = arith.constant 3 : i32
        %parallel_loop3A_3657 = vector.broadcast %parallel_loop3A_3656 : i32 to vector<16xi32>
        %parallel_loop3A_3658 = arith.addi %parallel_loop3A_3644, %parallel_loop3A_3657 : vector<16xi32>
        %parallel_loop3A_3659 = tpu.vector_load_idx %arg14[%parallel_loop3A_3658] : memref<1024xf32, #tpu.memory_space<vmem>>[vector<16xi32>], vector<16xf32>,
        %parallel_loop3A_3660 = arith.addf %parallel_loop3A_3655, %parallel_loop3A_3659 : vector<16xf32>
        %parallel_loop3A_3661 = arith.constant 4 : i32
        %parallel_loop3A_3662 = vector.broadcast %parallel_loop3A_3661 : i32 to vector<16xi32>
        %parallel_loop3A_3663 = arith.addi %parallel_loop3A_3644, %parallel_loop3A_3662 : vector<16xi32>
        %parallel_loop3A_3664 = tpu.vector_load_idx %arg14[%parallel_loop3A_3663] : memref<1024xf32, #tpu.memory_space<vmem>>[vector<16xi32>], vector<16xf32>,
        %parallel_loop3A_3665 = arith.addf %parallel_loop3A_3660, %parallel_loop3A_3664 : vector<16xf32>
        %parallel_loop3A_3666 = arith.constant 5 : i32
        %parallel_loop3A_3667 = vector.broadcast %parallel_loop3A_3666 : i32 to vector<16xi32>
        %parallel_loop3A_3668 = arith.addi %parallel_loop3A_3644, %parallel_loop3A_3667 : vector<16xi32>
        %parallel_loop3A_3669 = tpu.vector_load_idx %arg14[%parallel_loop3A_3668] : memref<1024xf32, #tpu.memory_space<vmem>>[vector<16xi32>], vector<16xf32>,
        %parallel_loop3A_3670 = arith.addf %parallel_loop3A_3665, %parallel_loop3A_3669 : vector<16xf32>
        %parallel_loop3A_3671 = arith.constant 6 : i32
        %parallel_loop3A_3672 = vector.broadcast %parallel_loop3A_3671 : i32 to vector<16xi32>
        %parallel_loop3A_3673 = arith.addi %parallel_loop3A_3644, %parallel_loop3A_3672 : vector<16xi32>
        %parallel_loop3A_3674 = tpu.vector_load_idx %arg14[%parallel_loop3A_3673] : memref<1024xf32, #tpu.memory_space<vmem>>[vector<16xi32>], vector<16xf32>,
        %parallel_loop3A_3675 = arith.addf %parallel_loop3A_3670, %parallel_loop3A_3674 : vector<16xf32>
        %parallel_loop3A_3676 = arith.constant 7 : i32
        %parallel_loop3A_3677 = vector.broadcast %parallel_loop3A_3676 : i32 to vector<16xi32>
        %parallel_loop3A_3678 = arith.addi %parallel_loop3A_3644, %parallel_loop3A_3677 : vector<16xi32>
        %parallel_loop3A_3679 = tpu.vector_load_idx %arg14[%parallel_loop3A_3678] : memref<1024xf32, #tpu.memory_space<vmem>>[vector<16xi32>], vector<16xf32>,
        %parallel_loop3A_3680 = arith.addf %parallel_loop3A_3675, %parallel_loop3A_3679 : vector<16xf32>
        %parallel_loop3A_3681 = arith.constant 8 : i32
        %parallel_loop3A_3682 = vector.broadcast %parallel_loop3A_3681 : i32 to vector<16xi32>
        %parallel_loop3A_3683 = arith.addi %parallel_loop3A_3644, %parallel_loop3A_3682 : vector<16xi32>
        %parallel_loop3A_3684 = tpu.vector_load_idx %arg14[%parallel_loop3A_3683] : memref<1024xf32, #tpu.memory_space<vmem>>[vector<16xi32>], vector<16xf32>,
        %parallel_loop3A_3685 = arith.addf %parallel_loop3A_3680, %parallel_loop3A_3684 : vector<16xf32>
        %parallel_loop3A_3686 = arith.constant 9 : i32
        %parallel_loop3A_3687 = vector.broadcast %parallel_loop3A_3686 : i32 to vector<16xi32>
        %parallel_loop3A_3688 = arith.addi %parallel_loop3A_3644, %parallel_loop3A_3687 : vector<16xi32>
        %parallel_loop3A_3689 = tpu.vector_load_idx %arg14[%parallel_loop3A_3688] : memref<1024xf32, #tpu.memory_space<vmem>>[vector<16xi32>], vector<16xf32>,
        %parallel_loop3A_3690 = arith.addf %parallel_loop3A_3685, %parallel_loop3A_3689 : vector<16xf32>
        %parallel_loop3A_3691 = arith.constant 10 : i32
        %parallel_loop3A_3692 = vector.broadcast %parallel_loop3A_3691 : i32 to vector<16xi32>
        %parallel_loop3A_3693 = arith.addi %parallel_loop3A_3644, %parallel_loop3A_3692 : vector<16xi32>
        %parallel_loop3A_3694 = tpu.vector_load_idx %arg14[%parallel_loop3A_3693] : memref<1024xf32, #tpu.memory_space<vmem>>[vector<16xi32>], vector<16xf32>,
        %parallel_loop3A_3695 = arith.addf %parallel_loop3A_3690, %parallel_loop3A_3694 : vector<16xf32>
        %parallel_loop3A_3696 = arith.constant 11 : i32
        %parallel_loop3A_3697 = vector.broadcast %parallel_loop3A_3696 : i32 to vector<16xi32>
        %parallel_loop3A_3698 = arith.addi %parallel_loop3A_3644, %parallel_loop3A_3697 : vector<16xi32>
        %parallel_loop3A_3699 = tpu.vector_load_idx %arg14[%parallel_loop3A_3698] : memref<1024xf32, #tpu.memory_space<vmem>>[vector<16xi32>], vector<16xf32>,
        %parallel_loop3A_3700 = arith.addf %parallel_loop3A_3695, %parallel_loop3A_3699 : vector<16xf32>
        %parallel_loop3A_3701 = arith.constant 12 : i32
        %parallel_loop3A_3702 = vector.broadcast %parallel_loop3A_3701 : i32 to vector<16xi32>
        %parallel_loop3A_3703 = arith.addi %parallel_loop3A_3644, %parallel_loop3A_3702 : vector<16xi32>
        %parallel_loop3A_3704 = tpu.vector_load_idx %arg14[%parallel_loop3A_3703] : memref<1024xf32, #tpu.memory_space<vmem>>[vector<16xi32>], vector<16xf32>,
        %parallel_loop3A_3705 = arith.addf %parallel_loop3A_3700, %parallel_loop3A_3704 : vector<16xf32>
        %parallel_loop3A_3706 = arith.constant 13 : i32
        %parallel_loop3A_3707 = vector.broadcast %parallel_loop3A_3706 : i32 to vector<16xi32>
        %parallel_loop3A_3708 = arith.addi %parallel_loop3A_3644, %parallel_loop3A_3707 : vector<16xi32>
        %parallel_loop3A_3709 = tpu.vector_load_idx %arg14[%parallel_loop3A_3708] : memref<1024xf32, #tpu.memory_space<vmem>>[vector<16xi32>], vector<16xf32>,
        %parallel_loop3A_3710 = arith.addf %parallel_loop3A_3705, %parallel_loop3A_3709 : vector<16xf32>
        %parallel_loop3A_3711 = arith.constant 14 : i32
        %parallel_loop3A_3712 = vector.broadcast %parallel_loop3A_3711 : i32 to vector<16xi32>
        %parallel_loop3A_3713 = arith.addi %parallel_loop3A_3644, %parallel_loop3A_3712 : vector<16xi32>
        %parallel_loop3A_3714 = tpu.vector_load_idx %arg14[%parallel_loop3A_3713] : memref<1024xf32, #tpu.memory_space<vmem>>[vector<16xi32>], vector<16xf32>,
        %parallel_loop3A_3715 = arith.addf %parallel_loop3A_3710, %parallel_loop3A_3714 : vector<16xf32>
        %parallel_loop3A_3716 = arith.constant 15 : i32
        %parallel_loop3A_3717 = vector.broadcast %parallel_loop3A_3716 : i32 to vector<16xi32>
        %parallel_loop3A_3718 = arith.addi %parallel_loop3A_3644, %parallel_loop3A_3717 : vector<16xi32>
        %parallel_loop3A_3719 = tpu.vector_load_idx %arg14[%parallel_loop3A_3718] : memref<1024xf32, #tpu.memory_space<vmem>>[vector<16xi32>], vector<16xf32>,
        %parallel_loop3A_3720 = arith.addf %parallel_loop3A_3715, %parallel_loop3A_3719 : vector<16xf32>
        %parallel_loop3A_3721 = arith.constant 0.000000e+00 : f32
        %parallel_loop3A_3722 = vector.broadcast %parallel_loop3A_3721 : f32 to vector<16xf32>
        %parallel_loop3A_3723 = arith.subf %parallel_loop3A_3722, %parallel_loop3A_3720 : vector<16xf32>
        %parallel_loop3A_3724 = arith.constant 16 : i32
        %parallel_loop3A_3725 = arith.muli %parallel_loop3A_88, %parallel_loop3A_3724 : i32
        %parallel_loop3A_3726 = arith.addi %mul3A_53, %parallel_loop3A_3725 : i32
        %parallel_loop3A_3727 = arith.index_cast %parallel_loop3A_3726 : i32 to index
        %parallel_loop3A_3728 = tpu.vector_load %arg15[%parallel_loop3A_3727] {strides = array<i32>} : memref<512xf32, #tpu.memory_space<vmem>>, vector<16xf32>,
        tpu.vector_store %arg15[%parallel_loop3A_3727], %parallel_loop3A_3723 {strides = array<i32>} : memref<512xf32, #tpu.memory_space<vmem>>, vector<16xf32>,
      } {sc.loop_unroll_factor = 2 : i64, sc.parallel_access}
    }
    %scan3A_50 = arith.constant 8 : i32
    "tpu.region"() ({
      %run_scoped3A = tpu.sem_alloc : memref<!tpu.dma_semaphore, #tpu.memory_space<semaphore_mem>>
      %dma_start3A_51 = tpu.memref_slice %arg7[%mul3A_2] : memref<16384xf32, #tpu.memory_space<hbm>> -> memref<512xf32, #tpu.memory_space<hbm>>
      %dma_start3A_52 = tpu.memref_slice %arg7[%mul3A_2] : memref<16384xf32, #tpu.memory_space<hbm>> -> memref<512xf32, #tpu.memory_space<hbm>>
      tpu.enqueue_dma source(%arg15 : memref<512xf32, #tpu.memory_space<vmem>>) target(%dma_start3A_52 : memref<512xf32, #tpu.memory_space<hbm>>) target_semaphore(%run_scoped3A : memref<!tpu.dma_semaphore, #tpu.memory_space<semaphore_mem>>)
      %dma_wait3A_53 = tpu.memref_slice %arg7[%mul3A_2] : memref<16384xf32, #tpu.memory_space<hbm>> -> memref<512xf32, #tpu.memory_space<hbm>>
      %dma_wait3A_54 = tpu.memref_slice %arg7[%mul3A_2] : memref<16384xf32, #tpu.memory_space<hbm>> -> memref<512xf32, #tpu.memory_space<hbm>>
      tpu.wait_dma2 semaphore(%run_scoped3A : memref<!tpu.dma_semaphore, #tpu.memory_space<semaphore_mem>>) src(%arg15 : memref<512xf32, #tpu.memory_space<vmem>>) dst(%dma_wait3A_54 : memref<512xf32, #tpu.memory_space<hbm>>)
      tpu.yield
    }) : () -> ()
    return
  }
}

module attributes {stable_mosaic.version = 14 : i64} {
  func.func @_trig_body(%arg0: memref<1000x64xf32, #tpu.memory_space<vmem>>, %arg1: memref<1000x128xf32, #tpu.memory_space<vmem>>) attributes {dimension_semantics = [], scalar_prefetch = 0 : i64, scratch_operands = 0 : i64, tpu.core_type = #tpu.core_type<tc>} {
    %get3A = arith.constant 0 : index
    %get3A_0 = arith.constant 0 : index
    %get3A_1 = vector.load %arg0[%get3A, %get3A_0] : memref<1000x64xf32, #tpu.memory_space<vmem>>, vector<1000x64xf32>
    %cos3A = math.cos %get3A_1 : vector<1000x64xf32>
    %sin3A = math.sin %get3A_1 : vector<1000x64xf32>
    %concatenate3A = tpu.concatenate %cos3A, %sin3A in 1 : vector<1000x64xf32>, vector<1000x64xf32> -> vector<1000x128xf32>
    %swap3A = arith.constant 0 : index
    %swap3A_2 = arith.constant 0 : index
    %swap3A_3 = vector.load %arg1[%swap3A, %swap3A_2] : memref<1000x128xf32, #tpu.memory_space<vmem>>, vector<1000x128xf32>
    tpu.vector_store %arg1[%swap3A, %swap3A_2], %concatenate3A {strides = array<i32>} : memref<1000x128xf32, #tpu.memory_space<vmem>>, vector<1000x128xf32>,
    return
  }
}

</mosaic_0001>

<sc_bundles>
// kernel: kernel.4.cloned.1.call-start
scs
__scs_entry_jumppad:
0x0: {  	(pc) =	sbr.rel $0x88, $3  }
0x1: {  	(tag) =	ssettag $0x0;
	lr =	simm.s32 $0x1  }
0x2: {  	[smem:$0x3F9C] =	sst lr;
	_ =	strace $0xD0000000  }
0x3: {  	_ = 	snop  }
0x4: {  	_ = 	snop  }
0x5: {  	_ = 	snop  }
0x6: {  	_ = 	snop  }
0x7: {  	_ = 	snop  }
__scs_overlays_trampoline_lowered:
0x8: {  	[smem:$0x3FAB] =	sst s0  }
0x9: {  	[smem:$0x3FAC] =	sst s1  }
0xa: {  	[smem:$0x3FAD] =	sst s2  }
0xb: {  	[smem:$0x3FAE] =	sst s3  }
0xc: {  	[smem:$0x3FAF] =	sst s4  }
0xd: {  	[smem:$0x3FB0] =	sst s5  }
0xe: {  	[smem:$0x3FB1] =	sst s6  }
0xf: {  	[smem:$0x3FB2] =	sst s7  }
0x10: {  	[smem:$0x3FB3] =	sst s8  }
0x11: {  	[smem:$0x3FB4] =	sst s9;
	s0 =	simm.s32 @!p0 $0x0  }
0x12: {  	s1 =	sld [smem:$0x3F9A];
	s0 =	simm.s32 @p0 $0x1  }
0x13: {  	[smem:$0x3FB5] =	sst s0;
	s0 =	simm.s32 @!p1 $0x0  }
0x14: {  	s2 =	sld [smem:$0x3F99];
	s0 =	simm.s32 @p1 $0x1  }
0x15: {  	[smem:$0x3FB6] =	sst s0;
	s0 =	simm.s32 @!p2 $0x0  }
0x16: {  	s3 =	sld [smem:$0x3FDB];
	s0 =	simm.s32 @p2 $0x1  }
0x17: {  	s4 =	simm.s32 $0x1BF5;
	[smem:$0x3FB8] =	sst s0  }
0x18: {  	s0 =	sld [smem:$0x3F9B];
	_ =	swait.ge [sflag:s4], $0x0  }
0x19: {  	s7 =	sld [smem:$0x3F9C]  }
0x1a: {  	s8 =	sadd.s32 $0xFFFFE003, lr  }
0x1b: {  	s9 =	sadd.s32 $0xFFFFFEF7, lr;
	s5 =	simm.s32 $0xFFFFFFFF;
	p2 =	slt.u32 s8, $0xFFFFF086  }
0x1c: {  	p1 =	slt.u32 s9, $0xF7A;
	s5 =	simm.s32 @!p2 $0x0  }
0x1d: {  	s5 =	simm.s32 @p1 $0x1;
	p0 =	seq.s32 s7, s2  }
0x1e: {  	s7 =	smul.u32 @!p0 $0xF7A, s2;
	p2 =	seq.s32 @!p0 s5, $0x0  }
0x1f: {  	s9 =	smul.u32 $0xF7A, s1;
	s8 =	simm.s32 @!p0 $0x1BF5;
	p2 =	por !p2, p0  }
0x20: {  	[sflag:s8] =	ssyncset.s32 @!p0 $0xFFFFF086;
	s6 =	sadd.s32 @!p0 s3, s7;
	s7 =	simm.s32 @!p0 $0x108  }
0x21: {  	s3 =	sadd.s32 s3, s9;
	s6 =	sadd.s32 @!p0 $0x88, s6;
	s7 =	simm.s32 @p2 $0x1082  }
0x22: {  	[simem:s7], [sflag:s8] =	dma.local @!p0 [hbm:s6], $0xF7A  }
0x23: {  	s9 =	sor.u32 $0xD0000000, s2;
	s6 =	simm.s32 $0x108;
	_ =	swait.ge @!p0 [sflag:s8], $0x0  }
0x24: {  	s3 =	sadd.s32 $0x88, s3;
	s6 =	simm.s32 @!p1 $0x1082;
	[sflag:s4] =	ssyncset.s32 $0xFFFFF086  }
0x25: {  	[simem:s6], [sflag:s4] =	dma.local [hbm:s3], $0xF7A  }
0x26: {  	[smem:$0x3F9C] =	sst s1;
	(tag) =	ssettag s2;
	_ =	strace s9  }
0x27: {  	s1 =	sld [smem:$0x3FAC]  }
0x28: {  	s2 =	sld [smem:$0x3FAD]  }
0x29: {  	s4 =	sld [smem:$0x3FAF]  }
0x2a: {  	p0 =	seq.s32 s5, $0x0;
	s5 =	sld [smem:$0x3FB0]  }
0x2b: {  	s6 =	sld [smem:$0x3FB1]  }
0x2c: {  	s7 =	sld [smem:$0x3FB2]  }
0x2d: {  	s3 =	simm.s32 $0x108;
	s8 =	sld [smem:$0x3FB3]  }
0x2e: {  	s3 =	simm.s32 @!p0 $0x1082;
	s9 =	sld [smem:$0x3FB4]  }
0x2f: {  	lr =	sadd.s32 s0, s3;
	s0 =	sld [smem:$0x3FAB]  }
0x30: {  	s3 =	sld [smem:$0x3FAE]  }
0x31: {  	[smem:$0x3FB7] =	sst s10  }
0x32: {  	s10 =	sld [smem:$0x3FB5];
	_ =	sdelay $0x3  }
0x33: {  	p0 =	seq.s32 s10, $0x1;
	s10 =	sld [smem:$0x3FB7];
	_ =	sdelay $0x3  }
0x34: {  	[smem:$0x3FB7] =	sst s10  }
0x35: {  	s10 =	sld [smem:$0x3FB6];
	_ =	sdelay $0x3  }
0x36: {  	p1 =	seq.s32 s10, $0x1;
	s10 =	sld [smem:$0x3FB7];
	_ =	sdelay $0x3  }
0x37: {  	[smem:$0x3FB7] =	sst s10  }
0x38: {  	s10 =	sld [smem:$0x3FB8]  }
0x39: {  	_ = 	snop;
	(pc) =	sbr.ind lr, $3  }
0x3a: {  	_ = 	snop  }
0x3b: {  	_ = 	snop  }
0x3c: {  	p2 =	seq.s32 s10, $0x1;
	s10 =	sld [smem:$0x3FB7]  }
0x3d: {  	_ =	shalt  }
0x3e: {  	_ =	shalt  }
0x3f: {  	_ =	shalt  }
0x40: {  	_ =	shalt  }
0x41: {  	_ =	shalt  }
0x42: {  	_ =	shalt  }
0x43: {  	_ =	shalt  }
0x44: {  	_ =	shalt  }
0x45: {  	_ =	shalt  }
0x46: {  	_ =	shalt  }
0x47: {  	_ =	shalt  }
0x48: {  	_ =	shalt  }
0x49: {  	_ =	shalt  }
0x4a: {  	_ =	shalt  }
0x4b: {  	_ =	shalt  }
0x4c: {  	_ =	shalt  }
0x4d: {  	_ =	shalt  }
0x4e: {  	_ =	shalt  }
0x4f: {  	_ =	shalt  }
0x50: {  	_ =	shalt  }
0x51: {  	_ =	shalt  }
0x52: {  	_ =	shalt  }
0x53: {  	_ =	shalt  }
0x54: {  	_ =	shalt  }
0x55: {  	_ =	shalt  }
0x56: {  	_ =	shalt  }
0x57: {  	_ =	shalt  }
0x58: {  	_ =	shalt  }
0x59: {  	_ =	shalt  }
0x5a: {  	_ =	shalt  }
0x5b: {  	_ =	shalt  }
0x5c: {  	_ =	shalt  }
0x5d: {  	_ =	shalt  }
0x5e: {  	_ =	shalt  }
0x5f: {  	_ =	shalt  }
0x60: {  	_ =	shalt  }
0x61: {  	_ =	shalt  }
0x62: {  	_ =	shalt  }
0x63: {  	_ =	shalt  }
0x64: {  	_ =	shalt  }
0x65: {  	_ =	shalt  }
0x66: {  	_ =	shalt  }
0x67: {  	_ =	shalt  }
0x68: {  	_ =	shalt  }
0x69: {  	_ =	shalt  }
0x6a: {  	_ =	shalt  }
0x6b: {  	_ =	shalt  }
0x6c: {  	_ =	shalt  }
0x6d: {  	_ =	shalt  }
0x6e: {  	_ =	shalt  }
0x6f: {  	_ =	shalt  }
0x70: {  	_ =	shalt  }
0x71: {  	_ =	shalt  }
0x72: {  	_ =	shalt  }
0x73: {  	_ =	shalt  }
0x74: {  	_ =	shalt  }
0x75: {  	_ =	shalt  }
0x76: {  	_ =	shalt  }
0x77: {  	_ =	shalt  }
0x78: {  	_ =	shalt  }
0x79: {  	_ =	shalt  }
0x7a: {  	_ =	shalt  }
0x7b: {  	_ =	shalt  }
0x7c: {  	_ =	shalt  }
0x7d: {  	_ =	shalt  }
0x7e: {  	_ =	shalt  }
0x7f: {  	_ =	shalt  }
0x80: {  	_ =	shalt  }
0x81: {  	_ =	shalt  }
0x82: {  	_ =	shalt  }
0x83: {  	_ =	shalt  }
0x84: {  	_ =	shalt  }
0x85: {  	_ =	shalt  }
0x86: {  	_ =	shalt  }
0x87: {  	_ =	shalt  }
.Lfunc_end0:
.L_simem_size_0:
called_computation_lowered:
.L_overlay_start_0:
0x88: {  	s2 =	sld [smem:$0x3FD9]  }
0x89: {  	s3 =	sld [smem:$0x3FFE];
	_ =	sdelay $0x1  }
0x8a: {  	s1 =	srdreg.scid  }
0x8b: {  	s0 =	sand.u32 $0x1, s1  }
0x8c: {  	s17 =	sshll.u32 s0, $0xA;
	s2 =	sadd.s32 s3, s2  }
0x8d: {  	s2 =	sadd.s32 s2, s17  }
0x8e: {  	[smem:$0x3FC3] =	sst s2  }
0x8f: {  	_ = 	snop  }
0x90: {  	s2 =	sld [smem:$0x3FC9]  }
0x91: {  	s18 =	sld [smem:$0x3FC8]  }
0x92: {  	s4 =	sld [smem:$0x3FC7]  }
0x93: {  	s5 =	sld [smem:$0x3FC6]  }
0x94: {  	s6 =	sld [smem:$0x3FD0];
	(tm) =	ssettm $0x1  }
0x95: {  	s7 =	sld [smem:$0x3FFB];
	_ =	sdelay $0x3  }
0x96: {  	_ =	strace s7  }
0x97: {  	s7 =	sld [smem:$0x3FFC];
	_ =	sdelay $0x3  }
0x98: {  	_ =	strace s7  }
0x99: {  	s7 =	sld [smem:$0x3FFD];
	_ =	sdelay $0x3  }
0x9a: {  	_ =	strace s7  }
0x9b: {  	_ =	strace $0x8FFFFFFF  }
0x9c: {  	s19 =	sld [smem:$0x3FDB];
	_ =	sdelay $0x1  }
0x9d: {  	s8 =	simm.s32 $_scs_section_size  }
0x9e: {  	s9 =	simm.s32 $_size__tile_overlayer_lowered;
	s10 =	simm.s32 $_tile_overlayer_lowered  }
0x9f: {  	s22 =	simm.s32 $0x1BFF;
	s21 =	sshll.u32 s10, $0x1;
	s7 =	sadd.s32 s8, s19  }
0xa0: {  	s11 =	simm.s32 $0x0;
	s20 =	sshll.u32 s9, $0x1;
	s9 =	sadd.s32 s21, s7  }
0xa1: {  	[timem:s11], [sflag:s22] =	dma.local [hbm:s9], s20  }
0xa2: {  	_ =	swait.ge [sflag:s22], s20  }
0xa3: {  	s8 =	ssub.s32 $0x0, s20;
	[sflag:s22] =	ssyncset.done $0x0  }
0xa4: {  	[sflag:s22] =	ssyncadd.s32 s8;
	_ =	sdelay $0x1  }
0xa5: {  	s23 =	simm.s32 $0x1B8B  }
0xa6: {  	_ =	swait.ge [sflag:s23], $0x1  }
0xa7: {  	[sflag:s23] =	ssyncset.done $0x0  }
0xa8: {  	s25 =	simm.s32 $0x1B8E;
	s24 =	sld [smem:$0x3FFE];
	[sflag:s23] =	ssyncadd.s32 $0xFFFFFFFF  }
0xa9: {  	s26 =	simm.s32 $execute0_lowered;
	[smem:$0x3FD2] =	sst s25  }
0xaa: {  	s9 =	sshll.u32 s26, $0x1;
	_ =	strace $0x80000046;
	[dreg:$0x1] =	wrdreg $0xFFFFFFFF  }
0xab: {  	s28 =	simm.s32 $_size_execute0_lowered;
	s7 =	sadd.s32 s7, s9;
	[dreg:$0x0] =	wrdreg $0x0  }
0xac: {  	s9 =	sshll.u32 s28, $0x1;
	[dreg:$0x2] =	wrdreg s7  }
0xad: {  	[dreg:$0x3] =	wrdreg s9  }
0xae: {  	[dreg:$0x4] =	wrdreg $0xC0  }
0xaf: {  	_ =	task [dreg:s11], $0x5FFFF  }
0xb0: {  	[dreg:$0x1] =	wrdreg $0xFFFFFFFF  }
0xb1: {  	[dreg:$0x0] =	wrdreg $0x60  }
0xb2: {  	[dreg:$0x2] =	wrdreg s2  }
0xb3: {  	[dreg:$0x3] =	wrdreg s4  }
0xb4: {  	[dreg:$0x4] =	wrdreg s18  }
0xb5: {  	[dreg:$0x5] =	wrdreg s5  }
0xb6: {  	[dreg:$0x6] =	wrdreg s24  }
0xb7: {  	[dreg:$0x7] =	wrdreg s6  }
0xb8: {  	[dreg:$0x8] =	wrdreg $0x9  }
0xb9: {  	_ =	task.clear_ibuf [dreg:s11], $0x9FFFF;
	_ =	strace $0x90000046  }
0xba: {  	s29 =	simm.s32 $0x9;
	_ =	strace $0x80000048  }
0xbb: {  	_ =	swait.ge [sflag:s29], $0x1  }
0xbc: {  	[sflag:s29] =	ssyncadd.s32 $0xFFFFFFFF  }
0xbd: {  	_ =	strace $0x90000048  }
0xbe: {  	_ =	sfence  }
0xbf: {  	s30 =	sld [smem:$0x0];
	_ =	sdelay $0x2  }
0xc0: {  	s31 =	sshll.u32 s1, $0xD;
	s1 =	sshrl.u32 s1, $0x2  }
0xc1: {  	s3 =	sand.u32 $0x4000, s31;
	s1 =	sadd.s32 s1, s30  }
0xc2: {  	s0 =	sor.u32 s3, s0;
	s1 =	sshll.u32 s1, $0x11  }
0xc3: {  	s0 =	sor.u32 s1, s0  }
0xc4: {  	s0 =	sadd.s32 $0x8F2B, s0  }
0xc5: {  	[sflag:s0] =	ssyncadd.remote.s32 $0x1  }
0xc6: {  	_ =	sfence.sel $0xFFFF  }
0xc7: {  	[dreg:$0x0] =	wrdreg $0xFFFFFFFF;
	(pc) =	sbr.abs _section_cstart, $3  }
0xc8: {  	[dreg:$0x1] =	wrdreg $0xFFFFFFFF  }
0xc9: {  	_ =	task.clear_ibuf [dreg:s11], $0x2FFFF;
	_ =	strace $0x9FFFFFFF  }
0xca: {  	(tm) =	ssettm $0x7FFFFFFF  }
0xcb: {  	_ =	shalt  }
tec
execute0_lowered:
.L_overlay_start_1:
0x0: {  	(tag) =	ssettag $0x1  }
0x1: {  	s0 =	rddreg [dreg:$0x0]  }
0x2: {  	s2 =	rddreg [dreg:$0x1]  }
0x3: {  	s5 =	rddreg [dreg:$0x2]  }
0x4: {  	s1 =	rddreg [dreg:$0x3];
	s7 =	srdreg.scid  }
0x5: {  	s4 =	rddreg [dreg:$0x4];
	v0 =	vlaneseq.u32;
	s9 =	stileid.u32;
	s7 =	sand.u32 $0x1, s7  }
0x6: {  	v1 =	vand.u32 $0x7, v0;
	s9 =	sshll.u32 s9, $0x7;
	v0 =	vmul.u32 $0x10, v0;
	s8 =	ssub.s32 $0x2, s7;
	s7 =	sshll.u32 s7, $0x6  }
0x7: {  	s6 =	rddreg [dreg:$0x5];
	s3 =	simm.s32 $0x0;
	s7 =	sor.u32 s7, s9  }
0x8: {  	s12 =	simm.s32 $0x1;
	[smem:$0x7FF] =	sst s3;
	v17 =	vmul.u32 $0x10, v1;
	v2 =	vor.u32 $0x1, v0;
	v3 =	vor.u32 $0x2, v0;
	s0 =	sadd.s32 s0, s7  }
0x9: {  	_ =	strace $0x80000047;
	v4 =	vor.u32 $0x3, v0;
	v5 =	vor.u32 $0x4, v0;
	v6 =	vor.u32 $0x5, v0;
	s28 =	sadd.s32 s2, s7;
	[dreg:$0x7] =	wrdreg s0  }
0xa: {  	s10 =	sshrl.u32 s8, $0x1;
	v7 =	vor.u32 $0x6, v0;
	v8 =	vor.u32 $0x7, v0;
	v9 =	vor.u32 $0x8, v0;
	s29 =	sadd.s32 s5, s7;
	[dreg:$0x8] =	wrdreg s28  }
0xb: {  	v10 =	vor.u32 $0x9, v0;
	v11 =	vor.u32 $0xA, v0;
	v12 =	vor.u32 $0xB, v0;
	s8 =	ssub.s32 s8, s10;
	s30 =	sadd.s32 s6, s7;
	[dreg:$0x9] =	wrdreg s29  }
0xc: {  	s17 =	simm.s32 $0xC600;
	v13 =	vor.u32 $0xC, v0;
	v14 =	vor.u32 $0xD, v0;
	v15 =	vor.u32 $0xE, v0;
	[dreg:$0xa] =	wrdreg s30;
	s31 =	smax.u32 s8, $0x1  }
0xd: {  	s20 =	simm.s32 $0x0;
	s4 =	sadd.s32 $0x600, s4;
	v16 =	vor.u32 $0xF, v0;
	v1 =	vor.u32 $0xFFFFFE80, v17;
	v17 =	vor.u32 $0xFFFFFF80, v17;
	[dreg:$0xb] =	wrdreg s31  }
.LBB2_1:
0xe: {  	s0 =	rddreg [dreg:$0x7]  }
0xf: {  	[tilespmem:s3], [sflag:$0x1] =	stream.linear.gather [hbm4b:s0+s3], $0x200, $0x38;
	[tilespmem:$0xCC00] =	vst v63  }
0x10: {  	s26 =	rddreg [dreg:$0x8];
	s2 =	simm.s32 $0x200  }
0x11: {  	[tilespmem:s2], [sflag:$0x1] =	stream.linear.gather [hbm4b:s26+s3], $0x200, $0x38;
	[tilespmem:$0xCC00] =	vst v63  }
0x12: {  	s28 =	rddreg [dreg:$0x9];
	s5 =	simm.s32 $0x400  }
0x13: {  	[tilespmem:s5], [sflag:$0x1] =	stream.linear.gather [hbm4b:s28+s3], $0x200, $0x38;
	[tilespmem:$0xCC00] =	vst v63  }
0x14: {  	_ =	swait.ge [sflag:s12], $0x200  }
0x15: {  	[sflag:s12] =	ssyncset.done $0x0  }
0x16: {  	[sflag:s12] =	ssyncadd.s32 $0xFFFFFE00  }
0x17: {  	_ =	swait.ge [sflag:s12], $0x200  }
0x18: {  	[sflag:s12] =	ssyncset.done $0x0  }
0x19: {  	[sflag:s12] =	ssyncadd.s32 $0xFFFFFE00  }
0x1a: {  	_ =	swait.ge [sflag:s12], $0x200  }
0x1b: {  	[sflag:s12] =	ssyncset.done $0x0  }
0x1c: {  	s29 =	simm.s32 $0x40;
	s6 =	simm.s32 $0x600;
	[sflag:s12] =	ssyncadd.s32 $0xFFFFFE00  }
0x1d: {  	[tilespmem:s6], [sflag:$0x1] =	stream.indirect.gather [hbm4b:s1+s29], $0x80, s3, s29, $0xb8;
	[tilespmem:$0xCC00] =	vst v63  }
0x1e: {  	s30 =	simm.s32 $0x4600  }
0x1f: {  	[tilespmem:s30], [sflag:$0x1] =	stream.indirect.gather [hbm4b:s1+s29], $0x80, s2, s29, $0xb8;
	[tilespmem:$0xCC00] =	vst v63  }
0x20: {  	s31 =	simm.s32 $0x8600;
	s22 =	simm.s32 $0x0  }
0x21: {  	[tilespmem:s31], [sflag:$0x1] =	stream.indirect.gather [hbm4b:s4+s29], $0x80, s5, s29, $0xb8;
	[tilespmem:$0xCC00] =	vst v63  }
.LBB2_3:
0x22: {  	p0 =	seq.s32 s22, $0x7  }
0x23: {  	s0 =	sshll.u32 @!p0 s22, $0xD  }
0x24: {  	s5 =	sshll.u32 s22, $0x6;
	s21 =	sand.u32 @!p0 $0x2000, s0  }
0x25: {  	s6 =	simm.s32 @!p0 $0x40;
	s0 =	sadd.s32 @!p0 $0x40, s5;
	s2 =	sxor.u32 @!p0 $0x2600, s21  }
0x26: {  	[tilespmem:s2], [sflag:$0x1] =	stream.indirect.gather @!p0 [hbm4b:s1+s6], $0x80, s0, s6, $0xb8;
	[tilespmem:$0xCC00] =	vst v63  }
0x27: {  	s11 =	simm.s32 $0x0;
	s0 =	sxor.u32 @!p0 $0x6600, s21;
	s2 =	sadd.s32 @!p0 $0x240, s5  }
0x28: {  	[tilespmem:s0], [sflag:$0x1] =	stream.indirect.gather @!p0 [hbm4b:s1+s6], $0x80, s2, s6, $0xb8;
	[tilespmem:$0xCC00] =	vst v63  }
0x29: {  	s22 =	sadd.s32 $0x1, s22;
	s0 =	sxor.u32 @!p0 $0xA600, s21;
	s2 =	sadd.s32 @!p0 $0x440, s5  }
0x2a: {  	[tilespmem:s0], [sflag:$0x1] =	stream.indirect.gather @!p0 [hbm4b:s4+s6], $0x80, s2, s6, $0xb8;
	[tilespmem:$0xCC00] =	vst v63  }
0x2b: {  	s21 =	simm.s32 @p0 $0x2000;
	s5 =	sadd.s32 $0xCA00, s5;
	_ =	swait.ge [sflag:s12], $0x2000  }
0x2c: {  	s23 =	sor.u32 $0x80, s21;
	s24 =	sor.u32 $0x100, s21;
	[sflag:s12] =	ssyncset.done $0x0  }
0x2d: {  	s25 =	sor.u32 $0x180, s21;
	s26 =	sor.u32 $0x200, s21;
	[sflag:s12] =	ssyncadd.s32 $0xFFFFE000  }
0x2e: {  	s28 =	sor.u32 $0x280, s21;
	s29 =	sor.u32 $0x300, s21;
	_ =	swait.ge [sflag:s12], $0x2000  }
0x2f: {  	s30 =	sor.u32 $0x380, s21;
	s31 =	sor.u32 $0x400, s21;
	[sflag:s12] =	ssyncset.done $0x0  }
0x30: {  	s14 =	sor.u32 $0x580, s21;
	s15 =	sor.u32 $0x600, s21;
	[sflag:s12] =	ssyncadd.s32 $0xFFFFE000  }
0x31: {  	s16 =	sor.u32 $0x680, s21;
	s18 =	sor.u32 $0x700, s21;
	_ =	swait.ge [sflag:s12], $0x2000  }
0x32: {  	s10 =	sor.u32 $0x780, s21;
	s0 =	sor.u32 $0x480, s21;
	[sflag:s12] =	ssyncset.done $0x0  }
0x33: {  	v18 =	vmov s5;
	s2 =	sor.u32 $0x500, s21;
	p0 =	por $0x1, $0x1;
	[sflag:s12] =	ssyncadd.s32 $0xFFFFE000  }
.LBB2_4:
0x34: {  	s6 =	sshll.u32 s11, $0xB  }
0x35: {  	s5 =	sor.u32 s21, s6  }
0x36: {  	v19 =	vld [tilespmem:s5+$0x600]  }
0x37: {  	v20 =	vld [tilespmem:s5+$0x640]  }
0x38: {  	v23 =	vld [tilespmem:s5+$0x8600]  }
0x39: {  	v24 =	vld [tilespmem:s5+$0x8640]  }
0x3a: {  	v25 =	vld [tilespmem:s5+$0x610]  }
0x3b: {  	v26 =	vld [tilespmem:s5+$0x650]  }
0x3c: {  	v29 =	vld [tilespmem:s5+$0x8610]  }
0x3d: {  	v30 =	vld [tilespmem:s5+$0x8650]  }
0x3e: {  	v31 =	vld [tilespmem:s5+$0x620]  }
0x3f: {  	v34 =	vld [tilespmem:s5+$0x660]  }
0x40: {  	v47 =	vld [tilespmem:s5+$0x8620]  }
0x41: {  	v49 =	vld [tilespmem:s5+$0x8660]  }
0x42: {  	v35 =	vld [tilespmem:s5+$0x630]  }
0x43: {  	v53 =	vld [tilespmem:s5+$0x670]  }
0x44: {  	v54 =	vld [tilespmem:s5+$0x8630];
	v32 =	vmul.f32 v23, v19  }
0x45: {  	v55 =	vld [tilespmem:s5+$0x8670];
	v33 =	vmul.f32 v24, v20;
	v19 =	vmul.f32 v24, v19  }
0x46: {  	v21 =	vld [tilespmem:s5+$0x4600];
	v20 =	vmul.f32 v23, v20;
	v50 =	vmul.f32 v30, v26  }
0x47: {  	v22 =	vld [tilespmem:s5+$0x4640];
	v51 =	vmul.f32 v30, v25;
	v52 =	vmul.f32 v29, v26  }
0x48: {  	v27 =	vld [tilespmem:s5+$0x4610];
	v58 =	vmul.f32 v47, v31;
	v59 =	vmul.f32 v49, v34  }
0x49: {  	v28 =	vld [tilespmem:s5+$0x4650];
	v60 =	vmul.f32 v49, v31;
	v63 =	vmul.f32 v54, v35  }
0x4a: {  	v56 =	vld [tilespmem:s5+$0x4620];
	v36 =	vmul.f32 v55, v53;
	v48 =	vsub.f32 v32, v33;
	v19 =	vadd.f32 v19, v20  }
0x4b: {  	v20 =	vmul.f32 v29, v25;
	v24 =	vadd.f32 v51, v52;
	v29 =	vsub.f32 v58, v59  }
0x4c: {  	v61 =	vld [tilespmem:s5+$0x4630];
	v23 =	vmul.f32 v47, v34;
	v21 =	vsub.f32 v48, v21;
	v19 =	vsub.f32 v19, v22  }
0x4d: {  	v57 =	vld [tilespmem:s5+$0x4660];
	v37 =	vmul.f32 v55, v35;
	v40 =	vsub.f32 v63, v36;
	v20 =	vsub.f32 v20, v50  }
0x4e: {  	v62 =	vld [tilespmem:s5+$0x4670];
	v24 =	vsub.f32 v24, v28;
	v21 =	vmul.f32 v21, v21;
	v19 =	vmul.f32 v19, v19  }
0x4f: {  	v22 =	vmul.f32 v54, v53;
	v38 =	vsub.f32 v29, v56;
	v20 =	vsub.f32 v20, v27  }
0x50: {  	v19 =	vadd.f32 v19, v21;
	v21 =	vadd.f32 v60, v23  }
0x51: {  	v24 =	vmul.f32 v24, v24;
	v22 =	vadd.f32 v37, v22;
	v27 =	vsub.f32 v40, v61  }
0x52: {  	v25 =	vmul.f32 v38, v38;
	v20 =	vmul.f32 v20, v20;
	v21 =	vsub.f32 v21, v57  }
0x53: {  	v22 =	vsub.f32 v22, v62;
	v44 =	vmul.f32 v27, v27;
	v39 =	vshra.s32 v19, $0x1  }
0x54: {  	v20 =	vadd.f32 v24, v20;
	v41 =	vsub.s32 $0x5F3759DF, v39;
	v21 =	vmul.f32 v21, v21  }
0x55: {  	v22 =	vmul.f32 v22, v22;
	v19 =	vmul.f32 v41, v19  }
0x56: {  	v42 =	vshra.s32 v20, $0x1;
	v21 =	vadd.f32 v21, v25  }
0x57: {  	v22 =	vadd.f32 v22, v44;
	v43 =	vsub.s32 $0x5F3759DF, v42;
	v24 =	vmul.f32 v41, v19  }
0x58: {  	v20 =	vmul.f32 v43, v20;
	v45 =	vshra.s32 v21, $0x1  }
0x59: {  	v47 =	vshra.s32 v22, $0x1;
	v24 =	vmul.f32 $5.000000000e-01, v24;
	v46 =	vsub.s32 $0x5F3759DF, v45  }
0x5a: {  	v26 =	vsub.s32 $0x5F3759DF, v47;
	v23 =	vmul.f32 v43, v20;
	v21 =	vmul.f32 v46, v21  }
0x5b: {  	v22 =	vmul.f32 v26, v22  }
0x5c: {  	v24 =	vsub.f32 $1.500000000e+00, v24;
	v23 =	vmul.f32 $5.000000000e-01, v23;
	v25 =	vmul.f32 v46, v21  }
0x5d: {  	v49 =	vmul.f32 v26, v22  }
0x5e: {  	v19 =	vmul.f32 v24, v19;
	v23 =	vsub.f32 $1.500000000e+00, v23;
	v48 =	vmul.f32 $5.000000000e-01, v25  }
0x5f: {  	v51 =	vmul.f32 $5.000000000e-01, v49  }
0x60: {  	v19 =	vadd.f32 $0.0e+00, v19;
	v20 =	vmul.f32 v23, v20;
	v50 =	vsub.f32 $1.500000000e+00, v48;
	_ =	sdelay $0x1  }
0x61: {  	v52 =	vsub.f32 $1.500000000e+00, v51;
	v19 =	vadd.f32 v20, v19;
	v20 =	vmul.f32 v50, v21;
	_ =	sdelay $0x1  }
0x62: {  	v19 =	vadd.f32 v20, v19;
	v20 =	vmul.f32 v52, v22;
	_ =	sdelay $0x1  }
0x63: {  	v19 =	vadd.f32 v20, v19  }
0x64: {  	s5 =	sshll.u32 s11, $0x8  }
0x65: {  	s7 =	sor.u32 s23, s6;
	[tilespmem:s5+$0xC600] =	vst v19  }
0x66: {  	v19 =	vld [tilespmem:s7+$0x600]  }
0x67: {  	v20 =	vld [tilespmem:s7+$0x640]  }
0x68: {  	v55 =	vld [tilespmem:s7+$0x8600]  }
0x69: {  	v56 =	vld [tilespmem:s7+$0x8640]  }
0x6a: {  	v57 =	vld [tilespmem:s7+$0x610]  }
0x6b: {  	v58 =	vld [tilespmem:s7+$0x650]  }
0x6c: {  	v61 =	vld [tilespmem:s7+$0x8610]  }
0x6d: {  	v62 =	vld [tilespmem:s7+$0x8650]  }
0x6e: {  	v63 =	vld [tilespmem:s7+$0x620]  }
0x6f: {  	v38 =	vld [tilespmem:s7+$0x660]  }
0x70: {  	v39 =	vld [tilespmem:s7+$0x8620]  }
0x71: {  	v41 =	vld [tilespmem:s7+$0x8660]  }
0x72: {  	v43 =	vld [tilespmem:s7+$0x630]  }
0x73: {  	v46 =	vld [tilespmem:s7+$0x670]  }
0x74: {  	v48 =	vld [tilespmem:s7+$0x8670];
	v36 =	vmul.f32 v55, v19  }
0x75: {  	v47 =	vld [tilespmem:s7+$0x8630];
	v37 =	vmul.f32 v56, v20;
	v19 =	vmul.f32 v56, v19  }
0x76: {  	v53 =	vld [tilespmem:s7+$0x4600];
	v20 =	vmul.f32 v55, v20;
	v42 =	vmul.f32 v62, v58  }
0x77: {  	v54 =	vld [tilespmem:s7+$0x4640];
	v44 =	vmul.f32 v62, v57;
	v45 =	vmul.f32 v61, v58  }
0x78: {  	v59 =	vld [tilespmem:s7+$0x4610];
	v51 =	vmul.f32 v39, v63;
	v52 =	vmul.f32 v41, v38  }
0x79: {  	v60 =	vld [tilespmem:s7+$0x4650];
	v23 =	vmul.f32 v39, v38;
	v58 =	vmul.f32 v48, v43  }
0x7a: {  	v55 =	vld [tilespmem:s7+$0x4670];
	v22 =	vmul.f32 v47, v46;
	v40 =	vsub.f32 v36, v37;
	v19 =	vadd.f32 v19, v20  }
0x7b: {  	v20 =	vmul.f32 v61, v57;
	v24 =	vadd.f32 v44, v45;
	v29 =	vsub.f32 v51, v52  }
0x7c: {  	v49 =	vld [tilespmem:s7+$0x4620];
	v56 =	vmul.f32 v47, v43;
	v21 =	vsub.f32 v40, v53;
	v19 =	vsub.f32 v19, v54  }
0x7d: {  	v50 =	vld [tilespmem:s7+$0x4660];
	v22 =	vadd.f32 v58, v22;
	v20 =	vsub.f32 v20, v42;
	v53 =	vmul.f32 v41, v63  }
0x7e: {  	v24 =	vsub.f32 v24, v60;
	v54 =	vld [tilespmem:s7+$0x4630];
	v21 =	vmul.f32 v21, v21;
	v19 =	vmul.f32 v19, v19  }
0x7f: {  	v57 =	vmul.f32 v48, v46;
	v22 =	vsub.f32 v22, v55;
	v20 =	vsub.f32 v20, v59  }
0x80: {  	v19 =	vadd.f32 v19, v21;
	v21 =	vadd.f32 v53, v23  }
0x81: {  	v61 =	vsub.f32 v56, v57;
	v24 =	vmul.f32 v24, v24;
	v59 =	vsub.f32 v29, v49  }
0x82: {  	v22 =	vmul.f32 v22, v22;
	v20 =	vmul.f32 v20, v20;
	v21 =	vsub.f32 v21, v50  }
0x83: {  	v25 =	vmul.f32 v59, v59;
	v27 =	vsub.f32 v61, v54;
	v60 =	vshra.s32 v19, $0x1  }
0x84: {  	v20 =	vadd.f32 v24, v20;
	v62 =	vsub.s32 $0x5F3759DF, v60;
	v21 =	vmul.f32 v21, v21  }
0x85: {  	v30 =	vmul.f32 v27, v27;
	v19 =	vmul.f32 v62, v19  }
0x86: {  	v63 =	vshra.s32 v20, $0x1;
	v21 =	vadd.f32 v21, v25  }
0x87: {  	v29 =	vsub.s32 $0x5F3759DF, v63;
	v22 =	vadd.f32 v22, v30;
	v24 =	vmul.f32 v62, v19  }
0x88: {  	v20 =	vmul.f32 v29, v20;
	v31 =	vshra.s32 v21, $0x1  }
0x89: {  	v33 =	vshra.s32 v22, $0x1;
	v24 =	vmul.f32 $5.000000000e-01, v24;
	v32 =	vsub.s32 $0x5F3759DF, v31  }
0x8a: {  	v23 =	vmul.f32 v29, v20;
	v26 =	vsub.s32 $0x5F3759DF, v33;
	v21 =	vmul.f32 v32, v21  }
0x8b: {  	v22 =	vmul.f32 v26, v22  }
0x8c: {  	v24 =	vsub.f32 $1.500000000e+00, v24;
	v23 =	vmul.f32 $5.000000000e-01, v23;
	v25 =	vmul.f32 v32, v21  }
0x8d: {  	v35 =	vmul.f32 v26, v22  }
0x8e: {  	v19 =	vmul.f32 v24, v19;
	v23 =	vsub.f32 $1.500000000e+00, v23;
	v34 =	vmul.f32 $5.000000000e-01, v25  }
0x8f: {  	v37 =	vmul.f32 $5.000000000e-01, v35  }
0x90: {  	v19 =	vadd.f32 $0.0e+00, v19;
	v20 =	vmul.f32 v23, v20;
	v36 =	vsub.f32 $1.500000000e+00, v34;
	_ =	sdelay $0x1  }
0x91: {  	v38 =	vsub.f32 $1.500000000e+00, v37;
	v19 =	vadd.f32 v20, v19;
	v20 =	vmul.f32 v36, v21;
	_ =	sdelay $0x1  }
0x92: {  	v19 =	vadd.f32 v20, v19;
	v20 =	vmul.f32 v38, v22;
	_ =	sdelay $0x1  }
0x93: {  	v19 =	vadd.f32 v20, v19;
	_ =	sdelay $0x1  }
0x94: {  	s8 =	sor.u32 s24, s6;
	[tilespmem:s5+$0xC610] =	vst v19  }
0x95: {  	v19 =	vld [tilespmem:s8+$0x600]  }
0x96: {  	v20 =	vld [tilespmem:s8+$0x640]  }
0x97: {  	v41 =	vld [tilespmem:s8+$0x8600]  }
0x98: {  	v42 =	vld [tilespmem:s8+$0x8640]  }
0x99: {  	v43 =	vld [tilespmem:s8+$0x610]  }
0x9a: {  	v44 =	vld [tilespmem:s8+$0x650]  }
0x9b: {  	v47 =	vld [tilespmem:s8+$0x8610]  }
0x9c: {  	v48 =	vld [tilespmem:s8+$0x8650]  }
0x9d: {  	v49 =	vld [tilespmem:s8+$0x620]  }
0x9e: {  	v52 =	vld [tilespmem:s8+$0x660]  }
0x9f: {  	v53 =	vld [tilespmem:s8+$0x8620]  }
0xa0: {  	v55 =	vld [tilespmem:s8+$0x8660]  }
0xa1: {  	v57 =	vld [tilespmem:s8+$0x630]  }
0xa2: {  	v60 =	vld [tilespmem:s8+$0x670]  }
0xa3: {  	v62 =	vld [tilespmem:s8+$0x8670];
	v50 =	vmul.f32 v41, v19  }
0xa4: {  	v61 =	vld [tilespmem:s8+$0x8630];
	v51 =	vmul.f32 v42, v20;
	v19 =	vmul.f32 v42, v19  }
0xa5: {  	v39 =	vld [tilespmem:s8+$0x4600];
	v20 =	vmul.f32 v41, v20;
	v56 =	vmul.f32 v48, v44  }
0xa6: {  	v40 =	vld [tilespmem:s8+$0x4640];
	v58 =	vmul.f32 v48, v43;
	v59 =	vmul.f32 v47, v44  }
0xa7: {  	v45 =	vld [tilespmem:s8+$0x4610];
	v37 =	vmul.f32 v53, v49;
	v38 =	vmul.f32 v55, v52  }
0xa8: {  	v46 =	vld [tilespmem:s8+$0x4650];
	v23 =	vmul.f32 v53, v52;
	v44 =	vmul.f32 v62, v57  }
0xa9: {  	v41 =	vld [tilespmem:s8+$0x4670];
	v22 =	vmul.f32 v61, v60;
	v54 =	vsub.f32 v50, v51;
	v19 =	vadd.f32 v19, v20  }
0xaa: {  	v20 =	vmul.f32 v47, v43;
	v24 =	vadd.f32 v58, v59;
	v29 =	vsub.f32 v37, v38  }
0xab: {  	v63 =	vld [tilespmem:s8+$0x4620];
	v42 =	vmul.f32 v61, v57;
	v21 =	vsub.f32 v54, v39;
	v19 =	vsub.f32 v19, v40  }
0xac: {  	v36 =	vld [tilespmem:s8+$0x4660];
	v22 =	vadd.f32 v44, v22;
	v20 =	vsub.f32 v20, v56;
	v39 =	vmul.f32 v55, v49  }
0xad: {  	v24 =	vsub.f32 v24, v46;
	v40 =	vld [tilespmem:s8+$0x4630];
	v21 =	vmul.f32 v21, v21;
	v19 =	vmul.f32 v19, v19  }
0xae: {  	v43 =	vmul.f32 v62, v60;
	v22 =	vsub.f32 v22, v41;
	v20 =	vsub.f32 v20, v45  }
0xaf: {  	v19 =	vadd.f32 v19, v21;
	v21 =	vadd.f32 v39, v23  }
0xb0: {  	v47 =	vsub.f32 v42, v43;
	v24 =	vmul.f32 v24, v24;
	v45 =	vsub.f32 v29, v63  }
0xb1: {  	v22 =	vmul.f32 v22, v22;
	v20 =	vmul.f32 v20, v20;
	v21 =	vsub.f32 v21, v36  }
0xb2: {  	v25 =	vmul.f32 v45, v45;
	v27 =	vsub.f32 v47, v40;
	v46 =	vshra.s32 v19, $0x1  }
0xb3: {  	v20 =	vadd.f32 v24, v20;
	v48 =	vsub.s32 $0x5F3759DF, v46;
	v21 =	vmul.f32 v21, v21  }
0xb4: {  	v51 =	vmul.f32 v27, v27;
	v19 =	vmul.f32 v48, v19  }
0xb5: {  	v49 =	vshra.s32 v20, $0x1;
	v21 =	vadd.f32 v21, v25  }
0xb6: {  	v50 =	vsub.s32 $0x5F3759DF, v49;
	v22 =	vadd.f32 v22, v51;
	v24 =	vmul.f32 v48, v19  }
0xb7: {  	v20 =	vmul.f32 v50, v20;
	v52 =	vshra.s32 v21, $0x1  }
0xb8: {  	v54 =	vshra.s32 v22, $0x1;
	v24 =	vmul.f32 $5.000000000e-01, v24;
	v53 =	vsub.s32 $0x5F3759DF, v52  }
0xb9: {  	v23 =	vmul.f32 v50, v20;
	v26 =	vsub.s32 $0x5F3759DF, v54;
	v21 =	vmul.f32 v53, v21  }
0xba: {  	v22 =	vmul.f32 v26, v22  }
0xbb: {  	v24 =	vsub.f32 $1.500000000e+00, v24;
	v23 =	vmul.f32 $5.000000000e-01, v23;
	v25 =	vmul.f32 v53, v21  }
0xbc: {  	v56 =	vmul.f32 v26, v22  }
0xbd: {  	v19 =	vmul.f32 v24, v19;
	v23 =	vsub.f32 $1.500000000e+00, v23;
	v55 =	vmul.f32 $5.000000000e-01, v25  }
0xbe: {  	v58 =	vmul.f32 $5.000000000e-01, v56  }
0xbf: {  	v19 =	vadd.f32 $0.0e+00, v19;
	v20 =	vmul.f32 v23, v20;
	v57 =	vsub.f32 $1.500000000e+00, v55;
	_ =	sdelay $0x1  }
0xc0: {  	v59 =	vsub.f32 $1.500000000e+00, v58;
	v19 =	vadd.f32 v20, v19;
	v20 =	vmul.f32 v57, v21;
	_ =	sdelay $0x1  }
0xc1: {  	v19 =	vadd.f32 v20, v19;
	v20 =	vmul.f32 v59, v22;
	_ =	sdelay $0x1  }
0xc2: {  	v19 =	vadd.f32 v20, v19;
	_ =	sdelay $0x1  }
0xc3: {  	s9 =	sor.u32 s25, s6;
	[tilespmem:s5+$0xC620] =	vst v19  }
0xc4: {  	v19 =	vld [tilespmem:s9+$0x600]  }
0xc5: {  	v20 =	vld [tilespmem:s9+$0x640]  }
0xc6: {  	v62 =	vld [tilespmem:s9+$0x8600]  }
0xc7: {  	v63 =	vld [tilespmem:s9+$0x8640]  }
0xc8: {  	v36 =	vld [tilespmem:s9+$0x610]  }
0xc9: {  	v37 =	vld [tilespmem:s9+$0x650]  }
0xca: {  	v40 =	vld [tilespmem:s9+$0x8610]  }
0xcb: {  	v41 =	vld [tilespmem:s9+$0x8650]  }
0xcc: {  	v42 =	vld [tilespmem:s9+$0x620]  }
0xcd: {  	v45 =	vld [tilespmem:s9+$0x660]  }
0xce: {  	v46 =	vld [tilespmem:s9+$0x8620]  }
0xcf: {  	v48 =	vld [tilespmem:s9+$0x8660]  }
0xd0: {  	v50 =	vld [tilespmem:s9+$0x630]  }
0xd1: {  	v53 =	vld [tilespmem:s9+$0x670]  }
0xd2: {  	v55 =	vld [tilespmem:s9+$0x8670];
	v43 =	vmul.f32 v62, v19  }
0xd3: {  	v54 =	vld [tilespmem:s9+$0x8630];
	v44 =	vmul.f32 v63, v20;
	v19 =	vmul.f32 v63, v19  }
0xd4: {  	v60 =	vld [tilespmem:s9+$0x4600];
	v20 =	vmul.f32 v62, v20;
	v49 =	vmul.f32 v41, v37  }
0xd5: {  	v61 =	vld [tilespmem:s9+$0x4640];
	v51 =	vmul.f32 v41, v36;
	v52 =	vmul.f32 v40, v37  }
0xd6: {  	v38 =	vld [tilespmem:s9+$0x4610];
	v58 =	vmul.f32 v46, v42;
	v59 =	vmul.f32 v48, v45  }
0xd7: {  	v39 =	vld [tilespmem:s9+$0x4650];
	v23 =	vmul.f32 v46, v45;
	v37 =	vmul.f32 v55, v50  }
0xd8: {  	v62 =	vld [tilespmem:s9+$0x4670];
	v22 =	vmul.f32 v54, v53;
	v47 =	vsub.f32 v43, v44;
	v19 =	vadd.f32 v19, v20  }
0xd9: {  	v20 =	vmul.f32 v40, v36;
	v24 =	vadd.f32 v51, v52;
	v29 =	vsub.f32 v58, v59  }
0xda: {  	v56 =	vld [tilespmem:s9+$0x4620];
	v63 =	vmul.f32 v54, v50;
	v21 =	vsub.f32 v47, v60;
	v19 =	vsub.f32 v19, v61  }
0xdb: {  	v57 =	vld [tilespmem:s9+$0x4660];
	v22 =	vadd.f32 v37, v22;
	v20 =	vsub.f32 v20, v49;
	v60 =	vmul.f32 v48, v42  }
0xdc: {  	v24 =	vsub.f32 v24, v39;
	v61 =	vld [tilespmem:s9+$0x4630];
	v21 =	vmul.f32 v21, v21;
	v19 =	vmul.f32 v19, v19  }
0xdd: {  	v36 =	vmul.f32 v55, v53;
	v22 =	vsub.f32 v22, v62;
	v20 =	vsub.f32 v20, v38  }
0xde: {  	v19 =	vadd.f32 v19, v21;
	v21 =	vadd.f32 v60, v23  }
0xdf: {  	v40 =	vsub.f32 v63, v36;
	v24 =	vmul.f32 v24, v24;
	v38 =	vsub.f32 v29, v56  }
0xe0: {  	v22 =	vmul.f32 v22, v22;
	v20 =	vmul.f32 v20, v20;
	v21 =	vsub.f32 v21, v57  }
0xe1: {  	v25 =	vmul.f32 v38, v38;
	v27 =	vsub.f32 v40, v61;
	v39 =	vshra.s32 v19, $0x1  }
0xe2: {  	v20 =	vadd.f32 v24, v20;
	v41 =	vsub.s32 $0x5F3759DF, v39;
	v21 =	vmul.f32 v21, v21  }
0xe3: {  	v44 =	vmul.f32 v27, v27;
	v19 =	vmul.f32 v41, v19  }
0xe4: {  	v42 =	vshra.s32 v20, $0x1;
	v21 =	vadd.f32 v21, v25  }
0xe5: {  	v43 =	vsub.s32 $0x5F3759DF, v42;
	v22 =	vadd.f32 v22, v44;
	v24 =	vmul.f32 v41, v19  }
0xe6: {  	v20 =	vmul.f32 v43, v20;
	v45 =	vshra.s32 v21, $0x1  }
0xe7: {  	v47 =	vshra.s32 v22, $0x1;
	v24 =	vmul.f32 $5.000000000e-01, v24;
	v46 =	vsub.s32 $0x5F3759DF, v45  }
0xe8: {  	v23 =	vmul.f32 v43, v20;
	v26 =	vsub.s32 $0x5F3759DF, v47;
	v21 =	vmul.f32 v46, v21  }
0xe9: {  	v22 =	vmul.f32 v26, v22  }
0xea: {  	v24 =	vsub.f32 $1.500000000e+00, v24;
	v23 =	vmul.f32 $5.000000000e-01, v23;
	v25 =	vmul.f32 v46, v21  }
0xeb: {  	v49 =	vmul.f32 v26, v22  }
0xec: {  	v19 =	vmul.f32 v24, v19;
	v23 =	vsub.f32 $1.500000000e+00, v23;
	v48 =	vmul.f32 $5.000000000e-01, v25  }
0xed: {  	v51 =	vmul.f32 $5.000000000e-01, v49  }
0xee: {  	v19 =	vadd.f32 $0.0e+00, v19;
	v20 =	vmul.f32 v23, v20;
	v50 =	vsub.f32 $1.500000000e+00, v48;
	_ =	sdelay $0x1  }
0xef: {  	v52 =	vsub.f32 $1.500000000e+00, v51;
	v19 =	vadd.f32 v20, v19;
	v20 =	vmul.f32 v50, v21;
	_ =	sdelay $0x1  }
0xf0: {  	v19 =	vadd.f32 v20, v19;
	v20 =	vmul.f32 v52, v22;
	_ =	sdelay $0x1  }
0xf1: {  	v19 =	vadd.f32 v20, v19;
	_ =	sdelay $0x1  }
0xf2: {  	s13 =	sor.u32 s26, s6;
	[tilespmem:s5+$0xC630] =	vst v19  }
0xf3: {  	v19 =	vld [tilespmem:s13+$0x600]  }
0xf4: {  	v20 =	vld [tilespmem:s13+$0x640]  }
0xf5: {  	v55 =	vld [tilespmem:s13+$0x8600]  }
0xf6: {  	v56 =	vld [tilespmem:s13+$0x8640]  }
0xf7: {  	v57 =	vld [tilespmem:s13+$0x610]  }
0xf8: {  	v58 =	vld [tilespmem:s13+$0x650]  }
0xf9: {  	v61 =	vld [tilespmem:s13+$0x8610]  }
0xfa: {  	v62 =	vld [tilespmem:s13+$0x8650]  }
0xfb: {  	v63 =	vld [tilespmem:s13+$0x620]  }
0xfc: {  	v38 =	vld [tilespmem:s13+$0x660]  }
0xfd: {  	v39 =	vld [tilespmem:s13+$0x8620]  }
0xfe: {  	v41 =	vld [tilespmem:s13+$0x8660]  }
0xff: {  	v43 =	vld [tilespmem:s13+$0x630]  }
0x100: {  	v46 =	vld [tilespmem:s13+$0x670]  }
0x101: {  	v48 =	vld [tilespmem:s13+$0x8670];
	v36 =	vmul.f32 v55, v19  }
0x102: {  	v47 =	vld [tilespmem:s13+$0x8630];
	v37 =	vmul.f32 v56, v20;
	v19 =	vmul.f32 v56, v19  }
0x103: {  	v53 =	vld [tilespmem:s13+$0x4600];
	v20 =	vmul.f32 v55, v20;
	v42 =	vmul.f32 v62, v58  }
0x104: {  	v54 =	vld [tilespmem:s13+$0x4640];
	v44 =	vmul.f32 v62, v57;
	v45 =	vmul.f32 v61, v58  }
0x105: {  	v59 =	vld [tilespmem:s13+$0x4610];
	v51 =	vmul.f32 v39, v63;
	v52 =	vmul.f32 v41, v38  }
0x106: {  	v60 =	vld [tilespmem:s13+$0x4650];
	v23 =	vmul.f32 v39, v38;
	v58 =	vmul.f32 v48, v43  }
0x107: {  	v55 =	vld [tilespmem:s13+$0x4670];
	v22 =	vmul.f32 v47, v46;
	v40 =	vsub.f32 v36, v37;
	v19 =	vadd.f32 v19, v20  }
0x108: {  	v20 =	vmul.f32 v61, v57;
	v24 =	vadd.f32 v44, v45;
	v29 =	vsub.f32 v51, v52  }
0x109: {  	v49 =	vld [tilespmem:s13+$0x4620];
	v56 =	vmul.f32 v47, v43;
	v21 =	vsub.f32 v40, v53;
	v19 =	vsub.f32 v19, v54  }
0x10a: {  	v50 =	vld [tilespmem:s13+$0x4660];
	v22 =	vadd.f32 v58, v22;
	v20 =	vsub.f32 v20, v42;
	v53 =	vmul.f32 v41, v63  }
0x10b: {  	v24 =	vsub.f32 v24, v60;
	v54 =	vld [tilespmem:s13+$0x4630];
	v21 =	vmul.f32 v21, v21;
	v19 =	vmul.f32 v19, v19  }
0x10c: {  	v57 =	vmul.f32 v48, v46;
	v22 =	vsub.f32 v22, v55;
	v20 =	vsub.f32 v20, v59  }
0x10d: {  	v19 =	vadd.f32 v19, v21;
	v21 =	vadd.f32 v53, v23  }
0x10e: {  	v61 =	vsub.f32 v56, v57;
	v24 =	vmul.f32 v24, v24;
	v59 =	vsub.f32 v29, v49  }
0x10f: {  	v22 =	vmul.f32 v22, v22;
	v20 =	vmul.f32 v20, v20;
	v21 =	vsub.f32 v21, v50  }
0x110: {  	v25 =	vmul.f32 v59, v59;
	v27 =	vsub.f32 v61, v54;
	v60 =	vshra.s32 v19, $0x1  }
0x111: {  	v20 =	vadd.f32 v24, v20;
	v62 =	vsub.s32 $0x5F3759DF, v60;
	v21 =	vmul.f32 v21, v21  }
0x112: {  	v30 =	vmul.f32 v27, v27;
	v19 =	vmul.f32 v62, v19  }
0x113: {  	v63 =	vshra.s32 v20, $0x1;
	v21 =	vadd.f32 v21, v25  }
0x114: {  	v29 =	vsub.s32 $0x5F3759DF, v63;
	v22 =	vadd.f32 v22, v30;
	v24 =	vmul.f32 v62, v19  }
0x115: {  	v20 =	vmul.f32 v29, v20;
	v31 =	vshra.s32 v21, $0x1  }
0x116: {  	v33 =	vshra.s32 v22, $0x1;
	v24 =	vmul.f32 $5.000000000e-01, v24;
	v32 =	vsub.s32 $0x5F3759DF, v31  }
0x117: {  	v23 =	vmul.f32 v29, v20;
	v26 =	vsub.s32 $0x5F3759DF, v33;
	v21 =	vmul.f32 v32, v21  }
0x118: {  	v22 =	vmul.f32 v26, v22  }
0x119: {  	v24 =	vsub.f32 $1.500000000e+00, v24;
	v23 =	vmul.f32 $5.000000000e-01, v23;
	v25 =	vmul.f32 v32, v21  }
0x11a: {  	v35 =	vmul.f32 v26, v22  }
0x11b: {  	v19 =	vmul.f32 v24, v19;
	v23 =	vsub.f32 $1.500000000e+00, v23;
	v34 =	vmul.f32 $5.000000000e-01, v25  }
0x11c: {  	v37 =	vmul.f32 $5.000000000e-01, v35  }
0x11d: {  	v19 =	vadd.f32 $0.0e+00, v19;
	v20 =	vmul.f32 v23, v20;
	v36 =	vsub.f32 $1.500000000e+00, v34;
	_ =	sdelay $0x1  }
0x11e: {  	v38 =	vsub.f32 $1.500000000e+00, v37;
	v19 =	vadd.f32 v20, v19;
	v20 =	vmul.f32 v36, v21;
	_ =	sdelay $0x1  }
0x11f: {  	v19 =	vadd.f32 v20, v19;
	v20 =	vmul.f32 v38, v22;
	_ =	sdelay $0x1  }
0x120: {  	v19 =	vadd.f32 v20, v19;
	_ =	sdelay $0x1  }
0x121: {  	s19 =	sor.u32 s28, s6;
	[tilespmem:s5+$0xC640] =	vst v19  }
0x122: {  	v19 =	vld [tilespmem:s19+$0x600]  }
0x123: {  	v20 =	vld [tilespmem:s19+$0x640]  }
0x124: {  	v41 =	vld [tilespmem:s19+$0x8600]  }
0x125: {  	v42 =	vld [tilespmem:s19+$0x8640]  }
0x126: {  	v43 =	vld [tilespmem:s19+$0x610]  }
0x127: {  	v44 =	vld [tilespmem:s19+$0x650]  }
0x128: {  	v47 =	vld [tilespmem:s19+$0x8610]  }
0x129: {  	v48 =	vld [tilespmem:s19+$0x8650]  }
0x12a: {  	v49 =	vld [tilespmem:s19+$0x620]  }
0x12b: {  	v52 =	vld [tilespmem:s19+$0x660]  }
0x12c: {  	v53 =	vld [tilespmem:s19+$0x8620]  }
0x12d: {  	v55 =	vld [tilespmem:s19+$0x8660]  }
0x12e: {  	v57 =	vld [tilespmem:s19+$0x630]  }
0x12f: {  	v60 =	vld [tilespmem:s19+$0x670]  }
0x130: {  	v62 =	vld [tilespmem:s19+$0x8670];
	v50 =	vmul.f32 v41, v19  }
0x131: {  	v61 =	vld [tilespmem:s19+$0x8630];
	v51 =	vmul.f32 v42, v20;
	v19 =	vmul.f32 v42, v19  }
0x132: {  	v39 =	vld [tilespmem:s19+$0x4600];
	v20 =	vmul.f32 v41, v20;
	v56 =	vmul.f32 v48, v44  }
0x133: {  	v40 =	vld [tilespmem:s19+$0x4640];
	v58 =	vmul.f32 v48, v43;
	v59 =	vmul.f32 v47, v44  }
0x134: {  	v45 =	vld [tilespmem:s19+$0x4610];
	v37 =	vmul.f32 v53, v49;
	v38 =	vmul.f32 v55, v52  }
0x135: {  	v46 =	vld [tilespmem:s19+$0x4650];
	v23 =	vmul.f32 v53, v52;
	v44 =	vmul.f32 v62, v57  }
0x136: {  	v41 =	vld [tilespmem:s19+$0x4670];
	v22 =	vmul.f32 v61, v60;
	v54 =	vsub.f32 v50, v51;
	v19 =	vadd.f32 v19, v20  }
0x137: {  	v20 =	vmul.f32 v47, v43;
	v24 =	vadd.f32 v58, v59;
	v29 =	vsub.f32 v37, v38  }
0x138: {  	v63 =	vld [tilespmem:s19+$0x4620];
	v42 =	vmul.f32 v61, v57;
	v21 =	vsub.f32 v54, v39;
	v19 =	vsub.f32 v19, v40  }
0x139: {  	v36 =	vld [tilespmem:s19+$0x4660];
	v22 =	vadd.f32 v44, v22;
	v20 =	vsub.f32 v20, v56;
	v39 =	vmul.f32 v55, v49  }
0x13a: {  	v24 =	vsub.f32 v24, v46;
	v40 =	vld [tilespmem:s19+$0x4630];
	v21 =	vmul.f32 v21, v21;
	v19 =	vmul.f32 v19, v19  }
0x13b: {  	v43 =	vmul.f32 v62, v60;
	v22 =	vsub.f32 v22, v41;
	v20 =	vsub.f32 v20, v45  }
0x13c: {  	v19 =	vadd.f32 v19, v21;
	v21 =	vadd.f32 v39, v23  }
0x13d: {  	v47 =	vsub.f32 v42, v43;
	v24 =	vmul.f32 v24, v24;
	v45 =	vsub.f32 v29, v63  }
0x13e: {  	v22 =	vmul.f32 v22, v22;
	v20 =	vmul.f32 v20, v20;
	v21 =	vsub.f32 v21, v36  }
0x13f: {  	v25 =	vmul.f32 v45, v45;
	v27 =	vsub.f32 v47, v40;
	v46 =	vshra.s32 v19, $0x1  }
0x140: {  	v20 =	vadd.f32 v24, v20;
	v48 =	vsub.s32 $0x5F3759DF, v46;
	v21 =	vmul.f32 v21, v21  }
0x141: {  	v51 =	vmul.f32 v27, v27;
	v19 =	vmul.f32 v48, v19  }
0x142: {  	v49 =	vshra.s32 v20, $0x1;
	v21 =	vadd.f32 v21, v25  }
0x143: {  	v50 =	vsub.s32 $0x5F3759DF, v49;
	v22 =	vadd.f32 v22, v51;
	v24 =	vmul.f32 v48, v19  }
0x144: {  	v20 =	vmul.f32 v50, v20;
	v52 =	vshra.s32 v21, $0x1  }
0x145: {  	v54 =	vshra.s32 v22, $0x1;
	v24 =	vmul.f32 $5.000000000e-01, v24;
	v53 =	vsub.s32 $0x5F3759DF, v52  }
0x146: {  	v23 =	vmul.f32 v50, v20;
	v26 =	vsub.s32 $0x5F3759DF, v54;
	v21 =	vmul.f32 v53, v21  }
0x147: {  	v22 =	vmul.f32 v26, v22  }
0x148: {  	v24 =	vsub.f32 $1.500000000e+00, v24;
	v23 =	vmul.f32 $5.000000000e-01, v23;
	v25 =	vmul.f32 v53, v21  }
0x149: {  	v56 =	vmul.f32 v26, v22  }
0x14a: {  	v19 =	vmul.f32 v24, v19;
	v23 =	vsub.f32 $1.500000000e+00, v23;
	v55 =	vmul.f32 $5.000000000e-01, v25  }
0x14b: {  	v58 =	vmul.f32 $5.000000000e-01, v56  }
0x14c: {  	v19 =	vadd.f32 $0.0e+00, v19;
	v20 =	vmul.f32 v23, v20;
	v57 =	vsub.f32 $1.500000000e+00, v55;
	_ =	sdelay $0x1  }
0x14d: {  	v59 =	vsub.f32 $1.500000000e+00, v58;
	v19 =	vadd.f32 v20, v19;
	v20 =	vmul.f32 v57, v21;
	_ =	sdelay $0x1  }
0x14e: {  	v19 =	vadd.f32 v20, v19;
	v20 =	vmul.f32 v59, v22;
	_ =	sdelay $0x1  }
0x14f: {  	v19 =	vadd.f32 v20, v19;
	_ =	sdelay $0x1  }
0x150: {  	s8 =	sor.u32 s29, s6;
	[tilespmem:s5+$0xC650] =	vst v19  }
0x151: {  	v19 =	vld [tilespmem:s8+$0x600]  }
0x152: {  	v20 =	vld [tilespmem:s8+$0x640]  }
0x153: {  	v62 =	vld [tilespmem:s8+$0x8600]  }
0x154: {  	v63 =	vld [tilespmem:s8+$0x8640]  }
0x155: {  	v36 =	vld [tilespmem:s8+$0x610]  }
0x156: {  	v37 =	vld [tilespmem:s8+$0x650]  }
0x157: {  	v40 =	vld [tilespmem:s8+$0x8610]  }
0x158: {  	v41 =	vld [tilespmem:s8+$0x8650]  }
0x159: {  	v42 =	vld [tilespmem:s8+$0x620]  }
0x15a: {  	v45 =	vld [tilespmem:s8+$0x660]  }
0x15b: {  	v46 =	vld [tilespmem:s8+$0x8620]  }
0x15c: {  	v48 =	vld [tilespmem:s8+$0x8660]  }
0x15d: {  	v50 =	vld [tilespmem:s8+$0x630]  }
0x15e: {  	v53 =	vld [tilespmem:s8+$0x670]  }
0x15f: {  	v55 =	vld [tilespmem:s8+$0x8670];
	v43 =	vmul.f32 v62, v19  }
0x160: {  	v54 =	vld [tilespmem:s8+$0x8630];
	v44 =	vmul.f32 v63, v20;
	v19 =	vmul.f32 v63, v19  }
0x161: {  	v60 =	vld [tilespmem:s8+$0x4600];
	v20 =	vmul.f32 v62, v20;
	v49 =	vmul.f32 v41, v37  }
0x162: {  	v61 =	vld [tilespmem:s8+$0x4640];
	v51 =	vmul.f32 v41, v36;
	v52 =	vmul.f32 v40, v37  }
0x163: {  	v38 =	vld [tilespmem:s8+$0x4610];
	v58 =	vmul.f32 v46, v42;
	v59 =	vmul.f32 v48, v45  }
0x164: {  	v39 =	vld [tilespmem:s8+$0x4650];
	v23 =	vmul.f32 v46, v45;
	v37 =	vmul.f32 v55, v50  }
0x165: {  	v62 =	vld [tilespmem:s8+$0x4670];
	v22 =	vmul.f32 v54, v53;
	v47 =	vsub.f32 v43, v44;
	v19 =	vadd.f32 v19, v20  }
0x166: {  	v20 =	vmul.f32 v40, v36;
	v24 =	vadd.f32 v51, v52;
	v29 =	vsub.f32 v58, v59  }
0x167: {  	v56 =	vld [tilespmem:s8+$0x4620];
	v63 =	vmul.f32 v54, v50;
	v21 =	vsub.f32 v47, v60;
	v19 =	vsub.f32 v19, v61  }
0x168: {  	v57 =	vld [tilespmem:s8+$0x4660];
	v22 =	vadd.f32 v37, v22;
	v20 =	vsub.f32 v20, v49;
	v60 =	vmul.f32 v48, v42  }
0x169: {  	v24 =	vsub.f32 v24, v39;
	v61 =	vld [tilespmem:s8+$0x4630];
	v21 =	vmul.f32 v21, v21;
	v19 =	vmul.f32 v19, v19  }
0x16a: {  	v36 =	vmul.f32 v55, v53;
	v22 =	vsub.f32 v22, v62;
	v20 =	vsub.f32 v20, v38  }
0x16b: {  	v19 =	vadd.f32 v19, v21;
	v21 =	vadd.f32 v60, v23  }
0x16c: {  	v40 =	vsub.f32 v63, v36;
	v24 =	vmul.f32 v24, v24;
	v38 =	vsub.f32 v29, v56  }
0x16d: {  	v22 =	vmul.f32 v22, v22;
	v20 =	vmul.f32 v20, v20;
	v21 =	vsub.f32 v21, v57  }
0x16e: {  	v25 =	vmul.f32 v38, v38;
	v27 =	vsub.f32 v40, v61;
	v39 =	vshra.s32 v19, $0x1  }
0x16f: {  	v20 =	vadd.f32 v24, v20;
	v41 =	vsub.s32 $0x5F3759DF, v39;
	v21 =	vmul.f32 v21, v21  }
0x170: {  	v44 =	vmul.f32 v27, v27;
	v19 =	vmul.f32 v41, v19  }
0x171: {  	v42 =	vshra.s32 v20, $0x1;
	v21 =	vadd.f32 v21, v25  }
0x172: {  	v43 =	vsub.s32 $0x5F3759DF, v42;
	v22 =	vadd.f32 v22, v44;
	v24 =	vmul.f32 v41, v19  }
0x173: {  	v20 =	vmul.f32 v43, v20;
	v45 =	vshra.s32 v21, $0x1  }
0x174: {  	v47 =	vshra.s32 v22, $0x1;
	v24 =	vmul.f32 $5.000000000e-01, v24;
	v46 =	vsub.s32 $0x5F3759DF, v45  }
0x175: {  	v23 =	vmul.f32 v43, v20;
	v26 =	vsub.s32 $0x5F3759DF, v47;
	v21 =	vmul.f32 v46, v21  }
0x176: {  	v22 =	vmul.f32 v26, v22  }
0x177: {  	v24 =	vsub.f32 $1.500000000e+00, v24;
	v23 =	vmul.f32 $5.000000000e-01, v23;
	v25 =	vmul.f32 v46, v21  }
0x178: {  	v49 =	vmul.f32 v26, v22  }
0x179: {  	v19 =	vmul.f32 v24, v19;
	v23 =	vsub.f32 $1.500000000e+00, v23;
	v48 =	vmul.f32 $5.000000000e-01, v25  }
0x17a: {  	v51 =	vmul.f32 $5.000000000e-01, v49  }
0x17b: {  	v19 =	vadd.f32 $0.0e+00, v19;
	v20 =	vmul.f32 v23, v20;
	v50 =	vsub.f32 $1.500000000e+00, v48;
	_ =	sdelay $0x1  }
0x17c: {  	v52 =	vsub.f32 $1.500000000e+00, v51;
	v19 =	vadd.f32 v20, v19;
	v20 =	vmul.f32 v50, v21;
	_ =	sdelay $0x1  }
0x17d: {  	v19 =	vadd.f32 v20, v19;
	v20 =	vmul.f32 v52, v22;
	_ =	sdelay $0x1  }
0x17e: {  	v19 =	vadd.f32 v20, v19;
	_ =	sdelay $0x1  }
0x17f: {  	s9 =	sor.u32 s30, s6;
	[tilespmem:s5+$0xC660] =	vst v19  }
0x180: {  	v19 =	vld [tilespmem:s9+$0x600]  }
0x181: {  	v20 =	vld [tilespmem:s9+$0x640]  }
0x182: {  	v55 =	vld [tilespmem:s9+$0x8600]  }
0x183: {  	v56 =	vld [tilespmem:s9+$0x8640]  }
0x184: {  	v57 =	vld [tilespmem:s9+$0x610]  }
0x185: {  	v58 =	vld [tilespmem:s9+$0x650]  }
0x186: {  	v61 =	vld [tilespmem:s9+$0x8610]  }
0x187: {  	v62 =	vld [tilespmem:s9+$0x8650]  }
0x188: {  	v63 =	vld [tilespmem:s9+$0x620]  }
0x189: {  	v38 =	vld [tilespmem:s9+$0x660]  }
0x18a: {  	v39 =	vld [tilespmem:s9+$0x8620]  }
0x18b: {  	v41 =	vld [tilespmem:s9+$0x8660]  }
0x18c: {  	v43 =	vld [tilespmem:s9+$0x630]  }
0x18d: {  	v46 =	vld [tilespmem:s9+$0x670]  }
0x18e: {  	v48 =	vld [tilespmem:s9+$0x8670];
	v36 =	vmul.f32 v55, v19  }
0x18f: {  	v47 =	vld [tilespmem:s9+$0x8630];
	v37 =	vmul.f32 v56, v20;
	v19 =	vmul.f32 v56, v19  }
0x190: {  	v53 =	vld [tilespmem:s9+$0x4600];
	v20 =	vmul.f32 v55, v20;
	v42 =	vmul.f32 v62, v58  }
0x191: {  	v54 =	vld [tilespmem:s9+$0x4640];
	v44 =	vmul.f32 v62, v57;
	v45 =	vmul.f32 v61, v58  }
0x192: {  	v59 =	vld [tilespmem:s9+$0x4610];
	v51 =	vmul.f32 v39, v63;
	v52 =	vmul.f32 v41, v38  }
0x193: {  	v60 =	vld [tilespmem:s9+$0x4650];
	v23 =	vmul.f32 v39, v38;
	v58 =	vmul.f32 v48, v43  }
0x194: {  	v55 =	vld [tilespmem:s9+$0x4670];
	v22 =	vmul.f32 v47, v46;
	v40 =	vsub.f32 v36, v37;
	v19 =	vadd.f32 v19, v20  }
0x195: {  	v20 =	vmul.f32 v61, v57;
	v24 =	vadd.f32 v44, v45;
	v29 =	vsub.f32 v51, v52  }
0x196: {  	v49 =	vld [tilespmem:s9+$0x4620];
	v56 =	vmul.f32 v47, v43;
	v21 =	vsub.f32 v40, v53;
	v19 =	vsub.f32 v19, v54  }
0x197: {  	v50 =	vld [tilespmem:s9+$0x4660];
	v22 =	vadd.f32 v58, v22;
	v20 =	vsub.f32 v20, v42;
	v53 =	vmul.f32 v41, v63  }
0x198: {  	v24 =	vsub.f32 v24, v60;
	v54 =	vld [tilespmem:s9+$0x4630];
	v21 =	vmul.f32 v21, v21;
	v19 =	vmul.f32 v19, v19  }
0x199: {  	v57 =	vmul.f32 v48, v46;
	v22 =	vsub.f32 v22, v55;
	v20 =	vsub.f32 v20, v59  }
0x19a: {  	v19 =	vadd.f32 v19, v21;
	v21 =	vadd.f32 v53, v23  }
0x19b: {  	v61 =	vsub.f32 v56, v57;
	v24 =	vmul.f32 v24, v24;
	v59 =	vsub.f32 v29, v49  }
0x19c: {  	v22 =	vmul.f32 v22, v22;
	v20 =	vmul.f32 v20, v20;
	v21 =	vsub.f32 v21, v50  }
0x19d: {  	v25 =	vmul.f32 v59, v59;
	v27 =	vsub.f32 v61, v54;
	v60 =	vshra.s32 v19, $0x1  }
0x19e: {  	v20 =	vadd.f32 v24, v20;
	v62 =	vsub.s32 $0x5F3759DF, v60;
	v21 =	vmul.f32 v21, v21  }
0x19f: {  	v30 =	vmul.f32 v27, v27;
	v19 =	vmul.f32 v62, v19  }
0x1a0: {  	v63 =	vshra.s32 v20, $0x1;
	v21 =	vadd.f32 v21, v25  }
0x1a1: {  	v29 =	vsub.s32 $0x5F3759DF, v63;
	v22 =	vadd.f32 v22, v30;
	v24 =	vmul.f32 v62, v19  }
0x1a2: {  	v20 =	vmul.f32 v29, v20;
	v31 =	vshra.s32 v21, $0x1  }
0x1a3: {  	v33 =	vshra.s32 v22, $0x1;
	v24 =	vmul.f32 $5.000000000e-01, v24;
	v32 =	vsub.s32 $0x5F3759DF, v31  }
0x1a4: {  	v23 =	vmul.f32 v29, v20;
	v26 =	vsub.s32 $0x5F3759DF, v33;
	v21 =	vmul.f32 v32, v21  }
0x1a5: {  	v22 =	vmul.f32 v26, v22  }
0x1a6: {  	v24 =	vsub.f32 $1.500000000e+00, v24;
	v23 =	vmul.f32 $5.000000000e-01, v23;
	v25 =	vmul.f32 v32, v21  }
0x1a7: {  	v35 =	vmul.f32 v26, v22  }
0x1a8: {  	v19 =	vmul.f32 v24, v19;
	v23 =	vsub.f32 $1.500000000e+00, v23;
	v34 =	vmul.f32 $5.000000000e-01, v25  }
0x1a9: {  	v37 =	vmul.f32 $5.000000000e-01, v35  }
0x1aa: {  	v19 =	vadd.f32 $0.0e+00, v19;
	v20 =	vmul.f32 v23, v20;
	v36 =	vsub.f32 $1.500000000e+00, v34;
	_ =	sdelay $0x1  }
0x1ab: {  	v38 =	vsub.f32 $1.500000000e+00, v37;
	v19 =	vadd.f32 v20, v19;
	v20 =	vmul.f32 v36, v21;
	_ =	sdelay $0x1  }
0x1ac: {  	v19 =	vadd.f32 v20, v19;
	v20 =	vmul.f32 v38, v22;
	_ =	sdelay $0x1  }
0x1ad: {  	v19 =	vadd.f32 v20, v19;
	_ =	sdelay $0x1  }
0x1ae: {  	s13 =	sor.u32 s31, s6;
	[tilespmem:s5+$0xC670] =	vst v19  }
0x1af: {  	v19 =	vld [tilespmem:s13+$0x600]  }
0x1b0: {  	v20 =	vld [tilespmem:s13+$0x640]  }
0x1b1: {  	v41 =	vld [tilespmem:s13+$0x8600]  }
0x1b2: {  	v42 =	vld [tilespmem:s13+$0x8640]  }
0x1b3: {  	v43 =	vld [tilespmem:s13+$0x610]  }
0x1b4: {  	v44 =	vld [tilespmem:s13+$0x650]  }
0x1b5: {  	v47 =	vld [tilespmem:s13+$0x8610]  }
0x1b6: {  	v48 =	vld [tilespmem:s13+$0x8650]  }
0x1b7: {  	v49 =	vld [tilespmem:s13+$0x620]  }
0x1b8: {  	v52 =	vld [tilespmem:s13+$0x660]  }
0x1b9: {  	v53 =	vld [tilespmem:s13+$0x8620]  }
0x1ba: {  	v55 =	vld [tilespmem:s13+$0x8660]  }
0x1bb: {  	v57 =	vld [tilespmem:s13+$0x630]  }
0x1bc: {  	v60 =	vld [tilespmem:s13+$0x670]  }
0x1bd: {  	v62 =	vld [tilespmem:s13+$0x8670];
	v50 =	vmul.f32 v41, v19  }
0x1be: {  	v61 =	vld [tilespmem:s13+$0x8630];
	v51 =	vmul.f32 v42, v20;
	v19 =	vmul.f32 v42, v19  }
0x1bf: {  	v39 =	vld [tilespmem:s13+$0x4600];
	v20 =	vmul.f32 v41, v20;
	v56 =	vmul.f32 v48, v44  }
0x1c0: {  	v40 =	vld [tilespmem:s13+$0x4640];
	v58 =	vmul.f32 v48, v43;
	v59 =	vmul.f32 v47, v44  }
0x1c1: {  	v45 =	vld [tilespmem:s13+$0x4610];
	v37 =	vmul.f32 v53, v49;
	v38 =	vmul.f32 v55, v52  }
0x1c2: {  	v46 =	vld [tilespmem:s13+$0x4650];
	v23 =	vmul.f32 v53, v52;
	v44 =	vmul.f32 v62, v57  }
0x1c3: {  	v41 =	vld [tilespmem:s13+$0x4670];
	v22 =	vmul.f32 v61, v60;
	v54 =	vsub.f32 v50, v51;
	v19 =	vadd.f32 v19, v20  }
0x1c4: {  	v20 =	vmul.f32 v47, v43;
	v24 =	vadd.f32 v58, v59;
	v29 =	vsub.f32 v37, v38  }
0x1c5: {  	v63 =	vld [tilespmem:s13+$0x4620];
	v42 =	vmul.f32 v61, v57;
	v21 =	vsub.f32 v54, v39;
	v19 =	vsub.f32 v19, v40  }
0x1c6: {  	v36 =	vld [tilespmem:s13+$0x4660];
	v22 =	vadd.f32 v44, v22;
	v20 =	vsub.f32 v20, v56;
	v39 =	vmul.f32 v55, v49  }
0x1c7: {  	v24 =	vsub.f32 v24, v46;
	v40 =	vld [tilespmem:s13+$0x4630];
	v21 =	vmul.f32 v21, v21;
	v19 =	vmul.f32 v19, v19  }
0x1c8: {  	v43 =	vmul.f32 v62, v60;
	v22 =	vsub.f32 v22, v41;
	v20 =	vsub.f32 v20, v45  }
0x1c9: {  	v19 =	vadd.f32 v19, v21;
	v21 =	vadd.f32 v39, v23  }
0x1ca: {  	v47 =	vsub.f32 v42, v43;
	v24 =	vmul.f32 v24, v24;
	v45 =	vsub.f32 v29, v63  }
0x1cb: {  	v22 =	vmul.f32 v22, v22;
	v20 =	vmul.f32 v20, v20;
	v21 =	vsub.f32 v21, v36  }
0x1cc: {  	v25 =	vmul.f32 v45, v45;
	v27 =	vsub.f32 v47, v40;
	v46 =	vshra.s32 v19, $0x1  }
0x1cd: {  	v20 =	vadd.f32 v24, v20;
	v48 =	vsub.s32 $0x5F3759DF, v46;
	v21 =	vmul.f32 v21, v21  }
0x1ce: {  	v51 =	vmul.f32 v27, v27;
	v19 =	vmul.f32 v48, v19  }
0x1cf: {  	v49 =	vshra.s32 v20, $0x1;
	v21 =	vadd.f32 v21, v25  }
0x1d0: {  	v50 =	vsub.s32 $0x5F3759DF, v49;
	v22 =	vadd.f32 v22, v51;
	v24 =	vmul.f32 v48, v19  }
0x1d1: {  	v20 =	vmul.f32 v50, v20;
	v52 =	vshra.s32 v21, $0x1  }
0x1d2: {  	v54 =	vshra.s32 v22, $0x1;
	v24 =	vmul.f32 $5.000000000e-01, v24;
	v53 =	vsub.s32 $0x5F3759DF, v52  }
0x1d3: {  	v23 =	vmul.f32 v50, v20;
	v26 =	vsub.s32 $0x5F3759DF, v54;
	v21 =	vmul.f32 v53, v21  }
0x1d4: {  	v22 =	vmul.f32 v26, v22  }
0x1d5: {  	v24 =	vsub.f32 $1.500000000e+00, v24;
	v23 =	vmul.f32 $5.000000000e-01, v23;
	v25 =	vmul.f32 v53, v21  }
0x1d6: {  	v56 =	vmul.f32 v26, v22  }
0x1d7: {  	v19 =	vmul.f32 v24, v19;
	v23 =	vsub.f32 $1.500000000e+00, v23;
	v55 =	vmul.f32 $5.000000000e-01, v25  }
0x1d8: {  	v58 =	vmul.f32 $5.000000000e-01, v56  }
0x1d9: {  	v19 =	vadd.f32 $0.0e+00, v19;
	v20 =	vmul.f32 v23, v20;
	v57 =	vsub.f32 $1.500000000e+00, v55;
	_ =	sdelay $0x1  }
0x1da: {  	v59 =	vsub.f32 $1.500000000e+00, v58;
	v19 =	vadd.f32 v20, v19;
	v20 =	vmul.f32 v57, v21;
	_ =	sdelay $0x1  }
0x1db: {  	v19 =	vadd.f32 v20, v19;
	v20 =	vmul.f32 v59, v22;
	_ =	sdelay $0x1  }
0x1dc: {  	v19 =	vadd.f32 v20, v19;
	_ =	sdelay $0x1  }
0x1dd: {  	s19 =	sor.u32 s0, s6;
	[tilespmem:s5+$0xC680] =	vst v19  }
0x1de: {  	v19 =	vld [tilespmem:s19+$0x600]  }
0x1df: {  	v20 =	vld [tilespmem:s19+$0x640]  }
0x1e0: {  	v62 =	vld [tilespmem:s19+$0x8600]  }
0x1e1: {  	v63 =	vld [tilespmem:s19+$0x8640]  }
0x1e2: {  	v36 =	vld [tilespmem:s19+$0x610]  }
0x1e3: {  	v37 =	vld [tilespmem:s19+$0x650]  }
0x1e4: {  	v40 =	vld [tilespmem:s19+$0x8610]  }
0x1e5: {  	v41 =	vld [tilespmem:s19+$0x8650]  }
0x1e6: {  	v42 =	vld [tilespmem:s19+$0x620]  }
0x1e7: {  	v45 =	vld [tilespmem:s19+$0x660]  }
0x1e8: {  	v46 =	vld [tilespmem:s19+$0x8620]  }
0x1e9: {  	v48 =	vld [tilespmem:s19+$0x8660]  }
0x1ea: {  	v50 =	vld [tilespmem:s19+$0x630]  }
0x1eb: {  	v53 =	vld [tilespmem:s19+$0x670]  }
0x1ec: {  	v55 =	vld [tilespmem:s19+$0x8670];
	v43 =	vmul.f32 v62, v19  }
0x1ed: {  	v54 =	vld [tilespmem:s19+$0x8630];
	v44 =	vmul.f32 v63, v20;
	v19 =	vmul.f32 v63, v19  }
0x1ee: {  	v60 =	vld [tilespmem:s19+$0x4600];
	v20 =	vmul.f32 v62, v20;
	v49 =	vmul.f32 v41, v37  }
0x1ef: {  	v61 =	vld [tilespmem:s19+$0x4640];
	v51 =	vmul.f32 v41, v36;
	v52 =	vmul.f32 v40, v37  }
0x1f0: {  	v38 =	vld [tilespmem:s19+$0x4610];
	v58 =	vmul.f32 v46, v42;
	v59 =	vmul.f32 v48, v45  }
0x1f1: {  	v39 =	vld [tilespmem:s19+$0x4650];
	v23 =	vmul.f32 v46, v45;
	v37 =	vmul.f32 v55, v50  }
0x1f2: {  	v62 =	vld [tilespmem:s19+$0x4670];
	v22 =	vmul.f32 v54, v53;
	v47 =	vsub.f32 v43, v44;
	v19 =	vadd.f32 v19, v20  }
0x1f3: {  	v20 =	vmul.f32 v40, v36;
	v24 =	vadd.f32 v51, v52;
	v29 =	vsub.f32 v58, v59  }
0x1f4: {  	v56 =	vld [tilespmem:s19+$0x4620];
	v63 =	vmul.f32 v54, v50;
	v21 =	vsub.f32 v47, v60;
	v19 =	vsub.f32 v19, v61  }
0x1f5: {  	v57 =	vld [tilespmem:s19+$0x4660];
	v22 =	vadd.f32 v37, v22;
	v20 =	vsub.f32 v20, v49;
	v60 =	vmul.f32 v48, v42  }
0x1f6: {  	v24 =	vsub.f32 v24, v39;
	v61 =	vld [tilespmem:s19+$0x4630];
	v21 =	vmul.f32 v21, v21;
	v19 =	vmul.f32 v19, v19  }
0x1f7: {  	v36 =	vmul.f32 v55, v53;
	v22 =	vsub.f32 v22, v62;
	v20 =	vsub.f32 v20, v38  }
0x1f8: {  	v19 =	vadd.f32 v19, v21;
	v21 =	vadd.f32 v60, v23  }
0x1f9: {  	v40 =	vsub.f32 v63, v36;
	v24 =	vmul.f32 v24, v24;
	v38 =	vsub.f32 v29, v56  }
0x1fa: {  	v22 =	vmul.f32 v22, v22;
	v20 =	vmul.f32 v20, v20;
	v21 =	vsub.f32 v21, v57  }
0x1fb: {  	v25 =	vmul.f32 v38, v38;
	v27 =	vsub.f32 v40, v61;
	v39 =	vshra.s32 v19, $0x1  }
0x1fc: {  	v20 =	vadd.f32 v24, v20;
	v41 =	vsub.s32 $0x5F3759DF, v39;
	v21 =	vmul.f32 v21, v21  }
0x1fd: {  	v44 =	vmul.f32 v27, v27;
	v19 =	vmul.f32 v41, v19  }
0x1fe: {  	v42 =	vshra.s32 v20, $0x1;
	v21 =	vadd.f32 v21, v25  }
0x1ff: {  	v43 =	vsub.s32 $0x5F3759DF, v42;
	v22 =	vadd.f32 v22, v44;
	v24 =	vmul.f32 v41, v19  }
0x200: {  	v20 =	vmul.f32 v43, v20;
	v45 =	vshra.s32 v21, $0x1  }
0x201: {  	v47 =	vshra.s32 v22, $0x1;
	v24 =	vmul.f32 $5.000000000e-01, v24;
	v46 =	vsub.s32 $0x5F3759DF, v45  }
0x202: {  	v23 =	vmul.f32 v43, v20;
	v26 =	vsub.s32 $0x5F3759DF, v47;
	v21 =	vmul.f32 v46, v21  }
0x203: {  	v22 =	vmul.f32 v26, v22  }
0x204: {  	v24 =	vsub.f32 $1.500000000e+00, v24;
	v23 =	vmul.f32 $5.000000000e-01, v23;
	v25 =	vmul.f32 v46, v21  }
0x205: {  	v49 =	vmul.f32 v26, v22  }
0x206: {  	v19 =	vmul.f32 v24, v19;
	v23 =	vsub.f32 $1.500000000e+00, v23;
	v48 =	vmul.f32 $5.000000000e-01, v25  }
0x207: {  	v51 =	vmul.f32 $5.000000000e-01, v49  }
0x208: {  	v19 =	vadd.f32 $0.0e+00, v19;
	v20 =	vmul.f32 v23, v20;
	v50 =	vsub.f32 $1.500000000e+00, v48;
	_ =	sdelay $0x1  }
0x209: {  	v52 =	vsub.f32 $1.500000000e+00, v51;
	v19 =	vadd.f32 v20, v19;
	v20 =	vmul.f32 v50, v21;
	_ =	sdelay $0x1  }
0x20a: {  	v19 =	vadd.f32 v20, v19;
	v20 =	vmul.f32 v52, v22;
	_ =	sdelay $0x1  }
0x20b: {  	v19 =	vadd.f32 v20, v19;
	_ =	sdelay $0x1  }
0x20c: {  	s8 =	sor.u32 s2, s6;
	[tilespmem:s5+$0xC690] =	vst v19  }
0x20d: {  	v19 =	vld [tilespmem:s8+$0x600]  }
0x20e: {  	v20 =	vld [tilespmem:s8+$0x640]  }
0x20f: {  	v55 =	vld [tilespmem:s8+$0x8600]  }
0x210: {  	v56 =	vld [tilespmem:s8+$0x8640]  }
0x211: {  	v57 =	vld [tilespmem:s8+$0x610]  }
0x212: {  	v58 =	vld [tilespmem:s8+$0x650]  }
0x213: {  	v61 =	vld [tilespmem:s8+$0x8610]  }
0x214: {  	v62 =	vld [tilespmem:s8+$0x8650]  }
0x215: {  	v63 =	vld [tilespmem:s8+$0x620]  }
0x216: {  	v38 =	vld [tilespmem:s8+$0x660]  }
0x217: {  	v39 =	vld [tilespmem:s8+$0x8620]  }
0x218: {  	v41 =	vld [tilespmem:s8+$0x8660]  }
0x219: {  	v43 =	vld [tilespmem:s8+$0x630]  }
0x21a: {  	v46 =	vld [tilespmem:s8+$0x670]  }
0x21b: {  	v48 =	vld [tilespmem:s8+$0x8670];
	v36 =	vmul.f32 v55, v19  }
0x21c: {  	v47 =	vld [tilespmem:s8+$0x8630];
	v37 =	vmul.f32 v56, v20;
	v19 =	vmul.f32 v56, v19  }
0x21d: {  	v53 =	vld [tilespmem:s8+$0x4600];
	v20 =	vmul.f32 v55, v20;
	v42 =	vmul.f32 v62, v58  }
0x21e: {  	v54 =	vld [tilespmem:s8+$0x4640];
	v44 =	vmul.f32 v62, v57;
	v45 =	vmul.f32 v61, v58  }
0x21f: {  	v59 =	vld [tilespmem:s8+$0x4610];
	v51 =	vmul.f32 v39, v63;
	v52 =	vmul.f32 v41, v38  }
0x220: {  	v60 =	vld [tilespmem:s8+$0x4650];
	v23 =	vmul.f32 v39, v38;
	v58 =	vmul.f32 v48, v43  }
0x221: {  	v55 =	vld [tilespmem:s8+$0x4670];
	v22 =	vmul.f32 v47, v46;
	v40 =	vsub.f32 v36, v37;
	v19 =	vadd.f32 v19, v20  }
0x222: {  	v20 =	vmul.f32 v61, v57;
	v24 =	vadd.f32 v44, v45;
	v29 =	vsub.f32 v51, v52  }
0x223: {  	v49 =	vld [tilespmem:s8+$0x4620];
	v56 =	vmul.f32 v47, v43;
	v21 =	vsub.f32 v40, v53;
	v19 =	vsub.f32 v19, v54  }
0x224: {  	v50 =	vld [tilespmem:s8+$0x4660];
	v22 =	vadd.f32 v58, v22;
	v20 =	vsub.f32 v20, v42;
	v53 =	vmul.f32 v41, v63  }
0x225: {  	v24 =	vsub.f32 v24, v60;
	v54 =	vld [tilespmem:s8+$0x4630];
	v21 =	vmul.f32 v21, v21;
	v19 =	vmul.f32 v19, v19  }
0x226: {  	v57 =	vmul.f32 v48, v46;
	v22 =	vsub.f32 v22, v55;
	v20 =	vsub.f32 v20, v59  }
0x227: {  	v19 =	vadd.f32 v19, v21;
	v21 =	vadd.f32 v53, v23  }
0x228: {  	v61 =	vsub.f32 v56, v57;
	v24 =	vmul.f32 v24, v24;
	v59 =	vsub.f32 v29, v49  }
0x229: {  	v22 =	vmul.f32 v22, v22;
	v20 =	vmul.f32 v20, v20;
	v21 =	vsub.f32 v21, v50  }
0x22a: {  	v25 =	vmul.f32 v59, v59;
	v27 =	vsub.f32 v61, v54;
	v60 =	vshra.s32 v19, $0x1  }
0x22b: {  	v20 =	vadd.f32 v24, v20;
	v62 =	vsub.s32 $0x5F3759DF, v60;
	v21 =	vmul.f32 v21, v21  }
0x22c: {  	v29 =	vmul.f32 v27, v27;
	v19 =	vmul.f32 v62, v19  }
0x22d: {  	v63 =	vshra.s32 v20, $0x1;
	v21 =	vadd.f32 v21, v25  }
0x22e: {  	v28 =	vsub.s32 $0x5F3759DF, v63;
	v22 =	vadd.f32 v22, v29;
	v24 =	vmul.f32 v62, v19  }
0x22f: {  	v20 =	vmul.f32 v28, v20;
	v30 =	vshra.s32 v21, $0x1  }
0x230: {  	v32 =	vshra.s32 v22, $0x1;
	v24 =	vmul.f32 $5.000000000e-01, v24;
	v31 =	vsub.s32 $0x5F3759DF, v30  }
0x231: {  	v23 =	vmul.f32 v28, v20;
	v26 =	vsub.s32 $0x5F3759DF, v32;
	v21 =	vmul.f32 v31, v21  }
0x232: {  	v22 =	vmul.f32 v26, v22  }
0x233: {  	v24 =	vsub.f32 $1.500000000e+00, v24;
	v23 =	vmul.f32 $5.000000000e-01, v23;
	v25 =	vmul.f32 v31, v21  }
0x234: {  	v34 =	vmul.f32 v26, v22  }
0x235: {  	v19 =	vmul.f32 v24, v19;
	v23 =	vsub.f32 $1.500000000e+00, v23;
	v33 =	vmul.f32 $5.000000000e-01, v25  }
0x236: {  	v36 =	vmul.f32 $5.000000000e-01, v34  }
0x237: {  	v19 =	vadd.f32 $0.0e+00, v19;
	v20 =	vmul.f32 v23, v20;
	v35 =	vsub.f32 $1.500000000e+00, v33;
	_ =	sdelay $0x1  }
0x238: {  	v37 =	vsub.f32 $1.500000000e+00, v36;
	v19 =	vadd.f32 v20, v19;
	v20 =	vmul.f32 v35, v21;
	_ =	sdelay $0x1  }
0x239: {  	v19 =	vadd.f32 v20, v19;
	v20 =	vmul.f32 v37, v22;
	_ =	sdelay $0x1  }
0x23a: {  	v19 =	vadd.f32 v20, v19;
	_ =	sdelay $0x1  }
0x23b: {  	s9 =	sor.u32 s14, s6;
	[tilespmem:s5+$0xC6A0] =	vst v19  }
0x23c: {  	v19 =	vld [tilespmem:s9+$0x600]  }
0x23d: {  	v20 =	vld [tilespmem:s9+$0x640]  }
0x23e: {  	v40 =	vld [tilespmem:s9+$0x8600]  }
0x23f: {  	v41 =	vld [tilespmem:s9+$0x8640]  }
0x240: {  	v42 =	vld [tilespmem:s9+$0x610]  }
0x241: {  	v43 =	vld [tilespmem:s9+$0x650]  }
0x242: {  	v46 =	vld [tilespmem:s9+$0x8610]  }
0x243: {  	v47 =	vld [tilespmem:s9+$0x8650]  }
0x244: {  	v48 =	vld [tilespmem:s9+$0x620]  }
0x245: {  	v51 =	vld [tilespmem:s9+$0x660]  }
0x246: {  	v52 =	vld [tilespmem:s9+$0x8620]  }
0x247: {  	v54 =	vld [tilespmem:s9+$0x8660]  }
0x248: {  	v56 =	vld [tilespmem:s9+$0x630]  }
0x249: {  	v59 =	vld [tilespmem:s9+$0x670]  }
0x24a: {  	v61 =	vld [tilespmem:s9+$0x8670];
	v49 =	vmul.f32 v40, v19  }
0x24b: {  	v60 =	vld [tilespmem:s9+$0x8630];
	v50 =	vmul.f32 v41, v20;
	v19 =	vmul.f32 v41, v19  }
0x24c: {  	v38 =	vld [tilespmem:s9+$0x4600];
	v20 =	vmul.f32 v40, v20;
	v55 =	vmul.f32 v47, v43  }
0x24d: {  	v39 =	vld [tilespmem:s9+$0x4640];
	v57 =	vmul.f32 v47, v42;
	v58 =	vmul.f32 v46, v43  }
0x24e: {  	v44 =	vld [tilespmem:s9+$0x4610];
	v36 =	vmul.f32 v52, v48;
	v37 =	vmul.f32 v54, v51  }
0x24f: {  	v45 =	vld [tilespmem:s9+$0x4650];
	v23 =	vmul.f32 v52, v51;
	v43 =	vmul.f32 v61, v56  }
0x250: {  	v40 =	vld [tilespmem:s9+$0x4670];
	v22 =	vmul.f32 v60, v59;
	v53 =	vsub.f32 v49, v50;
	v19 =	vadd.f32 v19, v20  }
0x251: {  	v20 =	vmul.f32 v46, v42;
	v24 =	vadd.f32 v57, v58;
	v29 =	vsub.f32 v36, v37  }
0x252: {  	v62 =	vld [tilespmem:s9+$0x4620];
	v41 =	vmul.f32 v60, v56;
	v21 =	vsub.f32 v53, v38;
	v19 =	vsub.f32 v19, v39  }
0x253: {  	v63 =	vld [tilespmem:s9+$0x4660];
	v22 =	vadd.f32 v43, v22;
	v20 =	vsub.f32 v20, v55;
	v38 =	vmul.f32 v54, v48  }
0x254: {  	v24 =	vsub.f32 v24, v45;
	v39 =	vld [tilespmem:s9+$0x4630];
	v21 =	vmul.f32 v21, v21;
	v19 =	vmul.f32 v19, v19  }
0x255: {  	v42 =	vmul.f32 v61, v59;
	v22 =	vsub.f32 v22, v40;
	v20 =	vsub.f32 v20, v44  }
0x256: {  	v19 =	vadd.f32 v19, v21;
	v21 =	vadd.f32 v38, v23  }
0x257: {  	v46 =	vsub.f32 v41, v42;
	v24 =	vmul.f32 v24, v24;
	v44 =	vsub.f32 v29, v62  }
0x258: {  	v22 =	vmul.f32 v22, v22;
	v20 =	vmul.f32 v20, v20;
	v21 =	vsub.f32 v21, v63  }
0x259: {  	v25 =	vmul.f32 v44, v44;
	v27 =	vsub.f32 v46, v39;
	v45 =	vshra.s32 v19, $0x1  }
0x25a: {  	v20 =	vadd.f32 v24, v20;
	v47 =	vsub.s32 $0x5F3759DF, v45;
	v21 =	vmul.f32 v21, v21  }
0x25b: {  	v50 =	vmul.f32 v27, v27;
	v19 =	vmul.f32 v47, v19  }
0x25c: {  	v48 =	vshra.s32 v20, $0x1;
	v21 =	vadd.f32 v21, v25  }
0x25d: {  	v49 =	vsub.s32 $0x5F3759DF, v48;
	v22 =	vadd.f32 v22, v50;
	v24 =	vmul.f32 v47, v19  }
0x25e: {  	v20 =	vmul.f32 v49, v20;
	v51 =	vshra.s32 v21, $0x1  }
0x25f: {  	v53 =	vshra.s32 v22, $0x1;
	v24 =	vmul.f32 $5.000000000e-01, v24;
	v52 =	vsub.s32 $0x5F3759DF, v51  }
0x260: {  	v23 =	vmul.f32 v49, v20;
	v26 =	vsub.s32 $0x5F3759DF, v53;
	v21 =	vmul.f32 v52, v21  }
0x261: {  	v22 =	vmul.f32 v26, v22  }
0x262: {  	v24 =	vsub.f32 $1.500000000e+00, v24;
	v23 =	vmul.f32 $5.000000000e-01, v23;
	v25 =	vmul.f32 v52, v21  }
0x263: {  	v55 =	vmul.f32 v26, v22  }
0x264: {  	v19 =	vmul.f32 v24, v19;
	v23 =	vsub.f32 $1.500000000e+00, v23;
	v54 =	vmul.f32 $5.000000000e-01, v25  }
0x265: {  	v57 =	vmul.f32 $5.000000000e-01, v55  }
0x266: {  	v19 =	vadd.f32 $0.0e+00, v19;
	v20 =	vmul.f32 v23, v20;
	v56 =	vsub.f32 $1.500000000e+00, v54;
	_ =	sdelay $0x1  }
0x267: {  	v58 =	vsub.f32 $1.500000000e+00, v57;
	v19 =	vadd.f32 v20, v19;
	v20 =	vmul.f32 v56, v21;
	_ =	sdelay $0x1  }
0x268: {  	v19 =	vadd.f32 v20, v19;
	v20 =	vmul.f32 v58, v22;
	_ =	sdelay $0x1  }
0x269: {  	v19 =	vadd.f32 v20, v19;
	_ =	sdelay $0x1  }
0x26a: {  	s13 =	sor.u32 s15, s6;
	[tilespmem:s5+$0xC6B0] =	vst v19  }
0x26b: {  	v19 =	vld [tilespmem:s13+$0x600]  }
0x26c: {  	v20 =	vld [tilespmem:s13+$0x640]  }
0x26d: {  	v61 =	vld [tilespmem:s13+$0x8600]  }
0x26e: {  	v62 =	vld [tilespmem:s13+$0x8640]  }
0x26f: {  	v63 =	vld [tilespmem:s13+$0x610]  }
0x270: {  	v36 =	vld [tilespmem:s13+$0x650]  }
0x271: {  	v39 =	vld [tilespmem:s13+$0x8610]  }
0x272: {  	v40 =	vld [tilespmem:s13+$0x8650]  }
0x273: {  	v41 =	vld [tilespmem:s13+$0x620]  }
0x274: {  	v44 =	vld [tilespmem:s13+$0x660]  }
0x275: {  	v45 =	vld [tilespmem:s13+$0x8620]  }
0x276: {  	v47 =	vld [tilespmem:s13+$0x8660]  }
0x277: {  	v49 =	vld [tilespmem:s13+$0x630]  }
0x278: {  	v52 =	vld [tilespmem:s13+$0x670]  }
0x279: {  	v54 =	vld [tilespmem:s13+$0x8670];
	v42 =	vmul.f32 v61, v19  }
0x27a: {  	v53 =	vld [tilespmem:s13+$0x8630];
	v43 =	vmul.f32 v62, v20;
	v19 =	vmul.f32 v62, v19  }
0x27b: {  	v59 =	vld [tilespmem:s13+$0x4600];
	v20 =	vmul.f32 v61, v20;
	v48 =	vmul.f32 v40, v36  }
0x27c: {  	v60 =	vld [tilespmem:s13+$0x4640];
	v50 =	vmul.f32 v40, v63;
	v51 =	vmul.f32 v39, v36  }
0x27d: {  	v37 =	vld [tilespmem:s13+$0x4610];
	v57 =	vmul.f32 v45, v41;
	v58 =	vmul.f32 v47, v44  }
0x27e: {  	v38 =	vld [tilespmem:s13+$0x4650];
	v23 =	vmul.f32 v45, v44;
	v36 =	vmul.f32 v54, v49  }
0x27f: {  	v61 =	vld [tilespmem:s13+$0x4670];
	v22 =	vmul.f32 v53, v52;
	v46 =	vsub.f32 v42, v43;
	v19 =	vadd.f32 v19, v20  }
0x280: {  	v20 =	vmul.f32 v39, v63;
	v24 =	vadd.f32 v50, v51;
	v29 =	vsub.f32 v57, v58  }
0x281: {  	v55 =	vld [tilespmem:s13+$0x4620];
	v62 =	vmul.f32 v53, v49;
	v21 =	vsub.f32 v46, v59;
	v19 =	vsub.f32 v19, v60  }
0x282: {  	v56 =	vld [tilespmem:s13+$0x4660];
	v22 =	vadd.f32 v36, v22;
	v20 =	vsub.f32 v20, v48;
	v59 =	vmul.f32 v47, v41  }
0x283: {  	v24 =	vsub.f32 v24, v38;
	v60 =	vld [tilespmem:s13+$0x4630];
	v21 =	vmul.f32 v21, v21;
	v19 =	vmul.f32 v19, v19  }
0x284: {  	v63 =	vmul.f32 v54, v52;
	v22 =	vsub.f32 v22, v61;
	v20 =	vsub.f32 v20, v37  }
0x285: {  	v19 =	vadd.f32 v19, v21;
	v21 =	vadd.f32 v59, v23  }
0x286: {  	v39 =	vsub.f32 v62, v63;
	v24 =	vmul.f32 v24, v24;
	v37 =	vsub.f32 v29, v55  }
0x287: {  	v22 =	vmul.f32 v22, v22;
	v20 =	vmul.f32 v20, v20;
	v21 =	vsub.f32 v21, v56  }
0x288: {  	v25 =	vmul.f32 v37, v37;
	v27 =	vsub.f32 v39, v60;
	v38 =	vshra.s32 v19, $0x1  }
0x289: {  	v20 =	vadd.f32 v24, v20;
	v40 =	vsub.s32 $0x5F3759DF, v38;
	v21 =	vmul.f32 v21, v21  }
0x28a: {  	v43 =	vmul.f32 v27, v27;
	v19 =	vmul.f32 v40, v19  }
0x28b: {  	v41 =	vshra.s32 v20, $0x1;
	v21 =	vadd.f32 v21, v25  }
0x28c: {  	v42 =	vsub.s32 $0x5F3759DF, v41;
	v22 =	vadd.f32 v22, v43;
	v24 =	vmul.f32 v40, v19  }
0x28d: {  	v20 =	vmul.f32 v42, v20;
	v44 =	vshra.s32 v21, $0x1  }
0x28e: {  	v46 =	vshra.s32 v22, $0x1;
	v24 =	vmul.f32 $5.000000000e-01, v24;
	v45 =	vsub.s32 $0x5F3759DF, v44  }
0x28f: {  	v23 =	vmul.f32 v42, v20;
	v26 =	vsub.s32 $0x5F3759DF, v46;
	v21 =	vmul.f32 v45, v21  }
0x290: {  	v22 =	vmul.f32 v26, v22  }
0x291: {  	v24 =	vsub.f32 $1.500000000e+00, v24;
	v23 =	vmul.f32 $5.000000000e-01, v23;
	v25 =	vmul.f32 v45, v21  }
0x292: {  	v48 =	vmul.f32 v26, v22  }
0x293: {  	v19 =	vmul.f32 v24, v19;
	v23 =	vsub.f32 $1.500000000e+00, v23;
	v47 =	vmul.f32 $5.000000000e-01, v25  }
0x294: {  	v50 =	vmul.f32 $5.000000000e-01, v48  }
0x295: {  	v19 =	vadd.f32 $0.0e+00, v19;
	v20 =	vmul.f32 v23, v20;
	v49 =	vsub.f32 $1.500000000e+00, v47;
	_ =	sdelay $0x1  }
0x296: {  	v51 =	vsub.f32 $1.500000000e+00, v50;
	v19 =	vadd.f32 v20, v19;
	v20 =	vmul.f32 v49, v21;
	_ =	sdelay $0x1  }
0x297: {  	v19 =	vadd.f32 v20, v19;
	v20 =	vmul.f32 v51, v22;
	_ =	sdelay $0x1  }
0x298: {  	v19 =	vadd.f32 v20, v19;
	_ =	sdelay $0x1  }
0x299: {  	s13 =	sor.u32 s16, s6;
	[tilespmem:s5+$0xC6C0] =	vst v19  }
0x29a: {  	v25 =	vld [tilespmem:s13+$0x600]  }
0x29b: {  	v26 =	vld [tilespmem:s13+$0x640]  }
0x29c: {  	v24 =	vld [tilespmem:s13+$0x4600]  }
0x29d: {  	v23 =	vld [tilespmem:s13+$0x4640]  }
0x29e: {  	v27 =	vld [tilespmem:s13+$0x8600]  }
0x29f: {  	v28 =	vld [tilespmem:s13+$0x8640]  }
0x2a0: {  	v22 =	vld [tilespmem:s13+$0x610]  }
0x2a1: {  	s7 =	sor.u32 $0x1, s11;
	v20 =	vld [tilespmem:s13+$0x650]  }
0x2a2: {  	s9 =	sshll.u32 s7, $0xB;
	v21 =	vld [tilespmem:s13+$0x4610]  }
0x2a3: {  	s8 =	sor.u32 s21, s9;
	v19 =	vld [tilespmem:s13+$0x4650]  }
0x2a4: {  	v52 =	vld [tilespmem:s8+$0x600]  }
0x2a5: {  	v53 =	vld [tilespmem:s8+$0x640]  }
0x2a6: {  	v54 =	vld [tilespmem:s8+$0x4600]  }
0x2a7: {  	v55 =	vld [tilespmem:s8+$0x4640]  }
0x2a8: {  	v56 =	vld [tilespmem:s8+$0x8600]  }
0x2a9: {  	v57 =	vld [tilespmem:s8+$0x8640]  }
0x2aa: {  	v58 =	vld [tilespmem:s8+$0x610]  }
0x2ab: {  	v36 =	vld [tilespmem:s8+$0x650]  }
0x2ac: {  	v37 =	vld [tilespmem:s8+$0x4610]  }
0x2ad: {  	v39 =	vld [tilespmem:s8+$0x8610]  }
0x2ae: {  	v40 =	vld [tilespmem:s8+$0x8650]  }
0x2af: {  	v41 =	vld [tilespmem:s8+$0x620]  }
0x2b0: {  	v44 =	vld [tilespmem:s8+$0x660]  }
0x2b1: {  	v59 =	vld [tilespmem:s8+$0x8620]  }
0x2b2: {  	v61 =	vld [tilespmem:s8+$0x8660]  }
0x2b3: {  	v49 =	vld [tilespmem:s8+$0x670];
	v42 =	vmul.f32 v56, v52  }
0x2b4: {  	v50 =	vld [tilespmem:s8+$0x8630];
	v43 =	vmul.f32 v57, v53;
	v29 =	vmul.f32 v57, v52  }
0x2b5: {  	v45 =	vld [tilespmem:s8+$0x630];
	v30 =	vmul.f32 v56, v53;
	v62 =	vmul.f32 v39, v58  }
0x2b6: {  	v51 =	vld [tilespmem:s8+$0x8670];
	v63 =	vmul.f32 v40, v36;
	v47 =	vmul.f32 v40, v58  }
0x2b7: {  	v38 =	vld [tilespmem:s8+$0x4650];
	v48 =	vmul.f32 v39, v36;
	v56 =	vmul.f32 v61, v41;
	v60 =	vsub.f32 v42, v43  }
0x2b8: {  	v33 =	vmul.f32 v59, v44;
	v29 =	vadd.f32 v29, v30;
	v30 =	vsub.f32 v62, v63  }
0x2b9: {  	v32 =	vmul.f32 v50, v49;
	v34 =	vadd.f32 v47, v48;
	v31 =	vsub.f32 v60, v54  }
0x2ba: {  	v52 =	vld [tilespmem:s8+$0x4620];
	v29 =	vsub.f32 v29, v55;
	v54 =	vmul.f32 v59, v41;
	v55 =	vmul.f32 v61, v44  }
0x2bb: {  	v53 =	vld [tilespmem:s8+$0x4660];
	v30 =	vsub.f32 v30, v37;
	v59 =	vmul.f32 v50, v45;
	v60 =	vmul.f32 v51, v49  }
0x2bc: {  	v57 =	vld [tilespmem:s8+$0x4630];
	v34 =	vsub.f32 v34, v38;
	v61 =	vmul.f32 v51, v45;
	v31 =	vmul.f32 v31, v31  }
0x2bd: {  	v58 =	vld [tilespmem:s8+$0x4670];
	v29 =	vmul.f32 v29, v29;
	v30 =	vmul.f32 v30, v30  }
0x2be: {  	v34 =	vmul.f32 v34, v34;
	v39 =	vsub.f32 v54, v55;
	v43 =	vsub.f32 v59, v60  }
0x2bf: {  	v29 =	vadd.f32 v29, v31;
	v31 =	vadd.f32 v56, v33  }
0x2c0: {  	v32 =	vadd.f32 v61, v32;
	v30 =	vadd.f32 v34, v30  }
0x2c1: {  	v62 =	vsub.f32 v39, v52;
	v31 =	vsub.f32 v31, v53  }
0x2c2: {  	v37 =	vsub.f32 v43, v57;
	v32 =	vsub.f32 v32, v58;
	v63 =	vshra.s32 v29, $0x1  }
0x2c3: {  	v45 =	vshra.s32 v30, $0x1;
	v35 =	vmul.f32 v62, v62;
	v31 =	vmul.f32 v31, v31  }
0x2c4: {  	v47 =	vmul.f32 v37, v37;
	v32 =	vmul.f32 v32, v32;
	v44 =	vsub.s32 $0x5F3759DF, v63  }
0x2c5: {  	v46 =	vsub.s32 $0x5F3759DF, v45;
	v29 =	vmul.f32 v44, v29;
	v31 =	vadd.f32 v31, v35  }
0x2c6: {  	v30 =	vmul.f32 v46, v30;
	v32 =	vadd.f32 v32, v47  }
0x2c7: {  	v34 =	vmul.f32 v44, v29;
	v48 =	vshra.s32 v31, $0x1  }
0x2c8: {  	v33 =	vmul.f32 v46, v30;
	v50 =	vshra.s32 v32, $0x1;
	v49 =	vsub.s32 $0x5F3759DF, v48  }
0x2c9: {  	v36 =	vsub.s32 $0x5F3759DF, v50;
	v34 =	vmul.f32 $5.000000000e-01, v34;
	v31 =	vmul.f32 v49, v31  }
0x2ca: {  	v33 =	vmul.f32 $5.000000000e-01, v33;
	v32 =	vmul.f32 v36, v32  }
0x2cb: {  	v34 =	vsub.f32 $1.500000000e+00, v34;
	v35 =	vmul.f32 v49, v31  }
0x2cc: {  	v33 =	vsub.f32 $1.500000000e+00, v33;
	v52 =	vmul.f32 v36, v32  }
0x2cd: {  	v29 =	vmul.f32 v34, v29;
	v51 =	vmul.f32 $5.000000000e-01, v35  }
0x2ce: {  	v30 =	vmul.f32 v33, v30  }
0x2cf: {  	v54 =	vmul.f32 $5.000000000e-01, v52;
	v29 =	vadd.f32 $0.0e+00, v29;
	v53 =	vsub.f32 $1.500000000e+00, v51;
	_ =	sdelay $0x1  }
0x2d0: {  	v56 =	vsub.f32 $1.500000000e+00, v54;
	v29 =	vadd.f32 v30, v29;
	v55 =	vmul.f32 v53, v31;
	_ =	sdelay $0x1  }
0x2d1: {  	v57 =	vmul.f32 v56, v32;
	v29 =	vadd.f32 v55, v29;
	_ =	sdelay $0x1  }
0x2d2: {  	v29 =	vadd.f32 v57, v29  }
0x2d3: {  	s8 =	sshll.u32 s7, $0x8  }
0x2d4: {  	s19 =	sor.u32 s23, s9;
	[tilespmem:s8+$0xC600] =	vst v29  }
0x2d5: {  	v29 =	vld [tilespmem:s19+$0x600]  }
0x2d6: {  	v58 =	vld [tilespmem:s19+$0x640]  }
0x2d7: {  	v59 =	vld [tilespmem:s19+$0x4600]  }
0x2d8: {  	v32 =	vld [tilespmem:s19+$0x4640]  }
0x2d9: {  	v60 =	vld [tilespmem:s19+$0x8600]  }
0x2da: {  	v61 =	vld [tilespmem:s19+$0x8640]  }
0x2db: {  	v62 =	vld [tilespmem:s19+$0x610]  }
0x2dc: {  	v63 =	vld [tilespmem:s19+$0x650]  }
0x2dd: {  	v37 =	vld [tilespmem:s19+$0x4610]  }
0x2de: {  	v48 =	vld [tilespmem:s19+$0x8610]  }
0x2df: {  	v49 =	vld [tilespmem:s19+$0x8650]  }
0x2e0: {  	v41 =	vld [tilespmem:s19+$0x620]  }
0x2e1: {  	v52 =	vld [tilespmem:s19+$0x660]  }
0x2e2: {  	v53 =	vld [tilespmem:s19+$0x8620]  }
0x2e3: {  	v55 =	vld [tilespmem:s19+$0x8660];
	v50 =	vmul.f32 v60, v29;
	v51 =	vmul.f32 v61, v58  }
0x2e4: {  	v29 =	vmul.f32 v61, v29;
	v30 =	vmul.f32 v60, v58;
	v61 =	vld [tilespmem:s19+$0x670]  }
0x2e5: {  	v57 =	vmul.f32 v49, v63;
	v60 =	vmul.f32 v48, v63;
	v63 =	vld [tilespmem:s19+$0x8670]  }
0x2e6: {  	v38 =	vld [tilespmem:s19+$0x4650];
	v54 =	vsub.f32 v50, v51  }
0x2e7: {  	v56 =	vmul.f32 v48, v62;
	v58 =	vld [tilespmem:s19+$0x630];
	v48 =	vmul.f32 v53, v41;
	v29 =	vadd.f32 v29, v30  }
0x2e8: {  	v46 =	vld [tilespmem:s19+$0x4620];
	v33 =	vmul.f32 v53, v52;
	v31 =	vsub.f32 v54, v59;
	v59 =	vmul.f32 v49, v62  }
0x2e9: {  	v30 =	vsub.f32 v56, v57;
	v50 =	vmul.f32 v55, v41;
	v29 =	vsub.f32 v29, v32;
	v62 =	vld [tilespmem:s19+$0x8630]  }
0x2ea: {  	v47 =	vld [tilespmem:s19+$0x4660];
	v49 =	vmul.f32 v55, v52;
	v54 =	vmul.f32 v63, v61;
	v34 =	vadd.f32 v59, v60  }
0x2eb: {  	v30 =	vsub.f32 v30, v37;
	v31 =	vmul.f32 v31, v31;
	v29 =	vmul.f32 v29, v29  }
0x2ec: {  	v51 =	vld [tilespmem:s19+$0x4630];
	v55 =	vmul.f32 v63, v58;
	v39 =	vsub.f32 v48, v49;
	v34 =	vsub.f32 v34, v38  }
0x2ed: {  	v52 =	vld [tilespmem:s19+$0x4670];
	v30 =	vmul.f32 v30, v30;
	v29 =	vadd.f32 v29, v31;
	v31 =	vadd.f32 v50, v33  }
0x2ee: {  	v53 =	vmul.f32 v62, v58;
	v32 =	vmul.f32 v62, v61  }
0x2ef: {  	v56 =	vsub.f32 v39, v46;
	v34 =	vmul.f32 v34, v34;
	v31 =	vsub.f32 v31, v47  }
0x2f0: {  	v57 =	vshra.s32 v29, $0x1;
	v58 =	vsub.f32 v53, v54;
	v32 =	vadd.f32 v55, v32  }
0x2f1: {  	v35 =	vmul.f32 v56, v56;
	v30 =	vadd.f32 v34, v30;
	v31 =	vmul.f32 v31, v31  }
0x2f2: {  	v59 =	vsub.s32 $0x5F3759DF, v57;
	v37 =	vsub.f32 v58, v51;
	v32 =	vsub.f32 v32, v52  }
0x2f3: {  	v29 =	vmul.f32 v59, v29;
	v60 =	vshra.s32 v30, $0x1;
	v31 =	vadd.f32 v31, v35  }
0x2f4: {  	v61 =	vsub.s32 $0x5F3759DF, v60;
	v62 =	vmul.f32 v37, v37;
	v32 =	vmul.f32 v32, v32  }
0x2f5: {  	v34 =	vmul.f32 v59, v29;
	v30 =	vmul.f32 v61, v30  }
0x2f6: {  	v63 =	vshra.s32 v31, $0x1;
	v32 =	vadd.f32 v32, v62  }
0x2f7: {  	v34 =	vmul.f32 $5.000000000e-01, v34;
	v40 =	vsub.s32 $0x5F3759DF, v63;
	v33 =	vmul.f32 v61, v30  }
0x2f8: {  	v31 =	vmul.f32 v40, v31;
	v41 =	vshra.s32 v32, $0x1  }
0x2f9: {  	v34 =	vsub.f32 $1.500000000e+00, v34;
	v33 =	vmul.f32 $5.000000000e-01, v33;
	v36 =	vsub.s32 $0x5F3759DF, v41  }
0x2fa: {  	v35 =	vmul.f32 v40, v31;
	v32 =	vmul.f32 v36, v32  }
0x2fb: {  	v29 =	vmul.f32 v34, v29  }
0x2fc: {  	v33 =	vsub.f32 $1.500000000e+00, v33;
	v42 =	vmul.f32 $5.000000000e-01, v35;
	v43 =	vmul.f32 v36, v32  }
0x2fd: {  	v29 =	vadd.f32 $0.0e+00, v29  }
0x2fe: {  	v30 =	vmul.f32 v33, v30;
	v44 =	vsub.f32 $1.500000000e+00, v42;
	v45 =	vmul.f32 $5.000000000e-01, v43;
	_ =	sdelay $0x1  }
0x2ff: {  	v29 =	vadd.f32 v30, v29;
	v46 =	vmul.f32 v44, v31;
	v47 =	vsub.f32 $1.500000000e+00, v45;
	_ =	sdelay $0x1  }
0x300: {  	v29 =	vadd.f32 v46, v29;
	v48 =	vmul.f32 v47, v32;
	_ =	sdelay $0x1  }
0x301: {  	v29 =	vadd.f32 v48, v29;
	_ =	sdelay $0x1  }
0x302: {  	s19 =	sor.u32 s24, s9;
	[tilespmem:s8+$0xC610] =	vst v29  }
0x303: {  	v29 =	vld [tilespmem:s19+$0x600]  }
0x304: {  	v49 =	vld [tilespmem:s19+$0x640]  }
0x305: {  	v50 =	vld [tilespmem:s19+$0x4600]  }
0x306: {  	v32 =	vld [tilespmem:s19+$0x4640]  }
0x307: {  	v51 =	vld [tilespmem:s19+$0x8600]  }
0x308: {  	v52 =	vld [tilespmem:s19+$0x8640]  }
0x309: {  	v53 =	vld [tilespmem:s19+$0x610]  }
0x30a: {  	v54 =	vld [tilespmem:s19+$0x650]  }
0x30b: {  	v55 =	vld [tilespmem:s19+$0x4610]  }
0x30c: {  	v56 =	vld [tilespmem:s19+$0x8610]  }
0x30d: {  	v57 =	vld [tilespmem:s19+$0x8650]  }
0x30e: {  	v41 =	vld [tilespmem:s19+$0x620]  }
0x30f: {  	v44 =	vld [tilespmem:s19+$0x660]  }
0x310: {  	v60 =	vld [tilespmem:s19+$0x8620];
	v58 =	vmul.f32 v51, v29  }
0x311: {  	v62 =	vld [tilespmem:s19+$0x8660];
	v59 =	vmul.f32 v52, v49;
	v29 =	vmul.f32 v52, v29  }
0x312: {  	v30 =	vmul.f32 v51, v49;
	v63 =	vmul.f32 v56, v53;
	v52 =	vld [tilespmem:s19+$0x670]  }
0x313: {  	v48 =	vmul.f32 v57, v54;
	v51 =	vmul.f32 v56, v54;
	v54 =	vld [tilespmem:s19+$0x8670]  }
0x314: {  	v38 =	vld [tilespmem:s19+$0x4650];
	v61 =	vsub.f32 v58, v59  }
0x315: {  	v49 =	vld [tilespmem:s19+$0x630];
	v33 =	vmul.f32 v60, v44;
	v29 =	vadd.f32 v29, v30;
	v30 =	vsub.f32 v63, v48  }
0x316: {  	v56 =	vld [tilespmem:s19+$0x4660];
	v58 =	vmul.f32 v62, v44;
	v31 =	vsub.f32 v61, v50;
	v50 =	vmul.f32 v57, v53  }
0x317: {  	v59 =	vmul.f32 v62, v41;
	v29 =	vsub.f32 v29, v32;
	v53 =	vld [tilespmem:s19+$0x8630];
	v30 =	vsub.f32 v30, v55  }
0x318: {  	v55 =	vld [tilespmem:s19+$0x4620];
	v57 =	vmul.f32 v60, v41;
	v63 =	vmul.f32 v54, v52;
	v34 =	vadd.f32 v50, v51  }
0x319: {  	v31 =	vmul.f32 v31, v31;
	v29 =	vmul.f32 v29, v29  }
0x31a: {  	v60 =	vld [tilespmem:s19+$0x4630];
	v45 =	vmul.f32 v54, v49;
	v39 =	vsub.f32 v57, v58;
	v34 =	vsub.f32 v34, v38  }
0x31b: {  	v61 =	vld [tilespmem:s19+$0x4670];
	v30 =	vmul.f32 v30, v30;
	v29 =	vadd.f32 v29, v31;
	v31 =	vadd.f32 v59, v33  }
0x31c: {  	v62 =	vmul.f32 v53, v49;
	v32 =	vmul.f32 v53, v52  }
0x31d: {  	v46 =	vsub.f32 v39, v55;
	v34 =	vmul.f32 v34, v34;
	v31 =	vsub.f32 v31, v56  }
0x31e: {  	v47 =	vshra.s32 v29, $0x1;
	v48 =	vsub.f32 v62, v63;
	v32 =	vadd.f32 v45, v32  }
0x31f: {  	v35 =	vmul.f32 v46, v46;
	v30 =	vadd.f32 v34, v30;
	v31 =	vmul.f32 v31, v31  }
0x320: {  	v49 =	vsub.s32 $0x5F3759DF, v47;
	v37 =	vsub.f32 v48, v60;
	v32 =	vsub.f32 v32, v61  }
0x321: {  	v29 =	vmul.f32 v49, v29;
	v50 =	vshra.s32 v30, $0x1;
	v31 =	vadd.f32 v31, v35  }
0x322: {  	v51 =	vsub.s32 $0x5F3759DF, v50;
	v52 =	vmul.f32 v37, v37;
	v32 =	vmul.f32 v32, v32  }
0x323: {  	v34 =	vmul.f32 v49, v29;
	v30 =	vmul.f32 v51, v30  }
0x324: {  	v53 =	vshra.s32 v31, $0x1;
	v32 =	vadd.f32 v32, v52  }
0x325: {  	v34 =	vmul.f32 $5.000000000e-01, v34;
	v54 =	vsub.s32 $0x5F3759DF, v53;
	v33 =	vmul.f32 v51, v30  }
0x326: {  	v31 =	vmul.f32 v54, v31;
	v55 =	vshra.s32 v32, $0x1  }
0x327: {  	v34 =	vsub.f32 $1.500000000e+00, v34;
	v33 =	vmul.f32 $5.000000000e-01, v33;
	v36 =	vsub.s32 $0x5F3759DF, v55  }
0x328: {  	v35 =	vmul.f32 v54, v31;
	v32 =	vmul.f32 v36, v32  }
0x329: {  	v29 =	vmul.f32 v34, v29  }
0x32a: {  	v33 =	vsub.f32 $1.500000000e+00, v33;
	v56 =	vmul.f32 $5.000000000e-01, v35;
	v57 =	vmul.f32 v36, v32  }
0x32b: {  	v29 =	vadd.f32 $0.0e+00, v29  }
0x32c: {  	v30 =	vmul.f32 v33, v30;
	v58 =	vsub.f32 $1.500000000e+00, v56;
	v59 =	vmul.f32 $5.000000000e-01, v57;
	_ =	sdelay $0x1  }
0x32d: {  	v29 =	vadd.f32 v30, v29;
	v60 =	vmul.f32 v58, v31;
	v61 =	vsub.f32 $1.500000000e+00, v59;
	_ =	sdelay $0x1  }
0x32e: {  	v29 =	vadd.f32 v60, v29;
	v62 =	vmul.f32 v61, v32;
	_ =	sdelay $0x1  }
0x32f: {  	v29 =	vadd.f32 v62, v29;
	_ =	sdelay $0x1  }
0x330: {  	s19 =	sor.u32 s25, s9;
	[tilespmem:s8+$0xC620] =	vst v29  }
0x331: {  	v29 =	vld [tilespmem:s19+$0x600]  }
0x332: {  	v63 =	vld [tilespmem:s19+$0x640]  }
0x333: {  	v31 =	vld [tilespmem:s19+$0x4600]  }
0x334: {  	v32 =	vld [tilespmem:s19+$0x4640]  }
0x335: {  	v48 =	vld [tilespmem:s19+$0x8600]  }
0x336: {  	v49 =	vld [tilespmem:s19+$0x8640]  }
0x337: {  	v50 =	vld [tilespmem:s19+$0x610]  }
0x338: {  	v51 =	vld [tilespmem:s19+$0x650]  }
0x339: {  	v52 =	vld [tilespmem:s19+$0x4610]  }
0x33a: {  	v53 =	vld [tilespmem:s19+$0x8610]  }
0x33b: {  	v54 =	vld [tilespmem:s19+$0x8650]  }
0x33c: {  	v41 =	vld [tilespmem:s19+$0x620]  }
0x33d: {  	v57 =	vld [tilespmem:s19+$0x660]  }
0x33e: {  	v58 =	vld [tilespmem:s19+$0x8620]  }
0x33f: {  	v60 =	vld [tilespmem:s19+$0x8660]  }
0x340: {  	v56 =	vmul.f32 v49, v63;
	v30 =	vmul.f32 v48, v63;
	v63 =	vld [tilespmem:s19+$0x630]  }
0x341: {  	v55 =	vmul.f32 v48, v29;
	v29 =	vmul.f32 v49, v29;
	v49 =	vld [tilespmem:s19+$0x670]  }
0x342: {  	v61 =	vmul.f32 v53, v50;
	v47 =	vmul.f32 v54, v50;
	v50 =	vld [tilespmem:s19+$0x8630]  }
0x343: {  	v62 =	vmul.f32 v54, v51;
	v48 =	vmul.f32 v53, v51;
	v51 =	vld [tilespmem:s19+$0x8670]  }
0x344: {  	v38 =	vld [tilespmem:s19+$0x4650];
	v54 =	vmul.f32 v58, v41  }
0x345: {  	v33 =	vmul.f32 v58, v57;
	v59 =	vsub.f32 v55, v56;
	v29 =	vadd.f32 v29, v30  }
0x346: {  	v30 =	vsub.f32 v61, v62;
	v34 =	vadd.f32 v47, v48;
	v55 =	vmul.f32 v60, v57  }
0x347: {  	v53 =	vld [tilespmem:s19+$0x4660];
	v56 =	vmul.f32 v60, v41;
	v31 =	vsub.f32 v59, v31;
	v29 =	vsub.f32 v29, v32  }
0x348: {  	v58 =	vld [tilespmem:s19+$0x4670];
	v30 =	vsub.f32 v30, v52;
	v59 =	vmul.f32 v50, v63;
	v60 =	vmul.f32 v51, v49  }
0x349: {  	v52 =	vld [tilespmem:s19+$0x4620];
	v34 =	vsub.f32 v34, v38;
	v61 =	vmul.f32 v51, v63;
	v32 =	vmul.f32 v50, v49  }
0x34a: {  	v57 =	vld [tilespmem:s19+$0x4630];
	v39 =	vsub.f32 v54, v55;
	v31 =	vmul.f32 v31, v31;
	v29 =	vmul.f32 v29, v29  }
0x34b: {  	v30 =	vmul.f32 v30, v30;
	v34 =	vmul.f32 v34, v34;
	v43 =	vsub.f32 v59, v60  }
0x34c: {  	v29 =	vadd.f32 v29, v31;
	v31 =	vadd.f32 v56, v33  }
0x34d: {  	v32 =	vadd.f32 v61, v32;
	v30 =	vadd.f32 v34, v30  }
0x34e: {  	v62 =	vsub.f32 v39, v52;
	v31 =	vsub.f32 v31, v53  }
0x34f: {  	v37 =	vsub.f32 v43, v57;
	v32 =	vsub.f32 v32, v58;
	v63 =	vshra.s32 v29, $0x1  }
0x350: {  	v45 =	vshra.s32 v30, $0x1;
	v35 =	vmul.f32 v62, v62;
	v31 =	vmul.f32 v31, v31  }
0x351: {  	v44 =	vsub.s32 $0x5F3759DF, v63;
	v47 =	vmul.f32 v37, v37;
	v32 =	vmul.f32 v32, v32  }
0x352: {  	v46 =	vsub.s32 $0x5F3759DF, v45;
	v29 =	vmul.f32 v44, v29;
	v31 =	vadd.f32 v31, v35  }
0x353: {  	v30 =	vmul.f32 v46, v30;
	v32 =	vadd.f32 v32, v47  }
0x354: {  	v34 =	vmul.f32 v44, v29;
	v48 =	vshra.s32 v31, $0x1  }
0x355: {  	v33 =	vmul.f32 v46, v30;
	v50 =	vshra.s32 v32, $0x1;
	v49 =	vsub.s32 $0x5F3759DF, v48  }
0x356: {  	v34 =	vmul.f32 $5.000000000e-01, v34;
	v36 =	vsub.s32 $0x5F3759DF, v50;
	v31 =	vmul.f32 v49, v31  }
0x357: {  	v33 =	vmul.f32 $5.000000000e-01, v33;
	v32 =	vmul.f32 v36, v32  }
0x358: {  	v34 =	vsub.f32 $1.500000000e+00, v34;
	v35 =	vmul.f32 v49, v31  }
0x359: {  	v33 =	vsub.f32 $1.500000000e+00, v33;
	v52 =	vmul.f32 v36, v32  }
0x35a: {  	v29 =	vmul.f32 v34, v29;
	v51 =	vmul.f32 $5.000000000e-01, v35  }
0x35b: {  	v30 =	vmul.f32 v33, v30  }
0x35c: {  	v54 =	vmul.f32 $5.000000000e-01, v52;
	v29 =	vadd.f32 $0.0e+00, v29;
	v53 =	vsub.f32 $1.500000000e+00, v51;
	_ =	sdelay $0x1  }
0x35d: {  	v56 =	vsub.f32 $1.500000000e+00, v54;
	v29 =	vadd.f32 v30, v29;
	v55 =	vmul.f32 v53, v31;
	_ =	sdelay $0x1  }
0x35e: {  	v57 =	vmul.f32 v56, v32;
	v29 =	vadd.f32 v55, v29;
	_ =	sdelay $0x1  }
0x35f: {  	v29 =	vadd.f32 v57, v29;
	_ =	sdelay $0x1  }
0x360: {  	s19 =	sor.u32 s26, s9;
	[tilespmem:s8+$0xC630] =	vst v29  }
0x361: {  	v29 =	vld [tilespmem:s19+$0x600]  }
0x362: {  	v58 =	vld [tilespmem:s19+$0x640]  }
0x363: {  	v59 =	vld [tilespmem:s19+$0x4600]  }
0x364: {  	v32 =	vld [tilespmem:s19+$0x4640]  }
0x365: {  	v60 =	vld [tilespmem:s19+$0x8600]  }
0x366: {  	v61 =	vld [tilespmem:s19+$0x8640]  }
0x367: {  	v62 =	vld [tilespmem:s19+$0x610]  }
0x368: {  	v63 =	vld [tilespmem:s19+$0x650]  }
0x369: {  	v37 =	vld [tilespmem:s19+$0x4610]  }
0x36a: {  	v48 =	vld [tilespmem:s19+$0x8610]  }
0x36b: {  	v49 =	vld [tilespmem:s19+$0x8650]  }
0x36c: {  	v41 =	vld [tilespmem:s19+$0x620]  }
0x36d: {  	v52 =	vld [tilespmem:s19+$0x660]  }
0x36e: {  	v53 =	vld [tilespmem:s19+$0x8620]  }
0x36f: {  	v55 =	vld [tilespmem:s19+$0x8660];
	v50 =	vmul.f32 v60, v29;
	v51 =	vmul.f32 v61, v58  }
0x370: {  	v29 =	vmul.f32 v61, v29;
	v30 =	vmul.f32 v60, v58;
	v61 =	vld [tilespmem:s19+$0x670]  }
0x371: {  	v57 =	vmul.f32 v49, v63;
	v60 =	vmul.f32 v48, v63;
	v63 =	vld [tilespmem:s19+$0x8670]  }
0x372: {  	v38 =	vld [tilespmem:s19+$0x4650];
	v54 =	vsub.f32 v50, v51  }
0x373: {  	v56 =	vmul.f32 v48, v62;
	v58 =	vld [tilespmem:s19+$0x630];
	v48 =	vmul.f32 v53, v41;
	v29 =	vadd.f32 v29, v30  }
0x374: {  	v46 =	vld [tilespmem:s19+$0x4620];
	v33 =	vmul.f32 v53, v52;
	v31 =	vsub.f32 v54, v59;
	v59 =	vmul.f32 v49, v62  }
0x375: {  	v30 =	vsub.f32 v56, v57;
	v50 =	vmul.f32 v55, v41;
	v29 =	vsub.f32 v29, v32;
	v62 =	vld [tilespmem:s19+$0x8630]  }
0x376: {  	v47 =	vld [tilespmem:s19+$0x4660];
	v49 =	vmul.f32 v55, v52;
	v54 =	vmul.f32 v63, v61;
	v34 =	vadd.f32 v59, v60  }
0x377: {  	v30 =	vsub.f32 v30, v37;
	v31 =	vmul.f32 v31, v31;
	v29 =	vmul.f32 v29, v29  }
0x378: {  	v51 =	vld [tilespmem:s19+$0x4630];
	v55 =	vmul.f32 v63, v58;
	v39 =	vsub.f32 v48, v49;
	v34 =	vsub.f32 v34, v38  }
0x379: {  	v52 =	vld [tilespmem:s19+$0x4670];
	v30 =	vmul.f32 v30, v30;
	v29 =	vadd.f32 v29, v31;
	v31 =	vadd.f32 v50, v33  }
0x37a: {  	v53 =	vmul.f32 v62, v58;
	v32 =	vmul.f32 v62, v61  }
0x37b: {  	v56 =	vsub.f32 v39, v46;
	v34 =	vmul.f32 v34, v34;
	v31 =	vsub.f32 v31, v47  }
0x37c: {  	v57 =	vshra.s32 v29, $0x1;
	v58 =	vsub.f32 v53, v54;
	v32 =	vadd.f32 v55, v32  }
0x37d: {  	v35 =	vmul.f32 v56, v56;
	v30 =	vadd.f32 v34, v30;
	v31 =	vmul.f32 v31, v31  }
0x37e: {  	v59 =	vsub.s32 $0x5F3759DF, v57;
	v37 =	vsub.f32 v58, v51;
	v32 =	vsub.f32 v32, v52  }
0x37f: {  	v29 =	vmul.f32 v59, v29;
	v60 =	vshra.s32 v30, $0x1;
	v31 =	vadd.f32 v31, v35  }
0x380: {  	v61 =	vsub.s32 $0x5F3759DF, v60;
	v62 =	vmul.f32 v37, v37;
	v32 =	vmul.f32 v32, v32  }
0x381: {  	v34 =	vmul.f32 v59, v29;
	v30 =	vmul.f32 v61, v30  }
0x382: {  	v63 =	vshra.s32 v31, $0x1;
	v32 =	vadd.f32 v32, v62  }
0x383: {  	v34 =	vmul.f32 $5.000000000e-01, v34;
	v40 =	vsub.s32 $0x5F3759DF, v63;
	v33 =	vmul.f32 v61, v30  }
0x384: {  	v31 =	vmul.f32 v40, v31;
	v41 =	vshra.s32 v32, $0x1  }
0x385: {  	v34 =	vsub.f32 $1.500000000e+00, v34;
	v33 =	vmul.f32 $5.000000000e-01, v33;
	v36 =	vsub.s32 $0x5F3759DF, v41  }
0x386: {  	v35 =	vmul.f32 v40, v31;
	v32 =	vmul.f32 v36, v32  }
0x387: {  	v29 =	vmul.f32 v34, v29  }
0x388: {  	v33 =	vsub.f32 $1.500000000e+00, v33;
	v42 =	vmul.f32 $5.000000000e-01, v35;
	v43 =	vmul.f32 v36, v32  }
0x389: {  	v29 =	vadd.f32 $0.0e+00, v29  }
0x38a: {  	v30 =	vmul.f32 v33, v30;
	v44 =	vsub.f32 $1.500000000e+00, v42;
	v45 =	vmul.f32 $5.000000000e-01, v43;
	_ =	sdelay $0x1  }
0x38b: {  	v29 =	vadd.f32 v30, v29;
	v46 =	vmul.f32 v44, v31;
	v47 =	vsub.f32 $1.500000000e+00, v45;
	_ =	sdelay $0x1  }
0x38c: {  	v29 =	vadd.f32 v46, v29;
	v48 =	vmul.f32 v47, v32;
	_ =	sdelay $0x1  }
0x38d: {  	v29 =	vadd.f32 v48, v29;
	_ =	sdelay $0x1  }
0x38e: {  	s19 =	sor.u32 s28, s9;
	[tilespmem:s8+$0xC640] =	vst v29  }
0x38f: {  	v29 =	vld [tilespmem:s19+$0x600]  }
0x390: {  	v49 =	vld [tilespmem:s19+$0x640]  }
0x391: {  	v50 =	vld [tilespmem:s19+$0x4600]  }
0x392: {  	v32 =	vld [tilespmem:s19+$0x4640]  }
0x393: {  	v51 =	vld [tilespmem:s19+$0x8600]  }
0x394: {  	v52 =	vld [tilespmem:s19+$0x8640]  }
0x395: {  	v53 =	vld [tilespmem:s19+$0x610]  }
0x396: {  	v54 =	vld [tilespmem:s19+$0x650]  }
0x397: {  	v55 =	vld [tilespmem:s19+$0x4610]  }
0x398: {  	v56 =	vld [tilespmem:s19+$0x8610]  }
0x399: {  	v57 =	vld [tilespmem:s19+$0x8650]  }
0x39a: {  	v41 =	vld [tilespmem:s19+$0x620]  }
0x39b: {  	v44 =	vld [tilespmem:s19+$0x660]  }
0x39c: {  	v60 =	vld [tilespmem:s19+$0x8620];
	v58 =	vmul.f32 v51, v29  }
0x39d: {  	v62 =	vld [tilespmem:s19+$0x8660];
	v59 =	vmul.f32 v52, v49;
	v29 =	vmul.f32 v52, v29  }
0x39e: {  	v30 =	vmul.f32 v51, v49;
	v63 =	vmul.f32 v56, v53;
	v52 =	vld [tilespmem:s19+$0x670]  }
0x39f: {  	v48 =	vmul.f32 v57, v54;
	v51 =	vmul.f32 v56, v54;
	v54 =	vld [tilespmem:s19+$0x8670]  }
0x3a0: {  	v38 =	vld [tilespmem:s19+$0x4650];
	v61 =	vsub.f32 v58, v59  }
0x3a1: {  	v49 =	vld [tilespmem:s19+$0x630];
	v33 =	vmul.f32 v60, v44;
	v29 =	vadd.f32 v29, v30;
	v30 =	vsub.f32 v63, v48  }
0x3a2: {  	v56 =	vld [tilespmem:s19+$0x4660];
	v58 =	vmul.f32 v62, v44;
	v31 =	vsub.f32 v61, v50;
	v50 =	vmul.f32 v57, v53  }
0x3a3: {  	v59 =	vmul.f32 v62, v41;
	v29 =	vsub.f32 v29, v32;
	v53 =	vld [tilespmem:s19+$0x8630];
	v30 =	vsub.f32 v30, v55  }
0x3a4: {  	v55 =	vld [tilespmem:s19+$0x4620];
	v57 =	vmul.f32 v60, v41;
	v63 =	vmul.f32 v54, v52;
	v34 =	vadd.f32 v50, v51  }
0x3a5: {  	v31 =	vmul.f32 v31, v31;
	v29 =	vmul.f32 v29, v29  }
0x3a6: {  	v60 =	vld [tilespmem:s19+$0x4630];
	v45 =	vmul.f32 v54, v49;
	v39 =	vsub.f32 v57, v58;
	v34 =	vsub.f32 v34, v38  }
0x3a7: {  	v61 =	vld [tilespmem:s19+$0x4670];
	v30 =	vmul.f32 v30, v30;
	v29 =	vadd.f32 v29, v31;
	v31 =	vadd.f32 v59, v33  }
0x3a8: {  	v62 =	vmul.f32 v53, v49;
	v32 =	vmul.f32 v53, v52  }
0x3a9: {  	v46 =	vsub.f32 v39, v55;
	v34 =	vmul.f32 v34, v34;
	v31 =	vsub.f32 v31, v56  }
0x3aa: {  	v47 =	vshra.s32 v29, $0x1;
	v48 =	vsub.f32 v62, v63;
	v32 =	vadd.f32 v45, v32  }
0x3ab: {  	v35 =	vmul.f32 v46, v46;
	v30 =	vadd.f32 v34, v30;
	v31 =	vmul.f32 v31, v31  }
0x3ac: {  	v49 =	vsub.s32 $0x5F3759DF, v47;
	v37 =	vsub.f32 v48, v60;
	v32 =	vsub.f32 v32, v61  }
0x3ad: {  	v29 =	vmul.f32 v49, v29;
	v50 =	vshra.s32 v30, $0x1;
	v31 =	vadd.f32 v31, v35  }
0x3ae: {  	v51 =	vsub.s32 $0x5F3759DF, v50;
	v52 =	vmul.f32 v37, v37;
	v32 =	vmul.f32 v32, v32  }
0x3af: {  	v34 =	vmul.f32 v49, v29;
	v30 =	vmul.f32 v51, v30  }
0x3b0: {  	v53 =	vshra.s32 v31, $0x1;
	v32 =	vadd.f32 v32, v52  }
0x3b1: {  	v34 =	vmul.f32 $5.000000000e-01, v34;
	v54 =	vsub.s32 $0x5F3759DF, v53;
	v33 =	vmul.f32 v51, v30  }
0x3b2: {  	v31 =	vmul.f32 v54, v31;
	v55 =	vshra.s32 v32, $0x1  }
0x3b3: {  	v34 =	vsub.f32 $1.500000000e+00, v34;
	v33 =	vmul.f32 $5.000000000e-01, v33;
	v36 =	vsub.s32 $0x5F3759DF, v55  }
0x3b4: {  	v35 =	vmul.f32 v54, v31;
	v32 =	vmul.f32 v36, v32  }
0x3b5: {  	v29 =	vmul.f32 v34, v29  }
0x3b6: {  	v33 =	vsub.f32 $1.500000000e+00, v33;
	v56 =	vmul.f32 $5.000000000e-01, v35;
	v57 =	vmul.f32 v36, v32  }
0x3b7: {  	v29 =	vadd.f32 $0.0e+00, v29  }
0x3b8: {  	v30 =	vmul.f32 v33, v30;
	v58 =	vsub.f32 $1.500000000e+00, v56;
	v59 =	vmul.f32 $5.000000000e-01, v57;
	_ =	sdelay $0x1  }
0x3b9: {  	v29 =	vadd.f32 v30, v29;
	v60 =	vmul.f32 v58, v31;
	v61 =	vsub.f32 $1.500000000e+00, v59;
	_ =	sdelay $0x1  }
0x3ba: {  	v29 =	vadd.f32 v60, v29;
	v62 =	vmul.f32 v61, v32;
	_ =	sdelay $0x1  }
0x3bb: {  	v29 =	vadd.f32 v62, v29;
	_ =	sdelay $0x1  }
0x3bc: {  	s19 =	sor.u32 s29, s9;
	[tilespmem:s8+$0xC650] =	vst v29  }
0x3bd: {  	v29 =	vld [tilespmem:s19+$0x600]  }
0x3be: {  	v63 =	vld [tilespmem:s19+$0x640]  }
0x3bf: {  	v31 =	vld [tilespmem:s19+$0x4600]  }
0x3c0: {  	v32 =	vld [tilespmem:s19+$0x4640]  }
0x3c1: {  	v48 =	vld [tilespmem:s19+$0x8600]  }
0x3c2: {  	v49 =	vld [tilespmem:s19+$0x8640]  }
0x3c3: {  	v50 =	vld [tilespmem:s19+$0x610]  }
0x3c4: {  	v51 =	vld [tilespmem:s19+$0x650]  }
0x3c5: {  	v52 =	vld [tilespmem:s19+$0x4610]  }
0x3c6: {  	v53 =	vld [tilespmem:s19+$0x8610]  }
0x3c7: {  	v54 =	vld [tilespmem:s19+$0x8650]  }
0x3c8: {  	v41 =	vld [tilespmem:s19+$0x620]  }
0x3c9: {  	v57 =	vld [tilespmem:s19+$0x660]  }
0x3ca: {  	v58 =	vld [tilespmem:s19+$0x8620]  }
0x3cb: {  	v60 =	vld [tilespmem:s19+$0x8660]  }
0x3cc: {  	v56 =	vmul.f32 v49, v63;
	v30 =	vmul.f32 v48, v63;
	v63 =	vld [tilespmem:s19+$0x630]  }
0x3cd: {  	v55 =	vmul.f32 v48, v29;
	v29 =	vmul.f32 v49, v29;
	v49 =	vld [tilespmem:s19+$0x670]  }
0x3ce: {  	v61 =	vmul.f32 v53, v50;
	v47 =	vmul.f32 v54, v50;
	v50 =	vld [tilespmem:s19+$0x8630]  }
0x3cf: {  	v62 =	vmul.f32 v54, v51;
	v48 =	vmul.f32 v53, v51;
	v51 =	vld [tilespmem:s19+$0x8670]  }
0x3d0: {  	v38 =	vld [tilespmem:s19+$0x4650];
	v54 =	vmul.f32 v58, v41  }
0x3d1: {  	v33 =	vmul.f32 v58, v57;
	v59 =	vsub.f32 v55, v56;
	v29 =	vadd.f32 v29, v30  }
0x3d2: {  	v30 =	vsub.f32 v61, v62;
	v34 =	vadd.f32 v47, v48;
	v55 =	vmul.f32 v60, v57  }
0x3d3: {  	v53 =	vld [tilespmem:s19+$0x4660];
	v56 =	vmul.f32 v60, v41;
	v31 =	vsub.f32 v59, v31;
	v29 =	vsub.f32 v29, v32  }
0x3d4: {  	v58 =	vld [tilespmem:s19+$0x4670];
	v30 =	vsub.f32 v30, v52;
	v59 =	vmul.f32 v50, v63;
	v60 =	vmul.f32 v51, v49  }
0x3d5: {  	v52 =	vld [tilespmem:s19+$0x4620];
	v34 =	vsub.f32 v34, v38;
	v61 =	vmul.f32 v51, v63;
	v32 =	vmul.f32 v50, v49  }
0x3d6: {  	v57 =	vld [tilespmem:s19+$0x4630];
	v39 =	vsub.f32 v54, v55;
	v31 =	vmul.f32 v31, v31;
	v29 =	vmul.f32 v29, v29  }
0x3d7: {  	v30 =	vmul.f32 v30, v30;
	v34 =	vmul.f32 v34, v34;
	v42 =	vsub.f32 v59, v60  }
0x3d8: {  	v29 =	vadd.f32 v29, v31;
	v31 =	vadd.f32 v56, v33  }
0x3d9: {  	v32 =	vadd.f32 v61, v32;
	v30 =	vadd.f32 v34, v30  }
0x3da: {  	v62 =	vsub.f32 v39, v52;
	v31 =	vsub.f32 v31, v53  }
0x3db: {  	v37 =	vsub.f32 v42, v57;
	v32 =	vsub.f32 v32, v58;
	v63 =	vshra.s32 v29, $0x1  }
0x3dc: {  	v44 =	vshra.s32 v30, $0x1;
	v35 =	vmul.f32 v62, v62;
	v31 =	vmul.f32 v31, v31  }
0x3dd: {  	v43 =	vsub.s32 $0x5F3759DF, v63;
	v46 =	vmul.f32 v37, v37;
	v32 =	vmul.f32 v32, v32  }
0x3de: {  	v45 =	vsub.s32 $0x5F3759DF, v44;
	v29 =	vmul.f32 v43, v29;
	v31 =	vadd.f32 v31, v35  }
0x3df: {  	v30 =	vmul.f32 v45, v30;
	v32 =	vadd.f32 v32, v46  }
0x3e0: {  	v34 =	vmul.f32 v43, v29;
	v47 =	vshra.s32 v31, $0x1  }
0x3e1: {  	v33 =	vmul.f32 v45, v30;
	v49 =	vshra.s32 v32, $0x1;
	v48 =	vsub.s32 $0x5F3759DF, v47  }
0x3e2: {  	v34 =	vmul.f32 $5.000000000e-01, v34;
	v36 =	vsub.s32 $0x5F3759DF, v49;
	v31 =	vmul.f32 v48, v31  }
0x3e3: {  	v33 =	vmul.f32 $5.000000000e-01, v33;
	v32 =	vmul.f32 v36, v32  }
0x3e4: {  	v34 =	vsub.f32 $1.500000000e+00, v34;
	v35 =	vmul.f32 v48, v31  }
0x3e5: {  	v33 =	vsub.f32 $1.500000000e+00, v33;
	v51 =	vmul.f32 v36, v32  }
0x3e6: {  	v29 =	vmul.f32 v34, v29;
	v50 =	vmul.f32 $5.000000000e-01, v35  }
0x3e7: {  	v30 =	vmul.f32 v33, v30  }
0x3e8: {  	v53 =	vmul.f32 $5.000000000e-01, v51;
	v29 =	vadd.f32 $0.0e+00, v29;
	v52 =	vsub.f32 $1.500000000e+00, v50;
	_ =	sdelay $0x1  }
0x3e9: {  	v55 =	vsub.f32 $1.500000000e+00, v53;
	v29 =	vadd.f32 v30, v29;
	v54 =	vmul.f32 v52, v31;
	_ =	sdelay $0x1  }
0x3ea: {  	v56 =	vmul.f32 v55, v32;
	v29 =	vadd.f32 v54, v29;
	_ =	sdelay $0x1  }
0x3eb: {  	v29 =	vadd.f32 v56, v29;
	_ =	sdelay $0x1  }
0x3ec: {  	s19 =	sor.u32 s30, s9;
	[tilespmem:s8+$0xC660] =	vst v29  }
0x3ed: {  	v29 =	vld [tilespmem:s19+$0x600]  }
0x3ee: {  	v57 =	vld [tilespmem:s19+$0x640]  }
0x3ef: {  	v58 =	vld [tilespmem:s19+$0x4600]  }
0x3f0: {  	v32 =	vld [tilespmem:s19+$0x4640]  }
0x3f1: {  	v59 =	vld [tilespmem:s19+$0x8600]  }
0x3f2: {  	v60 =	vld [tilespmem:s19+$0x8640]  }
0x3f3: {  	v61 =	vld [tilespmem:s19+$0x610]  }
0x3f4: {  	v62 =	vld [tilespmem:s19+$0x650]  }
0x3f5: {  	v37 =	vld [tilespmem:s19+$0x4610]  }
0x3f6: {  	v63 =	vld [tilespmem:s19+$0x8610]  }
0x3f7: {  	v48 =	vld [tilespmem:s19+$0x8650]  }
0x3f8: {  	v41 =	vld [tilespmem:s19+$0x620]  }
0x3f9: {  	v51 =	vld [tilespmem:s19+$0x660]  }
0x3fa: {  	v52 =	vld [tilespmem:s19+$0x8620]  }
0x3fb: {  	v54 =	vld [tilespmem:s19+$0x8660];
	v49 =	vmul.f32 v59, v29;
	v50 =	vmul.f32 v60, v57  }
0x3fc: {  	v29 =	vmul.f32 v60, v29;
	v30 =	vmul.f32 v59, v57;
	v60 =	vld [tilespmem:s19+$0x670]  }
0x3fd: {  	v56 =	vmul.f32 v48, v62;
	v59 =	vmul.f32 v63, v62;
	v62 =	vld [tilespmem:s19+$0x8670]  }
0x3fe: {  	v38 =	vld [tilespmem:s19+$0x4650];
	v53 =	vsub.f32 v49, v50  }
0x3ff: {  	v55 =	vmul.f32 v63, v61;
	v57 =	vld [tilespmem:s19+$0x630];
	v47 =	vmul.f32 v52, v41;
	v29 =	vadd.f32 v29, v30  }
0x400: {  	v46 =	vld [tilespmem:s19+$0x4660];
	v33 =	vmul.f32 v52, v51;
	v31 =	vsub.f32 v53, v58;
	v58 =	vmul.f32 v48, v61  }
0x401: {  	v30 =	vsub.f32 v55, v56;
	v49 =	vmul.f32 v54, v41;
	v29 =	vsub.f32 v29, v32;
	v61 =	vld [tilespmem:s19+$0x8630]  }
0x402: {  	v63 =	vld [tilespmem:s19+$0x4620];
	v48 =	vmul.f32 v54, v51;
	v53 =	vmul.f32 v62, v60;
	v34 =	vadd.f32 v58, v59  }
0x403: {  	v30 =	vsub.f32 v30, v37;
	v31 =	vmul.f32 v31, v31;
	v29 =	vmul.f32 v29, v29  }
0x404: {  	v50 =	vld [tilespmem:s19+$0x4630];
	v54 =	vmul.f32 v62, v57;
	v39 =	vsub.f32 v47, v48;
	v34 =	vsub.f32 v34, v38  }
0x405: {  	v51 =	vld [tilespmem:s19+$0x4670];
	v30 =	vmul.f32 v30, v30;
	v29 =	vadd.f32 v29, v31;
	v31 =	vadd.f32 v49, v33  }
0x406: {  	v52 =	vmul.f32 v61, v57;
	v32 =	vmul.f32 v61, v60  }
0x407: {  	v55 =	vsub.f32 v39, v63;
	v34 =	vmul.f32 v34, v34;
	v31 =	vsub.f32 v31, v46  }
0x408: {  	v56 =	vshra.s32 v29, $0x1;
	v57 =	vsub.f32 v52, v53;
	v32 =	vadd.f32 v54, v32  }
0x409: {  	v35 =	vmul.f32 v55, v55;
	v30 =	vadd.f32 v34, v30;
	v31 =	vmul.f32 v31, v31  }
0x40a: {  	v58 =	vsub.s32 $0x5F3759DF, v56;
	v37 =	vsub.f32 v57, v50;
	v32 =	vsub.f32 v32, v51  }
0x40b: {  	v29 =	vmul.f32 v58, v29;
	v59 =	vshra.s32 v30, $0x1;
	v31 =	vadd.f32 v31, v35  }
0x40c: {  	v60 =	vsub.s32 $0x5F3759DF, v59;
	v61 =	vmul.f32 v37, v37;
	v32 =	vmul.f32 v32, v32  }
0x40d: {  	v34 =	vmul.f32 v58, v29;
	v30 =	vmul.f32 v60, v30  }
0x40e: {  	v62 =	vshra.s32 v31, $0x1;
	v32 =	vadd.f32 v32, v61  }
0x40f: {  	v34 =	vmul.f32 $5.000000000e-01, v34;
	v63 =	vsub.s32 $0x5F3759DF, v62;
	v33 =	vmul.f32 v60, v30  }
0x410: {  	v31 =	vmul.f32 v63, v31;
	v40 =	vshra.s32 v32, $0x1  }
0x411: {  	v34 =	vsub.f32 $1.500000000e+00, v34;
	v33 =	vmul.f32 $5.000000000e-01, v33;
	v36 =	vsub.s32 $0x5F3759DF, v40  }
0x412: {  	v35 =	vmul.f32 v63, v31;
	v32 =	vmul.f32 v36, v32  }
0x413: {  	v29 =	vmul.f32 v34, v29  }
0x414: {  	v33 =	vsub.f32 $1.500000000e+00, v33;
	v41 =	vmul.f32 $5.000000000e-01, v35;
	v42 =	vmul.f32 v36, v32  }
0x415: {  	v29 =	vadd.f32 $0.0e+00, v29  }
0x416: {  	v30 =	vmul.f32 v33, v30;
	v43 =	vsub.f32 $1.500000000e+00, v41;
	v44 =	vmul.f32 $5.000000000e-01, v42;
	_ =	sdelay $0x1  }
0x417: {  	v29 =	vadd.f32 v30, v29;
	v45 =	vmul.f32 v43, v31;
	v46 =	vsub.f32 $1.500000000e+00, v44;
	_ =	sdelay $0x1  }
0x418: {  	v29 =	vadd.f32 v45, v29;
	v47 =	vmul.f32 v46, v32;
	_ =	sdelay $0x1  }
0x419: {  	v29 =	vadd.f32 v47, v29;
	_ =	sdelay $0x1  }
0x41a: {  	s19 =	sor.u32 s31, s9;
	[tilespmem:s8+$0xC670] =	vst v29  }
0x41b: {  	v29 =	vld [tilespmem:s19+$0x600]  }
0x41c: {  	v48 =	vld [tilespmem:s19+$0x640]  }
0x41d: {  	v49 =	vld [tilespmem:s19+$0x4600]  }
0x41e: {  	v32 =	vld [tilespmem:s19+$0x4640]  }
0x41f: {  	v50 =	vld [tilespmem:s19+$0x8600]  }
0x420: {  	v51 =	vld [tilespmem:s19+$0x8640]  }
0x421: {  	v52 =	vld [tilespmem:s19+$0x610]  }
0x422: {  	v53 =	vld [tilespmem:s19+$0x650]  }
0x423: {  	v54 =	vld [tilespmem:s19+$0x4610]  }
0x424: {  	v55 =	vld [tilespmem:s19+$0x8610]  }
0x425: {  	v56 =	vld [tilespmem:s19+$0x8650]  }
0x426: {  	v41 =	vld [tilespmem:s19+$0x620]  }
0x427: {  	v44 =	vld [tilespmem:s19+$0x660]  }
0x428: {  	v59 =	vld [tilespmem:s19+$0x8620];
	v57 =	vmul.f32 v50, v29  }
0x429: {  	v61 =	vld [tilespmem:s19+$0x8660];
	v58 =	vmul.f32 v51, v48;
	v29 =	vmul.f32 v51, v29  }
0x42a: {  	v30 =	vmul.f32 v50, v48;
	v62 =	vmul.f32 v55, v52;
	v51 =	vld [tilespmem:s19+$0x670]  }
0x42b: {  	v63 =	vmul.f32 v56, v53;
	v50 =	vmul.f32 v55, v53;
	v53 =	vld [tilespmem:s19+$0x8670]  }
0x42c: {  	v38 =	vld [tilespmem:s19+$0x4650];
	v60 =	vsub.f32 v57, v58  }
0x42d: {  	v48 =	vld [tilespmem:s19+$0x630];
	v33 =	vmul.f32 v59, v44;
	v29 =	vadd.f32 v29, v30;
	v30 =	vsub.f32 v62, v63  }
0x42e: {  	v55 =	vld [tilespmem:s19+$0x4660];
	v57 =	vmul.f32 v61, v44;
	v31 =	vsub.f32 v60, v49;
	v49 =	vmul.f32 v56, v52  }
0x42f: {  	v58 =	vmul.f32 v61, v41;
	v29 =	vsub.f32 v29, v32;
	v52 =	vld [tilespmem:s19+$0x8630];
	v30 =	vsub.f32 v30, v54  }
0x430: {  	v54 =	vld [tilespmem:s19+$0x4620];
	v56 =	vmul.f32 v59, v41;
	v62 =	vmul.f32 v53, v51;
	v34 =	vadd.f32 v49, v50  }
0x431: {  	v31 =	vmul.f32 v31, v31;
	v29 =	vmul.f32 v29, v29  }
0x432: {  	v59 =	vld [tilespmem:s19+$0x4630];
	v63 =	vmul.f32 v53, v48;
	v39 =	vsub.f32 v56, v57;
	v34 =	vsub.f32 v34, v38  }
0x433: {  	v60 =	vld [tilespmem:s19+$0x4670];
	v30 =	vmul.f32 v30, v30;
	v29 =	vadd.f32 v29, v31;
	v31 =	vadd.f32 v58, v33  }
0x434: {  	v61 =	vmul.f32 v52, v48;
	v32 =	vmul.f32 v52, v51  }
0x435: {  	v43 =	vsub.f32 v39, v54;
	v34 =	vmul.f32 v34, v34;
	v31 =	vsub.f32 v31, v55  }
0x436: {  	v44 =	vshra.s32 v29, $0x1;
	v45 =	vsub.f32 v61, v62;
	v32 =	vadd.f32 v63, v32  }
0x437: {  	v35 =	vmul.f32 v43, v43;
	v30 =	vadd.f32 v34, v30;
	v31 =	vmul.f32 v31, v31  }
0x438: {  	v46 =	vsub.s32 $0x5F3759DF, v44;
	v37 =	vsub.f32 v45, v59;
	v32 =	vsub.f32 v32, v60  }
0x439: {  	v29 =	vmul.f32 v46, v29;
	v47 =	vshra.s32 v30, $0x1;
	v31 =	vadd.f32 v31, v35  }
0x43a: {  	v48 =	vsub.s32 $0x5F3759DF, v47;
	v49 =	vmul.f32 v37, v37;
	v32 =	vmul.f32 v32, v32  }
0x43b: {  	v34 =	vmul.f32 v46, v29;
	v30 =	vmul.f32 v48, v30  }
0x43c: {  	v50 =	vshra.s32 v31, $0x1;
	v32 =	vadd.f32 v32, v49  }
0x43d: {  	v34 =	vmul.f32 $5.000000000e-01, v34;
	v51 =	vsub.s32 $0x5F3759DF, v50;
	v33 =	vmul.f32 v48, v30  }
0x43e: {  	v31 =	vmul.f32 v51, v31;
	v52 =	vshra.s32 v32, $0x1  }
0x43f: {  	v34 =	vsub.f32 $1.500000000e+00, v34;
	v33 =	vmul.f32 $5.000000000e-01, v33;
	v36 =	vsub.s32 $0x5F3759DF, v52  }
0x440: {  	v35 =	vmul.f32 v51, v31;
	v32 =	vmul.f32 v36, v32  }
0x441: {  	v29 =	vmul.f32 v34, v29  }
0x442: {  	v33 =	vsub.f32 $1.500000000e+00, v33;
	v53 =	vmul.f32 $5.000000000e-01, v35;
	v54 =	vmul.f32 v36, v32  }
0x443: {  	v29 =	vadd.f32 $0.0e+00, v29  }
0x444: {  	v30 =	vmul.f32 v33, v30;
	v55 =	vsub.f32 $1.500000000e+00, v53;
	v56 =	vmul.f32 $5.000000000e-01, v54;
	_ =	sdelay $0x1  }
0x445: {  	v29 =	vadd.f32 v30, v29;
	v57 =	vmul.f32 v55, v31;
	v58 =	vsub.f32 $1.500000000e+00, v56;
	_ =	sdelay $0x1  }
0x446: {  	v29 =	vadd.f32 v57, v29;
	v59 =	vmul.f32 v58, v32;
	_ =	sdelay $0x1  }
0x447: {  	v29 =	vadd.f32 v59, v29;
	_ =	sdelay $0x1  }
0x448: {  	s19 =	sor.u32 s0, s9;
	[tilespmem:s8+$0xC680] =	vst v29  }
0x449: {  	v29 =	vld [tilespmem:s19+$0x600]  }
0x44a: {  	v60 =	vld [tilespmem:s19+$0x640]  }
0x44b: {  	v31 =	vld [tilespmem:s19+$0x4600]  }
0x44c: {  	v32 =	vld [tilespmem:s19+$0x4640]  }
0x44d: {  	v61 =	vld [tilespmem:s19+$0x8600]  }
0x44e: {  	v62 =	vld [tilespmem:s19+$0x8640]  }
0x44f: {  	v63 =	vld [tilespmem:s19+$0x610]  }
0x450: {  	v48 =	vld [tilespmem:s19+$0x650]  }
0x451: {  	v49 =	vld [tilespmem:s19+$0x4610]  }
0x452: {  	v50 =	vld [tilespmem:s19+$0x4650]  }
0x453: {  	v51 =	vld [tilespmem:s19+$0x8610]  }
0x454: {  	v52 =	vld [tilespmem:s19+$0x8650]  }
0x455: {  	v53 =	vld [tilespmem:s19+$0x620]  }
0x456: {  	v56 =	vld [tilespmem:s19+$0x660]  }
0x457: {  	v57 =	vld [tilespmem:s19+$0x8620]  }
0x458: {  	v59 =	vld [tilespmem:s19+$0x8660];
	v54 =	vmul.f32 v61, v29  }
0x459: {  	v46 =	vld [tilespmem:s19+$0x670];
	v55 =	vmul.f32 v62, v60;
	v29 =	vmul.f32 v62, v29  }
0x45a: {  	v47 =	vld [tilespmem:s19+$0x8630];
	v30 =	vmul.f32 v61, v60;
	v60 =	vmul.f32 v51, v63  }
0x45b: {  	v61 =	vmul.f32 v52, v48;
	v62 =	vld [tilespmem:s19+$0x630];
	v63 =	vmul.f32 v52, v63  }
0x45c: {  	v40 =	vmul.f32 v51, v48;
	v48 =	vld [tilespmem:s19+$0x8670];
	v51 =	vmul.f32 v57, v53  }
0x45d: {  	v52 =	vmul.f32 v59, v56;
	v58 =	vsub.f32 v54, v55;
	v29 =	vadd.f32 v29, v30  }
0x45e: {  	v53 =	vmul.f32 v59, v53;
	v30 =	vsub.f32 v60, v61;
	v34 =	vadd.f32 v63, v40  }
0x45f: {  	v33 =	vmul.f32 v57, v56;
	v54 =	vld [tilespmem:s19+$0x4630];
	v31 =	vsub.f32 v58, v31;
	v29 =	vsub.f32 v29, v32  }
0x460: {  	v30 =	vsub.f32 v30, v49;
	v49 =	vld [tilespmem:s19+$0x4620];
	v32 =	vmul.f32 v47, v46;
	v56 =	vmul.f32 v47, v62  }
0x461: {  	v34 =	vsub.f32 v34, v50;
	v50 =	vld [tilespmem:s19+$0x4660];
	v57 =	vmul.f32 v48, v46;
	v58 =	vmul.f32 v48, v62  }
0x462: {  	v39 =	vsub.f32 v51, v52;
	v55 =	vld [tilespmem:s19+$0x4670];
	v31 =	vmul.f32 v31, v31;
	v29 =	vmul.f32 v29, v29  }
0x463: {  	v30 =	vmul.f32 v30, v30;
	v34 =	vmul.f32 v34, v34;
	v61 =	vsub.f32 v56, v57  }
0x464: {  	v29 =	vadd.f32 v29, v31;
	v31 =	vadd.f32 v53, v33  }
0x465: {  	v32 =	vadd.f32 v58, v32;
	v30 =	vadd.f32 v34, v30  }
0x466: {  	v59 =	vsub.f32 v39, v49;
	v31 =	vsub.f32 v31, v50  }
0x467: {  	v37 =	vsub.f32 v61, v54;
	v32 =	vsub.f32 v32, v55;
	v60 =	vshra.s32 v29, $0x1  }
0x468: {  	v63 =	vshra.s32 v30, $0x1;
	v35 =	vmul.f32 v59, v59;
	v31 =	vmul.f32 v31, v31  }
0x469: {  	v62 =	vsub.s32 $0x5F3759DF, v60;
	v41 =	vmul.f32 v37, v37;
	v32 =	vmul.f32 v32, v32  }
0x46a: {  	v40 =	vsub.s32 $0x5F3759DF, v63;
	v29 =	vmul.f32 v62, v29;
	v31 =	vadd.f32 v31, v35  }
0x46b: {  	v30 =	vmul.f32 v40, v30;
	v32 =	vadd.f32 v32, v41  }
0x46c: {  	v34 =	vmul.f32 v62, v29;
	v42 =	vshra.s32 v31, $0x1  }
0x46d: {  	v33 =	vmul.f32 v40, v30;
	v44 =	vshra.s32 v32, $0x1;
	v43 =	vsub.s32 $0x5F3759DF, v42  }
0x46e: {  	v34 =	vmul.f32 $5.000000000e-01, v34;
	v36 =	vsub.s32 $0x5F3759DF, v44;
	v31 =	vmul.f32 v43, v31  }
0x46f: {  	v33 =	vmul.f32 $5.000000000e-01, v33;
	v32 =	vmul.f32 v36, v32  }
0x470: {  	v34 =	vsub.f32 $1.500000000e+00, v34;
	v35 =	vmul.f32 v43, v31  }
0x471: {  	v33 =	vsub.f32 $1.500000000e+00, v33;
	v46 =	vmul.f32 v36, v32  }
0x472: {  	v29 =	vmul.f32 v34, v29;
	v45 =	vmul.f32 $5.000000000e-01, v35  }
0x473: {  	v30 =	vmul.f32 v33, v30  }
0x474: {  	v48 =	vmul.f32 $5.000000000e-01, v46;
	v29 =	vadd.f32 $0.0e+00, v29;
	v47 =	vsub.f32 $1.500000000e+00, v45;
	_ =	sdelay $0x1  }
0x475: {  	v50 =	vsub.f32 $1.500000000e+00, v48;
	v29 =	vadd.f32 v30, v29;
	v49 =	vmul.f32 v47, v31;
	_ =	sdelay $0x1  }
0x476: {  	v51 =	vmul.f32 v50, v32;
	v29 =	vadd.f32 v49, v29;
	_ =	sdelay $0x1  }
0x477: {  	v29 =	vadd.f32 v51, v29;
	_ =	sdelay $0x1  }
0x478: {  	s19 =	sor.u32 s2, s9;
	[tilespmem:s8+$0xC690] =	vst v29  }
0x479: {  	v29 =	vld [tilespmem:s19+$0x600]  }
0x47a: {  	v52 =	vld [tilespmem:s19+$0x640]  }
0x47b: {  	v53 =	vld [tilespmem:s19+$0x4600]  }
0x47c: {  	v32 =	vld [tilespmem:s19+$0x4640]  }
0x47d: {  	v54 =	vld [tilespmem:s19+$0x8600]  }
0x47e: {  	v55 =	vld [tilespmem:s19+$0x8640]  }
0x47f: {  	v56 =	vld [tilespmem:s19+$0x610]  }
0x480: {  	v57 =	vld [tilespmem:s19+$0x650]  }
0x481: {  	v37 =	vld [tilespmem:s19+$0x4610]  }
0x482: {  	v60 =	vld [tilespmem:s19+$0x8610]  }
0x483: {  	v58 =	vmul.f32 v27, v25;
	v61 =	vld [tilespmem:s19+$0x8650]  }
0x484: {  	v59 =	vmul.f32 v28, v26;
	v26 =	vmul.f32 v27, v26;
	v27 =	vld [tilespmem:s19+$0x620]  }
0x485: {  	v45 =	vld [tilespmem:s19+$0x660]  }
0x486: {  	v25 =	vmul.f32 v28, v25;
	v46 =	vld [tilespmem:s19+$0x8620]  }
0x487: {  	v48 =	vld [tilespmem:s19+$0x8660]  }
0x488: {  	v25 =	vadd.f32 v25, v26;
	v51 =	vld [tilespmem:s19+$0x630];
	v62 =	vmul.f32 v54, v29;
	v63 =	vmul.f32 v55, v52  }
0x489: {  	v39 =	vsub.f32 v58, v59;
	v29 =	vmul.f32 v55, v29;
	v30 =	vmul.f32 v54, v52;
	v54 =	vld [tilespmem:s19+$0x670]  }
0x48a: {  	v23 =	vsub.f32 v25, v23;
	v49 =	vmul.f32 v60, v56;
	v50 =	vmul.f32 v61, v57;
	v55 =	vld [tilespmem:s19+$0x8630]  }
0x48b: {  	v38 =	vld [tilespmem:s19+$0x4650];
	v52 =	vmul.f32 v61, v56;
	v47 =	vsub.f32 v62, v63;
	v29 =	vadd.f32 v29, v30  }
0x48c: {  	v58 =	vld [tilespmem:s19+$0x4620];
	v61 =	vmul.f32 v48, v45;
	v30 =	vsub.f32 v49, v50;
	v62 =	vmul.f32 v46, v45  }
0x48d: {  	v26 =	vsub.f32 v47, v53;
	v53 =	vmul.f32 v60, v57;
	v29 =	vsub.f32 v29, v32;
	v57 =	vld [tilespmem:s19+$0x8670]  }
0x48e: {  	v59 =	vld [tilespmem:s19+$0x4660];
	v30 =	vsub.f32 v30, v37;
	v60 =	vmul.f32 v46, v27;
	v27 =	vmul.f32 v48, v27  }
0x48f: {  	v43 =	vmul.f32 v55, v51;
	v46 =	vmul.f32 v55, v54;
	v56 =	vadd.f32 v52, v53  }
0x490: {  	v41 =	vld [tilespmem:s19+$0x4630];
	v26 =	vmul.f32 v26, v26;
	v29 =	vmul.f32 v29, v29;
	v40 =	vsub.f32 v60, v61  }
0x491: {  	v42 =	vld [tilespmem:s19+$0x4670];
	v63 =	vmul.f32 v30, v30;
	v27 =	vadd.f32 v27, v62;
	v25 =	vsub.f32 v56, v38  }
0x492: {  	v26 =	vadd.f32 v29, v26;
	v44 =	vmul.f32 v57, v54;
	v45 =	vmul.f32 v57, v51  }
0x493: {  	v30 =	vsub.f32 v40, v58;
	v27 =	vsub.f32 v27, v59;
	v25 =	vmul.f32 v25, v25  }
0x494: {  	v47 =	vshra.s32 v26, $0x1;
	v48 =	vsub.f32 v43, v44;
	v29 =	vadd.f32 v45, v46  }
0x495: {  	v30 =	vmul.f32 v30, v30;
	v27 =	vmul.f32 v27, v27;
	v25 =	vadd.f32 v25, v63  }
0x496: {  	v49 =	vsub.s32 $0x5F3759DF, v47;
	v33 =	vsub.f32 v48, v41;
	v28 =	vsub.f32 v29, v42  }
0x497: {  	v24 =	vsub.f32 v39, v24;
	v26 =	vmul.f32 v49, v26;
	v27 =	vadd.f32 v27, v30  }
0x498: {  	v50 =	vshra.s32 v25, $0x1;
	v52 =	vmul.f32 v33, v33;
	v28 =	vmul.f32 v28, v28  }
0x499: {  	v31 =	vmul.f32 v49, v26;
	v54 =	vshra.s32 v27, $0x1;
	v32 =	vsub.s32 $0x5F3759DF, v50  }
0x49a: {  	v57 =	vsub.s32 $0x5F3759DF, v54;
	v25 =	vmul.f32 v32, v25;
	v28 =	vadd.f32 v28, v52  }
0x49b: {  	v53 =	vld [tilespmem:s13+$0x8650];
	v55 =	vmul.f32 $5.000000000e-01, v31;
	v27 =	vmul.f32 v57, v27  }
0x49c: {  	v24 =	vmul.f32 v24, v24;
	v51 =	vld [tilespmem:s13+$0x8610];
	v56 =	vmul.f32 v32, v25;
	v59 =	vshra.s32 v28, $0x1  }
0x49d: {  	v30 =	vsub.f32 $1.500000000e+00, v55;
	v32 =	vmul.f32 v57, v27;
	v35 =	vsub.s32 $0x5F3759DF, v59  }
0x49e: {  	v31 =	vmul.f32 $5.000000000e-01, v56;
	v28 =	vmul.f32 v35, v28  }
0x49f: {  	v39 =	vld [tilespmem:s13+$0x8660];
	v23 =	vmul.f32 v23, v23;
	v26 =	vmul.f32 v30, v26  }
0x4a0: {  	v60 =	vld [tilespmem:s13+$0x620];
	v32 =	vmul.f32 $5.000000000e-01, v32;
	v31 =	vsub.f32 $1.500000000e+00, v31;
	v35 =	vmul.f32 v35, v28  }
0x4a1: {  	v61 =	vld [tilespmem:s13+$0x8620];
	v62 =	vmul.f32 v53, v20;
	v58 =	vmul.f32 v51, v22;
	v26 =	vadd.f32 $0.0e+00, v26  }
0x4a2: {  	v44 =	vld [tilespmem:s13+$0x4660];
	v40 =	vsub.f32 $1.500000000e+00, v32;
	v25 =	vmul.f32 v31, v25;
	v41 =	vmul.f32 $5.000000000e-01, v35  }
0x4a3: {  	v63 =	vld [tilespmem:s13+$0x660];
	v22 =	vmul.f32 v53, v22;
	v20 =	vmul.f32 v51, v20  }
0x4a4: {  	v42 =	vld [tilespmem:s13+$0x4620];
	v45 =	vmul.f32 v40, v27;
	v25 =	vadd.f32 v25, v26;
	v46 =	vsub.f32 $1.500000000e+00, v41  }
0x4a5: {  	v23 =	vadd.f32 v23, v24;
	v48 =	vld [tilespmem:s13+$0x630];
	v24 =	vsub.f32 v58, v62  }
0x4a6: {  	v50 =	vld [tilespmem:s13+$0x670];
	v20 =	vadd.f32 v22, v20;
	v25 =	vadd.f32 v45, v25;
	v51 =	vmul.f32 v46, v28  }
0x4a7: {  	v43 =	vmul.f32 v61, v60;
	v52 =	vld [tilespmem:s13+$0x4630];
	v21 =	vsub.f32 v24, v21  }
0x4a8: {  	v47 =	vmul.f32 v39, v63;
	v19 =	vsub.f32 v20, v19;
	v55 =	vld [tilespmem:s13+$0x4670];
	v25 =	vadd.f32 v51, v25  }
0x4a9: {  	v49 =	vmul.f32 v61, v63;
	v57 =	vld [tilespmem:s13+$0x8630];
	v30 =	vmul.f32 v39, v60  }
0x4aa: {  	s19 =	sor.u32 s14, s9;
	v21 =	vmul.f32 v21, v21;
	v19 =	vmul.f32 v19, v19;
	v59 =	vld [tilespmem:s13+$0x8670];
	[tilespmem:s8+$0xC6A0] =	vst v25  }
0x4ab: {  	v20 =	vsub.f32 v43, v47;
	v54 =	vadd.f32 v30, v49;
	v25 =	vld [tilespmem:s19+$0x600]  }
0x4ac: {  	v53 =	vshra.s32 v23, $0x1;
	v19 =	vadd.f32 v19, v21;
	v61 =	vld [tilespmem:s19+$0x640]  }
0x4ad: {  	v56 =	vsub.s32 $0x5F3759DF, v53;
	v20 =	vsub.f32 v20, v42;
	v58 =	vsub.f32 v54, v44;
	v30 =	vld [tilespmem:s19+$0x4600]  }
0x4ae: {  	v23 =	vmul.f32 v56, v23;
	v62 =	vshra.s32 v19, $0x1;
	v21 =	vld [tilespmem:s19+$0x4640]  }
0x4af: {  	v20 =	vmul.f32 v20, v20;
	v32 =	vsub.s32 $0x5F3759DF, v62;
	v60 =	vmul.f32 v58, v58;
	v63 =	vld [tilespmem:s19+$0x8600]  }
0x4b0: {  	v42 =	vmul.f32 v57, v48;
	v19 =	vmul.f32 v32, v19;
	v44 =	vld [tilespmem:s19+$0x8640]  }
0x4b1: {  	v27 =	vmul.f32 v57, v50;
	v43 =	vmul.f32 v59, v50;
	v20 =	vadd.f32 v60, v20;
	v45 =	vld [tilespmem:s19+$0x610]  }
0x4b2: {  	v26 =	vmul.f32 v56, v23;
	v32 =	vmul.f32 v32, v19;
	v46 =	vld [tilespmem:s19+$0x650]  }
0x4b3: {  	v36 =	vsub.f32 v42, v43;
	v28 =	vmul.f32 v59, v48;
	v41 =	vshra.s32 v20, $0x1;
	v47 =	vld [tilespmem:s19+$0x4610]  }
0x4b4: {  	v26 =	vmul.f32 $5.000000000e-01, v26;
	v50 =	vmul.f32 $5.000000000e-01, v32;
	v35 =	vsub.s32 $0x5F3759DF, v41;
	v49 =	vld [tilespmem:s19+$0x8610]  }
0x4b5: {  	v22 =	vsub.f32 v36, v52;
	v27 =	vadd.f32 v28, v27;
	v20 =	vmul.f32 v35, v20;
	v52 =	vld [tilespmem:s19+$0x8650]  }
0x4b6: {  	v26 =	vsub.f32 $1.500000000e+00, v26;
	v29 =	vsub.f32 $1.500000000e+00, v50;
	v53 =	vld [tilespmem:s19+$0x620]  }
0x4b7: {  	v22 =	vmul.f32 v22, v22;
	v48 =	vsub.f32 v27, v55;
	v35 =	vmul.f32 v35, v20;
	v56 =	vld [tilespmem:s19+$0x660]  }
0x4b8: {  	v23 =	vmul.f32 v26, v23;
	v57 =	vld [tilespmem:s19+$0x8620];
	v19 =	vmul.f32 v29, v19  }
0x4b9: {  	v59 =	vld [tilespmem:s19+$0x8660];
	v26 =	vmul.f32 v48, v48;
	v51 =	vmul.f32 $5.000000000e-01, v35  }
0x4ba: {  	v62 =	vld [tilespmem:s19+$0x630];
	v54 =	vmul.f32 v63, v25;
	v55 =	vmul.f32 v44, v61  }
0x4bb: {  	v23 =	vadd.f32 $0.0e+00, v23;
	v40 =	vld [tilespmem:s19+$0x670];
	v25 =	vmul.f32 v44, v25;
	v24 =	vmul.f32 v63, v61  }
0x4bc: {  	v22 =	vadd.f32 v26, v22;
	v60 =	vmul.f32 v49, v45;
	v61 =	vmul.f32 v52, v46;
	v44 =	vld [tilespmem:s19+$0x8630]  }
0x4bd: {  	v32 =	vsub.f32 $1.500000000e+00, v51;
	v63 =	vmul.f32 v52, v45;
	v27 =	vmul.f32 v49, v46;
	v46 =	vld [tilespmem:s19+$0x8670]  }
0x4be: {  	v37 =	vld [tilespmem:s19+$0x4650];
	v42 =	vshra.s32 v22, $0x1;
	v49 =	vmul.f32 v57, v53;
	v50 =	vmul.f32 v59, v56  }
0x4bf: {  	v51 =	vmul.f32 v59, v53;
	v58 =	vsub.f32 v54, v55;
	v24 =	vadd.f32 v25, v24  }
0x4c0: {  	v52 =	vmul.f32 v57, v56;
	v43 =	vsub.f32 v60, v61;
	v27 =	vadd.f32 v63, v27  }
0x4c1: {  	v48 =	vld [tilespmem:s19+$0x4660];
	v45 =	vsub.s32 $0x5F3759DF, v42;
	v26 =	vsub.f32 v58, v30;
	v21 =	vsub.f32 v24, v21  }
0x4c2: {  	v54 =	vld [tilespmem:s19+$0x4630];
	v24 =	vsub.f32 v43, v47;
	v56 =	vmul.f32 v44, v62;
	v57 =	vmul.f32 v46, v40  }
0x4c3: {  	v47 =	vld [tilespmem:s19+$0x4620];
	v27 =	vsub.f32 v27, v37;
	v58 =	vmul.f32 v46, v62;
	v25 =	vmul.f32 v44, v40  }
0x4c4: {  	v53 =	vsub.f32 v49, v50;
	v55 =	vld [tilespmem:s19+$0x4670];
	v26 =	vmul.f32 v26, v26;
	v21 =	vmul.f32 v21, v21  }
0x4c5: {  	v24 =	vmul.f32 v24, v24;
	v27 =	vmul.f32 v27, v27;
	v60 =	vsub.f32 v56, v57  }
0x4c6: {  	v22 =	vmul.f32 v45, v22;
	v21 =	vadd.f32 v21, v26;
	v26 =	vadd.f32 v51, v52  }
0x4c7: {  	v20 =	vmul.f32 v32, v20;
	v25 =	vadd.f32 v58, v25;
	v24 =	vadd.f32 v27, v24  }
0x4c8: {  	v63 =	vmul.f32 v45, v22;
	v28 =	vsub.f32 v53, v47;
	v26 =	vsub.f32 v26, v48  }
0x4c9: {  	v31 =	vsub.f32 v60, v54;
	v25 =	vsub.f32 v25, v55;
	v59 =	vshra.s32 v21, $0x1  }
0x4ca: {  	v62 =	vshra.s32 v24, $0x1;
	v28 =	vmul.f32 v28, v28;
	v26 =	vmul.f32 v26, v26  }
0x4cb: {  	v61 =	vsub.s32 $0x5F3759DF, v59;
	v32 =	vmul.f32 v31, v31;
	v25 =	vmul.f32 v25, v25  }
0x4cc: {  	v30 =	vsub.s32 $0x5F3759DF, v62;
	v21 =	vmul.f32 v61, v21;
	v26 =	vadd.f32 v26, v28  }
0x4cd: {  	v19 =	vadd.f32 v19, v23;
	v24 =	vmul.f32 v30, v24;
	v25 =	vadd.f32 v25, v32  }
0x4ce: {  	v34 =	vmul.f32 $5.000000000e-01, v63;
	v33 =	vmul.f32 v61, v21;
	v35 =	vshra.s32 v26, $0x1  }
0x4cf: {  	v36 =	vmul.f32 v30, v24;
	v37 =	vshra.s32 v25, $0x1;
	v29 =	vsub.s32 $0x5F3759DF, v35  }
0x4d0: {  	v23 =	vmul.f32 $5.000000000e-01, v33;
	v30 =	vsub.s32 $0x5F3759DF, v37;
	v26 =	vmul.f32 v29, v26  }
0x4d1: {  	v27 =	vsub.f32 $1.500000000e+00, v34;
	v28 =	vmul.f32 $5.000000000e-01, v36;
	v25 =	vmul.f32 v30, v25  }
0x4d2: {  	v19 =	vadd.f32 v20, v19;
	v23 =	vsub.f32 $1.500000000e+00, v23;
	v29 =	vmul.f32 v29, v26  }
0x4d3: {  	v20 =	vmul.f32 v27, v22;
	v38 =	vsub.f32 $1.500000000e+00, v28;
	v40 =	vmul.f32 v30, v25  }
0x4d4: {  	v21 =	vmul.f32 v23, v21;
	v39 =	vmul.f32 $5.000000000e-01, v29  }
0x4d5: {  	v19 =	vadd.f32 v20, v19;
	v41 =	vmul.f32 v38, v24  }
0x4d6: {  	v43 =	vmul.f32 $5.000000000e-01, v40;
	v20 =	vadd.f32 $0.0e+00, v21;
	v42 =	vsub.f32 $1.500000000e+00, v39;
	_ =	sdelay $0x1  }
0x4d7: {  	s13 =	sor.u32 s18, s6;
	[tilespmem:s5+$0xC6D0] =	vst v19;
	v44 =	vsub.f32 $1.500000000e+00, v43;
	v19 =	vadd.f32 v41, v20;
	v20 =	vmul.f32 v42, v26  }
0x4d8: {  	v45 =	vld [tilespmem:s13+$0x600]  }
0x4d9: {  	v46 =	vld [tilespmem:s13+$0x640];
	v19 =	vadd.f32 v20, v19;
	v20 =	vmul.f32 v44, v25  }
0x4da: {  	v47 =	vld [tilespmem:s13+$0x4600]  }
0x4db: {  	v48 =	vld [tilespmem:s13+$0x8640];
	v19 =	vadd.f32 v20, v19  }
0x4dc: {  	v24 =	vld [tilespmem:s13+$0x4640]  }
0x4dd: {  	s19 =	sor.u32 s15, s9;
	v20 =	vld [tilespmem:s13+$0x8600];
	[tilespmem:s8+$0xC6B0] =	vst v19  }
0x4de: {  	v19 =	vld [tilespmem:s19+$0x600]  }
0x4df: {  	v49 =	vld [tilespmem:s19+$0x640]  }
0x4e0: {  	v50 =	vld [tilespmem:s19+$0x4600]  }
0x4e1: {  	v28 =	vld [tilespmem:s19+$0x4640]  }
0x4e2: {  	v51 =	vld [tilespmem:s19+$0x8600]  }
0x4e3: {  	v52 =	vld [tilespmem:s19+$0x8640]  }
0x4e4: {  	v53 =	vld [tilespmem:s19+$0x610]  }
0x4e5: {  	v54 =	vld [tilespmem:s19+$0x650]  }
0x4e6: {  	v55 =	vld [tilespmem:s19+$0x4610]  }
0x4e7: {  	v59 =	vld [tilespmem:s19+$0x8610]  }
0x4e8: {  	v60 =	vld [tilespmem:s19+$0x8650]  }
0x4e9: {  	v58 =	vmul.f32 v48, v46;
	v61 =	vld [tilespmem:s19+$0x620]  }
0x4ea: {  	v22 =	vmul.f32 v48, v45;
	v42 =	vld [tilespmem:s19+$0x660];
	v57 =	vmul.f32 v20, v45  }
0x4eb: {  	v43 =	vld [tilespmem:s19+$0x8620];
	v20 =	vmul.f32 v20, v46;
	v62 =	vmul.f32 v51, v19  }
0x4ec: {  	v48 =	vld [tilespmem:s19+$0x630];
	v35 =	vsub.f32 v57, v58;
	v63 =	vmul.f32 v52, v49;
	v19 =	vmul.f32 v52, v19  }
0x4ed: {  	v45 =	vld [tilespmem:s19+$0x8660];
	v26 =	vmul.f32 v51, v49;
	v46 =	vmul.f32 v59, v53  }
0x4ee: {  	v52 =	vld [tilespmem:s19+$0x8630];
	v21 =	vsub.f32 v35, v47;
	v47 =	vmul.f32 v60, v54;
	v44 =	vsub.f32 v62, v63  }
0x4ef: {  	v56 =	vld [tilespmem:s19+$0x4650];
	v20 =	vadd.f32 v22, v20;
	v49 =	vmul.f32 v60, v53;
	v19 =	vadd.f32 v19, v26  }
0x4f0: {  	v51 =	vld [tilespmem:s19+$0x670];
	v26 =	vsub.f32 v46, v47;
	v22 =	vsub.f32 v44, v50;
	v50 =	vmul.f32 v59, v54  }
0x4f1: {  	v57 =	vmul.f32 v43, v61;
	v60 =	vmul.f32 v43, v42;
	v19 =	vsub.f32 v19, v28;
	v54 =	vld [tilespmem:s19+$0x8670]  }
0x4f2: {  	v58 =	vmul.f32 v45, v42;
	v26 =	vsub.f32 v26, v55;
	v55 =	vld [tilespmem:s19+$0x4620];
	v53 =	vadd.f32 v49, v50  }
0x4f3: {  	v20 =	vsub.f32 v20, v24;
	v59 =	vmul.f32 v45, v61;
	v37 =	vmul.f32 v52, v48  }
0x4f4: {  	v22 =	vmul.f32 v22, v22;
	v19 =	vmul.f32 v19, v19;
	v24 =	vsub.f32 v53, v56;
	v56 =	vld [tilespmem:s19+$0x4660]  }
0x4f5: {  	v63 =	vld [tilespmem:s19+$0x4630];
	v62 =	vsub.f32 v57, v58;
	v40 =	vmul.f32 v52, v51;
	v61 =	vmul.f32 v26, v26  }
0x4f6: {  	v36 =	vld [tilespmem:s19+$0x4670];
	v19 =	vadd.f32 v19, v22;
	v38 =	vmul.f32 v54, v51;
	v39 =	vmul.f32 v54, v48  }
0x4f7: {  	v22 =	vadd.f32 v59, v60;
	v24 =	vmul.f32 v24, v24;
	v26 =	vsub.f32 v62, v55  }
0x4f8: {  	v23 =	vsub.f32 v37, v38;
	v25 =	vadd.f32 v39, v40  }
0x4f9: {  	v41 =	vshra.s32 v19, $0x1;
	v24 =	vadd.f32 v24, v61;
	v22 =	vsub.f32 v22, v56  }
0x4fa: {  	v42 =	vsub.s32 $0x5F3759DF, v41;
	v26 =	vmul.f32 v26, v26;
	v23 =	vsub.f32 v23, v63  }
0x4fb: {  	v46 =	vld [tilespmem:s13+$0x650];
	v25 =	vsub.f32 v25, v36;
	v43 =	vshra.s32 v24, $0x1;
	v22 =	vmul.f32 v22, v22  }
0x4fc: {  	v21 =	vmul.f32 v21, v21;
	v47 =	vld [tilespmem:s13+$0x8650];
	v19 =	vmul.f32 v42, v19;
	v28 =	vsub.s32 $0x5F3759DF, v43  }
0x4fd: {  	v23 =	vmul.f32 v23, v23;
	v25 =	vmul.f32 v25, v25;
	v22 =	vadd.f32 v22, v26  }
0x4fe: {  	v44 =	vld [tilespmem:s13+$0x610];
	v27 =	vmul.f32 v42, v19;
	v24 =	vmul.f32 v28, v24  }
0x4ff: {  	v20 =	vmul.f32 v20, v20;
	v45 =	vld [tilespmem:s13+$0x8610];
	v23 =	vadd.f32 v25, v23;
	v48 =	vshra.s32 v22, $0x1  }
0x500: {  	v49 =	vmul.f32 $5.000000000e-01, v27;
	v50 =	vmul.f32 v28, v24;
	v51 =	vsub.s32 $0x5F3759DF, v48  }
0x501: {  	v58 =	vld [tilespmem:s13+$0x660];
	v57 =	vmul.f32 v47, v46;
	v54 =	vshra.s32 v23, $0x1;
	v22 =	vmul.f32 v51, v22  }
0x502: {  	v52 =	vld [tilespmem:s13+$0x4610];
	v25 =	vsub.f32 $1.500000000e+00, v49;
	v27 =	vmul.f32 $5.000000000e-01, v50;
	v34 =	vsub.s32 $0x5F3759DF, v54  }
0x503: {  	v59 =	vld [tilespmem:s13+$0x8660];
	v23 =	vmul.f32 v34, v23;
	v28 =	vmul.f32 v51, v22  }
0x504: {  	v20 =	vadd.f32 v20, v21;
	v53 =	vmul.f32 v45, v44;
	v55 =	vld [tilespmem:s13+$0x620];
	v19 =	vmul.f32 v25, v19  }
0x505: {  	v56 =	vld [tilespmem:s13+$0x8620];
	v27 =	vsub.f32 $1.500000000e+00, v27;
	v34 =	vmul.f32 v34, v23;
	v28 =	vmul.f32 $5.000000000e-01, v28  }
0x506: {  	v60 =	vld [tilespmem:s13+$0x4650];
	v30 =	vmul.f32 v47, v44;
	v21 =	vsub.f32 v53, v57;
	v19 =	vadd.f32 $0.0e+00, v19  }
0x507: {  	v39 =	vld [tilespmem:s13+$0x4660];
	v24 =	vmul.f32 v27, v24;
	v62 =	vmul.f32 $5.000000000e-01, v34;
	v61 =	vsub.f32 $1.500000000e+00, v28  }
0x508: {  	v21 =	vsub.f32 v21, v52;
	v41 =	vmul.f32 v59, v58;
	v52 =	vld [tilespmem:s13+$0x8630];
	v26 =	vmul.f32 v45, v46  }
0x509: {  	v42 =	vld [tilespmem:s13+$0x630];
	v19 =	vadd.f32 v24, v19;
	v40 =	vsub.f32 $1.500000000e+00, v62;
	v22 =	vmul.f32 v61, v22  }
0x50a: {  	v63 =	vld [tilespmem:s13+$0x4620];
	v43 =	vmul.f32 v56, v58;
	v25 =	vmul.f32 v59, v55  }
0x50b: {  	v38 =	vmul.f32 v56, v55;
	v45 =	vmul.f32 v40, v23;
	v19 =	vadd.f32 v22, v19  }
0x50c: {  	v44 =	vld [tilespmem:s13+$0x670];
	v26 =	vadd.f32 v30, v26;
	v25 =	vadd.f32 v25, v43  }
0x50d: {  	v53 =	vld [tilespmem:s13+$0x8670];
	v21 =	vmul.f32 v21, v21;
	v47 =	vsub.f32 v38, v41;
	v19 =	vadd.f32 v45, v19  }
0x50e: {  	v49 =	vshra.s32 v20, $0x1;
	v48 =	vld [tilespmem:s13+$0x4630];
	v59 =	vmul.f32 v52, v42;
	v25 =	vsub.f32 v25, v39  }
0x50f: {  	s19 =	sor.u32 s16, s9;
	v50 =	vld [tilespmem:s13+$0x4670];
	v46 =	vsub.f32 v26, v60;
	v51 =	vsub.s32 $0x5F3759DF, v49;
	v24 =	vsub.f32 v47, v63;
	[tilespmem:s8+$0xC6C0] =	vst v19  }
0x510: {  	v55 =	vmul.f32 v25, v25;
	v19 =	vmul.f32 v51, v20;
	v20 =	vld [tilespmem:s19+$0x600]  }
0x511: {  	v54 =	vmul.f32 v24, v24;
	v23 =	vmul.f32 v46, v46;
	v25 =	vld [tilespmem:s19+$0x640]  }
0x512: {  	v60 =	vmul.f32 v53, v44;
	v27 =	vmul.f32 v52, v44;
	v57 =	vld [tilespmem:s19+$0x8600]  }
0x513: {  	v28 =	vmul.f32 v53, v42;
	v21 =	vadd.f32 v23, v21;
	v23 =	vadd.f32 v55, v54;
	v61 =	vld [tilespmem:s19+$0x8640]  }
0x514: {  	v36 =	vsub.f32 v59, v60;
	v62 =	vld [tilespmem:s19+$0x610]  }
0x515: {  	v27 =	vadd.f32 v28, v27;
	v56 =	vshra.s32 v21, $0x1;
	v58 =	vshra.s32 v23, $0x1;
	v63 =	vld [tilespmem:s19+$0x650]  }
0x516: {  	v46 =	vsub.f32 v36, v48;
	v32 =	vsub.s32 $0x5F3759DF, v56;
	v35 =	vsub.s32 $0x5F3759DF, v58;
	v48 =	vld [tilespmem:s19+$0x8610]  }
0x517: {  	v21 =	vmul.f32 v32, v21;
	v23 =	vmul.f32 v35, v23;
	v52 =	vld [tilespmem:s19+$0x620]  }
0x518: {  	v47 =	vsub.f32 v27, v50;
	v55 =	vld [tilespmem:s19+$0x660];
	v22 =	vmul.f32 v51, v19  }
0x519: {  	v56 =	vld [tilespmem:s19+$0x8620];
	v32 =	vmul.f32 v32, v21;
	v35 =	vmul.f32 v35, v23  }
0x51a: {  	v26 =	vmul.f32 v47, v47;
	v58 =	vld [tilespmem:s19+$0x8660];
	v22 =	vmul.f32 $5.000000000e-01, v22  }
0x51b: {  	v51 =	vld [tilespmem:s19+$0x8650];
	v49 =	vmul.f32 $5.000000000e-01, v32;
	v50 =	vmul.f32 $5.000000000e-01, v35  }
0x51c: {  	v31 =	vld [tilespmem:s19+$0x4600];
	v53 =	vmul.f32 v57, v20;
	v54 =	vmul.f32 v61, v25  }
0x51d: {  	v24 =	vld [tilespmem:s19+$0x4640];
	v20 =	vmul.f32 v61, v20;
	v25 =	vmul.f32 v57, v25  }
0x51e: {  	v44 =	vld [tilespmem:s19+$0x4610];
	v22 =	vsub.f32 $1.500000000e+00, v22;
	v59 =	vmul.f32 v48, v62;
	v27 =	vmul.f32 v48, v63  }
0x51f: {  	v40 =	vld [tilespmem:s19+$0x8630];
	v30 =	vsub.f32 $1.500000000e+00, v49;
	v47 =	vmul.f32 v58, v55;
	v48 =	vmul.f32 v58, v52  }
0x520: {  	v43 =	vld [tilespmem:s19+$0x8670];
	v32 =	vsub.f32 $1.500000000e+00, v50;
	v49 =	vmul.f32 v56, v55;
	v60 =	vmul.f32 v51, v63  }
0x521: {  	v61 =	vld [tilespmem:s19+$0x630];
	v29 =	vmul.f32 v51, v62;
	v19 =	vmul.f32 v22, v19;
	v57 =	vsub.f32 v53, v54  }
0x522: {  	v45 =	vld [tilespmem:s19+$0x4650];
	v22 =	vmul.f32 v46, v46;
	v20 =	vadd.f32 v20, v25;
	v38 =	vsub.f32 v59, v60  }
0x523: {  	v62 =	vld [tilespmem:s19+$0x670];
	v46 =	vmul.f32 v56, v52;
	v27 =	vadd.f32 v29, v27;
	v19 =	vadd.f32 $0.0e+00, v19  }
0x524: {  	v21 =	vmul.f32 v30, v21;
	v22 =	vadd.f32 v26, v22;
	v26 =	vsub.f32 v57, v31  }
0x525: {  	v51 =	vld [tilespmem:s19+$0x4630];
	v23 =	vmul.f32 v32, v23;
	v20 =	vsub.f32 v20, v24;
	v50 =	vsub.f32 v46, v47  }
0x526: {  	v24 =	vsub.f32 v38, v44;
	v44 =	vld [tilespmem:s19+$0x4620];
	v53 =	vmul.f32 v40, v61;
	v55 =	vmul.f32 v43, v61  }
0x527: {  	v27 =	vsub.f32 v27, v45;
	v45 =	vld [tilespmem:s19+$0x4660];
	v26 =	vmul.f32 v26, v26;
	v20 =	vmul.f32 v20, v20  }
0x528: {  	v52 =	vld [tilespmem:s19+$0x4670];
	v63 =	vshra.s32 v22, $0x1;
	v54 =	vmul.f32 v43, v62;
	v25 =	vmul.f32 v40, v62  }
0x529: {  	v24 =	vmul.f32 v24, v24;
	v27 =	vmul.f32 v27, v27;
	v20 =	vadd.f32 v20, v26  }
0x52a: {  	v42 =	vsub.s32 $0x5F3759DF, v63;
	v26 =	vadd.f32 v48, v49;
	v57 =	vsub.f32 v53, v54  }
0x52b: {  	v22 =	vmul.f32 v42, v22;
	v25 =	vadd.f32 v55, v25;
	v24 =	vadd.f32 v27, v24  }
0x52c: {  	v28 =	vsub.f32 v50, v44;
	v26 =	vsub.f32 v26, v45;
	v56 =	vshra.s32 v20, $0x1  }
0x52d: {  	v31 =	vsub.f32 v57, v51;
	v25 =	vsub.f32 v25, v52;
	v58 =	vsub.s32 $0x5F3759DF, v56  }
0x52e: {  	v59 =	vshra.s32 v24, $0x1;
	v28 =	vmul.f32 v28, v28;
	v26 =	vmul.f32 v26, v26  }
0x52f: {  	v60 =	vmul.f32 v42, v22;
	v20 =	vmul.f32 v58, v20;
	v29 =	vsub.s32 $0x5F3759DF, v59  }
0x530: {  	v61 =	vmul.f32 v31, v31;
	v25 =	vmul.f32 v25, v25;
	v26 =	vadd.f32 v26, v28  }
0x531: {  	v19 =	vadd.f32 v21, v19;
	v24 =	vmul.f32 v29, v24;
	v62 =	vmul.f32 v58, v20  }
0x532: {  	v63 =	vmul.f32 $5.000000000e-01, v60;
	v25 =	vadd.f32 v25, v61;
	v33 =	vshra.s32 v26, $0x1  }
0x533: {  	v34 =	vmul.f32 v29, v24;
	v21 =	vmul.f32 $5.000000000e-01, v62;
	v35 =	vsub.s32 $0x5F3759DF, v33  }
0x534: {  	v27 =	vsub.f32 $1.500000000e+00, v63;
	v36 =	vshra.s32 v25, $0x1;
	v26 =	vmul.f32 v35, v26  }
0x535: {  	v28 =	vmul.f32 $5.000000000e-01, v34;
	v30 =	vsub.s32 $0x5F3759DF, v36;
	v21 =	vsub.f32 $1.500000000e+00, v21  }
0x536: {  	v19 =	vadd.f32 v23, v19;
	v25 =	vmul.f32 v30, v25;
	v29 =	vmul.f32 v35, v26  }
0x537: {  	v22 =	vmul.f32 v27, v22;
	v37 =	vsub.f32 $1.500000000e+00, v28;
	v20 =	vmul.f32 v21, v20  }
0x538: {  	v39 =	vmul.f32 v30, v25;
	v38 =	vmul.f32 $5.000000000e-01, v29  }
0x539: {  	v19 =	vadd.f32 v22, v19;
	v21 =	vmul.f32 v37, v24  }
0x53a: {  	v20 =	vadd.f32 $0.0e+00, v20;
	v41 =	vmul.f32 $5.000000000e-01, v39;
	v40 =	vsub.f32 $1.500000000e+00, v38;
	_ =	sdelay $0x1  }
0x53b: {  	s6 =	sor.u32 s10, s6;
	[tilespmem:s5+$0xC6E0] =	vst v19;
	v19 =	vadd.f32 v21, v20;
	v42 =	vsub.f32 $1.500000000e+00, v41;
	v20 =	vmul.f32 v40, v26  }
0x53c: {  	v43 =	vld [tilespmem:s6+$0x600]  }
0x53d: {  	v44 =	vld [tilespmem:s6+$0x640];
	v19 =	vadd.f32 v20, v19;
	v20 =	vmul.f32 v42, v25  }
0x53e: {  	v45 =	vld [tilespmem:s6+$0x4600]  }
0x53f: {  	v24 =	vld [tilespmem:s6+$0x4640];
	v19 =	vadd.f32 v20, v19  }
0x540: {  	v46 =	vld [tilespmem:s6+$0x8640]  }
0x541: {  	s19 =	sor.u32 s18, s9;
	v20 =	vld [tilespmem:s6+$0x8600];
	[tilespmem:s8+$0xC6D0] =	vst v19  }
0x542: {  	v19 =	vld [tilespmem:s19+$0x600]  }
0x543: {  	v47 =	vld [tilespmem:s19+$0x640]  }
0x544: {  	v48 =	vld [tilespmem:s19+$0x4600]  }
0x545: {  	v49 =	vld [tilespmem:s19+$0x4640]  }
0x546: {  	v50 =	vld [tilespmem:s19+$0x8600]  }
0x547: {  	v51 =	vld [tilespmem:s19+$0x8640]  }
0x548: {  	v52 =	vld [tilespmem:s19+$0x610]  }
0x549: {  	v53 =	vld [tilespmem:s19+$0x650]  }
0x54a: {  	v54 =	vld [tilespmem:s19+$0x4610]  }
0x54b: {  	v58 =	vld [tilespmem:s19+$0x8610]  }
0x54c: {  	v59 =	vld [tilespmem:s19+$0x8650]  }
0x54d: {  	v57 =	vmul.f32 v46, v44;
	v22 =	vmul.f32 v46, v43;
	v60 =	vld [tilespmem:s19+$0x620]  }
0x54e: {  	v63 =	vld [tilespmem:s19+$0x660];
	v56 =	vmul.f32 v20, v43;
	v20 =	vmul.f32 v20, v44  }
0x54f: {  	v42 =	vld [tilespmem:s19+$0x8660];
	v61 =	vmul.f32 v50, v19;
	v62 =	vmul.f32 v51, v47  }
0x550: {  	v40 =	vld [tilespmem:s19+$0x8620];
	v35 =	vsub.f32 v56, v57;
	v19 =	vmul.f32 v51, v19;
	v26 =	vmul.f32 v50, v47  }
0x551: {  	v55 =	vld [tilespmem:s19+$0x4650];
	v20 =	vadd.f32 v22, v20;
	v43 =	vmul.f32 v58, v52;
	v44 =	vmul.f32 v59, v53  }
0x552: {  	v46 =	vmul.f32 v59, v52;
	v47 =	vmul.f32 v58, v53;
	v51 =	vld [tilespmem:s19+$0x8670];
	v21 =	vsub.f32 v35, v45  }
0x553: {  	v52 =	vld [tilespmem:s19+$0x4620];
	v41 =	vsub.f32 v61, v62;
	v19 =	vadd.f32 v19, v26  }
0x554: {  	v56 =	vmul.f32 v42, v60;
	v45 =	vld [tilespmem:s19+$0x630];
	v26 =	vsub.f32 v43, v44;
	v50 =	vadd.f32 v46, v47  }
0x555: {  	v57 =	vmul.f32 v40, v63;
	v22 =	vsub.f32 v41, v48;
	v19 =	vsub.f32 v19, v49;
	v49 =	vld [tilespmem:s19+$0x8630]  }
0x556: {  	v20 =	vsub.f32 v20, v24;
	v48 =	vld [tilespmem:s19+$0x670];
	v26 =	vsub.f32 v26, v54;
	v54 =	vmul.f32 v40, v60  }
0x557: {  	v53 =	vld [tilespmem:s19+$0x4660];
	v24 =	vsub.f32 v50, v55;
	v55 =	vmul.f32 v42, v63;
	v22 =	vmul.f32 v22, v22  }
0x558: {  	v19 =	vmul.f32 v19, v19;
	v58 =	vmul.f32 v26, v26  }
0x559: {  	v61 =	vld [tilespmem:s19+$0x4670];
	v24 =	vmul.f32 v24, v24;
	v59 =	vsub.f32 v54, v55;
	v35 =	vmul.f32 v51, v45  }
0x55a: {  	v60 =	vld [tilespmem:s19+$0x4630];
	v19 =	vadd.f32 v19, v22;
	v22 =	vadd.f32 v56, v57;
	v62 =	vmul.f32 v49, v45  }
0x55b: {  	v24 =	vadd.f32 v24, v58;
	v63 =	vmul.f32 v51, v48;
	v36 =	vmul.f32 v49, v48  }
0x55c: {  	v26 =	vsub.f32 v59, v52;
	v22 =	vsub.f32 v22, v53  }
0x55d: {  	v37 =	vshra.s32 v19, $0x1;
	v23 =	vsub.f32 v62, v63;
	v25 =	vadd.f32 v35, v36  }
0x55e: {  	v39 =	vshra.s32 v24, $0x1;
	v26 =	vmul.f32 v26, v26;
	v38 =	vsub.s32 $0x5F3759DF, v37  }
0x55f: {  	v22 =	vmul.f32 v22, v22;
	v23 =	vsub.f32 v23, v60;
	v25 =	vsub.f32 v25, v61  }
0x560: {  	v28 =	vsub.s32 $0x5F3759DF, v39;
	v19 =	vmul.f32 v38, v19  }
0x561: {  	v22 =	vadd.f32 v22, v26;
	v23 =	vmul.f32 v23, v23;
	v25 =	vmul.f32 v25, v25  }
0x562: {  	v40 =	vld [tilespmem:s6+$0x610];
	v24 =	vmul.f32 v28, v24;
	v27 =	vmul.f32 v38, v19  }
0x563: {  	v21 =	vmul.f32 v21, v21;
	v41 =	vld [tilespmem:s6+$0x8610];
	v44 =	vshra.s32 v22, $0x1;
	v23 =	vadd.f32 v25, v23  }
0x564: {  	v43 =	vld [tilespmem:s6+$0x8650];
	v28 =	vmul.f32 v28, v24;
	v27 =	vmul.f32 $5.000000000e-01, v27;
	v32 =	vsub.s32 $0x5F3759DF, v44  }
0x565: {  	v20 =	vmul.f32 v20, v20;
	v42 =	vld [tilespmem:s6+$0x650];
	v22 =	vmul.f32 v32, v22;
	v48 =	vshra.s32 v23, $0x1  }
0x566: {  	v29 =	vld [tilespmem:s6+$0x4670];
	v28 =	vmul.f32 $5.000000000e-01, v28;
	v27 =	vsub.f32 $1.500000000e+00, v27;
	v35 =	vsub.s32 $0x5F3759DF, v48  }
0x567: {  	v47 =	vld [tilespmem:s6+$0x660];
	v32 =	vmul.f32 v32, v22;
	v23 =	vmul.f32 v35, v23  }
0x568: {  	v50 =	vld [tilespmem:s6+$0x8660];
	v46 =	vmul.f32 v41, v40;
	v28 =	vsub.f32 $1.500000000e+00, v28;
	v19 =	vmul.f32 v27, v19  }
0x569: {  	v52 =	vld [tilespmem:s6+$0x4610];
	v32 =	vmul.f32 $5.000000000e-01, v32;
	v35 =	vmul.f32 v35, v23  }
0x56a: {  	v56 =	vld [tilespmem:s6+$0x4620];
	v51 =	vmul.f32 v43, v42;
	v24 =	vmul.f32 v28, v24  }
0x56b: {  	v45 =	vld [tilespmem:s6+$0x620];
	v19 =	vadd.f32 $0.0e+00, v19;
	v54 =	vsub.f32 $1.500000000e+00, v32;
	v55 =	vmul.f32 $5.000000000e-01, v35  }
0x56c: {  	v30 =	vmul.f32 v43, v40;
	v53 =	vld [tilespmem:s6+$0x4650];
	v26 =	vmul.f32 v41, v42  }
0x56d: {  	v49 =	vld [tilespmem:s6+$0x8620];
	v19 =	vadd.f32 v24, v19;
	v22 =	vmul.f32 v54, v22;
	v60 =	vsub.f32 $1.500000000e+00, v55  }
0x56e: {  	v20 =	vadd.f32 v20, v21;
	v59 =	vld [tilespmem:s6+$0x4660];
	v21 =	vsub.f32 v46, v51  }
0x56f: {  	v62 =	vld [tilespmem:s6+$0x630];
	v26 =	vadd.f32 v30, v26;
	v19 =	vadd.f32 v22, v19;
	v39 =	vmul.f32 v60, v23  }
0x570: {  	v63 =	vld [tilespmem:s6+$0x670];
	v21 =	vsub.f32 v21, v52  }
0x571: {  	v44 =	vld [tilespmem:s6+$0x8630];
	v26 =	vsub.f32 v26, v53;
	v19 =	vadd.f32 v39, v19  }
0x572: {  	v57 =	vmul.f32 v49, v45;
	v25 =	vmul.f32 v50, v45;
	v45 =	vld [tilespmem:s6+$0x8670]  }
0x573: {  	s9 =	sor.u32 s10, s9;
	v21 =	vmul.f32 v21, v21;
	v27 =	vld [tilespmem:s6+$0x4630];
	v26 =	vmul.f32 v26, v26;
	[tilespmem:s8+$0xC6E0] =	vst v19  }
0x574: {  	v58 =	vmul.f32 v50, v47;
	v61 =	vmul.f32 v49, v47;
	v47 =	vld [tilespmem:s9+$0x600]  }
0x575: {  	v21 =	vadd.f32 v26, v21;
	v48 =	vld [tilespmem:s9+$0x640]  }
0x576: {  	v22 =	vld [tilespmem:s9+$0x4600]  }
0x577: {  	v40 =	vshra.s32 v20, $0x1;
	v25 =	vadd.f32 v25, v61;
	v49 =	vshra.s32 v21, $0x1;
	v26 =	vld [tilespmem:s9+$0x4640]  }
0x578: {  	v41 =	vsub.f32 v57, v58;
	v28 =	vmul.f32 v45, v62;
	v33 =	vsub.s32 $0x5F3759DF, v49;
	v51 =	vld [tilespmem:s9+$0x8600]  }
0x579: {  	v43 =	vsub.f32 v25, v59;
	v25 =	vmul.f32 v44, v63;
	v21 =	vmul.f32 v33, v21;
	v52 =	vld [tilespmem:s9+$0x8640]  }
0x57a: {  	v42 =	vsub.f32 v41, v56;
	v56 =	vmul.f32 v44, v62;
	v57 =	vmul.f32 v45, v63;
	v53 =	vld [tilespmem:s9+$0x610]  }
0x57b: {  	v46 =	vmul.f32 v43, v43;
	v25 =	vadd.f32 v28, v25;
	v33 =	vmul.f32 v33, v21;
	v54 =	vld [tilespmem:s9+$0x8610]  }
0x57c: {  	v23 =	vsub.s32 $0x5F3759DF, v40;
	v60 =	vsub.f32 v56, v57;
	v19 =	vmul.f32 v42, v42;
	v55 =	vld [tilespmem:s9+$0x8650]  }
0x57d: {  	v25 =	vsub.f32 v25, v29;
	v20 =	vmul.f32 v23, v20;
	v33 =	vmul.f32 $5.000000000e-01, v33;
	v58 =	vld [tilespmem:s9+$0x650]  }
0x57e: {  	v27 =	vsub.f32 v60, v27;
	v59 =	vld [tilespmem:s9+$0x4610];
	v19 =	vadd.f32 v46, v19  }
0x57f: {  	v23 =	vmul.f32 v23, v20;
	v33 =	vsub.f32 $1.500000000e+00, v33;
	v45 =	vld [tilespmem:s9+$0x620]  }
0x580: {  	v25 =	vmul.f32 v25, v25;
	v27 =	vmul.f32 v27, v27;
	v56 =	vld [tilespmem:s9+$0x8670];
	v50 =	vshra.s32 v19, $0x1  }
0x581: {  	v23 =	vmul.f32 $5.000000000e-01, v23;
	v21 =	vmul.f32 v33, v21;
	v34 =	vsub.s32 $0x5F3759DF, v50;
	v50 =	vld [tilespmem:s9+$0x8620]  }
0x582: {  	v62 =	vmul.f32 v52, v48;
	v44 =	vmul.f32 v51, v48;
	v48 =	vld [tilespmem:s9+$0x660]  }
0x583: {  	v61 =	vmul.f32 v51, v47;
	v24 =	vmul.f32 v52, v47;
	v52 =	vld [tilespmem:s9+$0x8660]  }
0x584: {  	v23 =	vsub.f32 $1.500000000e+00, v23;
	v46 =	vmul.f32 v54, v53;
	v47 =	vmul.f32 v55, v53;
	v53 =	vld [tilespmem:s9+$0x630]  }
0x585: {  	v19 =	vmul.f32 v34, v19;
	v49 =	vmul.f32 v55, v58;
	v55 =	vld [tilespmem:s9+$0x8630]  }
0x586: {  	v25 =	vadd.f32 v25, v27;
	v20 =	vmul.f32 v23, v20;
	v23 =	vmul.f32 v54, v58;
	v54 =	vld [tilespmem:s9+$0x670]  }
0x587: {  	v63 =	vld [tilespmem:s9+$0x4650];
	v34 =	vmul.f32 v34, v19;
	v51 =	vsub.f32 v61, v62;
	v24 =	vadd.f32 v24, v44  }
0x588: {  	v29 =	vsub.f32 v46, v49;
	v23 =	vadd.f32 v47, v23;
	v60 =	vmul.f32 v50, v45  }
0x589: {  	v22 =	vsub.f32 v51, v22;
	v61 =	vmul.f32 v52, v48;
	v28 =	vmul.f32 v52, v45  }
0x58a: {  	v40 =	vld [tilespmem:s9+$0x4630];
	v24 =	vsub.f32 v24, v26;
	v62 =	vmul.f32 v50, v48;
	v42 =	vmul.f32 v55, v53  }
0x58b: {  	v58 =	vld [tilespmem:s9+$0x4620];
	v29 =	vsub.f32 v29, v59;
	v43 =	vmul.f32 v56, v54;
	v44 =	vmul.f32 v56, v53  }
0x58c: {  	v23 =	vsub.f32 v23, v63;
	v59 =	vld [tilespmem:s9+$0x4660];
	v26 =	vmul.f32 v55, v54;
	v22 =	vmul.f32 v22, v22  }
0x58d: {  	v41 =	vld [tilespmem:s9+$0x4670];
	v20 =	vadd.f32 $0.0e+00, v20;
	v24 =	vmul.f32 v24, v24;
	v57 =	vmul.f32 v29, v29  }
0x58e: {  	v23 =	vmul.f32 v23, v23;
	v63 =	vsub.f32 v60, v61;
	v28 =	vadd.f32 v28, v62  }
0x58f: {  	v48 =	vshra.s32 v25, $0x1;
	v45 =	vsub.f32 v42, v43;
	v26 =	vadd.f32 v44, v26  }
0x590: {  	v50 =	vsub.s32 $0x5F3759DF, v48;
	v22 =	vadd.f32 v24, v22;
	v23 =	vadd.f32 v23, v57  }
0x591: {  	v25 =	vmul.f32 v50, v25;
	v27 =	vsub.f32 v63, v58;
	v24 =	vsub.f32 v28, v59  }
0x592: {  	v28 =	vsub.f32 v45, v40;
	v26 =	vsub.f32 v26, v41;
	v46 =	vshra.s32 v22, $0x1  }
0x593: {  	v47 =	vshra.s32 v23, $0x1;
	v27 =	vmul.f32 v27, v27;
	v24 =	vmul.f32 v24, v24  }
0x594: {  	v29 =	vsub.s32 $0x5F3759DF, v46;
	v49 =	vmul.f32 v28, v28;
	v26 =	vmul.f32 v26, v26  }
0x595: {  	v30 =	vsub.s32 $0x5F3759DF, v47;
	v22 =	vmul.f32 v29, v22;
	v24 =	vadd.f32 v24, v27  }
0x596: {  	v34 =	vmul.f32 $5.000000000e-01, v34;
	v23 =	vmul.f32 v30, v23;
	v26 =	vadd.f32 v26, v49  }
0x597: {  	v28 =	vmul.f32 v50, v25;
	v29 =	vmul.f32 v29, v22;
	v51 =	vshra.s32 v24, $0x1  }
0x598: {  	v53 =	vmul.f32 v30, v23;
	v55 =	vshra.s32 v26, $0x1;
	v54 =	vsub.s32 $0x5F3759DF, v51  }
0x599: {  	v52 =	vmul.f32 $5.000000000e-01, v29;
	v31 =	vsub.s32 $0x5F3759DF, v55;
	v24 =	vmul.f32 v54, v24  }
0x59a: {  	v20 =	vadd.f32 v21, v20;
	v29 =	vmul.f32 $5.000000000e-01, v53;
	v26 =	vmul.f32 v31, v26  }
0x59b: {  	v34 =	vsub.f32 $1.500000000e+00, v34;
	v27 =	vsub.f32 $1.500000000e+00, v52;
	v30 =	vmul.f32 v54, v24  }
0x59c: {  	v56 =	vmul.f32 $5.000000000e-01, v28;
	v57 =	vsub.f32 $1.500000000e+00, v29;
	v59 =	vmul.f32 v31, v26  }
0x59d: {  	v60 =	vor.u32 s5, v0;
	v22 =	vmul.f32 v27, v22;
	v58 =	vmul.f32 $5.000000000e-01, v30  }
0x59e: {  	v19 =	vmul.f32 v34, v19;
	v21 =	vsub.f32 $1.500000000e+00, v56;
	v23 =	vmul.f32 v57, v23  }
0x59f: {  	v62 =	vmul.f32 $5.000000000e-01, v59;
	v22 =	vadd.f32 $0.0e+00, v22;
	v61 =	vsub.f32 $1.500000000e+00, v58  }
0x5a0: {  	v63 =	vand.u32 v1, v60;
	v19 =	vadd.f32 v19, v20;
	v20 =	vmul.f32 v21, v25  }
0x5a1: {  	v30 =	vsub.f32 $1.500000000e+00, v62;
	v22 =	vadd.f32 v23, v22;
	v29 =	vmul.f32 v61, v24  }
0x5a2: {  	v19 =	vadd.f32 v20, v19;
	v20 =	vor.u32 s5, v2;
	v31 =	vor.u32 s8, v0  }
0x5a3: {  	v33 =	vand.u32 v17, v31;
	v32 =	vmul.f32 v30, v26;
	v22 =	vadd.f32 v29, v22  }
0x5a4: {  	v34 =	vor.u32 s8, v2  }
0x5a5: {  	[tilespmem:s5+$0xC6F0] =	vst v19;
	v19 =	vor.u32 s5, v3;
	v22 =	vadd.f32 v32, v22  }
0x5a6: {  	v35 =	vor.u32 s8, v3;
	v21 =	vld.idx.msk [tilespmem:v63+s17+$0x0], $0xffff  }
0x5a7: {  	v36 =	vor.u32 s5, v4;
	v20 =	vld.idx.msk [tilespmem:v20+s17+$0x0], $0xffff;
	[tilespmem:s8+$0xC6F0] =	vst v22  }
0x5a8: {  	v37 =	vor.u32 s8, v4;
	v22 =	vld.idx.msk [tilespmem:v33+s17+$0x0], $0xffff  }
0x5a9: {  	v38 =	vor.u32 s5, v5;
	v25 =	vld.idx.msk [tilespmem:v34+s17+$0x0], $0xffff  }
0x5aa: {  	v39 =	vor.u32 s8, v5;
	v19 =	vld.idx.msk [tilespmem:v19+s17+$0x0], $0xffff  }
0x5ab: {  	v40 =	vor.u32 s5, v6;
	v23 =	vld.idx.msk [tilespmem:v35+s17+$0x0], $0xffff  }
0x5ac: {  	v41 =	vor.u32 s8, v6;
	v26 =	vld.idx.msk [tilespmem:v36+s17+$0x0], $0xffff  }
0x5ad: {  	v42 =	vor.u32 s5, v7;
	v20 =	vadd.f32 v20, v21;
	v24 =	vld.idx.msk [tilespmem:v37+s17+$0x0], $0xffff  }
0x5ae: {  	v43 =	vor.u32 s8, v7;
	v27 =	vld.idx.msk [tilespmem:v38+s17+$0x0], $0xffff;
	v22 =	vadd.f32 v25, v22  }
0x5af: {  	v19 =	vadd.f32 v19, v20;
	v20 =	vor.u32 s5, v8;
	v28 =	vld.idx.msk [tilespmem:v39+s17+$0x0], $0xffff  }
0x5b0: {  	v44 =	vor.u32 s8, v8;
	v29 =	vld.idx.msk [tilespmem:v40+s17+$0x0], $0xffff;
	v22 =	vadd.f32 v23, v22  }
0x5b1: {  	v45 =	vor.u32 s5, v9;
	v30 =	vld.idx.msk [tilespmem:v41+s17+$0x0], $0xffff;
	v19 =	vadd.f32 v26, v19  }
0x5b2: {  	v46 =	vor.u32 s8, v9;
	v21 =	vld.idx.msk [tilespmem:v42+s17+$0x0], $0xffff;
	v22 =	vadd.f32 v24, v22  }
0x5b3: {  	v47 =	vor.u32 s5, v10;
	v19 =	vadd.f32 v27, v19;
	v25 =	vld.idx.msk [tilespmem:v43+s17+$0x0], $0xffff  }
0x5b4: {  	v48 =	vor.u32 s8, v10;
	v20 =	vld.idx.msk [tilespmem:v20+s17+$0x0], $0xffff;
	v22 =	vadd.f32 v28, v22  }
0x5b5: {  	v49 =	vor.u32 s5, v11;
	v19 =	vadd.f32 v29, v19;
	v23 =	vld.idx.msk [tilespmem:v44+s17+$0x0], $0xffff  }
0x5b6: {  	v50 =	vor.u32 s8, v11;
	v26 =	vld.idx.msk [tilespmem:v45+s17+$0x0], $0xffff;
	v22 =	vadd.f32 v30, v22  }
0x5b7: {  	v51 =	vor.u32 s5, v12;
	v19 =	vadd.f32 v21, v19;
	v24 =	vld.idx.msk [tilespmem:v46+s17+$0x0], $0xffff  }
0x5b8: {  	v52 =	vor.u32 s8, v12;
	v27 =	vld.idx.msk [tilespmem:v47+s17+$0x0], $0xffff;
	v22 =	vadd.f32 v25, v22  }
0x5b9: {  	v19 =	vadd.f32 v20, v19;
	v20 =	vor.u32 s5, v13;
	v28 =	vld.idx.msk [tilespmem:v48+s17+$0x0], $0xffff  }
0x5ba: {  	v53 =	vor.u32 s8, v13;
	v29 =	vld.idx.msk [tilespmem:v49+s17+$0x0], $0xffff;
	v22 =	vadd.f32 v23, v22  }
0x5bb: {  	v54 =	vor.u32 s5, v14;
	v19 =	vadd.f32 v26, v19;
	v30 =	vld.idx.msk [tilespmem:v50+s17+$0x0], $0xffff  }
0x5bc: {  	v55 =	vor.u32 s8, v14;
	v21 =	vld.idx.msk [tilespmem:v51+s17+$0x0], $0xffff;
	v22 =	vadd.f32 v24, v22  }
0x5bd: {  	v56 =	vor.u32 s5, v15;
	v19 =	vadd.f32 v27, v19;
	v25 =	vld.idx.msk [tilespmem:v52+s17+$0x0], $0xffff  }
0x5be: {  	v57 =	vor.u32 s8, v15;
	v20 =	vld.idx.msk [tilespmem:v20+s17+$0x0], $0xffff;
	v22 =	vadd.f32 v28, v22  }
0x5bf: {  	v58 =	vor.u32 s5, v16;
	v19 =	vadd.f32 v29, v19;
	v23 =	vld.idx.msk [tilespmem:v53+s17+$0x0], $0xffff  }
0x5c0: {  	v59 =	vor.u32 s8, v16;
	v26 =	vld.idx.msk [tilespmem:v54+s17+$0x0], $0xffff;
	v22 =	vadd.f32 v30, v22  }
0x5c1: {  	v60 =	vld.idx.msk [tilespmem:v55+s17+$0x0], $0xffff;
	v19 =	vadd.f32 v21, v19  }
0x5c2: {  	v61 =	vld.idx.msk [tilespmem:v56+s17+$0x0], $0xffff;
	v22 =	vadd.f32 v25, v22  }
0x5c3: {  	v19 =	vadd.f32 v20, v19;
	v20 =	vld.idx.msk [tilespmem:v57+s17+$0x0], $0xffff  }
0x5c4: {  	v62 =	vld.idx.msk [tilespmem:v58+s17+$0x0], $0xffff;
	v22 =	vadd.f32 v23, v22  }
0x5c5: {  	v63 =	vld.idx.msk [tilespmem:v59+s17+$0x0], $0xffff;
	v19 =	vadd.f32 v26, v19  }
0x5c6: {  	v21 =	vadd.f32 v60, v22  }
0x5c7: {  	v19 =	vadd.f32 v61, v19  }
0x5c8: {  	v20 =	vadd.f32 v20, v21  }
0x5c9: {  	p1 =	por p0, p0;
	v19 =	vadd.f32 v62, v19  }
.Ltmp0:
0x5ca: {  	v20 =	vadd.f32 v63, v20;
	(pc) =	sbr.rel @p1 .LBB2_4-.Ltmp0, $4  }
0x5cb: {  	s11 =	sshll.u32 s11, $0x4;
	v19 =	vsub.f32 $0.0e+00, v19  }
0x5cc: {  	s13 =	sshll.u32 s7, $0x4;
	s5 =	sand.u32 $0x3FFFFFF0, s11;
	v20 =	vsub.f32 $0.0e+00, v20  }
0x5cd: {  	s19 =	sand.u32 $0x3FFFFFF0, s13;
	[tilespmem:v18+s5+$0x0 ss:$0x1] =	vst.idx.msk $0xffff, v19  }
0x5ce: {  	p0 =	por $0x0, $0x0;
	s11 =	simm.s32 $0x2;
	[tilespmem:v18+s19+$0x0 ss:$0x1] =	vst.idx.msk $0xffff, v20  }
0x5cf: {  	p0 =	seq.s32 s22, $0x8  }
.Ltmp1:
0x5d0: {  	_ = 	snop;
	(pc) =	sbr.rel @!p0 .LBB2_3-.Ltmp1, $1  }
0x5d1: {  	_ =	sdelay $0x3  }
0x5d2: {  	s0 =	rddreg [dreg:$0xa];
	s2 =	simm.s32 $0xCA00;
	s30 =	simm.s32 $0x2  }
0x5d3: {  	[hbm4b:s0+s3] =	stream.linear.scatter [tilespmem:s2], [sflag:$0x2], $0x200, $0x38;
	[tilespmem:$0xCC00] =	vst v63  }
0x5d4: {  	_ =	swait.ge [sflag:s30], $0x200  }
0x5d5: {  	s20 =	sadd.s32 $0x1, s20;
	s31 =	rddreg [dreg:$0xb]  }
0x5d6: {  	p0 =	sne.s32 s20, s31  }
.Ltmp2:
0x5d7: {  	_ = 	snop;
	(pc) =	sbr.rel @p0 .LBB2_1-.Ltmp2, $3  }
0x5d8: {  	_ =	sdelay $0x1  }
0x5d9: {  	[sflag:s30] =	ssyncset.done $0x0  }
0x5da: {  	[sflag:s30] =	ssyncadd.s32 $0xFFFFFE00  }
0x5db: {  	_ =	sfence.sel $0x180000  }
0x5dc: {  	[bflag:$0x0] =	sbarrier.arrive $0xFFFF  }
0x5dd: {  	_ =	strace $0x90000047  }
0x5de: {  	s0 =	stileid.u32;
	[bflag:$0x2] =	sbarrier.arrive $0xFFFF  }
0x5df: {  	p0 =	sne.s32 s0, $0x0;
	s0 =	rddreg [dreg:$0x6]  }
0x5e0: {  	s0 =	sadd.s32 @!p0 $0x100000, s0  }
0x5e1: {  	[sflag:s0] =	ssyncadd.tile.s32 @!p0 $0x1;
	_ =	shalt  }
.Lfunc_end2:
_tile_overlayer_lowered:
.L_overlay_start_2:
0x5e2: {  	(tag) =	ssettag $0x2  }
0x5e3: {  	s0 =	rddreg [dreg:$0x0];
	s2 =	stileid.u32  }
0x5e4: {  	s1 =	rddreg [dreg:$0x1];
	p0 =	sne.s32 s2, $0x0  }
0x5e5: {  	s3 =	rddreg [dreg:$0x2];
	[bflag:$0x3] =	sbarrier.arrive $0xFFFF;
	s2 =	simm.s32 @!p0 $0x1C02  }
0x5e6: {  	[timem:s3], [sflag:s2] =	dma.local @!p0 [hbm:s0], s1  }
0x5e7: {  	s0 =	simm.s32 @!p0 $0x2  }
0x5e8: {  	_ =	swait.ge @!p0 [sflag:s0], s1  }
0x5e9: {  	s1 =	ssub.s32 @!p0 $0x0, s1;
	[sflag:s0] =	ssyncset.done @!p0 $0x0  }
0x5ea: {  	[sflag:s0] =	ssyncadd.s32 @!p0 s1  }
0x5eb: {  	[bflag:$0x3] =	sbarrier.arrive $0xFFFF  }
0x5ec: {  	_ =	shalt  }

</sc_bundles>
